<compile_context>
chip_gen: v7x
topology: tpu7x:2x2x1
jax: 0.10.2.dev20260603
libtpu: 0.0.44.dev20260713+nightly
codegen_flags: <defaults>
</compile_context>

<pallas_src>
import functools

import jax
import jax.numpy as jnp
import numpy as np
from jax import lax
from jax.experimental import pallas as pl
from jax.experimental.pallas import tpu as pltpu
from jax.experimental.pallas import tpu_sc as plsc

_HASH_PRIMES = [2654435761, 2246822519, 3266489917, 2028178513, 1220703125, 1610612741, 805306457, 402653189, 3674653429, 2860486313, 1073676287, 2971215073, 1500450271, 3267000013, 2654435789, 4049292737, 2246822531, 3266489927, 2028178519, 1220703133, 1610612743, 805306459, 402653191, 3674653433, 2654435771, 2246822527, 3266489933, 2028178529, 1220703137, 1610612747, 805306463, 402653197, 3674653441, 2860486319, 1073676293, 2971215077, 1500450281, 3267000017, 2654435801, 4049292743, 2246822537, 3266489939, 2028178531, 1220703143, 1610612753, 805306467, 402653201, 3674653447]

_BATCH = 1024
_SEQ = 20
_N = _BATCH * _SEQ
_NUM_TABLES = 16
_BUCKETS = 100000
_BYTE_DIM = 128
_EMB = 16
_NF = _NUM_TABLES * _EMB
_IN_DIM = _BYTE_DIM + _NF
_HIDDEN = 512
_VOCAB = 1024


def _default_patterns(num_tables):
    patterns = []
    for offset in range(1, min(num_tables // 4 + 1, 9)):
        patterns.append((offset,))
    pairs = [(1, 2), (2, 3), (3, 4), (1, 3), (2, 4), (1, 4), (1, 5), (2, 5), (3, 5), (1, 6), (2, 6), (1, 7)]
    for p in pairs:
        if len(patterns) >= num_tables:
            break
        patterns.append(p)
    trigrams = [(1, 2, 3), (1, 2, 4), (1, 3, 5), (2, 3, 4)]
    for t in trigrams:
        if len(patterns) >= num_tables:
            break
        patterns.append(t)
    offset = 8
    while len(patterns) < num_tables:
        patterns.append((1, offset))
        offset += 1
    return tuple(patterns[:num_tables])


_PATTERNS = _default_patterns(_NUM_TABLES)
_MAX_OFF = max(max(p) for p in _PATTERNS)
_NB = _N // 128


def _mod_1e5(u):
    q = (u.astype(jnp.float32) * jnp.float32(1e-5)).astype(jnp.int32)
    r = u - q * 100000
    r = jnp.where(r < 0, r + 100000, r)
    r = jnp.where(r < 0, r + 100000, r)
    r = jnp.where(r >= 100000, r - 100000, r)
    r = jnp.where(r >= 100000, r - 100000, r)
    return r


def _hash_body(shift_ref, out_ref):
    shifts = [shift_ref[o] for o in range(_MAX_OFF)]
    c16 = jnp.int32(16)
    for t, pattern in enumerate(_PATTERNS):
        h_lo = jnp.zeros_like(shifts[0])
        h_hi = jnp.zeros_like(shifts[0])
        for k, off in enumerate(pattern):
            p = _HASH_PRIMES[(t * 3 + k) % len(_HASH_PRIMES)]
            p_hi, p_lo = p >> 16, p & 0xFFFF
            tok = shifts[off - 1]
            a = tok * p_hi
            b = tok * p_lo
            c = a + lax.shift_right_logical(b, c16)
            hi = lax.shift_right_logical(c, c16)
            lo = lax.shift_left(c & 0xFFFF, c16) | (b & 0xFFFF)
            h_hi = h_hi ^ hi
            h_lo = h_lo ^ lo
        s = lax.shift_right_logical(h_lo, jnp.int32(31))
        u = h_lo & 0x7FFFFFFF
        v = h_hi * 67296 + s * 83648 + _mod_1e5(u)
        out_ref[t] = _mod_1e5(v)


def _compute_indices(shift_stack):
    return pl.pallas_call(
        _hash_body,
        out_shape=jax.ShapeDtypeStruct((_NUM_TABLES, _NB, 128), jnp.int32),
    )(shift_stack)


_NC = 2
_NS = 16
_NW = _NC * _NS
_C = 128
_SUB = _N // _NW // _C


def _sc_body(tok_hbm, gidx_hbm, byte_hbm, tabs_hbm, byte_out, xt_out,
             tok_v, idx_v, byte_v, xt_v, bsem, sem):
    c = lax.axis_index("c")
    s = lax.axis_index("s")
    wid = s * jnp.int32(_NC) + c

    def body(j, carry):
        bb = wid * jnp.int32(_SUB) + j
        base = bb * jnp.int32(_C)
        pltpu.sync_copy(tok_hbm.at[pl.ds(base, _C)], tok_v)
        byte_cp = pltpu.async_copy(byte_hbm.at[tok_v], byte_v, bsem)
        pltpu.sync_copy(gidx_hbm.at[:, bb], idx_v)

        def issue(kk):
            k0 = kk * jnp.int32(16)
            for u in range(16):
                k = k0 + jnp.int32(u)
                off = k * jnp.int32(_BUCKETS)
                pltpu.async_copy(
                    tabs_hbm.at[pl.ds(off, _BUCKETS)].at[idx_v.at[kk]],
                    xt_v.at[k], sem)

        def drain(kk):
            k0 = kk * jnp.int32(16)
            pltpu.make_async_copy(
                xt_out.at[pl.ds(k0, 16), pl.ds(base, _C)],
                xt_v.at[pl.ds(k0, 16)], sem).wait()

        issue(jnp.int32(0))

        def inner(kk, cc):
            issue(kk)
            drain(kk - jnp.int32(1))
            return cc

        lax.fori_loop(jnp.int32(1), jnp.int32(_NUM_TABLES), inner, jnp.int32(0))
        drain(jnp.int32(_NUM_TABLES - 1))
        byte_cp.wait()
        pltpu.sync_copy(byte_v, byte_out.at[pl.ds(base, _C)])
        pltpu.sync_copy(xt_v, xt_out.at[:, pl.ds(base, _C)])
        return carry

    lax.fori_loop(jnp.int32(0), jnp.int32(_SUB), body, jnp.int32(0))


def _sc_gather(tok_flat, gidx, byte_table, tabs_flat):
    mesh = plsc.VectorSubcoreMesh(core_axis_name="c", subcore_axis_name="s")
    f = functools.partial(
        pl.kernel,
        mesh=mesh,
        out_type=(
            jax.ShapeDtypeStruct((_N, _BYTE_DIM), jnp.float32),
            jax.ShapeDtypeStruct((_NF, _N), jnp.float32),
        ),
        scratch_types=[
            pltpu.VMEM((_C,), jnp.int32),
            pltpu.VMEM((_NUM_TABLES, _C), jnp.int32),
            pltpu.VMEM((_C, _BYTE_DIM), jnp.float32),
            pltpu.VMEM((_NF, _C), jnp.float32),
            pltpu.SemaphoreType.DMA,
            pltpu.SemaphoreType.DMA,
        ],
    )(_sc_body)
    return f(tok_flat, gidx, byte_table, tabs_flat)


_BN = 1024


def _dense_body(byte_ref, xt_ref, Wb_ref, Wt_ref, bin_ref, W1_ref, b1_ref,
                g1_ref, be1_ref, W2_ref, b2_ref, g2_ref, be2_ref,
                Wout_ref, bout_ref, o_ref):
    x = jnp.dot(byte_ref[...], Wb_ref[...], preferred_element_type=jnp.float32)
    x = x + lax.dot_general(xt_ref[...], Wt_ref[...],
                            (((0,), (0,)), ((), ())),
                            preferred_element_type=jnp.float32)
    x = x + bin_ref[...]
    for W_ref, b_ref, g_ref, be_ref in ((W1_ref, b1_ref, g1_ref, be1_ref),
                                        (W2_ref, b2_ref, g2_ref, be2_ref)):
        h = jnp.maximum(jnp.dot(x, W_ref[...], preferred_element_type=jnp.float32) + b_ref[...], 0.0)
        r = h + x
        mu = jnp.mean(r, axis=-1, keepdims=True)
        var = jnp.mean((r - mu) ** 2, axis=-1, keepdims=True)
        x = (r - mu) / jnp.sqrt(var + 1e-5) * g_ref[...] + be_ref[...]
    o_ref[...] = jnp.dot(x, Wout_ref[...], preferred_element_type=jnp.float32) + bout_ref[...]


def _dense(byte_e, xt, W_in, b_in, W1, b1, g1, be1, W2, b2, g2, be2, W_out, b_out):
    grid = (_N // _BN,)
    _z = np.int32(0)
    full = lambda shape: pl.BlockSpec(shape, lambda i: (_z, _z))
    return pl.pallas_call(
        _dense_body,
        grid=grid,
        in_specs=[
            pl.BlockSpec((_BN, _BYTE_DIM), lambda i: (i, _z)),
            pl.BlockSpec((_NF, _BN), lambda i: (_z, i)),
            full((_BYTE_DIM, _HIDDEN)), full((_NF, _HIDDEN)), full((1, _HIDDEN)),
            full((_HIDDEN, _HIDDEN)), full((1, _HIDDEN)), full((1, _HIDDEN)), full((1, _HIDDEN)),
            full((_HIDDEN, _HIDDEN)), full((1, _HIDDEN)), full((1, _HIDDEN)), full((1, _HIDDEN)),
            full((_HIDDEN, _VOCAB)), full((1, _VOCAB)),
        ],
        out_specs=pl.BlockSpec((_BN, _VOCAB), lambda i: (i, _z)),
        out_shape=jax.ShapeDtypeStruct((_N, _VOCAB), jnp.float32),
    )(byte_e, xt, W_in[:_BYTE_DIM], W_in[_BYTE_DIM:], b_in.reshape(1, -1),
      W1, b1.reshape(1, -1), g1.reshape(1, -1), be1.reshape(1, -1),
      W2, b2.reshape(1, -1), g2.reshape(1, -1), be2.reshape(1, -1),
      W_out, b_out.reshape(1, -1))


def kernel(tokens, byte_table, hash_tables, W_in, b_in, W1, b1, g1, be1,
           W2, b2, g2, be2, W_out, b_out):
    out_dtype = jnp.result_type(byte_table.dtype, W_in.dtype, W_out.dtype)
    f32 = jnp.float32
    byte_table = byte_table.astype(f32)
    hash_tables = hash_tables.astype(f32)
    W_in, b_in, W1, b1, g1, be1 = (a.astype(f32) for a in (W_in, b_in, W1, b1, g1, be1))
    W2, b2, g2, be2, W_out, b_out = (a.astype(f32) for a in (W2, b2, g2, be2, W_out, b_out))
    tokT = tokens.astype(jnp.int32).T
    shifts = [jnp.pad(tokT[:-o], ((o, 0), (0, 0))) for o in range(1, _MAX_OFF + 1)]
    shift_stack = jnp.stack(shifts).reshape(_MAX_OFF, _NB, 128)
    gidx = _compute_indices(shift_stack)
    tok_flat = tokT.reshape(_N)
    tabs_flat = jnp.transpose(hash_tables, (0, 2, 1)).reshape(
        _NUM_TABLES * _EMB * _BUCKETS)
    byte_e, xt = _sc_gather(tok_flat, gidx, byte_table, tabs_flat)
    out = _dense(byte_e, xt, W_in, b_in, W1, b1, g1, be1, W2, b2, g2, be2,
                 W_out, b_out)
    out = jnp.transpose(out.reshape(_SEQ, _BATCH, _VOCAB), (1, 0, 2))
    return out.astype(out_dtype)

# --- scband reference (transcript-rebuilt; emitter-appended) ---
"""Pipeline reference for scband-poly-hash-v2-42606075576716 (READ-ONLY COPY).

The authoritative reference and input builder live on the scoring server;
editing this copy changes nothing except your own understanding.
"""

import jax, jax.numpy as jnp
import numpy as np
jax.config.update("jax_enable_x64", True)

HASH_PRIMES = [2654435761, 2246822519, 3266489917, 2028178513, 1220703125, 1610612741, 805306457, 402653189, 3674653429, 2860486313, 1073676287, 2971215073, 1500450271, 3267000013, 2654435789, 4049292737, 2246822531, 3266489927, 2028178519, 1220703133, 1610612743, 805306459, 402653191, 3674653433, 2654435771, 2246822527, 3266489933, 2028178529, 1220703137, 1610612747, 805306463, 402653197, 3674653441, 2860486319, 1073676293, 2971215077, 1500450281, 3267000017, 2654435801, 4049292743, 2246822537, 3266489939, 2028178531, 1220703143, 1610612753, 805306467, 402653201, 3674653447]

BATCH = 1024
SEQ = 20
VOCAB = 1024
BYTE_DIM = 128
NUM_TABLES = 16
BUCKETS = 100000
EMBED_PER_TABLE = 16
HIDDEN = 512

def _default_patterns(num_tables):
    patterns = []
    for offset in range(1, min(num_tables // 4 + 1, 9)):
        patterns.append((offset,))
    pairs = [(1, 2), (2, 3), (3, 4), (1, 3), (2, 4), (1, 4), (1, 5), (2, 5), (3, 5), (1, 6), (2, 6), (1, 7)]
    for p in pairs:
        if len(patterns) >= num_tables:
            break
        patterns.append(p)
    trigrams = [(1, 2, 3), (1, 2, 4), (1, 3, 5), (2, 3, 4)]
    for t in trigrams:
        if len(patterns) >= num_tables:
            break
        patterns.append(t)
    offset = 8
    while len(patterns) < num_tables:
        patterns.append((1, offset))
        offset += 1
    return tuple(patterns[:num_tables])

PATTERNS = _default_patterns(NUM_TABLES)

def _hash_context(tokens, pattern, table_idx, buckets, hash_seed=0):
    b, s = tokens.shape
    h = jnp.zeros((b, s), dtype=jnp.int64)
    for k, offset in enumerate(pattern):
        prime = HASH_PRIMES[(table_idx * 3 + k + hash_seed) % len(HASH_PRIMES)]
        if offset == 0:
            shifted = tokens
        elif offset < s:
            shifted = jnp.pad(tokens[:, :-offset], ((0, 0), (offset, 0)))
        else:
            shifted = jnp.zeros_like(tokens)
        h = h ^ (shifted * prime)
    return h % buckets

def _layer_norm(x, g, b):
    mu = x.mean(-1, keepdims=True)
    var = jnp.mean((x - mu) ** 2, axis=-1, keepdims=True)
    return (x - mu) / jnp.sqrt(var + 1e-5) * g + b

def _forward(tokens, byte_table, hash_tables, W_in, b_in, W1, b1, g1, be1, W2, b2, g2, be2, W_out, b_out):
    embs = [byte_table[tokens]]
    for t, pattern in enumerate(PATTERNS):
        idx = _hash_context(tokens, pattern, t, BUCKETS)
        embs.append(hash_tables[t][idx])
    x = jnp.concatenate(embs, axis=-1)
    x = x @ W_in + b_in
    for (W, b, g, be) in ((W1, b1, g1, be1), (W2, b2, g2, be2)):
        h = jax.nn.relu(x @ W + b)
        x = _layer_norm(h + x, g, be)
    return x @ W_out + b_out

def setup_inputs(seed: int = 0):
    key = jax.random.key(seed)
    ks = jax.random.split(key, 8)
    tokens = jax.random.randint(ks[0], (BATCH, SEQ), 0, VOCAB, dtype=jnp.int64)
    byte_table = jax.random.normal(ks[1], (VOCAB, BYTE_DIM), dtype=jnp.float32) * 0.02
    hash_tables = jax.random.normal(ks[2], (NUM_TABLES, BUCKETS, EMBED_PER_TABLE), dtype=jnp.float32) * 0.02
    in_dim = BYTE_DIM + NUM_TABLES * EMBED_PER_TABLE
    W_in = jax.random.normal(ks[3], (in_dim, HIDDEN), dtype=jnp.float32) * (1.0 / np.sqrt(in_dim))
    b_in = jnp.zeros((HIDDEN,), jnp.float32)
    W1 = jax.random.normal(ks[4], (HIDDEN, HIDDEN), dtype=jnp.float32) * (1.0 / np.sqrt(HIDDEN))
    b1 = jnp.zeros((HIDDEN,), jnp.float32)
    g1 = jnp.ones((HIDDEN,), jnp.float32)
    be1 = jnp.zeros((HIDDEN,), jnp.float32)
    W2 = jax.random.normal(ks[5], (HIDDEN, HIDDEN), dtype=jnp.float32) * (1.0 / np.sqrt(HIDDEN))
    b2 = jnp.zeros((HIDDEN,), jnp.float32)
    g2 = jnp.ones((HIDDEN,), jnp.float32)
    be2 = jnp.zeros((HIDDEN,), jnp.float32)
    W_out = jax.random.normal(ks[6], (HIDDEN, VOCAB), dtype=jnp.float32) * (1.0 / np.sqrt(HIDDEN))
    b_out = jnp.zeros((VOCAB,), jnp.float32)
    return {"tokens": tokens, "byte_table": byte_table, "hash_tables": hash_tables, "W_in": W_in, "b_in": b_in, "W1": W1, "b1": b1, "g1": g1, "be1": be1, "W2": W2, "b2": b2, "g2": g2, "be2": be2, "W_out": W_out, "b_out": b_out}

def reference(tokens, byte_table, hash_tables, W_in, b_in, W1, b1, g1, be1, W2, b2, g2, be2, W_out, b_out):
    return _forward(tokens, byte_table, hash_tables, W_in, b_in, W1, b1, g1, be1, W2, b2, g2, be2, W_out, b_out)

if __name__ == "__main__":
    import jax
    _d = setup_inputs()
    print(jax.jit(kernel)(*tuple(_d.values())))

</pallas_src>

<mosaic_0001>
#map = affine_map<(d0, d1) -> (0)>
#map1 = affine_map<(d0, d1) -> (0, 0, 0)>
#map2 = affine_map<(d0, d1) -> (0, 0)>
module attributes {stable_mosaic.version = 14 : i64} {
  func.func @_sc_body(%arg0: i32, %arg1: i32, %arg2: memref<20480xi32, #tpu.memory_space<hbm>>, %arg3: memref<16x160x128xi32, #tpu.memory_space<hbm>>, %arg4: memref<1024x128xf32, #tpu.memory_space<hbm>>, %arg5: memref<25600000xf32, #tpu.memory_space<hbm>>, %arg6: memref<20480x128xf32, #tpu.memory_space<hbm>>, %arg7: memref<256x20480xf32, #tpu.memory_space<hbm>>, %arg8: memref<128xi32, #tpu.memory_space<vmem>>, %arg9: memref<16x128xi32, #tpu.memory_space<vmem>>, %arg10: memref<128x128xf32, #tpu.memory_space<vmem>>, %arg11: memref<256x128xf32, #tpu.memory_space<vmem>>, %arg12: memref<!tpu.dma_semaphore, #tpu.memory_space<semaphore_mem>>, %arg13: memref<!tpu.dma_semaphore, #tpu.memory_space<semaphore_mem>>) attributes {dimension_semantics = [#tpu.dimension_semantics<core_parallel>, #tpu.dimension_semantics<subcore_parallel>], iteration_bounds = array<i64: 2, 16>, scalar_prefetch = 0 : i64, scratch_operands = 6 : i64, tpu.core_type = #tpu.core_type<sc_vector_subcore>, window_params = [{transform_indices = #map}, {transform_indices = #map1}, {transform_indices = #map2}, {transform_indices = #map}, {transform_indices = #map2}, {transform_indices = #map2}]} {
    %mul3A = arith.constant 2 : i32
    %mul3A_0 = arith.muli %arg1, %mul3A : i32
    %add3A = arith.addi %mul3A_0, %arg0 : i32
    %while3A = arith.constant 0 : i32
    %while3A_1 = arith.constant 0 : i32
    %while3A_2 = arith.constant 5 : i32
    %while3A_3 = arith.subi %while3A_2, %while3A_1 : i32
    %while3A_4 = arith.addi %while3A_1, %while3A_3 : i32
    %while3A_5 = arith.constant 1 : i32
    %while3A_6 = arith.divsi %while3A_3, %while3A_5 : i32
    %while3A_7 = arith.muli %while3A_6, %while3A_5 : i32
    %while3A_8 = arith.addi %while3A_1, %while3A_7 : i32
    %while3A_9 = arith.constant 1 : i32
    scf.for %while3A_11 = %while3A_1 to %while3A_8 step %while3A_9  : i32 {
      %mul3A_12 = arith.constant 5 : i32
      %mul3A_13 = arith.muli %add3A, %mul3A_12 : i32
      %add3A_14 = arith.addi %mul3A_13, %while3A_11 : i32
      %mul3A_15 = arith.constant 128 : i32
      %mul3A_16 = arith.muli %add3A_14, %mul3A_15 : i32
      "tpu.region"() ({
        %run_scoped3A = tpu.sem_alloc : memref<!tpu.dma_semaphore, #tpu.memory_space<semaphore_mem>>
        %dma_start3A_268 = tpu.memref_slice %arg2[%mul3A_16] : memref<20480xi32, #tpu.memory_space<hbm>> -> memref<128xi32, #tpu.memory_space<hbm>>
        %dma_start3A_269 = tpu.memref_slice %arg2[%mul3A_16] : memref<20480xi32, #tpu.memory_space<hbm>> -> memref<128xi32, #tpu.memory_space<hbm>>
        tpu.enqueue_dma source(%dma_start3A_269 : memref<128xi32, #tpu.memory_space<hbm>>) target(%arg8 : memref<128xi32, #tpu.memory_space<vmem>>) target_semaphore(%run_scoped3A : memref<!tpu.dma_semaphore, #tpu.memory_space<semaphore_mem>>)
        %dma_wait3A_270 = tpu.memref_slice %arg2[%mul3A_16] : memref<20480xi32, #tpu.memory_space<hbm>> -> memref<128xi32, #tpu.memory_space<hbm>>
        %dma_wait3A_271 = tpu.memref_slice %arg2[%mul3A_16] : memref<20480xi32, #tpu.memory_space<hbm>> -> memref<128xi32, #tpu.memory_space<hbm>>
        tpu.wait_dma2 semaphore(%run_scoped3A : memref<!tpu.dma_semaphore, #tpu.memory_space<semaphore_mem>>) src(%dma_wait3A_271 : memref<128xi32, #tpu.memory_space<hbm>>) dst(%arg8 : memref<128xi32, #tpu.memory_space<vmem>>)
        tpu.yield
      }) : () -> ()
      %dma_start3A = arith.constant 0 : i32
      %dma_start3A_17 = arith.constant 0 : i32
      %dma_start3A_18 = tpu.memref_slice %arg4[%dma_start3A, %dma_start3A_17] : memref<1024x128xf32, #tpu.memory_space<hbm>> -> memref<1024x128xf32, #tpu.memory_space<hbm>>
      tpu.enqueue_indirect_dma source(%dma_start3A_18 : memref<1024x128xf32, #tpu.memory_space<hbm>>) target(%arg10 : memref<128x128xf32, #tpu.memory_space<vmem>>) offsets(%arg8 : memref<128xi32, #tpu.memory_space<vmem>>) semaphore(%arg12 : memref<!tpu.dma_semaphore, #tpu.memory_space<semaphore_mem>>)
      "tpu.region"() ({
        %run_scoped3A = tpu.sem_alloc : memref<!tpu.dma_semaphore, #tpu.memory_space<semaphore_mem>>
        %dma_start3A_268 = arith.constant 0 : i32
        %dma_start3A_269 = arith.constant 0 : i32
        %dma_start3A_270 = tpu.memref_slice %arg3[%dma_start3A_268, %add3A_14, %dma_start3A_269] : memref<16x160x128xi32, #tpu.memory_space<hbm>> -> memref<16x1x128xi32, #tpu.memory_space<hbm>>
        %dma_start3A_271 = tpu.memref_squeeze %dma_start3A_270 : memref<16x1x128xi32, #tpu.memory_space<hbm>> -> memref<16x128xi32, #tpu.memory_space<hbm>>
        %dma_start3A_272 = arith.constant 0 : i32
        %dma_start3A_273 = arith.constant 0 : i32
        %dma_start3A_274 = tpu.memref_slice %arg3[%dma_start3A_272, %add3A_14, %dma_start3A_273] : memref<16x160x128xi32, #tpu.memory_space<hbm>> -> memref<16x1x128xi32, #tpu.memory_space<hbm>>
        %dma_start3A_275 = tpu.memref_squeeze %dma_start3A_274 : memref<16x1x128xi32, #tpu.memory_space<hbm>> -> memref<16x128xi32, #tpu.memory_space<hbm>>
        tpu.enqueue_dma source(%dma_start3A_275 : memref<16x128xi32, #tpu.memory_space<hbm>>) target(%arg9 : memref<16x128xi32, #tpu.memory_space<vmem>>) target_semaphore(%run_scoped3A : memref<!tpu.dma_semaphore, #tpu.memory_space<semaphore_mem>>)
        %dma_wait3A_276 = arith.constant 0 : i32
        %dma_wait3A_277 = arith.constant 0 : i32
        %dma_wait3A_278 = tpu.memref_slice %arg3[%dma_wait3A_276, %add3A_14, %dma_wait3A_277] : memref<16x160x128xi32, #tpu.memory_space<hbm>> -> memref<16x1x128xi32, #tpu.memory_space<hbm>>
        %dma_wait3A_279 = tpu.memref_squeeze %dma_wait3A_278 : memref<16x1x128xi32, #tpu.memory_space<hbm>> -> memref<16x128xi32, #tpu.memory_space<hbm>>
        %dma_wait3A_280 = arith.constant 0 : i32
        %dma_wait3A_281 = arith.constant 0 : i32
        %dma_wait3A_282 = tpu.memref_slice %arg3[%dma_wait3A_280, %add3A_14, %dma_wait3A_281] : memref<16x160x128xi32, #tpu.memory_space<hbm>> -> memref<16x1x128xi32, #tpu.memory_space<hbm>>
        %dma_wait3A_283 = tpu.memref_squeeze %dma_wait3A_282 : memref<16x1x128xi32, #tpu.memory_space<hbm>> -> memref<16x128xi32, #tpu.memory_space<hbm>>
        tpu.wait_dma2 semaphore(%run_scoped3A : memref<!tpu.dma_semaphore, #tpu.memory_space<semaphore_mem>>) src(%dma_wait3A_283 : memref<16x128xi32, #tpu.memory_space<hbm>>) dst(%arg9 : memref<16x128xi32, #tpu.memory_space<vmem>>)
        tpu.yield
      }) : () -> ()
      %mul3A_19 = arith.constant 0 : i32
      %mul3A_20 = arith.constant 16 : i32
      %mul3A_21 = arith.muli %mul3A_19, %mul3A_20 : i32
      %add3A_22 = arith.constant 0 : i32
      %add3A_23 = arith.addi %mul3A_21, %add3A_22 : i32
      %mul3A_24 = arith.constant 100000 : i32
      %mul3A_25 = arith.muli %add3A_23, %mul3A_24 : i32
      %dma_start3A_26 = arith.constant 0 : i32
      %dma_start3A_27 = arith.constant 0 : i32
      %dma_start3A_28 = tpu.memref_slice %arg11[%add3A_23, %dma_start3A_27] : memref<256x128xf32, #tpu.memory_space<vmem>> -> memref<1x128xf32, #tpu.memory_space<vmem>>
      %dma_start3A_29 = tpu.memref_squeeze %dma_start3A_28 : memref<1x128xf32, #tpu.memory_space<vmem>> -> memref<128xf32, #tpu.memory_space<vmem>>
      %dma_start3A_30 = arith.constant 0 : i32
      %dma_start3A_31 = tpu.memref_slice %arg9[%dma_start3A_26, %dma_start3A_30] : memref<16x128xi32, #tpu.memory_space<vmem>> -> memref<1x128xi32, #tpu.memory_space<vmem>>
      %dma_start3A_32 = tpu.memref_squeeze %dma_start3A_31 : memref<1x128xi32, #tpu.memory_space<vmem>> -> memref<128xi32, #tpu.memory_space<vmem>>
      %dma_start3A_33 = tpu.memref_slice %arg5[%mul3A_25] : memref<25600000xf32, #tpu.memory_space<hbm>> -> memref<100000xf32, #tpu.memory_space<hbm>>
      %dma_start3A_34 = arith.constant 0 : i32
      %dma_start3A_35 = tpu.memref_slice %dma_start3A_33[%dma_start3A_34] : memref<100000xf32, #tpu.memory_space<hbm>> -> memref<100000xf32, #tpu.memory_space<hbm>>
      tpu.enqueue_indirect_dma source(%dma_start3A_35 : memref<100000xf32, #tpu.memory_space<hbm>>) target(%dma_start3A_29 : memref<128xf32, #tpu.memory_space<vmem>>) offsets(%dma_start3A_32 : memref<128xi32, #tpu.memory_space<vmem>>) semaphore(%arg13 : memref<!tpu.dma_semaphore, #tpu.memory_space<semaphore_mem>>)
      %add3A_36 = arith.constant 1 : i32
      %add3A_37 = arith.addi %mul3A_21, %add3A_36 : i32
      %mul3A_38 = arith.constant 100000 : i32
      %mul3A_39 = arith.muli %add3A_37, %mul3A_38 : i32
      %dma_start3A_40 = arith.constant 0 : i32
      %dma_start3A_41 = arith.constant 0 : i32
      %dma_start3A_42 = tpu.memref_slice %arg11[%add3A_37, %dma_start3A_41] : memref<256x128xf32, #tpu.memory_space<vmem>> -> memref<1x128xf32, #tpu.memory_space<vmem>>
      %dma_start3A_43 = tpu.memref_squeeze %dma_start3A_42 : memref<1x128xf32, #tpu.memory_space<vmem>> -> memref<128xf32, #tpu.memory_space<vmem>>
      %dma_start3A_44 = arith.constant 0 : i32
      %dma_start3A_45 = tpu.memref_slice %arg9[%dma_start3A_40, %dma_start3A_44] : memref<16x128xi32, #tpu.memory_space<vmem>> -> memref<1x128xi32, #tpu.memory_space<vmem>>
      %dma_start3A_46 = tpu.memref_squeeze %dma_start3A_45 : memref<1x128xi32, #tpu.memory_space<vmem>> -> memref<128xi32, #tpu.memory_space<vmem>>
      %dma_start3A_47 = tpu.memref_slice %arg5[%mul3A_39] : memref<25600000xf32, #tpu.memory_space<hbm>> -> memref<100000xf32, #tpu.memory_space<hbm>>
      %dma_start3A_48 = arith.constant 0 : i32
      %dma_start3A_49 = tpu.memref_slice %dma_start3A_47[%dma_start3A_48] : memref<100000xf32, #tpu.memory_space<hbm>> -> memref<100000xf32, #tpu.memory_space<hbm>>
      tpu.enqueue_indirect_dma source(%dma_start3A_49 : memref<100000xf32, #tpu.memory_space<hbm>>) target(%dma_start3A_43 : memref<128xf32, #tpu.memory_space<vmem>>) offsets(%dma_start3A_46 : memref<128xi32, #tpu.memory_space<vmem>>) semaphore(%arg13 : memref<!tpu.dma_semaphore, #tpu.memory_space<semaphore_mem>>)
      %add3A_50 = arith.constant 2 : i32
      %add3A_51 = arith.addi %mul3A_21, %add3A_50 : i32
      %mul3A_52 = arith.constant 100000 : i32
      %mul3A_53 = arith.muli %add3A_51, %mul3A_52 : i32
      %dma_start3A_54 = arith.constant 0 : i32
      %dma_start3A_55 = arith.constant 0 : i32
      %dma_start3A_56 = tpu.memref_slice %arg11[%add3A_51, %dma_start3A_55] : memref<256x128xf32, #tpu.memory_space<vmem>> -> memref<1x128xf32, #tpu.memory_space<vmem>>
      %dma_start3A_57 = tpu.memref_squeeze %dma_start3A_56 : memref<1x128xf32, #tpu.memory_space<vmem>> -> memref<128xf32, #tpu.memory_space<vmem>>
      %dma_start3A_58 = arith.constant 0 : i32
      %dma_start3A_59 = tpu.memref_slice %arg9[%dma_start3A_54, %dma_start3A_58] : memref<16x128xi32, #tpu.memory_space<vmem>> -> memref<1x128xi32, #tpu.memory_space<vmem>>
      %dma_start3A_60 = tpu.memref_squeeze %dma_start3A_59 : memref<1x128xi32, #tpu.memory_space<vmem>> -> memref<128xi32, #tpu.memory_space<vmem>>
      %dma_start3A_61 = tpu.memref_slice %arg5[%mul3A_53] : memref<25600000xf32, #tpu.memory_space<hbm>> -> memref<100000xf32, #tpu.memory_space<hbm>>
      %dma_start3A_62 = arith.constant 0 : i32
      %dma_start3A_63 = tpu.memref_slice %dma_start3A_61[%dma_start3A_62] : memref<100000xf32, #tpu.memory_space<hbm>> -> memref<100000xf32, #tpu.memory_space<hbm>>
      tpu.enqueue_indirect_dma source(%dma_start3A_63 : memref<100000xf32, #tpu.memory_space<hbm>>) target(%dma_start3A_57 : memref<128xf32, #tpu.memory_space<vmem>>) offsets(%dma_start3A_60 : memref<128xi32, #tpu.memory_space<vmem>>) semaphore(%arg13 : memref<!tpu.dma_semaphore, #tpu.memory_space<semaphore_mem>>)
      %add3A_64 = arith.constant 3 : i32
      %add3A_65 = arith.addi %mul3A_21, %add3A_64 : i32
      %mul3A_66 = arith.constant 100000 : i32
      %mul3A_67 = arith.muli %add3A_65, %mul3A_66 : i32
      %dma_start3A_68 = arith.constant 0 : i32
      %dma_start3A_69 = arith.constant 0 : i32
      %dma_start3A_70 = tpu.memref_slice %arg11[%add3A_65, %dma_start3A_69] : memref<256x128xf32, #tpu.memory_space<vmem>> -> memref<1x128xf32, #tpu.memory_space<vmem>>
      %dma_start3A_71 = tpu.memref_squeeze %dma_start3A_70 : memref<1x128xf32, #tpu.memory_space<vmem>> -> memref<128xf32, #tpu.memory_space<vmem>>
      %dma_start3A_72 = arith.constant 0 : i32
      %dma_start3A_73 = tpu.memref_slice %arg9[%dma_start3A_68, %dma_start3A_72] : memref<16x128xi32, #tpu.memory_space<vmem>> -> memref<1x128xi32, #tpu.memory_space<vmem>>
      %dma_start3A_74 = tpu.memref_squeeze %dma_start3A_73 : memref<1x128xi32, #tpu.memory_space<vmem>> -> memref<128xi32, #tpu.memory_space<vmem>>
      %dma_start3A_75 = tpu.memref_slice %arg5[%mul3A_67] : memref<25600000xf32, #tpu.memory_space<hbm>> -> memref<100000xf32, #tpu.memory_space<hbm>>
      %dma_start3A_76 = arith.constant 0 : i32
      %dma_start3A_77 = tpu.memref_slice %dma_start3A_75[%dma_start3A_76] : memref<100000xf32, #tpu.memory_space<hbm>> -> memref<100000xf32, #tpu.memory_space<hbm>>
      tpu.enqueue_indirect_dma source(%dma_start3A_77 : memref<100000xf32, #tpu.memory_space<hbm>>) target(%dma_start3A_71 : memref<128xf32, #tpu.memory_space<vmem>>) offsets(%dma_start3A_74 : memref<128xi32, #tpu.memory_space<vmem>>) semaphore(%arg13 : memref<!tpu.dma_semaphore, #tpu.memory_space<semaphore_mem>>)
      %add3A_78 = arith.constant 4 : i32
      %add3A_79 = arith.addi %mul3A_21, %add3A_78 : i32
      %mul3A_80 = arith.constant 100000 : i32
      %mul3A_81 = arith.muli %add3A_79, %mul3A_80 : i32
      %dma_start3A_82 = arith.constant 0 : i32
      %dma_start3A_83 = arith.constant 0 : i32
      %dma_start3A_84 = tpu.memref_slice %arg11[%add3A_79, %dma_start3A_83] : memref<256x128xf32, #tpu.memory_space<vmem>> -> memref<1x128xf32, #tpu.memory_space<vmem>>
      %dma_start3A_85 = tpu.memref_squeeze %dma_start3A_84 : memref<1x128xf32, #tpu.memory_space<vmem>> -> memref<128xf32, #tpu.memory_space<vmem>>
      %dma_start3A_86 = arith.constant 0 : i32
      %dma_start3A_87 = tpu.memref_slice %arg9[%dma_start3A_82, %dma_start3A_86] : memref<16x128xi32, #tpu.memory_space<vmem>> -> memref<1x128xi32, #tpu.memory_space<vmem>>
      %dma_start3A_88 = tpu.memref_squeeze %dma_start3A_87 : memref<1x128xi32, #tpu.memory_space<vmem>> -> memref<128xi32, #tpu.memory_space<vmem>>
      %dma_start3A_89 = tpu.memref_slice %arg5[%mul3A_81] : memref<25600000xf32, #tpu.memory_space<hbm>> -> memref<100000xf32, #tpu.memory_space<hbm>>
      %dma_start3A_90 = arith.constant 0 : i32
      %dma_start3A_91 = tpu.memref_slice %dma_start3A_89[%dma_start3A_90] : memref<100000xf32, #tpu.memory_space<hbm>> -> memref<100000xf32, #tpu.memory_space<hbm>>
      tpu.enqueue_indirect_dma source(%dma_start3A_91 : memref<100000xf32, #tpu.memory_space<hbm>>) target(%dma_start3A_85 : memref<128xf32, #tpu.memory_space<vmem>>) offsets(%dma_start3A_88 : memref<128xi32, #tpu.memory_space<vmem>>) semaphore(%arg13 : memref<!tpu.dma_semaphore, #tpu.memory_space<semaphore_mem>>)
      %add3A_92 = arith.constant 5 : i32
      %add3A_93 = arith.addi %mul3A_21, %add3A_92 : i32
      %mul3A_94 = arith.constant 100000 : i32
      %mul3A_95 = arith.muli %add3A_93, %mul3A_94 : i32
      %dma_start3A_96 = arith.constant 0 : i32
      %dma_start3A_97 = arith.constant 0 : i32
      %dma_start3A_98 = tpu.memref_slice %arg11[%add3A_93, %dma_start3A_97] : memref<256x128xf32, #tpu.memory_space<vmem>> -> memref<1x128xf32, #tpu.memory_space<vmem>>
      %dma_start3A_99 = tpu.memref_squeeze %dma_start3A_98 : memref<1x128xf32, #tpu.memory_space<vmem>> -> memref<128xf32, #tpu.memory_space<vmem>>
      %dma_start3A_100 = arith.constant 0 : i32
      %dma_start3A_101 = tpu.memref_slice %arg9[%dma_start3A_96, %dma_start3A_100] : memref<16x128xi32, #tpu.memory_space<vmem>> -> memref<1x128xi32, #tpu.memory_space<vmem>>
      %dma_start3A_102 = tpu.memref_squeeze %dma_start3A_101 : memref<1x128xi32, #tpu.memory_space<vmem>> -> memref<128xi32, #tpu.memory_space<vmem>>
      %dma_start3A_103 = tpu.memref_slice %arg5[%mul3A_95] : memref<25600000xf32, #tpu.memory_space<hbm>> -> memref<100000xf32, #tpu.memory_space<hbm>>
      %dma_start3A_104 = arith.constant 0 : i32
      %dma_start3A_105 = tpu.memref_slice %dma_start3A_103[%dma_start3A_104] : memref<100000xf32, #tpu.memory_space<hbm>> -> memref<100000xf32, #tpu.memory_space<hbm>>
      tpu.enqueue_indirect_dma source(%dma_start3A_105 : memref<100000xf32, #tpu.memory_space<hbm>>) target(%dma_start3A_99 : memref<128xf32, #tpu.memory_space<vmem>>) offsets(%dma_start3A_102 : memref<128xi32, #tpu.memory_space<vmem>>) semaphore(%arg13 : memref<!tpu.dma_semaphore, #tpu.memory_space<semaphore_mem>>)
      %add3A_106 = arith.constant 6 : i32
      %add3A_107 = arith.addi %mul3A_21, %add3A_106 : i32
      %mul3A_108 = arith.constant 100000 : i32
      %mul3A_109 = arith.muli %add3A_107, %mul3A_108 : i32
      %dma_start3A_110 = arith.constant 0 : i32
      %dma_start3A_111 = arith.constant 0 : i32
      %dma_start3A_112 = tpu.memref_slice %arg11[%add3A_107, %dma_start3A_111] : memref<256x128xf32, #tpu.memory_space<vmem>> -> memref<1x128xf32, #tpu.memory_space<vmem>>
      %dma_start3A_113 = tpu.memref_squeeze %dma_start3A_112 : memref<1x128xf32, #tpu.memory_space<vmem>> -> memref<128xf32, #tpu.memory_space<vmem>>
      %dma_start3A_114 = arith.constant 0 : i32
      %dma_start3A_115 = tpu.memref_slice %arg9[%dma_start3A_110, %dma_start3A_114] : memref<16x128xi32, #tpu.memory_space<vmem>> -> memref<1x128xi32, #tpu.memory_space<vmem>>
      %dma_start3A_116 = tpu.memref_squeeze %dma_start3A_115 : memref<1x128xi32, #tpu.memory_space<vmem>> -> memref<128xi32, #tpu.memory_space<vmem>>
      %dma_start3A_117 = tpu.memref_slice %arg5[%mul3A_109] : memref<25600000xf32, #tpu.memory_space<hbm>> -> memref<100000xf32, #tpu.memory_space<hbm>>
      %dma_start3A_118 = arith.constant 0 : i32
      %dma_start3A_119 = tpu.memref_slice %dma_start3A_117[%dma_start3A_118] : memref<100000xf32, #tpu.memory_space<hbm>> -> memref<100000xf32, #tpu.memory_space<hbm>>
      tpu.enqueue_indirect_dma source(%dma_start3A_119 : memref<100000xf32, #tpu.memory_space<hbm>>) target(%dma_start3A_113 : memref<128xf32, #tpu.memory_space<vmem>>) offsets(%dma_start3A_116 : memref<128xi32, #tpu.memory_space<vmem>>) semaphore(%arg13 : memref<!tpu.dma_semaphore, #tpu.memory_space<semaphore_mem>>)
      %add3A_120 = arith.constant 7 : i32
      %add3A_121 = arith.addi %mul3A_21, %add3A_120 : i32
      %mul3A_122 = arith.constant 100000 : i32
      %mul3A_123 = arith.muli %add3A_121, %mul3A_122 : i32
      %dma_start3A_124 = arith.constant 0 : i32
      %dma_start3A_125 = arith.constant 0 : i32
      %dma_start3A_126 = tpu.memref_slice %arg11[%add3A_121, %dma_start3A_125] : memref<256x128xf32, #tpu.memory_space<vmem>> -> memref<1x128xf32, #tpu.memory_space<vmem>>
      %dma_start3A_127 = tpu.memref_squeeze %dma_start3A_126 : memref<1x128xf32, #tpu.memory_space<vmem>> -> memref<128xf32, #tpu.memory_space<vmem>>
      %dma_start3A_128 = arith.constant 0 : i32
      %dma_start3A_129 = tpu.memref_slice %arg9[%dma_start3A_124, %dma_start3A_128] : memref<16x128xi32, #tpu.memory_space<vmem>> -> memref<1x128xi32, #tpu.memory_space<vmem>>
      %dma_start3A_130 = tpu.memref_squeeze %dma_start3A_129 : memref<1x128xi32, #tpu.memory_space<vmem>> -> memref<128xi32, #tpu.memory_space<vmem>>
      %dma_start3A_131 = tpu.memref_slice %arg5[%mul3A_123] : memref<25600000xf32, #tpu.memory_space<hbm>> -> memref<100000xf32, #tpu.memory_space<hbm>>
      %dma_start3A_132 = arith.constant 0 : i32
      %dma_start3A_133 = tpu.memref_slice %dma_start3A_131[%dma_start3A_132] : memref<100000xf32, #tpu.memory_space<hbm>> -> memref<100000xf32, #tpu.memory_space<hbm>>
      tpu.enqueue_indirect_dma source(%dma_start3A_133 : memref<100000xf32, #tpu.memory_space<hbm>>) target(%dma_start3A_127 : memref<128xf32, #tpu.memory_space<vmem>>) offsets(%dma_start3A_130 : memref<128xi32, #tpu.memory_space<vmem>>) semaphore(%arg13 : memref<!tpu.dma_semaphore, #tpu.memory_space<semaphore_mem>>)
      %add3A_134 = arith.constant 8 : i32
      %add3A_135 = arith.addi %mul3A_21, %add3A_134 : i32
      %mul3A_136 = arith.constant 100000 : i32
      %mul3A_137 = arith.muli %add3A_135, %mul3A_136 : i32
      %dma_start3A_138 = arith.constant 0 : i32
      %dma_start3A_139 = arith.constant 0 : i32
      %dma_start3A_140 = tpu.memref_slice %arg11[%add3A_135, %dma_start3A_139] : memref<256x128xf32, #tpu.memory_space<vmem>> -> memref<1x128xf32, #tpu.memory_space<vmem>>
      %dma_start3A_141 = tpu.memref_squeeze %dma_start3A_140 : memref<1x128xf32, #tpu.memory_space<vmem>> -> memref<128xf32, #tpu.memory_space<vmem>>
      %dma_start3A_142 = arith.constant 0 : i32
      %dma_start3A_143 = tpu.memref_slice %arg9[%dma_start3A_138, %dma_start3A_142] : memref<16x128xi32, #tpu.memory_space<vmem>> -> memref<1x128xi32, #tpu.memory_space<vmem>>
      %dma_start3A_144 = tpu.memref_squeeze %dma_start3A_143 : memref<1x128xi32, #tpu.memory_space<vmem>> -> memref<128xi32, #tpu.memory_space<vmem>>
      %dma_start3A_145 = tpu.memref_slice %arg5[%mul3A_137] : memref<25600000xf32, #tpu.memory_space<hbm>> -> memref<100000xf32, #tpu.memory_space<hbm>>
      %dma_start3A_146 = arith.constant 0 : i32
      %dma_start3A_147 = tpu.memref_slice %dma_start3A_145[%dma_start3A_146] : memref<100000xf32, #tpu.memory_space<hbm>> -> memref<100000xf32, #tpu.memory_space<hbm>>
      tpu.enqueue_indirect_dma source(%dma_start3A_147 : memref<100000xf32, #tpu.memory_space<hbm>>) target(%dma_start3A_141 : memref<128xf32, #tpu.memory_space<vmem>>) offsets(%dma_start3A_144 : memref<128xi32, #tpu.memory_space<vmem>>) semaphore(%arg13 : memref<!tpu.dma_semaphore, #tpu.memory_space<semaphore_mem>>)
      %add3A_148 = arith.constant 9 : i32
      %add3A_149 = arith.addi %mul3A_21, %add3A_148 : i32
      %mul3A_150 = arith.constant 100000 : i32
      %mul3A_151 = arith.muli %add3A_149, %mul3A_150 : i32
      %dma_start3A_152 = arith.constant 0 : i32
      %dma_start3A_153 = arith.constant 0 : i32
      %dma_start3A_154 = tpu.memref_slice %arg11[%add3A_149, %dma_start3A_153] : memref<256x128xf32, #tpu.memory_space<vmem>> -> memref<1x128xf32, #tpu.memory_space<vmem>>
      %dma_start3A_155 = tpu.memref_squeeze %dma_start3A_154 : memref<1x128xf32, #tpu.memory_space<vmem>> -> memref<128xf32, #tpu.memory_space<vmem>>
      %dma_start3A_156 = arith.constant 0 : i32
      %dma_start3A_157 = tpu.memref_slice %arg9[%dma_start3A_152, %dma_start3A_156] : memref<16x128xi32, #tpu.memory_space<vmem>> -> memref<1x128xi32, #tpu.memory_space<vmem>>
      %dma_start3A_158 = tpu.memref_squeeze %dma_start3A_157 : memref<1x128xi32, #tpu.memory_space<vmem>> -> memref<128xi32, #tpu.memory_space<vmem>>
      %dma_start3A_159 = tpu.memref_slice %arg5[%mul3A_151] : memref<25600000xf32, #tpu.memory_space<hbm>> -> memref<100000xf32, #tpu.memory_space<hbm>>
      %dma_start3A_160 = arith.constant 0 : i32
      %dma_start3A_161 = tpu.memref_slice %dma_start3A_159[%dma_start3A_160] : memref<100000xf32, #tpu.memory_space<hbm>> -> memref<100000xf32, #tpu.memory_space<hbm>>
      tpu.enqueue_indirect_dma source(%dma_start3A_161 : memref<100000xf32, #tpu.memory_space<hbm>>) target(%dma_start3A_155 : memref<128xf32, #tpu.memory_space<vmem>>) offsets(%dma_start3A_158 : memref<128xi32, #tpu.memory_space<vmem>>) semaphore(%arg13 : memref<!tpu.dma_semaphore, #tpu.memory_space<semaphore_mem>>)
      %add3A_162 = arith.constant 10 : i32
      %add3A_163 = arith.addi %mul3A_21, %add3A_162 : i32
      %mul3A_164 = arith.constant 100000 : i32
      %mul3A_165 = arith.muli %add3A_163, %mul3A_164 : i32
      %dma_start3A_166 = arith.constant 0 : i32
      %dma_start3A_167 = arith.constant 0 : i32
      %dma_start3A_168 = tpu.memref_slice %arg11[%add3A_163, %dma_start3A_167] : memref<256x128xf32, #tpu.memory_space<vmem>> -> memref<1x128xf32, #tpu.memory_space<vmem>>
      %dma_start3A_169 = tpu.memref_squeeze %dma_start3A_168 : memref<1x128xf32, #tpu.memory_space<vmem>> -> memref<128xf32, #tpu.memory_space<vmem>>
      %dma_start3A_170 = arith.constant 0 : i32
      %dma_start3A_171 = tpu.memref_slice %arg9[%dma_start3A_166, %dma_start3A_170] : memref<16x128xi32, #tpu.memory_space<vmem>> -> memref<1x128xi32, #tpu.memory_space<vmem>>
      %dma_start3A_172 = tpu.memref_squeeze %dma_start3A_171 : memref<1x128xi32, #tpu.memory_space<vmem>> -> memref<128xi32, #tpu.memory_space<vmem>>
      %dma_start3A_173 = tpu.memref_slice %arg5[%mul3A_165] : memref<25600000xf32, #tpu.memory_space<hbm>> -> memref<100000xf32, #tpu.memory_space<hbm>>
      %dma_start3A_174 = arith.constant 0 : i32
      %dma_start3A_175 = tpu.memref_slice %dma_start3A_173[%dma_start3A_174] : memref<100000xf32, #tpu.memory_space<hbm>> -> memref<100000xf32, #tpu.memory_space<hbm>>
      tpu.enqueue_indirect_dma source(%dma_start3A_175 : memref<100000xf32, #tpu.memory_space<hbm>>) target(%dma_start3A_169 : memref<128xf32, #tpu.memory_space<vmem>>) offsets(%dma_start3A_172 : memref<128xi32, #tpu.memory_space<vmem>>) semaphore(%arg13 : memref<!tpu.dma_semaphore, #tpu.memory_space<semaphore_mem>>)
      %add3A_176 = arith.constant 11 : i32
      %add3A_177 = arith.addi %mul3A_21, %add3A_176 : i32
      %mul3A_178 = arith.constant 100000 : i32
      %mul3A_179 = arith.muli %add3A_177, %mul3A_178 : i32
      %dma_start3A_180 = arith.constant 0 : i32
      %dma_start3A_181 = arith.constant 0 : i32
      %dma_start3A_182 = tpu.memref_slice %arg11[%add3A_177, %dma_start3A_181] : memref<256x128xf32, #tpu.memory_space<vmem>> -> memref<1x128xf32, #tpu.memory_space<vmem>>
      %dma_start3A_183 = tpu.memref_squeeze %dma_start3A_182 : memref<1x128xf32, #tpu.memory_space<vmem>> -> memref<128xf32, #tpu.memory_space<vmem>>
      %dma_start3A_184 = arith.constant 0 : i32
      %dma_start3A_185 = tpu.memref_slice %arg9[%dma_start3A_180, %dma_start3A_184] : memref<16x128xi32, #tpu.memory_space<vmem>> -> memref<1x128xi32, #tpu.memory_space<vmem>>
      %dma_start3A_186 = tpu.memref_squeeze %dma_start3A_185 : memref<1x128xi32, #tpu.memory_space<vmem>> -> memref<128xi32, #tpu.memory_space<vmem>>
      %dma_start3A_187 = tpu.memref_slice %arg5[%mul3A_179] : memref<25600000xf32, #tpu.memory_space<hbm>> -> memref<100000xf32, #tpu.memory_space<hbm>>
      %dma_start3A_188 = arith.constant 0 : i32
      %dma_start3A_189 = tpu.memref_slice %dma_start3A_187[%dma_start3A_188] : memref<100000xf32, #tpu.memory_space<hbm>> -> memref<100000xf32, #tpu.memory_space<hbm>>
      tpu.enqueue_indirect_dma source(%dma_start3A_189 : memref<100000xf32, #tpu.memory_space<hbm>>) target(%dma_start3A_183 : memref<128xf32, #tpu.memory_space<vmem>>) offsets(%dma_start3A_186 : memref<128xi32, #tpu.memory_space<vmem>>) semaphore(%arg13 : memref<!tpu.dma_semaphore, #tpu.memory_space<semaphore_mem>>)
      %add3A_190 = arith.constant 12 : i32
      %add3A_191 = arith.addi %mul3A_21, %add3A_190 : i32
      %mul3A_192 = arith.constant 100000 : i32
      %mul3A_193 = arith.muli %add3A_191, %mul3A_192 : i32
      %dma_start3A_194 = arith.constant 0 : i32
      %dma_start3A_195 = arith.constant 0 : i32
      %dma_start3A_196 = tpu.memref_slice %arg11[%add3A_191, %dma_start3A_195] : memref<256x128xf32, #tpu.memory_space<vmem>> -> memref<1x128xf32, #tpu.memory_space<vmem>>
      %dma_start3A_197 = tpu.memref_squeeze %dma_start3A_196 : memref<1x128xf32, #tpu.memory_space<vmem>> -> memref<128xf32, #tpu.memory_space<vmem>>
      %dma_start3A_198 = arith.constant 0 : i32
      %dma_start3A_199 = tpu.memref_slice %arg9[%dma_start3A_194, %dma_start3A_198] : memref<16x128xi32, #tpu.memory_space<vmem>> -> memref<1x128xi32, #tpu.memory_space<vmem>>
      %dma_start3A_200 = tpu.memref_squeeze %dma_start3A_199 : memref<1x128xi32, #tpu.memory_space<vmem>> -> memref<128xi32, #tpu.memory_space<vmem>>
      %dma_start3A_201 = tpu.memref_slice %arg5[%mul3A_193] : memref<25600000xf32, #tpu.memory_space<hbm>> -> memref<100000xf32, #tpu.memory_space<hbm>>
      %dma_start3A_202 = arith.constant 0 : i32
      %dma_start3A_203 = tpu.memref_slice %dma_start3A_201[%dma_start3A_202] : memref<100000xf32, #tpu.memory_space<hbm>> -> memref<100000xf32, #tpu.memory_space<hbm>>
      tpu.enqueue_indirect_dma source(%dma_start3A_203 : memref<100000xf32, #tpu.memory_space<hbm>>) target(%dma_start3A_197 : memref<128xf32, #tpu.memory_space<vmem>>) offsets(%dma_start3A_200 : memref<128xi32, #tpu.memory_space<vmem>>) semaphore(%arg13 : memref<!tpu.dma_semaphore, #tpu.memory_space<semaphore_mem>>)
      %add3A_204 = arith.constant 13 : i32
      %add3A_205 = arith.addi %mul3A_21, %add3A_204 : i32
      %mul3A_206 = arith.constant 100000 : i32
      %mul3A_207 = arith.muli %add3A_205, %mul3A_206 : i32
      %dma_start3A_208 = arith.constant 0 : i32
      %dma_start3A_209 = arith.constant 0 : i32
      %dma_start3A_210 = tpu.memref_slice %arg11[%add3A_205, %dma_start3A_209] : memref<256x128xf32, #tpu.memory_space<vmem>> -> memref<1x128xf32, #tpu.memory_space<vmem>>
      %dma_start3A_211 = tpu.memref_squeeze %dma_start3A_210 : memref<1x128xf32, #tpu.memory_space<vmem>> -> memref<128xf32, #tpu.memory_space<vmem>>
      %dma_start3A_212 = arith.constant 0 : i32
      %dma_start3A_213 = tpu.memref_slice %arg9[%dma_start3A_208, %dma_start3A_212] : memref<16x128xi32, #tpu.memory_space<vmem>> -> memref<1x128xi32, #tpu.memory_space<vmem>>
      %dma_start3A_214 = tpu.memref_squeeze %dma_start3A_213 : memref<1x128xi32, #tpu.memory_space<vmem>> -> memref<128xi32, #tpu.memory_space<vmem>>
      %dma_start3A_215 = tpu.memref_slice %arg5[%mul3A_207] : memref<25600000xf32, #tpu.memory_space<hbm>> -> memref<100000xf32, #tpu.memory_space<hbm>>
      %dma_start3A_216 = arith.constant 0 : i32
      %dma_start3A_217 = tpu.memref_slice %dma_start3A_215[%dma_start3A_216] : memref<100000xf32, #tpu.memory_space<hbm>> -> memref<100000xf32, #tpu.memory_space<hbm>>
      tpu.enqueue_indirect_dma source(%dma_start3A_217 : memref<100000xf32, #tpu.memory_space<hbm>>) target(%dma_start3A_211 : memref<128xf32, #tpu.memory_space<vmem>>) offsets(%dma_start3A_214 : memref<128xi32, #tpu.memory_space<vmem>>) semaphore(%arg13 : memref<!tpu.dma_semaphore, #tpu.memory_space<semaphore_mem>>)
      %add3A_218 = arith.constant 14 : i32
      %add3A_219 = arith.addi %mul3A_21, %add3A_218 : i32
      %mul3A_220 = arith.constant 100000 : i32
      %mul3A_221 = arith.muli %add3A_219, %mul3A_220 : i32
      %dma_start3A_222 = arith.constant 0 : i32
      %dma_start3A_223 = arith.constant 0 : i32
      %dma_start3A_224 = tpu.memref_slice %arg11[%add3A_219, %dma_start3A_223] : memref<256x128xf32, #tpu.memory_space<vmem>> -> memref<1x128xf32, #tpu.memory_space<vmem>>
      %dma_start3A_225 = tpu.memref_squeeze %dma_start3A_224 : memref<1x128xf32, #tpu.memory_space<vmem>> -> memref<128xf32, #tpu.memory_space<vmem>>
      %dma_start3A_226 = arith.constant 0 : i32
      %dma_start3A_227 = tpu.memref_slice %arg9[%dma_start3A_222, %dma_start3A_226] : memref<16x128xi32, #tpu.memory_space<vmem>> -> memref<1x128xi32, #tpu.memory_space<vmem>>
      %dma_start3A_228 = tpu.memref_squeeze %dma_start3A_227 : memref<1x128xi32, #tpu.memory_space<vmem>> -> memref<128xi32, #tpu.memory_space<vmem>>
      %dma_start3A_229 = tpu.memref_slice %arg5[%mul3A_221] : memref<25600000xf32, #tpu.memory_space<hbm>> -> memref<100000xf32, #tpu.memory_space<hbm>>
      %dma_start3A_230 = arith.constant 0 : i32
      %dma_start3A_231 = tpu.memref_slice %dma_start3A_229[%dma_start3A_230] : memref<100000xf32, #tpu.memory_space<hbm>> -> memref<100000xf32, #tpu.memory_space<hbm>>
      tpu.enqueue_indirect_dma source(%dma_start3A_231 : memref<100000xf32, #tpu.memory_space<hbm>>) target(%dma_start3A_225 : memref<128xf32, #tpu.memory_space<vmem>>) offsets(%dma_start3A_228 : memref<128xi32, #tpu.memory_space<vmem>>) semaphore(%arg13 : memref<!tpu.dma_semaphore, #tpu.memory_space<semaphore_mem>>)
      %add3A_232 = arith.constant 15 : i32
      %add3A_233 = arith.addi %mul3A_21, %add3A_232 : i32
      %mul3A_234 = arith.constant 100000 : i32
      %mul3A_235 = arith.muli %add3A_233, %mul3A_234 : i32
      %dma_start3A_236 = arith.constant 0 : i32
      %dma_start3A_237 = arith.constant 0 : i32
      %dma_start3A_238 = tpu.memref_slice %arg11[%add3A_233, %dma_start3A_237] : memref<256x128xf32, #tpu.memory_space<vmem>> -> memref<1x128xf32, #tpu.memory_space<vmem>>
      %dma_start3A_239 = tpu.memref_squeeze %dma_start3A_238 : memref<1x128xf32, #tpu.memory_space<vmem>> -> memref<128xf32, #tpu.memory_space<vmem>>
      %dma_start3A_240 = arith.constant 0 : i32
      %dma_start3A_241 = tpu.memref_slice %arg9[%dma_start3A_236, %dma_start3A_240] : memref<16x128xi32, #tpu.memory_space<vmem>> -> memref<1x128xi32, #tpu.memory_space<vmem>>
      %dma_start3A_242 = tpu.memref_squeeze %dma_start3A_241 : memref<1x128xi32, #tpu.memory_space<vmem>> -> memref<128xi32, #tpu.memory_space<vmem>>
      %dma_start3A_243 = tpu.memref_slice %arg5[%mul3A_235] : memref<25600000xf32, #tpu.memory_space<hbm>> -> memref<100000xf32, #tpu.memory_space<hbm>>
      %dma_start3A_244 = arith.constant 0 : i32
      %dma_start3A_245 = tpu.memref_slice %dma_start3A_243[%dma_start3A_244] : memref<100000xf32, #tpu.memory_space<hbm>> -> memref<100000xf32, #tpu.memory_space<hbm>>
      tpu.enqueue_indirect_dma source(%dma_start3A_245 : memref<100000xf32, #tpu.memory_space<hbm>>) target(%dma_start3A_239 : memref<128xf32, #tpu.memory_space<vmem>>) offsets(%dma_start3A_242 : memref<128xi32, #tpu.memory_space<vmem>>) semaphore(%arg13 : memref<!tpu.dma_semaphore, #tpu.memory_space<semaphore_mem>>)
      %while3A_246 = arith.constant 0 : i32
      %while3A_247 = arith.constant 1 : i32
      %while3A_248 = arith.constant 16 : i32
      %while3A_249 = arith.subi %while3A_248, %while3A_247 : i32
      %while3A_250 = arith.addi %while3A_247, %while3A_249 : i32
      %while3A_251 = arith.constant 1 : i32
      %while3A_252 = arith.divsi %while3A_249, %while3A_251 : i32
      %while3A_253 = arith.muli %while3A_252, %while3A_251 : i32
      %while3A_254 = arith.addi %while3A_247, %while3A_253 : i32
      %while3A_255 = arith.constant 1 : i32
      scf.for %while3A_268 = %while3A_247 to %while3A_254 step %while3A_255  : i32 {
        %mul3A_269 = arith.constant 16 : i32
        %mul3A_270 = arith.muli %while3A_268, %mul3A_269 : i32
        %add3A_271 = arith.constant 0 : i32
        %add3A_272 = arith.addi %mul3A_270, %add3A_271 : i32
        %mul3A_273 = arith.constant 100000 : i32
        %mul3A_274 = arith.muli %add3A_272, %mul3A_273 : i32
        %dma_start3A_275 = arith.constant 0 : i32
        %dma_start3A_276 = tpu.memref_slice %arg11[%add3A_272, %dma_start3A_275] : memref<256x128xf32, #tpu.memory_space<vmem>> -> memref<1x128xf32, #tpu.memory_space<vmem>>
        %dma_start3A_277 = tpu.memref_squeeze %dma_start3A_276 : memref<1x128xf32, #tpu.memory_space<vmem>> -> memref<128xf32, #tpu.memory_space<vmem>>
        %dma_start3A_278 = arith.constant 0 : i32
        %dma_start3A_279 = tpu.memref_slice %arg9[%while3A_268, %dma_start3A_278] : memref<16x128xi32, #tpu.memory_space<vmem>> -> memref<1x128xi32, #tpu.memory_space<vmem>>
        %dma_start3A_280 = tpu.memref_squeeze %dma_start3A_279 : memref<1x128xi32, #tpu.memory_space<vmem>> -> memref<128xi32, #tpu.memory_space<vmem>>
        %dma_start3A_281 = tpu.memref_slice %arg5[%mul3A_274] : memref<25600000xf32, #tpu.memory_space<hbm>> -> memref<100000xf32, #tpu.memory_space<hbm>>
        %dma_start3A_282 = arith.constant 0 : i32
        %dma_start3A_283 = tpu.memref_slice %dma_start3A_281[%dma_start3A_282] : memref<100000xf32, #tpu.memory_space<hbm>> -> memref<100000xf32, #tpu.memory_space<hbm>>
        tpu.enqueue_indirect_dma source(%dma_start3A_283 : memref<100000xf32, #tpu.memory_space<hbm>>) target(%dma_start3A_277 : memref<128xf32, #tpu.memory_space<vmem>>) offsets(%dma_start3A_280 : memref<128xi32, #tpu.memory_space<vmem>>) semaphore(%arg13 : memref<!tpu.dma_semaphore, #tpu.memory_space<semaphore_mem>>)
        %add3A_284 = arith.constant 1 : i32
        %add3A_285 = arith.addi %mul3A_270, %add3A_284 : i32
        %mul3A_286 = arith.constant 100000 : i32
        %mul3A_287 = arith.muli %add3A_285, %mul3A_286 : i32
        %dma_start3A_288 = arith.constant 0 : i32
        %dma_start3A_289 = tpu.memref_slice %arg11[%add3A_285, %dma_start3A_288] : memref<256x128xf32, #tpu.memory_space<vmem>> -> memref<1x128xf32, #tpu.memory_space<vmem>>
        %dma_start3A_290 = tpu.memref_squeeze %dma_start3A_289 : memref<1x128xf32, #tpu.memory_space<vmem>> -> memref<128xf32, #tpu.memory_space<vmem>>
        %dma_start3A_291 = arith.constant 0 : i32
        %dma_start3A_292 = tpu.memref_slice %arg9[%while3A_268, %dma_start3A_291] : memref<16x128xi32, #tpu.memory_space<vmem>> -> memref<1x128xi32, #tpu.memory_space<vmem>>
        %dma_start3A_293 = tpu.memref_squeeze %dma_start3A_292 : memref<1x128xi32, #tpu.memory_space<vmem>> -> memref<128xi32, #tpu.memory_space<vmem>>
        %dma_start3A_294 = tpu.memref_slice %arg5[%mul3A_287] : memref<25600000xf32, #tpu.memory_space<hbm>> -> memref<100000xf32, #tpu.memory_space<hbm>>
        %dma_start3A_295 = arith.constant 0 : i32
        %dma_start3A_296 = tpu.memref_slice %dma_start3A_294[%dma_start3A_295] : memref<100000xf32, #tpu.memory_space<hbm>> -> memref<100000xf32, #tpu.memory_space<hbm>>
        tpu.enqueue_indirect_dma source(%dma_start3A_296 : memref<100000xf32, #tpu.memory_space<hbm>>) target(%dma_start3A_290 : memref<128xf32, #tpu.memory_space<vmem>>) offsets(%dma_start3A_293 : memref<128xi32, #tpu.memory_space<vmem>>) semaphore(%arg13 : memref<!tpu.dma_semaphore, #tpu.memory_space<semaphore_mem>>)
        %add3A_297 = arith.constant 2 : i32
        %add3A_298 = arith.addi %mul3A_270, %add3A_297 : i32
        %mul3A_299 = arith.constant 100000 : i32
        %mul3A_300 = arith.muli %add3A_298, %mul3A_299 : i32
        %dma_start3A_301 = arith.constant 0 : i32
        %dma_start3A_302 = tpu.memref_slice %arg11[%add3A_298, %dma_start3A_301] : memref<256x128xf32, #tpu.memory_space<vmem>> -> memref<1x128xf32, #tpu.memory_space<vmem>>
        %dma_start3A_303 = tpu.memref_squeeze %dma_start3A_302 : memref<1x128xf32, #tpu.memory_space<vmem>> -> memref<128xf32, #tpu.memory_space<vmem>>
        %dma_start3A_304 = arith.constant 0 : i32
        %dma_start3A_305 = tpu.memref_slice %arg9[%while3A_268, %dma_start3A_304] : memref<16x128xi32, #tpu.memory_space<vmem>> -> memref<1x128xi32, #tpu.memory_space<vmem>>
        %dma_start3A_306 = tpu.memref_squeeze %dma_start3A_305 : memref<1x128xi32, #tpu.memory_space<vmem>> -> memref<128xi32, #tpu.memory_space<vmem>>
        %dma_start3A_307 = tpu.memref_slice %arg5[%mul3A_300] : memref<25600000xf32, #tpu.memory_space<hbm>> -> memref<100000xf32, #tpu.memory_space<hbm>>
        %dma_start3A_308 = arith.constant 0 : i32
        %dma_start3A_309 = tpu.memref_slice %dma_start3A_307[%dma_start3A_308] : memref<100000xf32, #tpu.memory_space<hbm>> -> memref<100000xf32, #tpu.memory_space<hbm>>
        tpu.enqueue_indirect_dma source(%dma_start3A_309 : memref<100000xf32, #tpu.memory_space<hbm>>) target(%dma_start3A_303 : memref<128xf32, #tpu.memory_space<vmem>>) offsets(%dma_start3A_306 : memref<128xi32, #tpu.memory_space<vmem>>) semaphore(%arg13 : memref<!tpu.dma_semaphore, #tpu.memory_space<semaphore_mem>>)
        %add3A_310 = arith.constant 3 : i32
        %add3A_311 = arith.addi %mul3A_270, %add3A_310 : i32
        %mul3A_312 = arith.constant 100000 : i32
        %mul3A_313 = arith.muli %add3A_311, %mul3A_312 : i32
        %dma_start3A_314 = arith.constant 0 : i32
        %dma_start3A_315 = tpu.memref_slice %arg11[%add3A_311, %dma_start3A_314] : memref<256x128xf32, #tpu.memory_space<vmem>> -> memref<1x128xf32, #tpu.memory_space<vmem>>
        %dma_start3A_316 = tpu.memref_squeeze %dma_start3A_315 : memref<1x128xf32, #tpu.memory_space<vmem>> -> memref<128xf32, #tpu.memory_space<vmem>>
        %dma_start3A_317 = arith.constant 0 : i32
        %dma_start3A_318 = tpu.memref_slice %arg9[%while3A_268, %dma_start3A_317] : memref<16x128xi32, #tpu.memory_space<vmem>> -> memref<1x128xi32, #tpu.memory_space<vmem>>
        %dma_start3A_319 = tpu.memref_squeeze %dma_start3A_318 : memref<1x128xi32, #tpu.memory_space<vmem>> -> memref<128xi32, #tpu.memory_space<vmem>>
        %dma_start3A_320 = tpu.memref_slice %arg5[%mul3A_313] : memref<25600000xf32, #tpu.memory_space<hbm>> -> memref<100000xf32, #tpu.memory_space<hbm>>
        %dma_start3A_321 = arith.constant 0 : i32
        %dma_start3A_322 = tpu.memref_slice %dma_start3A_320[%dma_start3A_321] : memref<100000xf32, #tpu.memory_space<hbm>> -> memref<100000xf32, #tpu.memory_space<hbm>>
        tpu.enqueue_indirect_dma source(%dma_start3A_322 : memref<100000xf32, #tpu.memory_space<hbm>>) target(%dma_start3A_316 : memref<128xf32, #tpu.memory_space<vmem>>) offsets(%dma_start3A_319 : memref<128xi32, #tpu.memory_space<vmem>>) semaphore(%arg13 : memref<!tpu.dma_semaphore, #tpu.memory_space<semaphore_mem>>)
        %add3A_323 = arith.constant 4 : i32
        %add3A_324 = arith.addi %mul3A_270, %add3A_323 : i32
        %mul3A_325 = arith.constant 100000 : i32
        %mul3A_326 = arith.muli %add3A_324, %mul3A_325 : i32
        %dma_start3A_327 = arith.constant 0 : i32
        %dma_start3A_328 = tpu.memref_slice %arg11[%add3A_324, %dma_start3A_327] : memref<256x128xf32, #tpu.memory_space<vmem>> -> memref<1x128xf32, #tpu.memory_space<vmem>>
        %dma_start3A_329 = tpu.memref_squeeze %dma_start3A_328 : memref<1x128xf32, #tpu.memory_space<vmem>> -> memref<128xf32, #tpu.memory_space<vmem>>
        %dma_start3A_330 = arith.constant 0 : i32
        %dma_start3A_331 = tpu.memref_slice %arg9[%while3A_268, %dma_start3A_330] : memref<16x128xi32, #tpu.memory_space<vmem>> -> memref<1x128xi32, #tpu.memory_space<vmem>>
        %dma_start3A_332 = tpu.memref_squeeze %dma_start3A_331 : memref<1x128xi32, #tpu.memory_space<vmem>> -> memref<128xi32, #tpu.memory_space<vmem>>
        %dma_start3A_333 = tpu.memref_slice %arg5[%mul3A_326] : memref<25600000xf32, #tpu.memory_space<hbm>> -> memref<100000xf32, #tpu.memory_space<hbm>>
        %dma_start3A_334 = arith.constant 0 : i32
        %dma_start3A_335 = tpu.memref_slice %dma_start3A_333[%dma_start3A_334] : memref<100000xf32, #tpu.memory_space<hbm>> -> memref<100000xf32, #tpu.memory_space<hbm>>
        tpu.enqueue_indirect_dma source(%dma_start3A_335 : memref<100000xf32, #tpu.memory_space<hbm>>) target(%dma_start3A_329 : memref<128xf32, #tpu.memory_space<vmem>>) offsets(%dma_start3A_332 : memref<128xi32, #tpu.memory_space<vmem>>) semaphore(%arg13 : memref<!tpu.dma_semaphore, #tpu.memory_space<semaphore_mem>>)
        %add3A_336 = arith.constant 5 : i32
        %add3A_337 = arith.addi %mul3A_270, %add3A_336 : i32
        %mul3A_338 = arith.constant 100000 : i32
        %mul3A_339 = arith.muli %add3A_337, %mul3A_338 : i32
        %dma_start3A_340 = arith.constant 0 : i32
        %dma_start3A_341 = tpu.memref_slice %arg11[%add3A_337, %dma_start3A_340] : memref<256x128xf32, #tpu.memory_space<vmem>> -> memref<1x128xf32, #tpu.memory_space<vmem>>
        %dma_start3A_342 = tpu.memref_squeeze %dma_start3A_341 : memref<1x128xf32, #tpu.memory_space<vmem>> -> memref<128xf32, #tpu.memory_space<vmem>>
        %dma_start3A_343 = arith.constant 0 : i32
        %dma_start3A_344 = tpu.memref_slice %arg9[%while3A_268, %dma_start3A_343] : memref<16x128xi32, #tpu.memory_space<vmem>> -> memref<1x128xi32, #tpu.memory_space<vmem>>
        %dma_start3A_345 = tpu.memref_squeeze %dma_start3A_344 : memref<1x128xi32, #tpu.memory_space<vmem>> -> memref<128xi32, #tpu.memory_space<vmem>>
        %dma_start3A_346 = tpu.memref_slice %arg5[%mul3A_339] : memref<25600000xf32, #tpu.memory_space<hbm>> -> memref<100000xf32, #tpu.memory_space<hbm>>
        %dma_start3A_347 = arith.constant 0 : i32
        %dma_start3A_348 = tpu.memref_slice %dma_start3A_346[%dma_start3A_347] : memref<100000xf32, #tpu.memory_space<hbm>> -> memref<100000xf32, #tpu.memory_space<hbm>>
        tpu.enqueue_indirect_dma source(%dma_start3A_348 : memref<100000xf32, #tpu.memory_space<hbm>>) target(%dma_start3A_342 : memref<128xf32, #tpu.memory_space<vmem>>) offsets(%dma_start3A_345 : memref<128xi32, #tpu.memory_space<vmem>>) semaphore(%arg13 : memref<!tpu.dma_semaphore, #tpu.memory_space<semaphore_mem>>)
        %add3A_349 = arith.constant 6 : i32
        %add3A_350 = arith.addi %mul3A_270, %add3A_349 : i32
        %mul3A_351 = arith.constant 100000 : i32
        %mul3A_352 = arith.muli %add3A_350, %mul3A_351 : i32
        %dma_start3A_353 = arith.constant 0 : i32
        %dma_start3A_354 = tpu.memref_slice %arg11[%add3A_350, %dma_start3A_353] : memref<256x128xf32, #tpu.memory_space<vmem>> -> memref<1x128xf32, #tpu.memory_space<vmem>>
        %dma_start3A_355 = tpu.memref_squeeze %dma_start3A_354 : memref<1x128xf32, #tpu.memory_space<vmem>> -> memref<128xf32, #tpu.memory_space<vmem>>
        %dma_start3A_356 = arith.constant 0 : i32
        %dma_start3A_357 = tpu.memref_slice %arg9[%while3A_268, %dma_start3A_356] : memref<16x128xi32, #tpu.memory_space<vmem>> -> memref<1x128xi32, #tpu.memory_space<vmem>>
        %dma_start3A_358 = tpu.memref_squeeze %dma_start3A_357 : memref<1x128xi32, #tpu.memory_space<vmem>> -> memref<128xi32, #tpu.memory_space<vmem>>
        %dma_start3A_359 = tpu.memref_slice %arg5[%mul3A_352] : memref<25600000xf32, #tpu.memory_space<hbm>> -> memref<100000xf32, #tpu.memory_space<hbm>>
        %dma_start3A_360 = arith.constant 0 : i32
        %dma_start3A_361 = tpu.memref_slice %dma_start3A_359[%dma_start3A_360] : memref<100000xf32, #tpu.memory_space<hbm>> -> memref<100000xf32, #tpu.memory_space<hbm>>
        tpu.enqueue_indirect_dma source(%dma_start3A_361 : memref<100000xf32, #tpu.memory_space<hbm>>) target(%dma_start3A_355 : memref<128xf32, #tpu.memory_space<vmem>>) offsets(%dma_start3A_358 : memref<128xi32, #tpu.memory_space<vmem>>) semaphore(%arg13 : memref<!tpu.dma_semaphore, #tpu.memory_space<semaphore_mem>>)
        %add3A_362 = arith.constant 7 : i32
        %add3A_363 = arith.addi %mul3A_270, %add3A_362 : i32
        %mul3A_364 = arith.constant 100000 : i32
        %mul3A_365 = arith.muli %add3A_363, %mul3A_364 : i32
        %dma_start3A_366 = arith.constant 0 : i32
        %dma_start3A_367 = tpu.memref_slice %arg11[%add3A_363, %dma_start3A_366] : memref<256x128xf32, #tpu.memory_space<vmem>> -> memref<1x128xf32, #tpu.memory_space<vmem>>
        %dma_start3A_368 = tpu.memref_squeeze %dma_start3A_367 : memref<1x128xf32, #tpu.memory_space<vmem>> -> memref<128xf32, #tpu.memory_space<vmem>>
        %dma_start3A_369 = arith.constant 0 : i32
        %dma_start3A_370 = tpu.memref_slice %arg9[%while3A_268, %dma_start3A_369] : memref<16x128xi32, #tpu.memory_space<vmem>> -> memref<1x128xi32, #tpu.memory_space<vmem>>
        %dma_start3A_371 = tpu.memref_squeeze %dma_start3A_370 : memref<1x128xi32, #tpu.memory_space<vmem>> -> memref<128xi32, #tpu.memory_space<vmem>>
        %dma_start3A_372 = tpu.memref_slice %arg5[%mul3A_365] : memref<25600000xf32, #tpu.memory_space<hbm>> -> memref<100000xf32, #tpu.memory_space<hbm>>
        %dma_start3A_373 = arith.constant 0 : i32
        %dma_start3A_374 = tpu.memref_slice %dma_start3A_372[%dma_start3A_373] : memref<100000xf32, #tpu.memory_space<hbm>> -> memref<100000xf32, #tpu.memory_space<hbm>>
        tpu.enqueue_indirect_dma source(%dma_start3A_374 : memref<100000xf32, #tpu.memory_space<hbm>>) target(%dma_start3A_368 : memref<128xf32, #tpu.memory_space<vmem>>) offsets(%dma_start3A_371 : memref<128xi32, #tpu.memory_space<vmem>>) semaphore(%arg13 : memref<!tpu.dma_semaphore, #tpu.memory_space<semaphore_mem>>)
        %add3A_375 = arith.constant 8 : i32
        %add3A_376 = arith.addi %mul3A_270, %add3A_375 : i32
        %mul3A_377 = arith.constant 100000 : i32
        %mul3A_378 = arith.muli %add3A_376, %mul3A_377 : i32
        %dma_start3A_379 = arith.constant 0 : i32
        %dma_start3A_380 = tpu.memref_slice %arg11[%add3A_376, %dma_start3A_379] : memref<256x128xf32, #tpu.memory_space<vmem>> -> memref<1x128xf32, #tpu.memory_space<vmem>>
        %dma_start3A_381 = tpu.memref_squeeze %dma_start3A_380 : memref<1x128xf32, #tpu.memory_space<vmem>> -> memref<128xf32, #tpu.memory_space<vmem>>
        %dma_start3A_382 = arith.constant 0 : i32
        %dma_start3A_383 = tpu.memref_slice %arg9[%while3A_268, %dma_start3A_382] : memref<16x128xi32, #tpu.memory_space<vmem>> -> memref<1x128xi32, #tpu.memory_space<vmem>>
        %dma_start3A_384 = tpu.memref_squeeze %dma_start3A_383 : memref<1x128xi32, #tpu.memory_space<vmem>> -> memref<128xi32, #tpu.memory_space<vmem>>
        %dma_start3A_385 = tpu.memref_slice %arg5[%mul3A_378] : memref<25600000xf32, #tpu.memory_space<hbm>> -> memref<100000xf32, #tpu.memory_space<hbm>>
        %dma_start3A_386 = arith.constant 0 : i32
        %dma_start3A_387 = tpu.memref_slice %dma_start3A_385[%dma_start3A_386] : memref<100000xf32, #tpu.memory_space<hbm>> -> memref<100000xf32, #tpu.memory_space<hbm>>
        tpu.enqueue_indirect_dma source(%dma_start3A_387 : memref<100000xf32, #tpu.memory_space<hbm>>) target(%dma_start3A_381 : memref<128xf32, #tpu.memory_space<vmem>>) offsets(%dma_start3A_384 : memref<128xi32, #tpu.memory_space<vmem>>) semaphore(%arg13 : memref<!tpu.dma_semaphore, #tpu.memory_space<semaphore_mem>>)
        %add3A_388 = arith.constant 9 : i32
        %add3A_389 = arith.addi %mul3A_270, %add3A_388 : i32
        %mul3A_390 = arith.constant 100000 : i32
        %mul3A_391 = arith.muli %add3A_389, %mul3A_390 : i32
        %dma_start3A_392 = arith.constant 0 : i32
        %dma_start3A_393 = tpu.memref_slice %arg11[%add3A_389, %dma_start3A_392] : memref<256x128xf32, #tpu.memory_space<vmem>> -> memref<1x128xf32, #tpu.memory_space<vmem>>
        %dma_start3A_394 = tpu.memref_squeeze %dma_start3A_393 : memref<1x128xf32, #tpu.memory_space<vmem>> -> memref<128xf32, #tpu.memory_space<vmem>>
        %dma_start3A_395 = arith.constant 0 : i32
        %dma_start3A_396 = tpu.memref_slice %arg9[%while3A_268, %dma_start3A_395] : memref<16x128xi32, #tpu.memory_space<vmem>> -> memref<1x128xi32, #tpu.memory_space<vmem>>
        %dma_start3A_397 = tpu.memref_squeeze %dma_start3A_396 : memref<1x128xi32, #tpu.memory_space<vmem>> -> memref<128xi32, #tpu.memory_space<vmem>>
        %dma_start3A_398 = tpu.memref_slice %arg5[%mul3A_391] : memref<25600000xf32, #tpu.memory_space<hbm>> -> memref<100000xf32, #tpu.memory_space<hbm>>
        %dma_start3A_399 = arith.constant 0 : i32
        %dma_start3A_400 = tpu.memref_slice %dma_start3A_398[%dma_start3A_399] : memref<100000xf32, #tpu.memory_space<hbm>> -> memref<100000xf32, #tpu.memory_space<hbm>>
        tpu.enqueue_indirect_dma source(%dma_start3A_400 : memref<100000xf32, #tpu.memory_space<hbm>>) target(%dma_start3A_394 : memref<128xf32, #tpu.memory_space<vmem>>) offsets(%dma_start3A_397 : memref<128xi32, #tpu.memory_space<vmem>>) semaphore(%arg13 : memref<!tpu.dma_semaphore, #tpu.memory_space<semaphore_mem>>)
        %add3A_401 = arith.constant 10 : i32
        %add3A_402 = arith.addi %mul3A_270, %add3A_401 : i32
        %mul3A_403 = arith.constant 100000 : i32
        %mul3A_404 = arith.muli %add3A_402, %mul3A_403 : i32
        %dma_start3A_405 = arith.constant 0 : i32
        %dma_start3A_406 = tpu.memref_slice %arg11[%add3A_402, %dma_start3A_405] : memref<256x128xf32, #tpu.memory_space<vmem>> -> memref<1x128xf32, #tpu.memory_space<vmem>>
        %dma_start3A_407 = tpu.memref_squeeze %dma_start3A_406 : memref<1x128xf32, #tpu.memory_space<vmem>> -> memref<128xf32, #tpu.memory_space<vmem>>
        %dma_start3A_408 = arith.constant 0 : i32
        %dma_start3A_409 = tpu.memref_slice %arg9[%while3A_268, %dma_start3A_408] : memref<16x128xi32, #tpu.memory_space<vmem>> -> memref<1x128xi32, #tpu.memory_space<vmem>>
        %dma_start3A_410 = tpu.memref_squeeze %dma_start3A_409 : memref<1x128xi32, #tpu.memory_space<vmem>> -> memref<128xi32, #tpu.memory_space<vmem>>
        %dma_start3A_411 = tpu.memref_slice %arg5[%mul3A_404] : memref<25600000xf32, #tpu.memory_space<hbm>> -> memref<100000xf32, #tpu.memory_space<hbm>>
        %dma_start3A_412 = arith.constant 0 : i32
        %dma_start3A_413 = tpu.memref_slice %dma_start3A_411[%dma_start3A_412] : memref<100000xf32, #tpu.memory_space<hbm>> -> memref<100000xf32, #tpu.memory_space<hbm>>
        tpu.enqueue_indirect_dma source(%dma_start3A_413 : memref<100000xf32, #tpu.memory_space<hbm>>) target(%dma_start3A_407 : memref<128xf32, #tpu.memory_space<vmem>>) offsets(%dma_start3A_410 : memref<128xi32, #tpu.memory_space<vmem>>) semaphore(%arg13 : memref<!tpu.dma_semaphore, #tpu.memory_space<semaphore_mem>>)
        %add3A_414 = arith.constant 11 : i32
        %add3A_415 = arith.addi %mul3A_270, %add3A_414 : i32
        %mul3A_416 = arith.constant 100000 : i32
        %mul3A_417 = arith.muli %add3A_415, %mul3A_416 : i32
        %dma_start3A_418 = arith.constant 0 : i32
        %dma_start3A_419 = tpu.memref_slice %arg11[%add3A_415, %dma_start3A_418] : memref<256x128xf32, #tpu.memory_space<vmem>> -> memref<1x128xf32, #tpu.memory_space<vmem>>
        %dma_start3A_420 = tpu.memref_squeeze %dma_start3A_419 : memref<1x128xf32, #tpu.memory_space<vmem>> -> memref<128xf32, #tpu.memory_space<vmem>>
        %dma_start3A_421 = arith.constant 0 : i32
        %dma_start3A_422 = tpu.memref_slice %arg9[%while3A_268, %dma_start3A_421] : memref<16x128xi32, #tpu.memory_space<vmem>> -> memref<1x128xi32, #tpu.memory_space<vmem>>
        %dma_start3A_423 = tpu.memref_squeeze %dma_start3A_422 : memref<1x128xi32, #tpu.memory_space<vmem>> -> memref<128xi32, #tpu.memory_space<vmem>>
        %dma_start3A_424 = tpu.memref_slice %arg5[%mul3A_417] : memref<25600000xf32, #tpu.memory_space<hbm>> -> memref<100000xf32, #tpu.memory_space<hbm>>
        %dma_start3A_425 = arith.constant 0 : i32
        %dma_start3A_426 = tpu.memref_slice %dma_start3A_424[%dma_start3A_425] : memref<100000xf32, #tpu.memory_space<hbm>> -> memref<100000xf32, #tpu.memory_space<hbm>>
        tpu.enqueue_indirect_dma source(%dma_start3A_426 : memref<100000xf32, #tpu.memory_space<hbm>>) target(%dma_start3A_420 : memref<128xf32, #tpu.memory_space<vmem>>) offsets(%dma_start3A_423 : memref<128xi32, #tpu.memory_space<vmem>>) semaphore(%arg13 : memref<!tpu.dma_semaphore, #tpu.memory_space<semaphore_mem>>)
        %add3A_427 = arith.constant 12 : i32
        %add3A_428 = arith.addi %mul3A_270, %add3A_427 : i32
        %mul3A_429 = arith.constant 100000 : i32
        %mul3A_430 = arith.muli %add3A_428, %mul3A_429 : i32
        %dma_start3A_431 = arith.constant 0 : i32
        %dma_start3A_432 = tpu.memref_slice %arg11[%add3A_428, %dma_start3A_431] : memref<256x128xf32, #tpu.memory_space<vmem>> -> memref<1x128xf32, #tpu.memory_space<vmem>>
        %dma_start3A_433 = tpu.memref_squeeze %dma_start3A_432 : memref<1x128xf32, #tpu.memory_space<vmem>> -> memref<128xf32, #tpu.memory_space<vmem>>
        %dma_start3A_434 = arith.constant 0 : i32
        %dma_start3A_435 = tpu.memref_slice %arg9[%while3A_268, %dma_start3A_434] : memref<16x128xi32, #tpu.memory_space<vmem>> -> memref<1x128xi32, #tpu.memory_space<vmem>>
        %dma_start3A_436 = tpu.memref_squeeze %dma_start3A_435 : memref<1x128xi32, #tpu.memory_space<vmem>> -> memref<128xi32, #tpu.memory_space<vmem>>
        %dma_start3A_437 = tpu.memref_slice %arg5[%mul3A_430] : memref<25600000xf32, #tpu.memory_space<hbm>> -> memref<100000xf32, #tpu.memory_space<hbm>>
        %dma_start3A_438 = arith.constant 0 : i32
        %dma_start3A_439 = tpu.memref_slice %dma_start3A_437[%dma_start3A_438] : memref<100000xf32, #tpu.memory_space<hbm>> -> memref<100000xf32, #tpu.memory_space<hbm>>
        tpu.enqueue_indirect_dma source(%dma_start3A_439 : memref<100000xf32, #tpu.memory_space<hbm>>) target(%dma_start3A_433 : memref<128xf32, #tpu.memory_space<vmem>>) offsets(%dma_start3A_436 : memref<128xi32, #tpu.memory_space<vmem>>) semaphore(%arg13 : memref<!tpu.dma_semaphore, #tpu.memory_space<semaphore_mem>>)
        %add3A_440 = arith.constant 13 : i32
        %add3A_441 = arith.addi %mul3A_270, %add3A_440 : i32
        %mul3A_442 = arith.constant 100000 : i32
        %mul3A_443 = arith.muli %add3A_441, %mul3A_442 : i32
        %dma_start3A_444 = arith.constant 0 : i32
        %dma_start3A_445 = tpu.memref_slice %arg11[%add3A_441, %dma_start3A_444] : memref<256x128xf32, #tpu.memory_space<vmem>> -> memref<1x128xf32, #tpu.memory_space<vmem>>
        %dma_start3A_446 = tpu.memref_squeeze %dma_start3A_445 : memref<1x128xf32, #tpu.memory_space<vmem>> -> memref<128xf32, #tpu.memory_space<vmem>>
        %dma_start3A_447 = arith.constant 0 : i32
        %dma_start3A_448 = tpu.memref_slice %arg9[%while3A_268, %dma_start3A_447] : memref<16x128xi32, #tpu.memory_space<vmem>> -> memref<1x128xi32, #tpu.memory_space<vmem>>
        %dma_start3A_449 = tpu.memref_squeeze %dma_start3A_448 : memref<1x128xi32, #tpu.memory_space<vmem>> -> memref<128xi32, #tpu.memory_space<vmem>>
        %dma_start3A_450 = tpu.memref_slice %arg5[%mul3A_443] : memref<25600000xf32, #tpu.memory_space<hbm>> -> memref<100000xf32, #tpu.memory_space<hbm>>
        %dma_start3A_451 = arith.constant 0 : i32
        %dma_start3A_452 = tpu.memref_slice %dma_start3A_450[%dma_start3A_451] : memref<100000xf32, #tpu.memory_space<hbm>> -> memref<100000xf32, #tpu.memory_space<hbm>>
        tpu.enqueue_indirect_dma source(%dma_start3A_452 : memref<100000xf32, #tpu.memory_space<hbm>>) target(%dma_start3A_446 : memref<128xf32, #tpu.memory_space<vmem>>) offsets(%dma_start3A_449 : memref<128xi32, #tpu.memory_space<vmem>>) semaphore(%arg13 : memref<!tpu.dma_semaphore, #tpu.memory_space<semaphore_mem>>)
        %add3A_453 = arith.constant 14 : i32
        %add3A_454 = arith.addi %mul3A_270, %add3A_453 : i32
        %mul3A_455 = arith.constant 100000 : i32
        %mul3A_456 = arith.muli %add3A_454, %mul3A_455 : i32
        %dma_start3A_457 = arith.constant 0 : i32
        %dma_start3A_458 = tpu.memref_slice %arg11[%add3A_454, %dma_start3A_457] : memref<256x128xf32, #tpu.memory_space<vmem>> -> memref<1x128xf32, #tpu.memory_space<vmem>>
        %dma_start3A_459 = tpu.memref_squeeze %dma_start3A_458 : memref<1x128xf32, #tpu.memory_space<vmem>> -> memref<128xf32, #tpu.memory_space<vmem>>
        %dma_start3A_460 = arith.constant 0 : i32
        %dma_start3A_461 = tpu.memref_slice %arg9[%while3A_268, %dma_start3A_460] : memref<16x128xi32, #tpu.memory_space<vmem>> -> memref<1x128xi32, #tpu.memory_space<vmem>>
        %dma_start3A_462 = tpu.memref_squeeze %dma_start3A_461 : memref<1x128xi32, #tpu.memory_space<vmem>> -> memref<128xi32, #tpu.memory_space<vmem>>
        %dma_start3A_463 = tpu.memref_slice %arg5[%mul3A_456] : memref<25600000xf32, #tpu.memory_space<hbm>> -> memref<100000xf32, #tpu.memory_space<hbm>>
        %dma_start3A_464 = arith.constant 0 : i32
        %dma_start3A_465 = tpu.memref_slice %dma_start3A_463[%dma_start3A_464] : memref<100000xf32, #tpu.memory_space<hbm>> -> memref<100000xf32, #tpu.memory_space<hbm>>
        tpu.enqueue_indirect_dma source(%dma_start3A_465 : memref<100000xf32, #tpu.memory_space<hbm>>) target(%dma_start3A_459 : memref<128xf32, #tpu.memory_space<vmem>>) offsets(%dma_start3A_462 : memref<128xi32, #tpu.memory_space<vmem>>) semaphore(%arg13 : memref<!tpu.dma_semaphore, #tpu.memory_space<semaphore_mem>>)
        %add3A_466 = arith.constant 15 : i32
        %add3A_467 = arith.addi %mul3A_270, %add3A_466 : i32
        %mul3A_468 = arith.constant 100000 : i32
        %mul3A_469 = arith.muli %add3A_467, %mul3A_468 : i32
        %dma_start3A_470 = arith.constant 0 : i32
        %dma_start3A_471 = tpu.memref_slice %arg11[%add3A_467, %dma_start3A_470] : memref<256x128xf32, #tpu.memory_space<vmem>> -> memref<1x128xf32, #tpu.memory_space<vmem>>
        %dma_start3A_472 = tpu.memref_squeeze %dma_start3A_471 : memref<1x128xf32, #tpu.memory_space<vmem>> -> memref<128xf32, #tpu.memory_space<vmem>>
        %dma_start3A_473 = arith.constant 0 : i32
        %dma_start3A_474 = tpu.memref_slice %arg9[%while3A_268, %dma_start3A_473] : memref<16x128xi32, #tpu.memory_space<vmem>> -> memref<1x128xi32, #tpu.memory_space<vmem>>
        %dma_start3A_475 = tpu.memref_squeeze %dma_start3A_474 : memref<1x128xi32, #tpu.memory_space<vmem>> -> memref<128xi32, #tpu.memory_space<vmem>>
        %dma_start3A_476 = tpu.memref_slice %arg5[%mul3A_469] : memref<25600000xf32, #tpu.memory_space<hbm>> -> memref<100000xf32, #tpu.memory_space<hbm>>
        %dma_start3A_477 = arith.constant 0 : i32
        %dma_start3A_478 = tpu.memref_slice %dma_start3A_476[%dma_start3A_477] : memref<100000xf32, #tpu.memory_space<hbm>> -> memref<100000xf32, #tpu.memory_space<hbm>>
        tpu.enqueue_indirect_dma source(%dma_start3A_478 : memref<100000xf32, #tpu.memory_space<hbm>>) target(%dma_start3A_472 : memref<128xf32, #tpu.memory_space<vmem>>) offsets(%dma_start3A_475 : memref<128xi32, #tpu.memory_space<vmem>>) semaphore(%arg13 : memref<!tpu.dma_semaphore, #tpu.memory_space<semaphore_mem>>)
        %sub3A = arith.constant 1 : i32
        %sub3A_479 = arith.subi %while3A_268, %sub3A : i32
        %mul3A_480 = arith.constant 16 : i32
        %mul3A_481 = arith.muli %sub3A_479, %mul3A_480 : i32
        %dma_wait3A_482 = arith.constant 0 : i32
        %dma_wait3A_483 = tpu.memref_slice %arg11[%mul3A_481, %dma_wait3A_482] : memref<256x128xf32, #tpu.memory_space<vmem>> -> memref<16x128xf32, #tpu.memory_space<vmem>>
        %dma_wait3A_484 = tpu.memref_slice %arg7[%mul3A_481, %mul3A_16] : memref<256x20480xf32, #tpu.memory_space<hbm>> -> memref<16x128xf32, #tpu.memory_space<hbm>>
        %dma_wait3A_485 = arith.constant 0 : i32
        %dma_wait3A_486 = tpu.memref_slice %arg11[%mul3A_481, %dma_wait3A_485] : memref<256x128xf32, #tpu.memory_space<vmem>> -> memref<16x128xf32, #tpu.memory_space<vmem>>
        %dma_wait3A_487 = tpu.memref_slice %arg7[%mul3A_481, %mul3A_16] : memref<256x20480xf32, #tpu.memory_space<hbm>> -> memref<16x128xf32, #tpu.memory_space<hbm>>
        tpu.wait_dma2 semaphore(%arg13 : memref<!tpu.dma_semaphore, #tpu.memory_space<semaphore_mem>>) src(%dma_wait3A_487 : memref<16x128xf32, #tpu.memory_space<hbm>>) dst(%dma_wait3A_486 : memref<16x128xf32, #tpu.memory_space<vmem>>)
      }
      %while3A_256 = arith.constant 1 : i32
      scf.for %while3A_268 = %while3A_254 to %while3A_250 step %while3A_256  : i32 {
        %mul3A_269 = arith.constant 16 : i32
        %mul3A_270 = arith.muli %while3A_268, %mul3A_269 : i32
        %add3A_271 = arith.constant 0 : i32
        %add3A_272 = arith.addi %mul3A_270, %add3A_271 : i32
        %mul3A_273 = arith.constant 100000 : i32
        %mul3A_274 = arith.muli %add3A_272, %mul3A_273 : i32
        %dma_start3A_275 = arith.constant 0 : i32
        %dma_start3A_276 = tpu.memref_slice %arg11[%add3A_272, %dma_start3A_275] : memref<256x128xf32, #tpu.memory_space<vmem>> -> memref<1x128xf32, #tpu.memory_space<vmem>>
        %dma_start3A_277 = tpu.memref_squeeze %dma_start3A_276 : memref<1x128xf32, #tpu.memory_space<vmem>> -> memref<128xf32, #tpu.memory_space<vmem>>
        %dma_start3A_278 = arith.constant 0 : i32
        %dma_start3A_279 = tpu.memref_slice %arg9[%while3A_268, %dma_start3A_278] : memref<16x128xi32, #tpu.memory_space<vmem>> -> memref<1x128xi32, #tpu.memory_space<vmem>>
        %dma_start3A_280 = tpu.memref_squeeze %dma_start3A_279 : memref<1x128xi32, #tpu.memory_space<vmem>> -> memref<128xi32, #tpu.memory_space<vmem>>
        %dma_start3A_281 = tpu.memref_slice %arg5[%mul3A_274] : memref<25600000xf32, #tpu.memory_space<hbm>> -> memref<100000xf32, #tpu.memory_space<hbm>>
        %dma_start3A_282 = arith.constant 0 : i32
        %dma_start3A_283 = tpu.memref_slice %dma_start3A_281[%dma_start3A_282] : memref<100000xf32, #tpu.memory_space<hbm>> -> memref<100000xf32, #tpu.memory_space<hbm>>
        tpu.enqueue_indirect_dma source(%dma_start3A_283 : memref<100000xf32, #tpu.memory_space<hbm>>) target(%dma_start3A_277 : memref<128xf32, #tpu.memory_space<vmem>>) offsets(%dma_start3A_280 : memref<128xi32, #tpu.memory_space<vmem>>) semaphore(%arg13 : memref<!tpu.dma_semaphore, #tpu.memory_space<semaphore_mem>>)
        %add3A_284 = arith.constant 1 : i32
        %add3A_285 = arith.addi %mul3A_270, %add3A_284 : i32
        %mul3A_286 = arith.constant 100000 : i32
        %mul3A_287 = arith.muli %add3A_285, %mul3A_286 : i32
        %dma_start3A_288 = arith.constant 0 : i32
        %dma_start3A_289 = tpu.memref_slice %arg11[%add3A_285, %dma_start3A_288] : memref<256x128xf32, #tpu.memory_space<vmem>> -> memref<1x128xf32, #tpu.memory_space<vmem>>
        %dma_start3A_290 = tpu.memref_squeeze %dma_start3A_289 : memref<1x128xf32, #tpu.memory_space<vmem>> -> memref<128xf32, #tpu.memory_space<vmem>>
        %dma_start3A_291 = arith.constant 0 : i32
        %dma_start3A_292 = tpu.memref_slice %arg9[%while3A_268, %dma_start3A_291] : memref<16x128xi32, #tpu.memory_space<vmem>> -> memref<1x128xi32, #tpu.memory_space<vmem>>
        %dma_start3A_293 = tpu.memref_squeeze %dma_start3A_292 : memref<1x128xi32, #tpu.memory_space<vmem>> -> memref<128xi32, #tpu.memory_space<vmem>>
        %dma_start3A_294 = tpu.memref_slice %arg5[%mul3A_287] : memref<25600000xf32, #tpu.memory_space<hbm>> -> memref<100000xf32, #tpu.memory_space<hbm>>
        %dma_start3A_295 = arith.constant 0 : i32
        %dma_start3A_296 = tpu.memref_slice %dma_start3A_294[%dma_start3A_295] : memref<100000xf32, #tpu.memory_space<hbm>> -> memref<100000xf32, #tpu.memory_space<hbm>>
        tpu.enqueue_indirect_dma source(%dma_start3A_296 : memref<100000xf32, #tpu.memory_space<hbm>>) target(%dma_start3A_290 : memref<128xf32, #tpu.memory_space<vmem>>) offsets(%dma_start3A_293 : memref<128xi32, #tpu.memory_space<vmem>>) semaphore(%arg13 : memref<!tpu.dma_semaphore, #tpu.memory_space<semaphore_mem>>)
        %add3A_297 = arith.constant 2 : i32
        %add3A_298 = arith.addi %mul3A_270, %add3A_297 : i32
        %mul3A_299 = arith.constant 100000 : i32
        %mul3A_300 = arith.muli %add3A_298, %mul3A_299 : i32
        %dma_start3A_301 = arith.constant 0 : i32
        %dma_start3A_302 = tpu.memref_slice %arg11[%add3A_298, %dma_start3A_301] : memref<256x128xf32, #tpu.memory_space<vmem>> -> memref<1x128xf32, #tpu.memory_space<vmem>>
        %dma_start3A_303 = tpu.memref_squeeze %dma_start3A_302 : memref<1x128xf32, #tpu.memory_space<vmem>> -> memref<128xf32, #tpu.memory_space<vmem>>
        %dma_start3A_304 = arith.constant 0 : i32
        %dma_start3A_305 = tpu.memref_slice %arg9[%while3A_268, %dma_start3A_304] : memref<16x128xi32, #tpu.memory_space<vmem>> -> memref<1x128xi32, #tpu.memory_space<vmem>>
        %dma_start3A_306 = tpu.memref_squeeze %dma_start3A_305 : memref<1x128xi32, #tpu.memory_space<vmem>> -> memref<128xi32, #tpu.memory_space<vmem>>
        %dma_start3A_307 = tpu.memref_slice %arg5[%mul3A_300] : memref<25600000xf32, #tpu.memory_space<hbm>> -> memref<100000xf32, #tpu.memory_space<hbm>>
        %dma_start3A_308 = arith.constant 0 : i32
        %dma_start3A_309 = tpu.memref_slice %dma_start3A_307[%dma_start3A_308] : memref<100000xf32, #tpu.memory_space<hbm>> -> memref<100000xf32, #tpu.memory_space<hbm>>
        tpu.enqueue_indirect_dma source(%dma_start3A_309 : memref<100000xf32, #tpu.memory_space<hbm>>) target(%dma_start3A_303 : memref<128xf32, #tpu.memory_space<vmem>>) offsets(%dma_start3A_306 : memref<128xi32, #tpu.memory_space<vmem>>) semaphore(%arg13 : memref<!tpu.dma_semaphore, #tpu.memory_space<semaphore_mem>>)
        %add3A_310 = arith.constant 3 : i32
        %add3A_311 = arith.addi %mul3A_270, %add3A_310 : i32
        %mul3A_312 = arith.constant 100000 : i32
        %mul3A_313 = arith.muli %add3A_311, %mul3A_312 : i32
        %dma_start3A_314 = arith.constant 0 : i32
        %dma_start3A_315 = tpu.memref_slice %arg11[%add3A_311, %dma_start3A_314] : memref<256x128xf32, #tpu.memory_space<vmem>> -> memref<1x128xf32, #tpu.memory_space<vmem>>
        %dma_start3A_316 = tpu.memref_squeeze %dma_start3A_315 : memref<1x128xf32, #tpu.memory_space<vmem>> -> memref<128xf32, #tpu.memory_space<vmem>>
        %dma_start3A_317 = arith.constant 0 : i32
        %dma_start3A_318 = tpu.memref_slice %arg9[%while3A_268, %dma_start3A_317] : memref<16x128xi32, #tpu.memory_space<vmem>> -> memref<1x128xi32, #tpu.memory_space<vmem>>
        %dma_start3A_319 = tpu.memref_squeeze %dma_start3A_318 : memref<1x128xi32, #tpu.memory_space<vmem>> -> memref<128xi32, #tpu.memory_space<vmem>>
        %dma_start3A_320 = tpu.memref_slice %arg5[%mul3A_313] : memref<25600000xf32, #tpu.memory_space<hbm>> -> memref<100000xf32, #tpu.memory_space<hbm>>
        %dma_start3A_321 = arith.constant 0 : i32
        %dma_start3A_322 = tpu.memref_slice %dma_start3A_320[%dma_start3A_321] : memref<100000xf32, #tpu.memory_space<hbm>> -> memref<100000xf32, #tpu.memory_space<hbm>>
        tpu.enqueue_indirect_dma source(%dma_start3A_322 : memref<100000xf32, #tpu.memory_space<hbm>>) target(%dma_start3A_316 : memref<128xf32, #tpu.memory_space<vmem>>) offsets(%dma_start3A_319 : memref<128xi32, #tpu.memory_space<vmem>>) semaphore(%arg13 : memref<!tpu.dma_semaphore, #tpu.memory_space<semaphore_mem>>)
        %add3A_323 = arith.constant 4 : i32
        %add3A_324 = arith.addi %mul3A_270, %add3A_323 : i32
        %mul3A_325 = arith.constant 100000 : i32
        %mul3A_326 = arith.muli %add3A_324, %mul3A_325 : i32
        %dma_start3A_327 = arith.constant 0 : i32
        %dma_start3A_328 = tpu.memref_slice %arg11[%add3A_324, %dma_start3A_327] : memref<256x128xf32, #tpu.memory_space<vmem>> -> memref<1x128xf32, #tpu.memory_space<vmem>>
        %dma_start3A_329 = tpu.memref_squeeze %dma_start3A_328 : memref<1x128xf32, #tpu.memory_space<vmem>> -> memref<128xf32, #tpu.memory_space<vmem>>
        %dma_start3A_330 = arith.constant 0 : i32
        %dma_start3A_331 = tpu.memref_slice %arg9[%while3A_268, %dma_start3A_330] : memref<16x128xi32, #tpu.memory_space<vmem>> -> memref<1x128xi32, #tpu.memory_space<vmem>>
        %dma_start3A_332 = tpu.memref_squeeze %dma_start3A_331 : memref<1x128xi32, #tpu.memory_space<vmem>> -> memref<128xi32, #tpu.memory_space<vmem>>
        %dma_start3A_333 = tpu.memref_slice %arg5[%mul3A_326] : memref<25600000xf32, #tpu.memory_space<hbm>> -> memref<100000xf32, #tpu.memory_space<hbm>>
        %dma_start3A_334 = arith.constant 0 : i32
        %dma_start3A_335 = tpu.memref_slice %dma_start3A_333[%dma_start3A_334] : memref<100000xf32, #tpu.memory_space<hbm>> -> memref<100000xf32, #tpu.memory_space<hbm>>
        tpu.enqueue_indirect_dma source(%dma_start3A_335 : memref<100000xf32, #tpu.memory_space<hbm>>) target(%dma_start3A_329 : memref<128xf32, #tpu.memory_space<vmem>>) offsets(%dma_start3A_332 : memref<128xi32, #tpu.memory_space<vmem>>) semaphore(%arg13 : memref<!tpu.dma_semaphore, #tpu.memory_space<semaphore_mem>>)
        %add3A_336 = arith.constant 5 : i32
        %add3A_337 = arith.addi %mul3A_270, %add3A_336 : i32
        %mul3A_338 = arith.constant 100000 : i32
        %mul3A_339 = arith.muli %add3A_337, %mul3A_338 : i32
        %dma_start3A_340 = arith.constant 0 : i32
        %dma_start3A_341 = tpu.memref_slice %arg11[%add3A_337, %dma_start3A_340] : memref<256x128xf32, #tpu.memory_space<vmem>> -> memref<1x128xf32, #tpu.memory_space<vmem>>
        %dma_start3A_342 = tpu.memref_squeeze %dma_start3A_341 : memref<1x128xf32, #tpu.memory_space<vmem>> -> memref<128xf32, #tpu.memory_space<vmem>>
        %dma_start3A_343 = arith.constant 0 : i32
        %dma_start3A_344 = tpu.memref_slice %arg9[%while3A_268, %dma_start3A_343] : memref<16x128xi32, #tpu.memory_space<vmem>> -> memref<1x128xi32, #tpu.memory_space<vmem>>
        %dma_start3A_345 = tpu.memref_squeeze %dma_start3A_344 : memref<1x128xi32, #tpu.memory_space<vmem>> -> memref<128xi32, #tpu.memory_space<vmem>>
        %dma_start3A_346 = tpu.memref_slice %arg5[%mul3A_339] : memref<25600000xf32, #tpu.memory_space<hbm>> -> memref<100000xf32, #tpu.memory_space<hbm>>
        %dma_start3A_347 = arith.constant 0 : i32
        %dma_start3A_348 = tpu.memref_slice %dma_start3A_346[%dma_start3A_347] : memref<100000xf32, #tpu.memory_space<hbm>> -> memref<100000xf32, #tpu.memory_space<hbm>>
        tpu.enqueue_indirect_dma source(%dma_start3A_348 : memref<100000xf32, #tpu.memory_space<hbm>>) target(%dma_start3A_342 : memref<128xf32, #tpu.memory_space<vmem>>) offsets(%dma_start3A_345 : memref<128xi32, #tpu.memory_space<vmem>>) semaphore(%arg13 : memref<!tpu.dma_semaphore, #tpu.memory_space<semaphore_mem>>)
        %add3A_349 = arith.constant 6 : i32
        %add3A_350 = arith.addi %mul3A_270, %add3A_349 : i32
        %mul3A_351 = arith.constant 100000 : i32
        %mul3A_352 = arith.muli %add3A_350, %mul3A_351 : i32
        %dma_start3A_353 = arith.constant 0 : i32
        %dma_start3A_354 = tpu.memref_slice %arg11[%add3A_350, %dma_start3A_353] : memref<256x128xf32, #tpu.memory_space<vmem>> -> memref<1x128xf32, #tpu.memory_space<vmem>>
        %dma_start3A_355 = tpu.memref_squeeze %dma_start3A_354 : memref<1x128xf32, #tpu.memory_space<vmem>> -> memref<128xf32, #tpu.memory_space<vmem>>
        %dma_start3A_356 = arith.constant 0 : i32
        %dma_start3A_357 = tpu.memref_slice %arg9[%while3A_268, %dma_start3A_356] : memref<16x128xi32, #tpu.memory_space<vmem>> -> memref<1x128xi32, #tpu.memory_space<vmem>>
        %dma_start3A_358 = tpu.memref_squeeze %dma_start3A_357 : memref<1x128xi32, #tpu.memory_space<vmem>> -> memref<128xi32, #tpu.memory_space<vmem>>
        %dma_start3A_359 = tpu.memref_slice %arg5[%mul3A_352] : memref<25600000xf32, #tpu.memory_space<hbm>> -> memref<100000xf32, #tpu.memory_space<hbm>>
        %dma_start3A_360 = arith.constant 0 : i32
        %dma_start3A_361 = tpu.memref_slice %dma_start3A_359[%dma_start3A_360] : memref<100000xf32, #tpu.memory_space<hbm>> -> memref<100000xf32, #tpu.memory_space<hbm>>
        tpu.enqueue_indirect_dma source(%dma_start3A_361 : memref<100000xf32, #tpu.memory_space<hbm>>) target(%dma_start3A_355 : memref<128xf32, #tpu.memory_space<vmem>>) offsets(%dma_start3A_358 : memref<128xi32, #tpu.memory_space<vmem>>) semaphore(%arg13 : memref<!tpu.dma_semaphore, #tpu.memory_space<semaphore_mem>>)
        %add3A_362 = arith.constant 7 : i32
        %add3A_363 = arith.addi %mul3A_270, %add3A_362 : i32
        %mul3A_364 = arith.constant 100000 : i32
        %mul3A_365 = arith.muli %add3A_363, %mul3A_364 : i32
        %dma_start3A_366 = arith.constant 0 : i32
        %dma_start3A_367 = tpu.memref_slice %arg11[%add3A_363, %dma_start3A_366] : memref<256x128xf32, #tpu.memory_space<vmem>> -> memref<1x128xf32, #tpu.memory_space<vmem>>
        %dma_start3A_368 = tpu.memref_squeeze %dma_start3A_367 : memref<1x128xf32, #tpu.memory_space<vmem>> -> memref<128xf32, #tpu.memory_space<vmem>>
        %dma_start3A_369 = arith.constant 0 : i32
        %dma_start3A_370 = tpu.memref_slice %arg9[%while3A_268, %dma_start3A_369] : memref<16x128xi32, #tpu.memory_space<vmem>> -> memref<1x128xi32, #tpu.memory_space<vmem>>
        %dma_start3A_371 = tpu.memref_squeeze %dma_start3A_370 : memref<1x128xi32, #tpu.memory_space<vmem>> -> memref<128xi32, #tpu.memory_space<vmem>>
        %dma_start3A_372 = tpu.memref_slice %arg5[%mul3A_365] : memref<25600000xf32, #tpu.memory_space<hbm>> -> memref<100000xf32, #tpu.memory_space<hbm>>
        %dma_start3A_373 = arith.constant 0 : i32
        %dma_start3A_374 = tpu.memref_slice %dma_start3A_372[%dma_start3A_373] : memref<100000xf32, #tpu.memory_space<hbm>> -> memref<100000xf32, #tpu.memory_space<hbm>>
        tpu.enqueue_indirect_dma source(%dma_start3A_374 : memref<100000xf32, #tpu.memory_space<hbm>>) target(%dma_start3A_368 : memref<128xf32, #tpu.memory_space<vmem>>) offsets(%dma_start3A_371 : memref<128xi32, #tpu.memory_space<vmem>>) semaphore(%arg13 : memref<!tpu.dma_semaphore, #tpu.memory_space<semaphore_mem>>)
        %add3A_375 = arith.constant 8 : i32
        %add3A_376 = arith.addi %mul3A_270, %add3A_375 : i32
        %mul3A_377 = arith.constant 100000 : i32
        %mul3A_378 = arith.muli %add3A_376, %mul3A_377 : i32
        %dma_start3A_379 = arith.constant 0 : i32
        %dma_start3A_380 = tpu.memref_slice %arg11[%add3A_376, %dma_start3A_379] : memref<256x128xf32, #tpu.memory_space<vmem>> -> memref<1x128xf32, #tpu.memory_space<vmem>>
        %dma_start3A_381 = tpu.memref_squeeze %dma_start3A_380 : memref<1x128xf32, #tpu.memory_space<vmem>> -> memref<128xf32, #tpu.memory_space<vmem>>
        %dma_start3A_382 = arith.constant 0 : i32
        %dma_start3A_383 = tpu.memref_slice %arg9[%while3A_268, %dma_start3A_382] : memref<16x128xi32, #tpu.memory_space<vmem>> -> memref<1x128xi32, #tpu.memory_space<vmem>>
        %dma_start3A_384 = tpu.memref_squeeze %dma_start3A_383 : memref<1x128xi32, #tpu.memory_space<vmem>> -> memref<128xi32, #tpu.memory_space<vmem>>
        %dma_start3A_385 = tpu.memref_slice %arg5[%mul3A_378] : memref<25600000xf32, #tpu.memory_space<hbm>> -> memref<100000xf32, #tpu.memory_space<hbm>>
        %dma_start3A_386 = arith.constant 0 : i32
        %dma_start3A_387 = tpu.memref_slice %dma_start3A_385[%dma_start3A_386] : memref<100000xf32, #tpu.memory_space<hbm>> -> memref<100000xf32, #tpu.memory_space<hbm>>
        tpu.enqueue_indirect_dma source(%dma_start3A_387 : memref<100000xf32, #tpu.memory_space<hbm>>) target(%dma_start3A_381 : memref<128xf32, #tpu.memory_space<vmem>>) offsets(%dma_start3A_384 : memref<128xi32, #tpu.memory_space<vmem>>) semaphore(%arg13 : memref<!tpu.dma_semaphore, #tpu.memory_space<semaphore_mem>>)
        %add3A_388 = arith.constant 9 : i32
        %add3A_389 = arith.addi %mul3A_270, %add3A_388 : i32
        %mul3A_390 = arith.constant 100000 : i32
        %mul3A_391 = arith.muli %add3A_389, %mul3A_390 : i32
        %dma_start3A_392 = arith.constant 0 : i32
        %dma_start3A_393 = tpu.memref_slice %arg11[%add3A_389, %dma_start3A_392] : memref<256x128xf32, #tpu.memory_space<vmem>> -> memref<1x128xf32, #tpu.memory_space<vmem>>
        %dma_start3A_394 = tpu.memref_squeeze %dma_start3A_393 : memref<1x128xf32, #tpu.memory_space<vmem>> -> memref<128xf32, #tpu.memory_space<vmem>>
        %dma_start3A_395 = arith.constant 0 : i32
        %dma_start3A_396 = tpu.memref_slice %arg9[%while3A_268, %dma_start3A_395] : memref<16x128xi32, #tpu.memory_space<vmem>> -> memref<1x128xi32, #tpu.memory_space<vmem>>
        %dma_start3A_397 = tpu.memref_squeeze %dma_start3A_396 : memref<1x128xi32, #tpu.memory_space<vmem>> -> memref<128xi32, #tpu.memory_space<vmem>>
        %dma_start3A_398 = tpu.memref_slice %arg5[%mul3A_391] : memref<25600000xf32, #tpu.memory_space<hbm>> -> memref<100000xf32, #tpu.memory_space<hbm>>
        %dma_start3A_399 = arith.constant 0 : i32
        %dma_start3A_400 = tpu.memref_slice %dma_start3A_398[%dma_start3A_399] : memref<100000xf32, #tpu.memory_space<hbm>> -> memref<100000xf32, #tpu.memory_space<hbm>>
        tpu.enqueue_indirect_dma source(%dma_start3A_400 : memref<100000xf32, #tpu.memory_space<hbm>>) target(%dma_start3A_394 : memref<128xf32, #tpu.memory_space<vmem>>) offsets(%dma_start3A_397 : memref<128xi32, #tpu.memory_space<vmem>>) semaphore(%arg13 : memref<!tpu.dma_semaphore, #tpu.memory_space<semaphore_mem>>)
        %add3A_401 = arith.constant 10 : i32
        %add3A_402 = arith.addi %mul3A_270, %add3A_401 : i32
        %mul3A_403 = arith.constant 100000 : i32
        %mul3A_404 = arith.muli %add3A_402, %mul3A_403 : i32
        %dma_start3A_405 = arith.constant 0 : i32
        %dma_start3A_406 = tpu.memref_slice %arg11[%add3A_402, %dma_start3A_405] : memref<256x128xf32, #tpu.memory_space<vmem>> -> memref<1x128xf32, #tpu.memory_space<vmem>>
        %dma_start3A_407 = tpu.memref_squeeze %dma_start3A_406 : memref<1x128xf32, #tpu.memory_space<vmem>> -> memref<128xf32, #tpu.memory_space<vmem>>
        %dma_start3A_408 = arith.constant 0 : i32
        %dma_start3A_409 = tpu.memref_slice %arg9[%while3A_268, %dma_start3A_408] : memref<16x128xi32, #tpu.memory_space<vmem>> -> memref<1x128xi32, #tpu.memory_space<vmem>>
        %dma_start3A_410 = tpu.memref_squeeze %dma_start3A_409 : memref<1x128xi32, #tpu.memory_space<vmem>> -> memref<128xi32, #tpu.memory_space<vmem>>
        %dma_start3A_411 = tpu.memref_slice %arg5[%mul3A_404] : memref<25600000xf32, #tpu.memory_space<hbm>> -> memref<100000xf32, #tpu.memory_space<hbm>>
        %dma_start3A_412 = arith.constant 0 : i32
        %dma_start3A_413 = tpu.memref_slice %dma_start3A_411[%dma_start3A_412] : memref<100000xf32, #tpu.memory_space<hbm>> -> memref<100000xf32, #tpu.memory_space<hbm>>
        tpu.enqueue_indirect_dma source(%dma_start3A_413 : memref<100000xf32, #tpu.memory_space<hbm>>) target(%dma_start3A_407 : memref<128xf32, #tpu.memory_space<vmem>>) offsets(%dma_start3A_410 : memref<128xi32, #tpu.memory_space<vmem>>) semaphore(%arg13 : memref<!tpu.dma_semaphore, #tpu.memory_space<semaphore_mem>>)
        %add3A_414 = arith.constant 11 : i32
        %add3A_415 = arith.addi %mul3A_270, %add3A_414 : i32
        %mul3A_416 = arith.constant 100000 : i32
        %mul3A_417 = arith.muli %add3A_415, %mul3A_416 : i32
        %dma_start3A_418 = arith.constant 0 : i32
        %dma_start3A_419 = tpu.memref_slice %arg11[%add3A_415, %dma_start3A_418] : memref<256x128xf32, #tpu.memory_space<vmem>> -> memref<1x128xf32, #tpu.memory_space<vmem>>
        %dma_start3A_420 = tpu.memref_squeeze %dma_start3A_419 : memref<1x128xf32, #tpu.memory_space<vmem>> -> memref<128xf32, #tpu.memory_space<vmem>>
        %dma_start3A_421 = arith.constant 0 : i32
        %dma_start3A_422 = tpu.memref_slice %arg9[%while3A_268, %dma_start3A_421] : memref<16x128xi32, #tpu.memory_space<vmem>> -> memref<1x128xi32, #tpu.memory_space<vmem>>
        %dma_start3A_423 = tpu.memref_squeeze %dma_start3A_422 : memref<1x128xi32, #tpu.memory_space<vmem>> -> memref<128xi32, #tpu.memory_space<vmem>>
        %dma_start3A_424 = tpu.memref_slice %arg5[%mul3A_417] : memref<25600000xf32, #tpu.memory_space<hbm>> -> memref<100000xf32, #tpu.memory_space<hbm>>
        %dma_start3A_425 = arith.constant 0 : i32
        %dma_start3A_426 = tpu.memref_slice %dma_start3A_424[%dma_start3A_425] : memref<100000xf32, #tpu.memory_space<hbm>> -> memref<100000xf32, #tpu.memory_space<hbm>>
        tpu.enqueue_indirect_dma source(%dma_start3A_426 : memref<100000xf32, #tpu.memory_space<hbm>>) target(%dma_start3A_420 : memref<128xf32, #tpu.memory_space<vmem>>) offsets(%dma_start3A_423 : memref<128xi32, #tpu.memory_space<vmem>>) semaphore(%arg13 : memref<!tpu.dma_semaphore, #tpu.memory_space<semaphore_mem>>)
        %add3A_427 = arith.constant 12 : i32
        %add3A_428 = arith.addi %mul3A_270, %add3A_427 : i32
        %mul3A_429 = arith.constant 100000 : i32
        %mul3A_430 = arith.muli %add3A_428, %mul3A_429 : i32
        %dma_start3A_431 = arith.constant 0 : i32
        %dma_start3A_432 = tpu.memref_slice %arg11[%add3A_428, %dma_start3A_431] : memref<256x128xf32, #tpu.memory_space<vmem>> -> memref<1x128xf32, #tpu.memory_space<vmem>>
        %dma_start3A_433 = tpu.memref_squeeze %dma_start3A_432 : memref<1x128xf32, #tpu.memory_space<vmem>> -> memref<128xf32, #tpu.memory_space<vmem>>
        %dma_start3A_434 = arith.constant 0 : i32
        %dma_start3A_435 = tpu.memref_slice %arg9[%while3A_268, %dma_start3A_434] : memref<16x128xi32, #tpu.memory_space<vmem>> -> memref<1x128xi32, #tpu.memory_space<vmem>>
        %dma_start3A_436 = tpu.memref_squeeze %dma_start3A_435 : memref<1x128xi32, #tpu.memory_space<vmem>> -> memref<128xi32, #tpu.memory_space<vmem>>
        %dma_start3A_437 = tpu.memref_slice %arg5[%mul3A_430] : memref<25600000xf32, #tpu.memory_space<hbm>> -> memref<100000xf32, #tpu.memory_space<hbm>>
        %dma_start3A_438 = arith.constant 0 : i32
        %dma_start3A_439 = tpu.memref_slice %dma_start3A_437[%dma_start3A_438] : memref<100000xf32, #tpu.memory_space<hbm>> -> memref<100000xf32, #tpu.memory_space<hbm>>
        tpu.enqueue_indirect_dma source(%dma_start3A_439 : memref<100000xf32, #tpu.memory_space<hbm>>) target(%dma_start3A_433 : memref<128xf32, #tpu.memory_space<vmem>>) offsets(%dma_start3A_436 : memref<128xi32, #tpu.memory_space<vmem>>) semaphore(%arg13 : memref<!tpu.dma_semaphore, #tpu.memory_space<semaphore_mem>>)
        %add3A_440 = arith.constant 13 : i32
        %add3A_441 = arith.addi %mul3A_270, %add3A_440 : i32
        %mul3A_442 = arith.constant 100000 : i32
        %mul3A_443 = arith.muli %add3A_441, %mul3A_442 : i32
        %dma_start3A_444 = arith.constant 0 : i32
        %dma_start3A_445 = tpu.memref_slice %arg11[%add3A_441, %dma_start3A_444] : memref<256x128xf32, #tpu.memory_space<vmem>> -> memref<1x128xf32, #tpu.memory_space<vmem>>
        %dma_start3A_446 = tpu.memref_squeeze %dma_start3A_445 : memref<1x128xf32, #tpu.memory_space<vmem>> -> memref<128xf32, #tpu.memory_space<vmem>>
        %dma_start3A_447 = arith.constant 0 : i32
        %dma_start3A_448 = tpu.memref_slice %arg9[%while3A_268, %dma_start3A_447] : memref<16x128xi32, #tpu.memory_space<vmem>> -> memref<1x128xi32, #tpu.memory_space<vmem>>
        %dma_start3A_449 = tpu.memref_squeeze %dma_start3A_448 : memref<1x128xi32, #tpu.memory_space<vmem>> -> memref<128xi32, #tpu.memory_space<vmem>>
        %dma_start3A_450 = tpu.memref_slice %arg5[%mul3A_443] : memref<25600000xf32, #tpu.memory_space<hbm>> -> memref<100000xf32, #tpu.memory_space<hbm>>
        %dma_start3A_451 = arith.constant 0 : i32
        %dma_start3A_452 = tpu.memref_slice %dma_start3A_450[%dma_start3A_451] : memref<100000xf32, #tpu.memory_space<hbm>> -> memref<100000xf32, #tpu.memory_space<hbm>>
        tpu.enqueue_indirect_dma source(%dma_start3A_452 : memref<100000xf32, #tpu.memory_space<hbm>>) target(%dma_start3A_446 : memref<128xf32, #tpu.memory_space<vmem>>) offsets(%dma_start3A_449 : memref<128xi32, #tpu.memory_space<vmem>>) semaphore(%arg13 : memref<!tpu.dma_semaphore, #tpu.memory_space<semaphore_mem>>)
        %add3A_453 = arith.constant 14 : i32
        %add3A_454 = arith.addi %mul3A_270, %add3A_453 : i32
        %mul3A_455 = arith.constant 100000 : i32
        %mul3A_456 = arith.muli %add3A_454, %mul3A_455 : i32
        %dma_start3A_457 = arith.constant 0 : i32
        %dma_start3A_458 = tpu.memref_slice %arg11[%add3A_454, %dma_start3A_457] : memref<256x128xf32, #tpu.memory_space<vmem>> -> memref<1x128xf32, #tpu.memory_space<vmem>>
        %dma_start3A_459 = tpu.memref_squeeze %dma_start3A_458 : memref<1x128xf32, #tpu.memory_space<vmem>> -> memref<128xf32, #tpu.memory_space<vmem>>
        %dma_start3A_460 = arith.constant 0 : i32
        %dma_start3A_461 = tpu.memref_slice %arg9[%while3A_268, %dma_start3A_460] : memref<16x128xi32, #tpu.memory_space<vmem>> -> memref<1x128xi32, #tpu.memory_space<vmem>>
        %dma_start3A_462 = tpu.memref_squeeze %dma_start3A_461 : memref<1x128xi32, #tpu.memory_space<vmem>> -> memref<128xi32, #tpu.memory_space<vmem>>
        %dma_start3A_463 = tpu.memref_slice %arg5[%mul3A_456] : memref<25600000xf32, #tpu.memory_space<hbm>> -> memref<100000xf32, #tpu.memory_space<hbm>>
        %dma_start3A_464 = arith.constant 0 : i32
        %dma_start3A_465 = tpu.memref_slice %dma_start3A_463[%dma_start3A_464] : memref<100000xf32, #tpu.memory_space<hbm>> -> memref<100000xf32, #tpu.memory_space<hbm>>
        tpu.enqueue_indirect_dma source(%dma_start3A_465 : memref<100000xf32, #tpu.memory_space<hbm>>) target(%dma_start3A_459 : memref<128xf32, #tpu.memory_space<vmem>>) offsets(%dma_start3A_462 : memref<128xi32, #tpu.memory_space<vmem>>) semaphore(%arg13 : memref<!tpu.dma_semaphore, #tpu.memory_space<semaphore_mem>>)
        %add3A_466 = arith.constant 15 : i32
        %add3A_467 = arith.addi %mul3A_270, %add3A_466 : i32
        %mul3A_468 = arith.constant 100000 : i32
        %mul3A_469 = arith.muli %add3A_467, %mul3A_468 : i32
        %dma_start3A_470 = arith.constant 0 : i32
        %dma_start3A_471 = tpu.memref_slice %arg11[%add3A_467, %dma_start3A_470] : memref<256x128xf32, #tpu.memory_space<vmem>> -> memref<1x128xf32, #tpu.memory_space<vmem>>
        %dma_start3A_472 = tpu.memref_squeeze %dma_start3A_471 : memref<1x128xf32, #tpu.memory_space<vmem>> -> memref<128xf32, #tpu.memory_space<vmem>>
        %dma_start3A_473 = arith.constant 0 : i32
        %dma_start3A_474 = tpu.memref_slice %arg9[%while3A_268, %dma_start3A_473] : memref<16x128xi32, #tpu.memory_space<vmem>> -> memref<1x128xi32, #tpu.memory_space<vmem>>
        %dma_start3A_475 = tpu.memref_squeeze %dma_start3A_474 : memref<1x128xi32, #tpu.memory_space<vmem>> -> memref<128xi32, #tpu.memory_space<vmem>>
        %dma_start3A_476 = tpu.memref_slice %arg5[%mul3A_469] : memref<25600000xf32, #tpu.memory_space<hbm>> -> memref<100000xf32, #tpu.memory_space<hbm>>
        %dma_start3A_477 = arith.constant 0 : i32
        %dma_start3A_478 = tpu.memref_slice %dma_start3A_476[%dma_start3A_477] : memref<100000xf32, #tpu.memory_space<hbm>> -> memref<100000xf32, #tpu.memory_space<hbm>>
        tpu.enqueue_indirect_dma source(%dma_start3A_478 : memref<100000xf32, #tpu.memory_space<hbm>>) target(%dma_start3A_472 : memref<128xf32, #tpu.memory_space<vmem>>) offsets(%dma_start3A_475 : memref<128xi32, #tpu.memory_space<vmem>>) semaphore(%arg13 : memref<!tpu.dma_semaphore, #tpu.memory_space<semaphore_mem>>)
        %sub3A = arith.constant 1 : i32
        %sub3A_479 = arith.subi %while3A_268, %sub3A : i32
        %mul3A_480 = arith.constant 16 : i32
        %mul3A_481 = arith.muli %sub3A_479, %mul3A_480 : i32
        %dma_wait3A_482 = arith.constant 0 : i32
        %dma_wait3A_483 = tpu.memref_slice %arg11[%mul3A_481, %dma_wait3A_482] : memref<256x128xf32, #tpu.memory_space<vmem>> -> memref<16x128xf32, #tpu.memory_space<vmem>>
        %dma_wait3A_484 = tpu.memref_slice %arg7[%mul3A_481, %mul3A_16] : memref<256x20480xf32, #tpu.memory_space<hbm>> -> memref<16x128xf32, #tpu.memory_space<hbm>>
        %dma_wait3A_485 = arith.constant 0 : i32
        %dma_wait3A_486 = tpu.memref_slice %arg11[%mul3A_481, %dma_wait3A_485] : memref<256x128xf32, #tpu.memory_space<vmem>> -> memref<16x128xf32, #tpu.memory_space<vmem>>
        %dma_wait3A_487 = tpu.memref_slice %arg7[%mul3A_481, %mul3A_16] : memref<256x20480xf32, #tpu.memory_space<hbm>> -> memref<16x128xf32, #tpu.memory_space<hbm>>
        tpu.wait_dma2 semaphore(%arg13 : memref<!tpu.dma_semaphore, #tpu.memory_space<semaphore_mem>>) src(%dma_wait3A_487 : memref<16x128xf32, #tpu.memory_space<hbm>>) dst(%dma_wait3A_486 : memref<16x128xf32, #tpu.memory_space<vmem>>)
      }
      %mul3A_257 = arith.constant 15 : i32
      %mul3A_258 = arith.constant 16 : i32
      %mul3A_259 = arith.muli %mul3A_257, %mul3A_258 : i32
      %dma_wait3A = arith.constant 0 : i32
      %dma_wait3A_260 = tpu.memref_slice %arg11[%mul3A_259, %dma_wait3A] : memref<256x128xf32, #tpu.memory_space<vmem>> -> memref<16x128xf32, #tpu.memory_space<vmem>>
      %dma_wait3A_261 = tpu.memref_slice %arg7[%mul3A_259, %mul3A_16] : memref<256x20480xf32, #tpu.memory_space<hbm>> -> memref<16x128xf32, #tpu.memory_space<hbm>>
      %dma_wait3A_262 = arith.constant 0 : i32
      %dma_wait3A_263 = tpu.memref_slice %arg11[%mul3A_259, %dma_wait3A_262] : memref<256x128xf32, #tpu.memory_space<vmem>> -> memref<16x128xf32, #tpu.memory_space<vmem>>
      %dma_wait3A_264 = tpu.memref_slice %arg7[%mul3A_259, %mul3A_16] : memref<256x20480xf32, #tpu.memory_space<hbm>> -> memref<16x128xf32, #tpu.memory_space<hbm>>
      tpu.wait_dma2 semaphore(%arg13 : memref<!tpu.dma_semaphore, #tpu.memory_space<semaphore_mem>>) src(%dma_wait3A_264 : memref<16x128xf32, #tpu.memory_space<hbm>>) dst(%dma_wait3A_263 : memref<16x128xf32, #tpu.memory_space<vmem>>)
      %dma_wait3A_265 = arith.constant 0 : i32
      %dma_wait3A_266 = arith.constant 0 : i32
      %dma_wait3A_267 = tpu.memref_slice %arg4[%dma_wait3A_265, %dma_wait3A_266] : memref<1024x128xf32, #tpu.memory_space<hbm>> -> memref<1024x128xf32, #tpu.memory_space<hbm>>
      tpu.wait_indirect_dma semaphore(%arg12 : memref<!tpu.dma_semaphore, #tpu.memory_space<semaphore_mem>>) src(%dma_wait3A_267 : memref<1024x128xf32, #tpu.memory_space<hbm>>) dst(%arg10 : memref<128x128xf32, #tpu.memory_space<vmem>>)
      "tpu.region"() ({
        %run_scoped3A = tpu.sem_alloc : memref<!tpu.dma_semaphore, #tpu.memory_space<semaphore_mem>>
        %dma_start3A_268 = arith.constant 0 : i32
        %dma_start3A_269 = tpu.memref_slice %arg6[%mul3A_16, %dma_start3A_268] : memref<20480x128xf32, #tpu.memory_space<hbm>> -> memref<128x128xf32, #tpu.memory_space<hbm>>
        %dma_start3A_270 = arith.constant 0 : i32
        %dma_start3A_271 = tpu.memref_slice %arg6[%mul3A_16, %dma_start3A_270] : memref<20480x128xf32, #tpu.memory_space<hbm>> -> memref<128x128xf32, #tpu.memory_space<hbm>>
        tpu.enqueue_dma source(%arg10 : memref<128x128xf32, #tpu.memory_space<vmem>>) target(%dma_start3A_271 : memref<128x128xf32, #tpu.memory_space<hbm>>) target_semaphore(%run_scoped3A : memref<!tpu.dma_semaphore, #tpu.memory_space<semaphore_mem>>)
        %dma_wait3A_272 = arith.constant 0 : i32
        %dma_wait3A_273 = tpu.memref_slice %arg6[%mul3A_16, %dma_wait3A_272] : memref<20480x128xf32, #tpu.memory_space<hbm>> -> memref<128x128xf32, #tpu.memory_space<hbm>>
        %dma_wait3A_274 = arith.constant 0 : i32
        %dma_wait3A_275 = tpu.memref_slice %arg6[%mul3A_16, %dma_wait3A_274] : memref<20480x128xf32, #tpu.memory_space<hbm>> -> memref<128x128xf32, #tpu.memory_space<hbm>>
        tpu.wait_dma2 semaphore(%run_scoped3A : memref<!tpu.dma_semaphore, #tpu.memory_space<semaphore_mem>>) src(%arg10 : memref<128x128xf32, #tpu.memory_space<vmem>>) dst(%dma_wait3A_275 : memref<128x128xf32, #tpu.memory_space<hbm>>)
        tpu.yield
      }) : () -> ()
      "tpu.region"() ({
        %run_scoped3A = tpu.sem_alloc : memref<!tpu.dma_semaphore, #tpu.memory_space<semaphore_mem>>
        %dma_start3A_268 = arith.constant 0 : i32
        %dma_start3A_269 = tpu.memref_slice %arg7[%dma_start3A_268, %mul3A_16] : memref<256x20480xf32, #tpu.memory_space<hbm>> -> memref<256x128xf32, #tpu.memory_space<hbm>>
        %dma_start3A_270 = arith.constant 0 : i32
        %dma_start3A_271 = tpu.memref_slice %arg7[%dma_start3A_270, %mul3A_16] : memref<256x20480xf32, #tpu.memory_space<hbm>> -> memref<256x128xf32, #tpu.memory_space<hbm>>
        tpu.enqueue_dma source(%arg11 : memref<256x128xf32, #tpu.memory_space<vmem>>) target(%dma_start3A_271 : memref<256x128xf32, #tpu.memory_space<hbm>>) target_semaphore(%run_scoped3A : memref<!tpu.dma_semaphore, #tpu.memory_space<semaphore_mem>>)
        %dma_wait3A_272 = arith.constant 0 : i32
        %dma_wait3A_273 = tpu.memref_slice %arg7[%dma_wait3A_272, %mul3A_16] : memref<256x20480xf32, #tpu.memory_space<hbm>> -> memref<256x128xf32, #tpu.memory_space<hbm>>
        %dma_wait3A_274 = arith.constant 0 : i32
        %dma_wait3A_275 = tpu.memref_slice %arg7[%dma_wait3A_274, %mul3A_16] : memref<256x20480xf32, #tpu.memory_space<hbm>> -> memref<256x128xf32, #tpu.memory_space<hbm>>
        tpu.wait_dma2 semaphore(%run_scoped3A : memref<!tpu.dma_semaphore, #tpu.memory_space<semaphore_mem>>) src(%arg11 : memref<256x128xf32, #tpu.memory_space<vmem>>) dst(%dma_wait3A_275 : memref<256x128xf32, #tpu.memory_space<hbm>>)
        tpu.yield
      }) : () -> ()
    }
    %while3A_10 = arith.constant 1 : i32
    scf.for %while3A_11 = %while3A_8 to %while3A_4 step %while3A_10  : i32 {
      %mul3A_12 = arith.constant 5 : i32
      %mul3A_13 = arith.muli %add3A, %mul3A_12 : i32
      %add3A_14 = arith.addi %mul3A_13, %while3A_11 : i32
      %mul3A_15 = arith.constant 128 : i32
      %mul3A_16 = arith.muli %add3A_14, %mul3A_15 : i32
      "tpu.region"() ({
        %run_scoped3A = tpu.sem_alloc : memref<!tpu.dma_semaphore, #tpu.memory_space<semaphore_mem>>
        %dma_start3A_268 = tpu.memref_slice %arg2[%mul3A_16] : memref<20480xi32, #tpu.memory_space<hbm>> -> memref<128xi32, #tpu.memory_space<hbm>>
        %dma_start3A_269 = tpu.memref_slice %arg2[%mul3A_16] : memref<20480xi32, #tpu.memory_space<hbm>> -> memref<128xi32, #tpu.memory_space<hbm>>
        tpu.enqueue_dma source(%dma_start3A_269 : memref<128xi32, #tpu.memory_space<hbm>>) target(%arg8 : memref<128xi32, #tpu.memory_space<vmem>>) target_semaphore(%run_scoped3A : memref<!tpu.dma_semaphore, #tpu.memory_space<semaphore_mem>>)
        %dma_wait3A_270 = tpu.memref_slice %arg2[%mul3A_16] : memref<20480xi32, #tpu.memory_space<hbm>> -> memref<128xi32, #tpu.memory_space<hbm>>
        %dma_wait3A_271 = tpu.memref_slice %arg2[%mul3A_16] : memref<20480xi32, #tpu.memory_space<hbm>> -> memref<128xi32, #tpu.memory_space<hbm>>
        tpu.wait_dma2 semaphore(%run_scoped3A : memref<!tpu.dma_semaphore, #tpu.memory_space<semaphore_mem>>) src(%dma_wait3A_271 : memref<128xi32, #tpu.memory_space<hbm>>) dst(%arg8 : memref<128xi32, #tpu.memory_space<vmem>>)
        tpu.yield
      }) : () -> ()
      %dma_start3A = arith.constant 0 : i32
      %dma_start3A_17 = arith.constant 0 : i32
      %dma_start3A_18 = tpu.memref_slice %arg4[%dma_start3A, %dma_start3A_17] : memref<1024x128xf32, #tpu.memory_space<hbm>> -> memref<1024x128xf32, #tpu.memory_space<hbm>>
      tpu.enqueue_indirect_dma source(%dma_start3A_18 : memref<1024x128xf32, #tpu.memory_space<hbm>>) target(%arg10 : memref<128x128xf32, #tpu.memory_space<vmem>>) offsets(%arg8 : memref<128xi32, #tpu.memory_space<vmem>>) semaphore(%arg12 : memref<!tpu.dma_semaphore, #tpu.memory_space<semaphore_mem>>)
      "tpu.region"() ({
        %run_scoped3A = tpu.sem_alloc : memref<!tpu.dma_semaphore, #tpu.memory_space<semaphore_mem>>
        %dma_start3A_268 = arith.constant 0 : i32
        %dma_start3A_269 = arith.constant 0 : i32
        %dma_start3A_270 = tpu.memref_slice %arg3[%dma_start3A_268, %add3A_14, %dma_start3A_269] : memref<16x160x128xi32, #tpu.memory_space<hbm>> -> memref<16x1x128xi32, #tpu.memory_space<hbm>>
        %dma_start3A_271 = tpu.memref_squeeze %dma_start3A_270 : memref<16x1x128xi32, #tpu.memory_space<hbm>> -> memref<16x128xi32, #tpu.memory_space<hbm>>
        %dma_start3A_272 = arith.constant 0 : i32
        %dma_start3A_273 = arith.constant 0 : i32
        %dma_start3A_274 = tpu.memref_slice %arg3[%dma_start3A_272, %add3A_14, %dma_start3A_273] : memref<16x160x128xi32, #tpu.memory_space<hbm>> -> memref<16x1x128xi32, #tpu.memory_space<hbm>>
        %dma_start3A_275 = tpu.memref_squeeze %dma_start3A_274 : memref<16x1x128xi32, #tpu.memory_space<hbm>> -> memref<16x128xi32, #tpu.memory_space<hbm>>
        tpu.enqueue_dma source(%dma_start3A_275 : memref<16x128xi32, #tpu.memory_space<hbm>>) target(%arg9 : memref<16x128xi32, #tpu.memory_space<vmem>>) target_semaphore(%run_scoped3A : memref<!tpu.dma_semaphore, #tpu.memory_space<semaphore_mem>>)
        %dma_wait3A_276 = arith.constant 0 : i32
        %dma_wait3A_277 = arith.constant 0 : i32
        %dma_wait3A_278 = tpu.memref_slice %arg3[%dma_wait3A_276, %add3A_14, %dma_wait3A_277] : memref<16x160x128xi32, #tpu.memory_space<hbm>> -> memref<16x1x128xi32, #tpu.memory_space<hbm>>
        %dma_wait3A_279 = tpu.memref_squeeze %dma_wait3A_278 : memref<16x1x128xi32, #tpu.memory_space<hbm>> -> memref<16x128xi32, #tpu.memory_space<hbm>>
        %dma_wait3A_280 = arith.constant 0 : i32
        %dma_wait3A_281 = arith.constant 0 : i32
        %dma_wait3A_282 = tpu.memref_slice %arg3[%dma_wait3A_280, %add3A_14, %dma_wait3A_281] : memref<16x160x128xi32, #tpu.memory_space<hbm>> -> memref<16x1x128xi32, #tpu.memory_space<hbm>>
        %dma_wait3A_283 = tpu.memref_squeeze %dma_wait3A_282 : memref<16x1x128xi32, #tpu.memory_space<hbm>> -> memref<16x128xi32, #tpu.memory_space<hbm>>
        tpu.wait_dma2 semaphore(%run_scoped3A : memref<!tpu.dma_semaphore, #tpu.memory_space<semaphore_mem>>) src(%dma_wait3A_283 : memref<16x128xi32, #tpu.memory_space<hbm>>) dst(%arg9 : memref<16x128xi32, #tpu.memory_space<vmem>>)
        tpu.yield
      }) : () -> ()
      %mul3A_19 = arith.constant 0 : i32
      %mul3A_20 = arith.constant 16 : i32
      %mul3A_21 = arith.muli %mul3A_19, %mul3A_20 : i32
      %add3A_22 = arith.constant 0 : i32
      %add3A_23 = arith.addi %mul3A_21, %add3A_22 : i32
      %mul3A_24 = arith.constant 100000 : i32
      %mul3A_25 = arith.muli %add3A_23, %mul3A_24 : i32
      %dma_start3A_26 = arith.constant 0 : i32
      %dma_start3A_27 = arith.constant 0 : i32
      %dma_start3A_28 = tpu.memref_slice %arg11[%add3A_23, %dma_start3A_27] : memref<256x128xf32, #tpu.memory_space<vmem>> -> memref<1x128xf32, #tpu.memory_space<vmem>>
      %dma_start3A_29 = tpu.memref_squeeze %dma_start3A_28 : memref<1x128xf32, #tpu.memory_space<vmem>> -> memref<128xf32, #tpu.memory_space<vmem>>
      %dma_start3A_30 = arith.constant 0 : i32
      %dma_start3A_31 = tpu.memref_slice %arg9[%dma_start3A_26, %dma_start3A_30] : memref<16x128xi32, #tpu.memory_space<vmem>> -> memref<1x128xi32, #tpu.memory_space<vmem>>
      %dma_start3A_32 = tpu.memref_squeeze %dma_start3A_31 : memref<1x128xi32, #tpu.memory_space<vmem>> -> memref<128xi32, #tpu.memory_space<vmem>>
      %dma_start3A_33 = tpu.memref_slice %arg5[%mul3A_25] : memref<25600000xf32, #tpu.memory_space<hbm>> -> memref<100000xf32, #tpu.memory_space<hbm>>
      %dma_start3A_34 = arith.constant 0 : i32
      %dma_start3A_35 = tpu.memref_slice %dma_start3A_33[%dma_start3A_34] : memref<100000xf32, #tpu.memory_space<hbm>> -> memref<100000xf32, #tpu.memory_space<hbm>>
      tpu.enqueue_indirect_dma source(%dma_start3A_35 : memref<100000xf32, #tpu.memory_space<hbm>>) target(%dma_start3A_29 : memref<128xf32, #tpu.memory_space<vmem>>) offsets(%dma_start3A_32 : memref<128xi32, #tpu.memory_space<vmem>>) semaphore(%arg13 : memref<!tpu.dma_semaphore, #tpu.memory_space<semaphore_mem>>)
      %add3A_36 = arith.constant 1 : i32
      %add3A_37 = arith.addi %mul3A_21, %add3A_36 : i32
      %mul3A_38 = arith.constant 100000 : i32
      %mul3A_39 = arith.muli %add3A_37, %mul3A_38 : i32
      %dma_start3A_40 = arith.constant 0 : i32
      %dma_start3A_41 = arith.constant 0 : i32
      %dma_start3A_42 = tpu.memref_slice %arg11[%add3A_37, %dma_start3A_41] : memref<256x128xf32, #tpu.memory_space<vmem>> -> memref<1x128xf32, #tpu.memory_space<vmem>>
      %dma_start3A_43 = tpu.memref_squeeze %dma_start3A_42 : memref<1x128xf32, #tpu.memory_space<vmem>> -> memref<128xf32, #tpu.memory_space<vmem>>
      %dma_start3A_44 = arith.constant 0 : i32
      %dma_start3A_45 = tpu.memref_slice %arg9[%dma_start3A_40, %dma_start3A_44] : memref<16x128xi32, #tpu.memory_space<vmem>> -> memref<1x128xi32, #tpu.memory_space<vmem>>
      %dma_start3A_46 = tpu.memref_squeeze %dma_start3A_45 : memref<1x128xi32, #tpu.memory_space<vmem>> -> memref<128xi32, #tpu.memory_space<vmem>>
      %dma_start3A_47 = tpu.memref_slice %arg5[%mul3A_39] : memref<25600000xf32, #tpu.memory_space<hbm>> -> memref<100000xf32, #tpu.memory_space<hbm>>
      %dma_start3A_48 = arith.constant 0 : i32
      %dma_start3A_49 = tpu.memref_slice %dma_start3A_47[%dma_start3A_48] : memref<100000xf32, #tpu.memory_space<hbm>> -> memref<100000xf32, #tpu.memory_space<hbm>>
      tpu.enqueue_indirect_dma source(%dma_start3A_49 : memref<100000xf32, #tpu.memory_space<hbm>>) target(%dma_start3A_43 : memref<128xf32, #tpu.memory_space<vmem>>) offsets(%dma_start3A_46 : memref<128xi32, #tpu.memory_space<vmem>>) semaphore(%arg13 : memref<!tpu.dma_semaphore, #tpu.memory_space<semaphore_mem>>)
      %add3A_50 = arith.constant 2 : i32
      %add3A_51 = arith.addi %mul3A_21, %add3A_50 : i32
      %mul3A_52 = arith.constant 100000 : i32
      %mul3A_53 = arith.muli %add3A_51, %mul3A_52 : i32
      %dma_start3A_54 = arith.constant 0 : i32
      %dma_start3A_55 = arith.constant 0 : i32
      %dma_start3A_56 = tpu.memref_slice %arg11[%add3A_51, %dma_start3A_55] : memref<256x128xf32, #tpu.memory_space<vmem>> -> memref<1x128xf32, #tpu.memory_space<vmem>>
      %dma_start3A_57 = tpu.memref_squeeze %dma_start3A_56 : memref<1x128xf32, #tpu.memory_space<vmem>> -> memref<128xf32, #tpu.memory_space<vmem>>
      %dma_start3A_58 = arith.constant 0 : i32
      %dma_start3A_59 = tpu.memref_slice %arg9[%dma_start3A_54, %dma_start3A_58] : memref<16x128xi32, #tpu.memory_space<vmem>> -> memref<1x128xi32, #tpu.memory_space<vmem>>
      %dma_start3A_60 = tpu.memref_squeeze %dma_start3A_59 : memref<1x128xi32, #tpu.memory_space<vmem>> -> memref<128xi32, #tpu.memory_space<vmem>>
      %dma_start3A_61 = tpu.memref_slice %arg5[%mul3A_53] : memref<25600000xf32, #tpu.memory_space<hbm>> -> memref<100000xf32, #tpu.memory_space<hbm>>
      %dma_start3A_62 = arith.constant 0 : i32
      %dma_start3A_63 = tpu.memref_slice %dma_start3A_61[%dma_start3A_62] : memref<100000xf32, #tpu.memory_space<hbm>> -> memref<100000xf32, #tpu.memory_space<hbm>>
      tpu.enqueue_indirect_dma source(%dma_start3A_63 : memref<100000xf32, #tpu.memory_space<hbm>>) target(%dma_start3A_57 : memref<128xf32, #tpu.memory_space<vmem>>) offsets(%dma_start3A_60 : memref<128xi32, #tpu.memory_space<vmem>>) semaphore(%arg13 : memref<!tpu.dma_semaphore, #tpu.memory_space<semaphore_mem>>)
      %add3A_64 = arith.constant 3 : i32
      %add3A_65 = arith.addi %mul3A_21, %add3A_64 : i32
      %mul3A_66 = arith.constant 100000 : i32
      %mul3A_67 = arith.muli %add3A_65, %mul3A_66 : i32
      %dma_start3A_68 = arith.constant 0 : i32
      %dma_start3A_69 = arith.constant 0 : i32
      %dma_start3A_70 = tpu.memref_slice %arg11[%add3A_65, %dma_start3A_69] : memref<256x128xf32, #tpu.memory_space<vmem>> -> memref<1x128xf32, #tpu.memory_space<vmem>>
      %dma_start3A_71 = tpu.memref_squeeze %dma_start3A_70 : memref<1x128xf32, #tpu.memory_space<vmem>> -> memref<128xf32, #tpu.memory_space<vmem>>
      %dma_start3A_72 = arith.constant 0 : i32
      %dma_start3A_73 = tpu.memref_slice %arg9[%dma_start3A_68, %dma_start3A_72] : memref<16x128xi32, #tpu.memory_space<vmem>> -> memref<1x128xi32, #tpu.memory_space<vmem>>
      %dma_start3A_74 = tpu.memref_squeeze %dma_start3A_73 : memref<1x128xi32, #tpu.memory_space<vmem>> -> memref<128xi32, #tpu.memory_space<vmem>>
      %dma_start3A_75 = tpu.memref_slice %arg5[%mul3A_67] : memref<25600000xf32, #tpu.memory_space<hbm>> -> memref<100000xf32, #tpu.memory_space<hbm>>
      %dma_start3A_76 = arith.constant 0 : i32
      %dma_start3A_77 = tpu.memref_slice %dma_start3A_75[%dma_start3A_76] : memref<100000xf32, #tpu.memory_space<hbm>> -> memref<100000xf32, #tpu.memory_space<hbm>>
      tpu.enqueue_indirect_dma source(%dma_start3A_77 : memref<100000xf32, #tpu.memory_space<hbm>>) target(%dma_start3A_71 : memref<128xf32, #tpu.memory_space<vmem>>) offsets(%dma_start3A_74 : memref<128xi32, #tpu.memory_space<vmem>>) semaphore(%arg13 : memref<!tpu.dma_semaphore, #tpu.memory_space<semaphore_mem>>)
      %add3A_78 = arith.constant 4 : i32
      %add3A_79 = arith.addi %mul3A_21, %add3A_78 : i32
      %mul3A_80 = arith.constant 100000 : i32
      %mul3A_81 = arith.muli %add3A_79, %mul3A_80 : i32
      %dma_start3A_82 = arith.constant 0 : i32
      %dma_start3A_83 = arith.constant 0 : i32
      %dma_start3A_84 = tpu.memref_slice %arg11[%add3A_79, %dma_start3A_83] : memref<256x128xf32, #tpu.memory_space<vmem>> -> memref<1x128xf32, #tpu.memory_space<vmem>>
      %dma_start3A_85 = tpu.memref_squeeze %dma_start3A_84 : memref<1x128xf32, #tpu.memory_space<vmem>> -> memref<128xf32, #tpu.memory_space<vmem>>
      %dma_start3A_86 = arith.constant 0 : i32
      %dma_start3A_87 = tpu.memref_slice %arg9[%dma_start3A_82, %dma_start3A_86] : memref<16x128xi32, #tpu.memory_space<vmem>> -> memref<1x128xi32, #tpu.memory_space<vmem>>
      %dma_start3A_88 = tpu.memref_squeeze %dma_start3A_87 : memref<1x128xi32, #tpu.memory_space<vmem>> -> memref<128xi32, #tpu.memory_space<vmem>>
      %dma_start3A_89 = tpu.memref_slice %arg5[%mul3A_81] : memref<25600000xf32, #tpu.memory_space<hbm>> -> memref<100000xf32, #tpu.memory_space<hbm>>
      %dma_start3A_90 = arith.constant 0 : i32
      %dma_start3A_91 = tpu.memref_slice %dma_start3A_89[%dma_start3A_90] : memref<100000xf32, #tpu.memory_space<hbm>> -> memref<100000xf32, #tpu.memory_space<hbm>>
      tpu.enqueue_indirect_dma source(%dma_start3A_91 : memref<100000xf32, #tpu.memory_space<hbm>>) target(%dma_start3A_85 : memref<128xf32, #tpu.memory_space<vmem>>) offsets(%dma_start3A_88 : memref<128xi32, #tpu.memory_space<vmem>>) semaphore(%arg13 : memref<!tpu.dma_semaphore, #tpu.memory_space<semaphore_mem>>)
      %add3A_92 = arith.constant 5 : i32
      %add3A_93 = arith.addi %mul3A_21, %add3A_92 : i32
      %mul3A_94 = arith.constant 100000 : i32
      %mul3A_95 = arith.muli %add3A_93, %mul3A_94 : i32
      %dma_start3A_96 = arith.constant 0 : i32
      %dma_start3A_97 = arith.constant 0 : i32
      %dma_start3A_98 = tpu.memref_slice %arg11[%add3A_93, %dma_start3A_97] : memref<256x128xf32, #tpu.memory_space<vmem>> -> memref<1x128xf32, #tpu.memory_space<vmem>>
      %dma_start3A_99 = tpu.memref_squeeze %dma_start3A_98 : memref<1x128xf32, #tpu.memory_space<vmem>> -> memref<128xf32, #tpu.memory_space<vmem>>
      %dma_start3A_100 = arith.constant 0 : i32
      %dma_start3A_101 = tpu.memref_slice %arg9[%dma_start3A_96, %dma_start3A_100] : memref<16x128xi32, #tpu.memory_space<vmem>> -> memref<1x128xi32, #tpu.memory_space<vmem>>
      %dma_start3A_102 = tpu.memref_squeeze %dma_start3A_101 : memref<1x128xi32, #tpu.memory_space<vmem>> -> memref<128xi32, #tpu.memory_space<vmem>>
      %dma_start3A_103 = tpu.memref_slice %arg5[%mul3A_95] : memref<25600000xf32, #tpu.memory_space<hbm>> -> memref<100000xf32, #tpu.memory_space<hbm>>
      %dma_start3A_104 = arith.constant 0 : i32
      %dma_start3A_105 = tpu.memref_slice %dma_start3A_103[%dma_start3A_104] : memref<100000xf32, #tpu.memory_space<hbm>> -> memref<100000xf32, #tpu.memory_space<hbm>>
      tpu.enqueue_indirect_dma source(%dma_start3A_105 : memref<100000xf32, #tpu.memory_space<hbm>>) target(%dma_start3A_99 : memref<128xf32, #tpu.memory_space<vmem>>) offsets(%dma_start3A_102 : memref<128xi32, #tpu.memory_space<vmem>>) semaphore(%arg13 : memref<!tpu.dma_semaphore, #tpu.memory_space<semaphore_mem>>)
      %add3A_106 = arith.constant 6 : i32
      %add3A_107 = arith.addi %mul3A_21, %add3A_106 : i32
      %mul3A_108 = arith.constant 100000 : i32
      %mul3A_109 = arith.muli %add3A_107, %mul3A_108 : i32
      %dma_start3A_110 = arith.constant 0 : i32
      %dma_start3A_111 = arith.constant 0 : i32
      %dma_start3A_112 = tpu.memref_slice %arg11[%add3A_107, %dma_start3A_111] : memref<256x128xf32, #tpu.memory_space<vmem>> -> memref<1x128xf32, #tpu.memory_space<vmem>>
      %dma_start3A_113 = tpu.memref_squeeze %dma_start3A_112 : memref<1x128xf32, #tpu.memory_space<vmem>> -> memref<128xf32, #tpu.memory_space<vmem>>
      %dma_start3A_114 = arith.constant 0 : i32
      %dma_start3A_115 = tpu.memref_slice %arg9[%dma_start3A_110, %dma_start3A_114] : memref<16x128xi32, #tpu.memory_space<vmem>> -> memref<1x128xi32, #tpu.memory_space<vmem>>
      %dma_start3A_116 = tpu.memref_squeeze %dma_start3A_115 : memref<1x128xi32, #tpu.memory_space<vmem>> -> memref<128xi32, #tpu.memory_space<vmem>>
      %dma_start3A_117 = tpu.memref_slice %arg5[%mul3A_109] : memref<25600000xf32, #tpu.memory_space<hbm>> -> memref<100000xf32, #tpu.memory_space<hbm>>
      %dma_start3A_118 = arith.constant 0 : i32
      %dma_start3A_119 = tpu.memref_slice %dma_start3A_117[%dma_start3A_118] : memref<100000xf32, #tpu.memory_space<hbm>> -> memref<100000xf32, #tpu.memory_space<hbm>>
      tpu.enqueue_indirect_dma source(%dma_start3A_119 : memref<100000xf32, #tpu.memory_space<hbm>>) target(%dma_start3A_113 : memref<128xf32, #tpu.memory_space<vmem>>) offsets(%dma_start3A_116 : memref<128xi32, #tpu.memory_space<vmem>>) semaphore(%arg13 : memref<!tpu.dma_semaphore, #tpu.memory_space<semaphore_mem>>)
      %add3A_120 = arith.constant 7 : i32
      %add3A_121 = arith.addi %mul3A_21, %add3A_120 : i32
      %mul3A_122 = arith.constant 100000 : i32
      %mul3A_123 = arith.muli %add3A_121, %mul3A_122 : i32
      %dma_start3A_124 = arith.constant 0 : i32
      %dma_start3A_125 = arith.constant 0 : i32
      %dma_start3A_126 = tpu.memref_slice %arg11[%add3A_121, %dma_start3A_125] : memref<256x128xf32, #tpu.memory_space<vmem>> -> memref<1x128xf32, #tpu.memory_space<vmem>>
      %dma_start3A_127 = tpu.memref_squeeze %dma_start3A_126 : memref<1x128xf32, #tpu.memory_space<vmem>> -> memref<128xf32, #tpu.memory_space<vmem>>
      %dma_start3A_128 = arith.constant 0 : i32
      %dma_start3A_129 = tpu.memref_slice %arg9[%dma_start3A_124, %dma_start3A_128] : memref<16x128xi32, #tpu.memory_space<vmem>> -> memref<1x128xi32, #tpu.memory_space<vmem>>
      %dma_start3A_130 = tpu.memref_squeeze %dma_start3A_129 : memref<1x128xi32, #tpu.memory_space<vmem>> -> memref<128xi32, #tpu.memory_space<vmem>>
      %dma_start3A_131 = tpu.memref_slice %arg5[%mul3A_123] : memref<25600000xf32, #tpu.memory_space<hbm>> -> memref<100000xf32, #tpu.memory_space<hbm>>
      %dma_start3A_132 = arith.constant 0 : i32
      %dma_start3A_133 = tpu.memref_slice %dma_start3A_131[%dma_start3A_132] : memref<100000xf32, #tpu.memory_space<hbm>> -> memref<100000xf32, #tpu.memory_space<hbm>>
      tpu.enqueue_indirect_dma source(%dma_start3A_133 : memref<100000xf32, #tpu.memory_space<hbm>>) target(%dma_start3A_127 : memref<128xf32, #tpu.memory_space<vmem>>) offsets(%dma_start3A_130 : memref<128xi32, #tpu.memory_space<vmem>>) semaphore(%arg13 : memref<!tpu.dma_semaphore, #tpu.memory_space<semaphore_mem>>)
      %add3A_134 = arith.constant 8 : i32
      %add3A_135 = arith.addi %mul3A_21, %add3A_134 : i32
      %mul3A_136 = arith.constant 100000 : i32
      %mul3A_137 = arith.muli %add3A_135, %mul3A_136 : i32
      %dma_start3A_138 = arith.constant 0 : i32
      %dma_start3A_139 = arith.constant 0 : i32
      %dma_start3A_140 = tpu.memref_slice %arg11[%add3A_135, %dma_start3A_139] : memref<256x128xf32, #tpu.memory_space<vmem>> -> memref<1x128xf32, #tpu.memory_space<vmem>>
      %dma_start3A_141 = tpu.memref_squeeze %dma_start3A_140 : memref<1x128xf32, #tpu.memory_space<vmem>> -> memref<128xf32, #tpu.memory_space<vmem>>
      %dma_start3A_142 = arith.constant 0 : i32
      %dma_start3A_143 = tpu.memref_slice %arg9[%dma_start3A_138, %dma_start3A_142] : memref<16x128xi32, #tpu.memory_space<vmem>> -> memref<1x128xi32, #tpu.memory_space<vmem>>
      %dma_start3A_144 = tpu.memref_squeeze %dma_start3A_143 : memref<1x128xi32, #tpu.memory_space<vmem>> -> memref<128xi32, #tpu.memory_space<vmem>>
      %dma_start3A_145 = tpu.memref_slice %arg5[%mul3A_137] : memref<25600000xf32, #tpu.memory_space<hbm>> -> memref<100000xf32, #tpu.memory_space<hbm>>
      %dma_start3A_146 = arith.constant 0 : i32
      %dma_start3A_147 = tpu.memref_slice %dma_start3A_145[%dma_start3A_146] : memref<100000xf32, #tpu.memory_space<hbm>> -> memref<100000xf32, #tpu.memory_space<hbm>>
      tpu.enqueue_indirect_dma source(%dma_start3A_147 : memref<100000xf32, #tpu.memory_space<hbm>>) target(%dma_start3A_141 : memref<128xf32, #tpu.memory_space<vmem>>) offsets(%dma_start3A_144 : memref<128xi32, #tpu.memory_space<vmem>>) semaphore(%arg13 : memref<!tpu.dma_semaphore, #tpu.memory_space<semaphore_mem>>)
      %add3A_148 = arith.constant 9 : i32
      %add3A_149 = arith.addi %mul3A_21, %add3A_148 : i32
      %mul3A_150 = arith.constant 100000 : i32
      %mul3A_151 = arith.muli %add3A_149, %mul3A_150 : i32
      %dma_start3A_152 = arith.constant 0 : i32
      %dma_start3A_153 = arith.constant 0 : i32
      %dma_start3A_154 = tpu.memref_slice %arg11[%add3A_149, %dma_start3A_153] : memref<256x128xf32, #tpu.memory_space<vmem>> -> memref<1x128xf32, #tpu.memory_space<vmem>>
      %dma_start3A_155 = tpu.memref_squeeze %dma_start3A_154 : memref<1x128xf32, #tpu.memory_space<vmem>> -> memref<128xf32, #tpu.memory_space<vmem>>
      %dma_start3A_156 = arith.constant 0 : i32
      %dma_start3A_157 = tpu.memref_slice %arg9[%dma_start3A_152, %dma_start3A_156] : memref<16x128xi32, #tpu.memory_space<vmem>> -> memref<1x128xi32, #tpu.memory_space<vmem>>
      %dma_start3A_158 = tpu.memref_squeeze %dma_start3A_157 : memref<1x128xi32, #tpu.memory_space<vmem>> -> memref<128xi32, #tpu.memory_space<vmem>>
      %dma_start3A_159 = tpu.memref_slice %arg5[%mul3A_151] : memref<25600000xf32, #tpu.memory_space<hbm>> -> memref<100000xf32, #tpu.memory_space<hbm>>
      %dma_start3A_160 = arith.constant 0 : i32
      %dma_start3A_161 = tpu.memref_slice %dma_start3A_159[%dma_start3A_160] : memref<100000xf32, #tpu.memory_space<hbm>> -> memref<100000xf32, #tpu.memory_space<hbm>>
      tpu.enqueue_indirect_dma source(%dma_start3A_161 : memref<100000xf32, #tpu.memory_space<hbm>>) target(%dma_start3A_155 : memref<128xf32, #tpu.memory_space<vmem>>) offsets(%dma_start3A_158 : memref<128xi32, #tpu.memory_space<vmem>>) semaphore(%arg13 : memref<!tpu.dma_semaphore, #tpu.memory_space<semaphore_mem>>)
      %add3A_162 = arith.constant 10 : i32
      %add3A_163 = arith.addi %mul3A_21, %add3A_162 : i32
      %mul3A_164 = arith.constant 100000 : i32
      %mul3A_165 = arith.muli %add3A_163, %mul3A_164 : i32
      %dma_start3A_166 = arith.constant 0 : i32
      %dma_start3A_167 = arith.constant 0 : i32
      %dma_start3A_168 = tpu.memref_slice %arg11[%add3A_163, %dma_start3A_167] : memref<256x128xf32, #tpu.memory_space<vmem>> -> memref<1x128xf32, #tpu.memory_space<vmem>>
      %dma_start3A_169 = tpu.memref_squeeze %dma_start3A_168 : memref<1x128xf32, #tpu.memory_space<vmem>> -> memref<128xf32, #tpu.memory_space<vmem>>
      %dma_start3A_170 = arith.constant 0 : i32
      %dma_start3A_171 = tpu.memref_slice %arg9[%dma_start3A_166, %dma_start3A_170] : memref<16x128xi32, #tpu.memory_space<vmem>> -> memref<1x128xi32, #tpu.memory_space<vmem>>
      %dma_start3A_172 = tpu.memref_squeeze %dma_start3A_171 : memref<1x128xi32, #tpu.memory_space<vmem>> -> memref<128xi32, #tpu.memory_space<vmem>>
      %dma_start3A_173 = tpu.memref_slice %arg5[%mul3A_165] : memref<25600000xf32, #tpu.memory_space<hbm>> -> memref<100000xf32, #tpu.memory_space<hbm>>
      %dma_start3A_174 = arith.constant 0 : i32
      %dma_start3A_175 = tpu.memref_slice %dma_start3A_173[%dma_start3A_174] : memref<100000xf32, #tpu.memory_space<hbm>> -> memref<100000xf32, #tpu.memory_space<hbm>>
      tpu.enqueue_indirect_dma source(%dma_start3A_175 : memref<100000xf32, #tpu.memory_space<hbm>>) target(%dma_start3A_169 : memref<128xf32, #tpu.memory_space<vmem>>) offsets(%dma_start3A_172 : memref<128xi32, #tpu.memory_space<vmem>>) semaphore(%arg13 : memref<!tpu.dma_semaphore, #tpu.memory_space<semaphore_mem>>)
      %add3A_176 = arith.constant 11 : i32
      %add3A_177 = arith.addi %mul3A_21, %add3A_176 : i32
      %mul3A_178 = arith.constant 100000 : i32
      %mul3A_179 = arith.muli %add3A_177, %mul3A_178 : i32
      %dma_start3A_180 = arith.constant 0 : i32
      %dma_start3A_181 = arith.constant 0 : i32
      %dma_start3A_182 = tpu.memref_slice %arg11[%add3A_177, %dma_start3A_181] : memref<256x128xf32, #tpu.memory_space<vmem>> -> memref<1x128xf32, #tpu.memory_space<vmem>>
      %dma_start3A_183 = tpu.memref_squeeze %dma_start3A_182 : memref<1x128xf32, #tpu.memory_space<vmem>> -> memref<128xf32, #tpu.memory_space<vmem>>
      %dma_start3A_184 = arith.constant 0 : i32
      %dma_start3A_185 = tpu.memref_slice %arg9[%dma_start3A_180, %dma_start3A_184] : memref<16x128xi32, #tpu.memory_space<vmem>> -> memref<1x128xi32, #tpu.memory_space<vmem>>
      %dma_start3A_186 = tpu.memref_squeeze %dma_start3A_185 : memref<1x128xi32, #tpu.memory_space<vmem>> -> memref<128xi32, #tpu.memory_space<vmem>>
      %dma_start3A_187 = tpu.memref_slice %arg5[%mul3A_179] : memref<25600000xf32, #tpu.memory_space<hbm>> -> memref<100000xf32, #tpu.memory_space<hbm>>
      %dma_start3A_188 = arith.constant 0 : i32
      %dma_start3A_189 = tpu.memref_slice %dma_start3A_187[%dma_start3A_188] : memref<100000xf32, #tpu.memory_space<hbm>> -> memref<100000xf32, #tpu.memory_space<hbm>>
      tpu.enqueue_indirect_dma source(%dma_start3A_189 : memref<100000xf32, #tpu.memory_space<hbm>>) target(%dma_start3A_183 : memref<128xf32, #tpu.memory_space<vmem>>) offsets(%dma_start3A_186 : memref<128xi32, #tpu.memory_space<vmem>>) semaphore(%arg13 : memref<!tpu.dma_semaphore, #tpu.memory_space<semaphore_mem>>)
      %add3A_190 = arith.constant 12 : i32
      %add3A_191 = arith.addi %mul3A_21, %add3A_190 : i32
      %mul3A_192 = arith.constant 100000 : i32
      %mul3A_193 = arith.muli %add3A_191, %mul3A_192 : i32
      %dma_start3A_194 = arith.constant 0 : i32
      %dma_start3A_195 = arith.constant 0 : i32
      %dma_start3A_196 = tpu.memref_slice %arg11[%add3A_191, %dma_start3A_195] : memref<256x128xf32, #tpu.memory_space<vmem>> -> memref<1x128xf32, #tpu.memory_space<vmem>>
      %dma_start3A_197 = tpu.memref_squeeze %dma_start3A_196 : memref<1x128xf32, #tpu.memory_space<vmem>> -> memref<128xf32, #tpu.memory_space<vmem>>
      %dma_start3A_198 = arith.constant 0 : i32
      %dma_start3A_199 = tpu.memref_slice %arg9[%dma_start3A_194, %dma_start3A_198] : memref<16x128xi32, #tpu.memory_space<vmem>> -> memref<1x128xi32, #tpu.memory_space<vmem>>
      %dma_start3A_200 = tpu.memref_squeeze %dma_start3A_199 : memref<1x128xi32, #tpu.memory_space<vmem>> -> memref<128xi32, #tpu.memory_space<vmem>>
      %dma_start3A_201 = tpu.memref_slice %arg5[%mul3A_193] : memref<25600000xf32, #tpu.memory_space<hbm>> -> memref<100000xf32, #tpu.memory_space<hbm>>
      %dma_start3A_202 = arith.constant 0 : i32
      %dma_start3A_203 = tpu.memref_slice %dma_start3A_201[%dma_start3A_202] : memref<100000xf32, #tpu.memory_space<hbm>> -> memref<100000xf32, #tpu.memory_space<hbm>>
      tpu.enqueue_indirect_dma source(%dma_start3A_203 : memref<100000xf32, #tpu.memory_space<hbm>>) target(%dma_start3A_197 : memref<128xf32, #tpu.memory_space<vmem>>) offsets(%dma_start3A_200 : memref<128xi32, #tpu.memory_space<vmem>>) semaphore(%arg13 : memref<!tpu.dma_semaphore, #tpu.memory_space<semaphore_mem>>)
      %add3A_204 = arith.constant 13 : i32
      %add3A_205 = arith.addi %mul3A_21, %add3A_204 : i32
      %mul3A_206 = arith.constant 100000 : i32
      %mul3A_207 = arith.muli %add3A_205, %mul3A_206 : i32
      %dma_start3A_208 = arith.constant 0 : i32
      %dma_start3A_209 = arith.constant 0 : i32
      %dma_start3A_210 = tpu.memref_slice %arg11[%add3A_205, %dma_start3A_209] : memref<256x128xf32, #tpu.memory_space<vmem>> -> memref<1x128xf32, #tpu.memory_space<vmem>>
      %dma_start3A_211 = tpu.memref_squeeze %dma_start3A_210 : memref<1x128xf32, #tpu.memory_space<vmem>> -> memref<128xf32, #tpu.memory_space<vmem>>
      %dma_start3A_212 = arith.constant 0 : i32
      %dma_start3A_213 = tpu.memref_slice %arg9[%dma_start3A_208, %dma_start3A_212] : memref<16x128xi32, #tpu.memory_space<vmem>> -> memref<1x128xi32, #tpu.memory_space<vmem>>
      %dma_start3A_214 = tpu.memref_squeeze %dma_start3A_213 : memref<1x128xi32, #tpu.memory_space<vmem>> -> memref<128xi32, #tpu.memory_space<vmem>>
      %dma_start3A_215 = tpu.memref_slice %arg5[%mul3A_207] : memref<25600000xf32, #tpu.memory_space<hbm>> -> memref<100000xf32, #tpu.memory_space<hbm>>
      %dma_start3A_216 = arith.constant 0 : i32
      %dma_start3A_217 = tpu.memref_slice %dma_start3A_215[%dma_start3A_216] : memref<100000xf32, #tpu.memory_space<hbm>> -> memref<100000xf32, #tpu.memory_space<hbm>>
      tpu.enqueue_indirect_dma source(%dma_start3A_217 : memref<100000xf32, #tpu.memory_space<hbm>>) target(%dma_start3A_211 : memref<128xf32, #tpu.memory_space<vmem>>) offsets(%dma_start3A_214 : memref<128xi32, #tpu.memory_space<vmem>>) semaphore(%arg13 : memref<!tpu.dma_semaphore, #tpu.memory_space<semaphore_mem>>)
      %add3A_218 = arith.constant 14 : i32
      %add3A_219 = arith.addi %mul3A_21, %add3A_218 : i32
      %mul3A_220 = arith.constant 100000 : i32
      %mul3A_221 = arith.muli %add3A_219, %mul3A_220 : i32
      %dma_start3A_222 = arith.constant 0 : i32
      %dma_start3A_223 = arith.constant 0 : i32
      %dma_start3A_224 = tpu.memref_slice %arg11[%add3A_219, %dma_start3A_223] : memref<256x128xf32, #tpu.memory_space<vmem>> -> memref<1x128xf32, #tpu.memory_space<vmem>>
      %dma_start3A_225 = tpu.memref_squeeze %dma_start3A_224 : memref<1x128xf32, #tpu.memory_space<vmem>> -> memref<128xf32, #tpu.memory_space<vmem>>
      %dma_start3A_226 = arith.constant 0 : i32
      %dma_start3A_227 = tpu.memref_slice %arg9[%dma_start3A_222, %dma_start3A_226] : memref<16x128xi32, #tpu.memory_space<vmem>> -> memref<1x128xi32, #tpu.memory_space<vmem>>
      %dma_start3A_228 = tpu.memref_squeeze %dma_start3A_227 : memref<1x128xi32, #tpu.memory_space<vmem>> -> memref<128xi32, #tpu.memory_space<vmem>>
      %dma_start3A_229 = tpu.memref_slice %arg5[%mul3A_221] : memref<25600000xf32, #tpu.memory_space<hbm>> -> memref<100000xf32, #tpu.memory_space<hbm>>
      %dma_start3A_230 = arith.constant 0 : i32
      %dma_start3A_231 = tpu.memref_slice %dma_start3A_229[%dma_start3A_230] : memref<100000xf32, #tpu.memory_space<hbm>> -> memref<100000xf32, #tpu.memory_space<hbm>>
      tpu.enqueue_indirect_dma source(%dma_start3A_231 : memref<100000xf32, #tpu.memory_space<hbm>>) target(%dma_start3A_225 : memref<128xf32, #tpu.memory_space<vmem>>) offsets(%dma_start3A_228 : memref<128xi32, #tpu.memory_space<vmem>>) semaphore(%arg13 : memref<!tpu.dma_semaphore, #tpu.memory_space<semaphore_mem>>)
      %add3A_232 = arith.constant 15 : i32
      %add3A_233 = arith.addi %mul3A_21, %add3A_232 : i32
      %mul3A_234 = arith.constant 100000 : i32
      %mul3A_235 = arith.muli %add3A_233, %mul3A_234 : i32
      %dma_start3A_236 = arith.constant 0 : i32
      %dma_start3A_237 = arith.constant 0 : i32
      %dma_start3A_238 = tpu.memref_slice %arg11[%add3A_233, %dma_start3A_237] : memref<256x128xf32, #tpu.memory_space<vmem>> -> memref<1x128xf32, #tpu.memory_space<vmem>>
      %dma_start3A_239 = tpu.memref_squeeze %dma_start3A_238 : memref<1x128xf32, #tpu.memory_space<vmem>> -> memref<128xf32, #tpu.memory_space<vmem>>
      %dma_start3A_240 = arith.constant 0 : i32
      %dma_start3A_241 = tpu.memref_slice %arg9[%dma_start3A_236, %dma_start3A_240] : memref<16x128xi32, #tpu.memory_space<vmem>> -> memref<1x128xi32, #tpu.memory_space<vmem>>
      %dma_start3A_242 = tpu.memref_squeeze %dma_start3A_241 : memref<1x128xi32, #tpu.memory_space<vmem>> -> memref<128xi32, #tpu.memory_space<vmem>>
      %dma_start3A_243 = tpu.memref_slice %arg5[%mul3A_235] : memref<25600000xf32, #tpu.memory_space<hbm>> -> memref<100000xf32, #tpu.memory_space<hbm>>
      %dma_start3A_244 = arith.constant 0 : i32
      %dma_start3A_245 = tpu.memref_slice %dma_start3A_243[%dma_start3A_244] : memref<100000xf32, #tpu.memory_space<hbm>> -> memref<100000xf32, #tpu.memory_space<hbm>>
      tpu.enqueue_indirect_dma source(%dma_start3A_245 : memref<100000xf32, #tpu.memory_space<hbm>>) target(%dma_start3A_239 : memref<128xf32, #tpu.memory_space<vmem>>) offsets(%dma_start3A_242 : memref<128xi32, #tpu.memory_space<vmem>>) semaphore(%arg13 : memref<!tpu.dma_semaphore, #tpu.memory_space<semaphore_mem>>)
      %while3A_246 = arith.constant 0 : i32
      %while3A_247 = arith.constant 1 : i32
      %while3A_248 = arith.constant 16 : i32
      %while3A_249 = arith.subi %while3A_248, %while3A_247 : i32
      %while3A_250 = arith.addi %while3A_247, %while3A_249 : i32
      %while3A_251 = arith.constant 1 : i32
      %while3A_252 = arith.divsi %while3A_249, %while3A_251 : i32
      %while3A_253 = arith.muli %while3A_252, %while3A_251 : i32
      %while3A_254 = arith.addi %while3A_247, %while3A_253 : i32
      %while3A_255 = arith.constant 1 : i32
      scf.for %while3A_268 = %while3A_247 to %while3A_254 step %while3A_255  : i32 {
        %mul3A_269 = arith.constant 16 : i32
        %mul3A_270 = arith.muli %while3A_268, %mul3A_269 : i32
        %add3A_271 = arith.constant 0 : i32
        %add3A_272 = arith.addi %mul3A_270, %add3A_271 : i32
        %mul3A_273 = arith.constant 100000 : i32
        %mul3A_274 = arith.muli %add3A_272, %mul3A_273 : i32
        %dma_start3A_275 = arith.constant 0 : i32
        %dma_start3A_276 = tpu.memref_slice %arg11[%add3A_272, %dma_start3A_275] : memref<256x128xf32, #tpu.memory_space<vmem>> -> memref<1x128xf32, #tpu.memory_space<vmem>>
        %dma_start3A_277 = tpu.memref_squeeze %dma_start3A_276 : memref<1x128xf32, #tpu.memory_space<vmem>> -> memref<128xf32, #tpu.memory_space<vmem>>
        %dma_start3A_278 = arith.constant 0 : i32
        %dma_start3A_279 = tpu.memref_slice %arg9[%while3A_268, %dma_start3A_278] : memref<16x128xi32, #tpu.memory_space<vmem>> -> memref<1x128xi32, #tpu.memory_space<vmem>>
        %dma_start3A_280 = tpu.memref_squeeze %dma_start3A_279 : memref<1x128xi32, #tpu.memory_space<vmem>> -> memref<128xi32, #tpu.memory_space<vmem>>
        %dma_start3A_281 = tpu.memref_slice %arg5[%mul3A_274] : memref<25600000xf32, #tpu.memory_space<hbm>> -> memref<100000xf32, #tpu.memory_space<hbm>>
        %dma_start3A_282 = arith.constant 0 : i32
        %dma_start3A_283 = tpu.memref_slice %dma_start3A_281[%dma_start3A_282] : memref<100000xf32, #tpu.memory_space<hbm>> -> memref<100000xf32, #tpu.memory_space<hbm>>
        tpu.enqueue_indirect_dma source(%dma_start3A_283 : memref<100000xf32, #tpu.memory_space<hbm>>) target(%dma_start3A_277 : memref<128xf32, #tpu.memory_space<vmem>>) offsets(%dma_start3A_280 : memref<128xi32, #tpu.memory_space<vmem>>) semaphore(%arg13 : memref<!tpu.dma_semaphore, #tpu.memory_space<semaphore_mem>>)
        %add3A_284 = arith.constant 1 : i32
        %add3A_285 = arith.addi %mul3A_270, %add3A_284 : i32
        %mul3A_286 = arith.constant 100000 : i32
        %mul3A_287 = arith.muli %add3A_285, %mul3A_286 : i32
        %dma_start3A_288 = arith.constant 0 : i32
        %dma_start3A_289 = tpu.memref_slice %arg11[%add3A_285, %dma_start3A_288] : memref<256x128xf32, #tpu.memory_space<vmem>> -> memref<1x128xf32, #tpu.memory_space<vmem>>
        %dma_start3A_290 = tpu.memref_squeeze %dma_start3A_289 : memref<1x128xf32, #tpu.memory_space<vmem>> -> memref<128xf32, #tpu.memory_space<vmem>>
        %dma_start3A_291 = arith.constant 0 : i32
        %dma_start3A_292 = tpu.memref_slice %arg9[%while3A_268, %dma_start3A_291] : memref<16x128xi32, #tpu.memory_space<vmem>> -> memref<1x128xi32, #tpu.memory_space<vmem>>
        %dma_start3A_293 = tpu.memref_squeeze %dma_start3A_292 : memref<1x128xi32, #tpu.memory_space<vmem>> -> memref<128xi32, #tpu.memory_space<vmem>>
        %dma_start3A_294 = tpu.memref_slice %arg5[%mul3A_287] : memref<25600000xf32, #tpu.memory_space<hbm>> -> memref<100000xf32, #tpu.memory_space<hbm>>
        %dma_start3A_295 = arith.constant 0 : i32
        %dma_start3A_296 = tpu.memref_slice %dma_start3A_294[%dma_start3A_295] : memref<100000xf32, #tpu.memory_space<hbm>> -> memref<100000xf32, #tpu.memory_space<hbm>>
        tpu.enqueue_indirect_dma source(%dma_start3A_296 : memref<100000xf32, #tpu.memory_space<hbm>>) target(%dma_start3A_290 : memref<128xf32, #tpu.memory_space<vmem>>) offsets(%dma_start3A_293 : memref<128xi32, #tpu.memory_space<vmem>>) semaphore(%arg13 : memref<!tpu.dma_semaphore, #tpu.memory_space<semaphore_mem>>)
        %add3A_297 = arith.constant 2 : i32
        %add3A_298 = arith.addi %mul3A_270, %add3A_297 : i32
        %mul3A_299 = arith.constant 100000 : i32
        %mul3A_300 = arith.muli %add3A_298, %mul3A_299 : i32
        %dma_start3A_301 = arith.constant 0 : i32
        %dma_start3A_302 = tpu.memref_slice %arg11[%add3A_298, %dma_start3A_301] : memref<256x128xf32, #tpu.memory_space<vmem>> -> memref<1x128xf32, #tpu.memory_space<vmem>>
        %dma_start3A_303 = tpu.memref_squeeze %dma_start3A_302 : memref<1x128xf32, #tpu.memory_space<vmem>> -> memref<128xf32, #tpu.memory_space<vmem>>
        %dma_start3A_304 = arith.constant 0 : i32
        %dma_start3A_305 = tpu.memref_slice %arg9[%while3A_268, %dma_start3A_304] : memref<16x128xi32, #tpu.memory_space<vmem>> -> memref<1x128xi32, #tpu.memory_space<vmem>>
        %dma_start3A_306 = tpu.memref_squeeze %dma_start3A_305 : memref<1x128xi32, #tpu.memory_space<vmem>> -> memref<128xi32, #tpu.memory_space<vmem>>
        %dma_start3A_307 = tpu.memref_slice %arg5[%mul3A_300] : memref<25600000xf32, #tpu.memory_space<hbm>> -> memref<100000xf32, #tpu.memory_space<hbm>>
        %dma_start3A_308 = arith.constant 0 : i32
        %dma_start3A_309 = tpu.memref_slice %dma_start3A_307[%dma_start3A_308] : memref<100000xf32, #tpu.memory_space<hbm>> -> memref<100000xf32, #tpu.memory_space<hbm>>
        tpu.enqueue_indirect_dma source(%dma_start3A_309 : memref<100000xf32, #tpu.memory_space<hbm>>) target(%dma_start3A_303 : memref<128xf32, #tpu.memory_space<vmem>>) offsets(%dma_start3A_306 : memref<128xi32, #tpu.memory_space<vmem>>) semaphore(%arg13 : memref<!tpu.dma_semaphore, #tpu.memory_space<semaphore_mem>>)
        %add3A_310 = arith.constant 3 : i32
        %add3A_311 = arith.addi %mul3A_270, %add3A_310 : i32
        %mul3A_312 = arith.constant 100000 : i32
        %mul3A_313 = arith.muli %add3A_311, %mul3A_312 : i32
        %dma_start3A_314 = arith.constant 0 : i32
        %dma_start3A_315 = tpu.memref_slice %arg11[%add3A_311, %dma_start3A_314] : memref<256x128xf32, #tpu.memory_space<vmem>> -> memref<1x128xf32, #tpu.memory_space<vmem>>
        %dma_start3A_316 = tpu.memref_squeeze %dma_start3A_315 : memref<1x128xf32, #tpu.memory_space<vmem>> -> memref<128xf32, #tpu.memory_space<vmem>>
        %dma_start3A_317 = arith.constant 0 : i32
        %dma_start3A_318 = tpu.memref_slice %arg9[%while3A_268, %dma_start3A_317] : memref<16x128xi32, #tpu.memory_space<vmem>> -> memref<1x128xi32, #tpu.memory_space<vmem>>
        %dma_start3A_319 = tpu.memref_squeeze %dma_start3A_318 : memref<1x128xi32, #tpu.memory_space<vmem>> -> memref<128xi32, #tpu.memory_space<vmem>>
        %dma_start3A_320 = tpu.memref_slice %arg5[%mul3A_313] : memref<25600000xf32, #tpu.memory_space<hbm>> -> memref<100000xf32, #tpu.memory_space<hbm>>
        %dma_start3A_321 = arith.constant 0 : i32
        %dma_start3A_322 = tpu.memref_slice %dma_start3A_320[%dma_start3A_321] : memref<100000xf32, #tpu.memory_space<hbm>> -> memref<100000xf32, #tpu.memory_space<hbm>>
        tpu.enqueue_indirect_dma source(%dma_start3A_322 : memref<100000xf32, #tpu.memory_space<hbm>>) target(%dma_start3A_316 : memref<128xf32, #tpu.memory_space<vmem>>) offsets(%dma_start3A_319 : memref<128xi32, #tpu.memory_space<vmem>>) semaphore(%arg13 : memref<!tpu.dma_semaphore, #tpu.memory_space<semaphore_mem>>)
        %add3A_323 = arith.constant 4 : i32
        %add3A_324 = arith.addi %mul3A_270, %add3A_323 : i32
        %mul3A_325 = arith.constant 100000 : i32
        %mul3A_326 = arith.muli %add3A_324, %mul3A_325 : i32
        %dma_start3A_327 = arith.constant 0 : i32
        %dma_start3A_328 = tpu.memref_slice %arg11[%add3A_324, %dma_start3A_327] : memref<256x128xf32, #tpu.memory_space<vmem>> -> memref<1x128xf32, #tpu.memory_space<vmem>>
        %dma_start3A_329 = tpu.memref_squeeze %dma_start3A_328 : memref<1x128xf32, #tpu.memory_space<vmem>> -> memref<128xf32, #tpu.memory_space<vmem>>
        %dma_start3A_330 = arith.constant 0 : i32
        %dma_start3A_331 = tpu.memref_slice %arg9[%while3A_268, %dma_start3A_330] : memref<16x128xi32, #tpu.memory_space<vmem>> -> memref<1x128xi32, #tpu.memory_space<vmem>>
        %dma_start3A_332 = tpu.memref_squeeze %dma_start3A_331 : memref<1x128xi32, #tpu.memory_space<vmem>> -> memref<128xi32, #tpu.memory_space<vmem>>
        %dma_start3A_333 = tpu.memref_slice %arg5[%mul3A_326] : memref<25600000xf32, #tpu.memory_space<hbm>> -> memref<100000xf32, #tpu.memory_space<hbm>>
        %dma_start3A_334 = arith.constant 0 : i32
        %dma_start3A_335 = tpu.memref_slice %dma_start3A_333[%dma_start3A_334] : memref<100000xf32, #tpu.memory_space<hbm>> -> memref<100000xf32, #tpu.memory_space<hbm>>
        tpu.enqueue_indirect_dma source(%dma_start3A_335 : memref<100000xf32, #tpu.memory_space<hbm>>) target(%dma_start3A_329 : memref<128xf32, #tpu.memory_space<vmem>>) offsets(%dma_start3A_332 : memref<128xi32, #tpu.memory_space<vmem>>) semaphore(%arg13 : memref<!tpu.dma_semaphore, #tpu.memory_space<semaphore_mem>>)
        %add3A_336 = arith.constant 5 : i32
        %add3A_337 = arith.addi %mul3A_270, %add3A_336 : i32
        %mul3A_338 = arith.constant 100000 : i32
        %mul3A_339 = arith.muli %add3A_337, %mul3A_338 : i32
        %dma_start3A_340 = arith.constant 0 : i32
        %dma_start3A_341 = tpu.memref_slice %arg11[%add3A_337, %dma_start3A_340] : memref<256x128xf32, #tpu.memory_space<vmem>> -> memref<1x128xf32, #tpu.memory_space<vmem>>
        %dma_start3A_342 = tpu.memref_squeeze %dma_start3A_341 : memref<1x128xf32, #tpu.memory_space<vmem>> -> memref<128xf32, #tpu.memory_space<vmem>>
        %dma_start3A_343 = arith.constant 0 : i32
        %dma_start3A_344 = tpu.memref_slice %arg9[%while3A_268, %dma_start3A_343] : memref<16x128xi32, #tpu.memory_space<vmem>> -> memref<1x128xi32, #tpu.memory_space<vmem>>
        %dma_start3A_345 = tpu.memref_squeeze %dma_start3A_344 : memref<1x128xi32, #tpu.memory_space<vmem>> -> memref<128xi32, #tpu.memory_space<vmem>>
        %dma_start3A_346 = tpu.memref_slice %arg5[%mul3A_339] : memref<25600000xf32, #tpu.memory_space<hbm>> -> memref<100000xf32, #tpu.memory_space<hbm>>
        %dma_start3A_347 = arith.constant 0 : i32
        %dma_start3A_348 = tpu.memref_slice %dma_start3A_346[%dma_start3A_347] : memref<100000xf32, #tpu.memory_space<hbm>> -> memref<100000xf32, #tpu.memory_space<hbm>>
        tpu.enqueue_indirect_dma source(%dma_start3A_348 : memref<100000xf32, #tpu.memory_space<hbm>>) target(%dma_start3A_342 : memref<128xf32, #tpu.memory_space<vmem>>) offsets(%dma_start3A_345 : memref<128xi32, #tpu.memory_space<vmem>>) semaphore(%arg13 : memref<!tpu.dma_semaphore, #tpu.memory_space<semaphore_mem>>)
        %add3A_349 = arith.constant 6 : i32
        %add3A_350 = arith.addi %mul3A_270, %add3A_349 : i32
        %mul3A_351 = arith.constant 100000 : i32
        %mul3A_352 = arith.muli %add3A_350, %mul3A_351 : i32
        %dma_start3A_353 = arith.constant 0 : i32
        %dma_start3A_354 = tpu.memref_slice %arg11[%add3A_350, %dma_start3A_353] : memref<256x128xf32, #tpu.memory_space<vmem>> -> memref<1x128xf32, #tpu.memory_space<vmem>>
        %dma_start3A_355 = tpu.memref_squeeze %dma_start3A_354 : memref<1x128xf32, #tpu.memory_space<vmem>> -> memref<128xf32, #tpu.memory_space<vmem>>
        %dma_start3A_356 = arith.constant 0 : i32
        %dma_start3A_357 = tpu.memref_slice %arg9[%while3A_268, %dma_start3A_356] : memref<16x128xi32, #tpu.memory_space<vmem>> -> memref<1x128xi32, #tpu.memory_space<vmem>>
        %dma_start3A_358 = tpu.memref_squeeze %dma_start3A_357 : memref<1x128xi32, #tpu.memory_space<vmem>> -> memref<128xi32, #tpu.memory_space<vmem>>
        %dma_start3A_359 = tpu.memref_slice %arg5[%mul3A_352] : memref<25600000xf32, #tpu.memory_space<hbm>> -> memref<100000xf32, #tpu.memory_space<hbm>>
        %dma_start3A_360 = arith.constant 0 : i32
        %dma_start3A_361 = tpu.memref_slice %dma_start3A_359[%dma_start3A_360] : memref<100000xf32, #tpu.memory_space<hbm>> -> memref<100000xf32, #tpu.memory_space<hbm>>
        tpu.enqueue_indirect_dma source(%dma_start3A_361 : memref<100000xf32, #tpu.memory_space<hbm>>) target(%dma_start3A_355 : memref<128xf32, #tpu.memory_space<vmem>>) offsets(%dma_start3A_358 : memref<128xi32, #tpu.memory_space<vmem>>) semaphore(%arg13 : memref<!tpu.dma_semaphore, #tpu.memory_space<semaphore_mem>>)
        %add3A_362 = arith.constant 7 : i32
        %add3A_363 = arith.addi %mul3A_270, %add3A_362 : i32
        %mul3A_364 = arith.constant 100000 : i32
        %mul3A_365 = arith.muli %add3A_363, %mul3A_364 : i32
        %dma_start3A_366 = arith.constant 0 : i32
        %dma_start3A_367 = tpu.memref_slice %arg11[%add3A_363, %dma_start3A_366] : memref<256x128xf32, #tpu.memory_space<vmem>> -> memref<1x128xf32, #tpu.memory_space<vmem>>
        %dma_start3A_368 = tpu.memref_squeeze %dma_start3A_367 : memref<1x128xf32, #tpu.memory_space<vmem>> -> memref<128xf32, #tpu.memory_space<vmem>>
        %dma_start3A_369 = arith.constant 0 : i32
        %dma_start3A_370 = tpu.memref_slice %arg9[%while3A_268, %dma_start3A_369] : memref<16x128xi32, #tpu.memory_space<vmem>> -> memref<1x128xi32, #tpu.memory_space<vmem>>
        %dma_start3A_371 = tpu.memref_squeeze %dma_start3A_370 : memref<1x128xi32, #tpu.memory_space<vmem>> -> memref<128xi32, #tpu.memory_space<vmem>>
        %dma_start3A_372 = tpu.memref_slice %arg5[%mul3A_365] : memref<25600000xf32, #tpu.memory_space<hbm>> -> memref<100000xf32, #tpu.memory_space<hbm>>
        %dma_start3A_373 = arith.constant 0 : i32
        %dma_start3A_374 = tpu.memref_slice %dma_start3A_372[%dma_start3A_373] : memref<100000xf32, #tpu.memory_space<hbm>> -> memref<100000xf32, #tpu.memory_space<hbm>>
        tpu.enqueue_indirect_dma source(%dma_start3A_374 : memref<100000xf32, #tpu.memory_space<hbm>>) target(%dma_start3A_368 : memref<128xf32, #tpu.memory_space<vmem>>) offsets(%dma_start3A_371 : memref<128xi32, #tpu.memory_space<vmem>>) semaphore(%arg13 : memref<!tpu.dma_semaphore, #tpu.memory_space<semaphore_mem>>)
        %add3A_375 = arith.constant 8 : i32
        %add3A_376 = arith.addi %mul3A_270, %add3A_375 : i32
        %mul3A_377 = arith.constant 100000 : i32
        %mul3A_378 = arith.muli %add3A_376, %mul3A_377 : i32
        %dma_start3A_379 = arith.constant 0 : i32
        %dma_start3A_380 = tpu.memref_slice %arg11[%add3A_376, %dma_start3A_379] : memref<256x128xf32, #tpu.memory_space<vmem>> -> memref<1x128xf32, #tpu.memory_space<vmem>>
        %dma_start3A_381 = tpu.memref_squeeze %dma_start3A_380 : memref<1x128xf32, #tpu.memory_space<vmem>> -> memref<128xf32, #tpu.memory_space<vmem>>
        %dma_start3A_382 = arith.constant 0 : i32
        %dma_start3A_383 = tpu.memref_slice %arg9[%while3A_268, %dma_start3A_382] : memref<16x128xi32, #tpu.memory_space<vmem>> -> memref<1x128xi32, #tpu.memory_space<vmem>>
        %dma_start3A_384 = tpu.memref_squeeze %dma_start3A_383 : memref<1x128xi32, #tpu.memory_space<vmem>> -> memref<128xi32, #tpu.memory_space<vmem>>
        %dma_start3A_385 = tpu.memref_slice %arg5[%mul3A_378] : memref<25600000xf32, #tpu.memory_space<hbm>> -> memref<100000xf32, #tpu.memory_space<hbm>>
        %dma_start3A_386 = arith.constant 0 : i32
        %dma_start3A_387 = tpu.memref_slice %dma_start3A_385[%dma_start3A_386] : memref<100000xf32, #tpu.memory_space<hbm>> -> memref<100000xf32, #tpu.memory_space<hbm>>
        tpu.enqueue_indirect_dma source(%dma_start3A_387 : memref<100000xf32, #tpu.memory_space<hbm>>) target(%dma_start3A_381 : memref<128xf32, #tpu.memory_space<vmem>>) offsets(%dma_start3A_384 : memref<128xi32, #tpu.memory_space<vmem>>) semaphore(%arg13 : memref<!tpu.dma_semaphore, #tpu.memory_space<semaphore_mem>>)
        %add3A_388 = arith.constant 9 : i32
        %add3A_389 = arith.addi %mul3A_270, %add3A_388 : i32
        %mul3A_390 = arith.constant 100000 : i32
        %mul3A_391 = arith.muli %add3A_389, %mul3A_390 : i32
        %dma_start3A_392 = arith.constant 0 : i32
        %dma_start3A_393 = tpu.memref_slice %arg11[%add3A_389, %dma_start3A_392] : memref<256x128xf32, #tpu.memory_space<vmem>> -> memref<1x128xf32, #tpu.memory_space<vmem>>
        %dma_start3A_394 = tpu.memref_squeeze %dma_start3A_393 : memref<1x128xf32, #tpu.memory_space<vmem>> -> memref<128xf32, #tpu.memory_space<vmem>>
        %dma_start3A_395 = arith.constant 0 : i32
        %dma_start3A_396 = tpu.memref_slice %arg9[%while3A_268, %dma_start3A_395] : memref<16x128xi32, #tpu.memory_space<vmem>> -> memref<1x128xi32, #tpu.memory_space<vmem>>
        %dma_start3A_397 = tpu.memref_squeeze %dma_start3A_396 : memref<1x128xi32, #tpu.memory_space<vmem>> -> memref<128xi32, #tpu.memory_space<vmem>>
        %dma_start3A_398 = tpu.memref_slice %arg5[%mul3A_391] : memref<25600000xf32, #tpu.memory_space<hbm>> -> memref<100000xf32, #tpu.memory_space<hbm>>
        %dma_start3A_399 = arith.constant 0 : i32
        %dma_start3A_400 = tpu.memref_slice %dma_start3A_398[%dma_start3A_399] : memref<100000xf32, #tpu.memory_space<hbm>> -> memref<100000xf32, #tpu.memory_space<hbm>>
        tpu.enqueue_indirect_dma source(%dma_start3A_400 : memref<100000xf32, #tpu.memory_space<hbm>>) target(%dma_start3A_394 : memref<128xf32, #tpu.memory_space<vmem>>) offsets(%dma_start3A_397 : memref<128xi32, #tpu.memory_space<vmem>>) semaphore(%arg13 : memref<!tpu.dma_semaphore, #tpu.memory_space<semaphore_mem>>)
        %add3A_401 = arith.constant 10 : i32
        %add3A_402 = arith.addi %mul3A_270, %add3A_401 : i32
        %mul3A_403 = arith.constant 100000 : i32
        %mul3A_404 = arith.muli %add3A_402, %mul3A_403 : i32
        %dma_start3A_405 = arith.constant 0 : i32
        %dma_start3A_406 = tpu.memref_slice %arg11[%add3A_402, %dma_start3A_405] : memref<256x128xf32, #tpu.memory_space<vmem>> -> memref<1x128xf32, #tpu.memory_space<vmem>>
        %dma_start3A_407 = tpu.memref_squeeze %dma_start3A_406 : memref<1x128xf32, #tpu.memory_space<vmem>> -> memref<128xf32, #tpu.memory_space<vmem>>
        %dma_start3A_408 = arith.constant 0 : i32
        %dma_start3A_409 = tpu.memref_slice %arg9[%while3A_268, %dma_start3A_408] : memref<16x128xi32, #tpu.memory_space<vmem>> -> memref<1x128xi32, #tpu.memory_space<vmem>>
        %dma_start3A_410 = tpu.memref_squeeze %dma_start3A_409 : memref<1x128xi32, #tpu.memory_space<vmem>> -> memref<128xi32, #tpu.memory_space<vmem>>
        %dma_start3A_411 = tpu.memref_slice %arg5[%mul3A_404] : memref<25600000xf32, #tpu.memory_space<hbm>> -> memref<100000xf32, #tpu.memory_space<hbm>>
        %dma_start3A_412 = arith.constant 0 : i32
        %dma_start3A_413 = tpu.memref_slice %dma_start3A_411[%dma_start3A_412] : memref<100000xf32, #tpu.memory_space<hbm>> -> memref<100000xf32, #tpu.memory_space<hbm>>
        tpu.enqueue_indirect_dma source(%dma_start3A_413 : memref<100000xf32, #tpu.memory_space<hbm>>) target(%dma_start3A_407 : memref<128xf32, #tpu.memory_space<vmem>>) offsets(%dma_start3A_410 : memref<128xi32, #tpu.memory_space<vmem>>) semaphore(%arg13 : memref<!tpu.dma_semaphore, #tpu.memory_space<semaphore_mem>>)
        %add3A_414 = arith.constant 11 : i32
        %add3A_415 = arith.addi %mul3A_270, %add3A_414 : i32
        %mul3A_416 = arith.constant 100000 : i32
        %mul3A_417 = arith.muli %add3A_415, %mul3A_416 : i32
        %dma_start3A_418 = arith.constant 0 : i32
        %dma_start3A_419 = tpu.memref_slice %arg11[%add3A_415, %dma_start3A_418] : memref<256x128xf32, #tpu.memory_space<vmem>> -> memref<1x128xf32, #tpu.memory_space<vmem>>
        %dma_start3A_420 = tpu.memref_squeeze %dma_start3A_419 : memref<1x128xf32, #tpu.memory_space<vmem>> -> memref<128xf32, #tpu.memory_space<vmem>>
        %dma_start3A_421 = arith.constant 0 : i32
        %dma_start3A_422 = tpu.memref_slice %arg9[%while3A_268, %dma_start3A_421] : memref<16x128xi32, #tpu.memory_space<vmem>> -> memref<1x128xi32, #tpu.memory_space<vmem>>
        %dma_start3A_423 = tpu.memref_squeeze %dma_start3A_422 : memref<1x128xi32, #tpu.memory_space<vmem>> -> memref<128xi32, #tpu.memory_space<vmem>>
        %dma_start3A_424 = tpu.memref_slice %arg5[%mul3A_417] : memref<25600000xf32, #tpu.memory_space<hbm>> -> memref<100000xf32, #tpu.memory_space<hbm>>
        %dma_start3A_425 = arith.constant 0 : i32
        %dma_start3A_426 = tpu.memref_slice %dma_start3A_424[%dma_start3A_425] : memref<100000xf32, #tpu.memory_space<hbm>> -> memref<100000xf32, #tpu.memory_space<hbm>>
        tpu.enqueue_indirect_dma source(%dma_start3A_426 : memref<100000xf32, #tpu.memory_space<hbm>>) target(%dma_start3A_420 : memref<128xf32, #tpu.memory_space<vmem>>) offsets(%dma_start3A_423 : memref<128xi32, #tpu.memory_space<vmem>>) semaphore(%arg13 : memref<!tpu.dma_semaphore, #tpu.memory_space<semaphore_mem>>)
        %add3A_427 = arith.constant 12 : i32
        %add3A_428 = arith.addi %mul3A_270, %add3A_427 : i32
        %mul3A_429 = arith.constant 100000 : i32
        %mul3A_430 = arith.muli %add3A_428, %mul3A_429 : i32
        %dma_start3A_431 = arith.constant 0 : i32
        %dma_start3A_432 = tpu.memref_slice %arg11[%add3A_428, %dma_start3A_431] : memref<256x128xf32, #tpu.memory_space<vmem>> -> memref<1x128xf32, #tpu.memory_space<vmem>>
        %dma_start3A_433 = tpu.memref_squeeze %dma_start3A_432 : memref<1x128xf32, #tpu.memory_space<vmem>> -> memref<128xf32, #tpu.memory_space<vmem>>
        %dma_start3A_434 = arith.constant 0 : i32
        %dma_start3A_435 = tpu.memref_slice %arg9[%while3A_268, %dma_start3A_434] : memref<16x128xi32, #tpu.memory_space<vmem>> -> memref<1x128xi32, #tpu.memory_space<vmem>>
        %dma_start3A_436 = tpu.memref_squeeze %dma_start3A_435 : memref<1x128xi32, #tpu.memory_space<vmem>> -> memref<128xi32, #tpu.memory_space<vmem>>
        %dma_start3A_437 = tpu.memref_slice %arg5[%mul3A_430] : memref<25600000xf32, #tpu.memory_space<hbm>> -> memref<100000xf32, #tpu.memory_space<hbm>>
        %dma_start3A_438 = arith.constant 0 : i32
        %dma_start3A_439 = tpu.memref_slice %dma_start3A_437[%dma_start3A_438] : memref<100000xf32, #tpu.memory_space<hbm>> -> memref<100000xf32, #tpu.memory_space<hbm>>
        tpu.enqueue_indirect_dma source(%dma_start3A_439 : memref<100000xf32, #tpu.memory_space<hbm>>) target(%dma_start3A_433 : memref<128xf32, #tpu.memory_space<vmem>>) offsets(%dma_start3A_436 : memref<128xi32, #tpu.memory_space<vmem>>) semaphore(%arg13 : memref<!tpu.dma_semaphore, #tpu.memory_space<semaphore_mem>>)
        %add3A_440 = arith.constant 13 : i32
        %add3A_441 = arith.addi %mul3A_270, %add3A_440 : i32
        %mul3A_442 = arith.constant 100000 : i32
        %mul3A_443 = arith.muli %add3A_441, %mul3A_442 : i32
        %dma_start3A_444 = arith.constant 0 : i32
        %dma_start3A_445 = tpu.memref_slice %arg11[%add3A_441, %dma_start3A_444] : memref<256x128xf32, #tpu.memory_space<vmem>> -> memref<1x128xf32, #tpu.memory_space<vmem>>
        %dma_start3A_446 = tpu.memref_squeeze %dma_start3A_445 : memref<1x128xf32, #tpu.memory_space<vmem>> -> memref<128xf32, #tpu.memory_space<vmem>>
        %dma_start3A_447 = arith.constant 0 : i32
        %dma_start3A_448 = tpu.memref_slice %arg9[%while3A_268, %dma_start3A_447] : memref<16x128xi32, #tpu.memory_space<vmem>> -> memref<1x128xi32, #tpu.memory_space<vmem>>
        %dma_start3A_449 = tpu.memref_squeeze %dma_start3A_448 : memref<1x128xi32, #tpu.memory_space<vmem>> -> memref<128xi32, #tpu.memory_space<vmem>>
        %dma_start3A_450 = tpu.memref_slice %arg5[%mul3A_443] : memref<25600000xf32, #tpu.memory_space<hbm>> -> memref<100000xf32, #tpu.memory_space<hbm>>
        %dma_start3A_451 = arith.constant 0 : i32
        %dma_start3A_452 = tpu.memref_slice %dma_start3A_450[%dma_start3A_451] : memref<100000xf32, #tpu.memory_space<hbm>> -> memref<100000xf32, #tpu.memory_space<hbm>>
        tpu.enqueue_indirect_dma source(%dma_start3A_452 : memref<100000xf32, #tpu.memory_space<hbm>>) target(%dma_start3A_446 : memref<128xf32, #tpu.memory_space<vmem>>) offsets(%dma_start3A_449 : memref<128xi32, #tpu.memory_space<vmem>>) semaphore(%arg13 : memref<!tpu.dma_semaphore, #tpu.memory_space<semaphore_mem>>)
        %add3A_453 = arith.constant 14 : i32
        %add3A_454 = arith.addi %mul3A_270, %add3A_453 : i32
        %mul3A_455 = arith.constant 100000 : i32
        %mul3A_456 = arith.muli %add3A_454, %mul3A_455 : i32
        %dma_start3A_457 = arith.constant 0 : i32
        %dma_start3A_458 = tpu.memref_slice %arg11[%add3A_454, %dma_start3A_457] : memref<256x128xf32, #tpu.memory_space<vmem>> -> memref<1x128xf32, #tpu.memory_space<vmem>>
        %dma_start3A_459 = tpu.memref_squeeze %dma_start3A_458 : memref<1x128xf32, #tpu.memory_space<vmem>> -> memref<128xf32, #tpu.memory_space<vmem>>
        %dma_start3A_460 = arith.constant 0 : i32
        %dma_start3A_461 = tpu.memref_slice %arg9[%while3A_268, %dma_start3A_460] : memref<16x128xi32, #tpu.memory_space<vmem>> -> memref<1x128xi32, #tpu.memory_space<vmem>>
        %dma_start3A_462 = tpu.memref_squeeze %dma_start3A_461 : memref<1x128xi32, #tpu.memory_space<vmem>> -> memref<128xi32, #tpu.memory_space<vmem>>
        %dma_start3A_463 = tpu.memref_slice %arg5[%mul3A_456] : memref<25600000xf32, #tpu.memory_space<hbm>> -> memref<100000xf32, #tpu.memory_space<hbm>>
        %dma_start3A_464 = arith.constant 0 : i32
        %dma_start3A_465 = tpu.memref_slice %dma_start3A_463[%dma_start3A_464] : memref<100000xf32, #tpu.memory_space<hbm>> -> memref<100000xf32, #tpu.memory_space<hbm>>
        tpu.enqueue_indirect_dma source(%dma_start3A_465 : memref<100000xf32, #tpu.memory_space<hbm>>) target(%dma_start3A_459 : memref<128xf32, #tpu.memory_space<vmem>>) offsets(%dma_start3A_462 : memref<128xi32, #tpu.memory_space<vmem>>) semaphore(%arg13 : memref<!tpu.dma_semaphore, #tpu.memory_space<semaphore_mem>>)
        %add3A_466 = arith.constant 15 : i32
        %add3A_467 = arith.addi %mul3A_270, %add3A_466 : i32
        %mul3A_468 = arith.constant 100000 : i32
        %mul3A_469 = arith.muli %add3A_467, %mul3A_468 : i32
        %dma_start3A_470 = arith.constant 0 : i32
        %dma_start3A_471 = tpu.memref_slice %arg11[%add3A_467, %dma_start3A_470] : memref<256x128xf32, #tpu.memory_space<vmem>> -> memref<1x128xf32, #tpu.memory_space<vmem>>
        %dma_start3A_472 = tpu.memref_squeeze %dma_start3A_471 : memref<1x128xf32, #tpu.memory_space<vmem>> -> memref<128xf32, #tpu.memory_space<vmem>>
        %dma_start3A_473 = arith.constant 0 : i32
        %dma_start3A_474 = tpu.memref_slice %arg9[%while3A_268, %dma_start3A_473] : memref<16x128xi32, #tpu.memory_space<vmem>> -> memref<1x128xi32, #tpu.memory_space<vmem>>
        %dma_start3A_475 = tpu.memref_squeeze %dma_start3A_474 : memref<1x128xi32, #tpu.memory_space<vmem>> -> memref<128xi32, #tpu.memory_space<vmem>>
        %dma_start3A_476 = tpu.memref_slice %arg5[%mul3A_469] : memref<25600000xf32, #tpu.memory_space<hbm>> -> memref<100000xf32, #tpu.memory_space<hbm>>
        %dma_start3A_477 = arith.constant 0 : i32
        %dma_start3A_478 = tpu.memref_slice %dma_start3A_476[%dma_start3A_477] : memref<100000xf32, #tpu.memory_space<hbm>> -> memref<100000xf32, #tpu.memory_space<hbm>>
        tpu.enqueue_indirect_dma source(%dma_start3A_478 : memref<100000xf32, #tpu.memory_space<hbm>>) target(%dma_start3A_472 : memref<128xf32, #tpu.memory_space<vmem>>) offsets(%dma_start3A_475 : memref<128xi32, #tpu.memory_space<vmem>>) semaphore(%arg13 : memref<!tpu.dma_semaphore, #tpu.memory_space<semaphore_mem>>)
        %sub3A = arith.constant 1 : i32
        %sub3A_479 = arith.subi %while3A_268, %sub3A : i32
        %mul3A_480 = arith.constant 16 : i32
        %mul3A_481 = arith.muli %sub3A_479, %mul3A_480 : i32
        %dma_wait3A_482 = arith.constant 0 : i32
        %dma_wait3A_483 = tpu.memref_slice %arg11[%mul3A_481, %dma_wait3A_482] : memref<256x128xf32, #tpu.memory_space<vmem>> -> memref<16x128xf32, #tpu.memory_space<vmem>>
        %dma_wait3A_484 = tpu.memref_slice %arg7[%mul3A_481, %mul3A_16] : memref<256x20480xf32, #tpu.memory_space<hbm>> -> memref<16x128xf32, #tpu.memory_space<hbm>>
        %dma_wait3A_485 = arith.constant 0 : i32
        %dma_wait3A_486 = tpu.memref_slice %arg11[%mul3A_481, %dma_wait3A_485] : memref<256x128xf32, #tpu.memory_space<vmem>> -> memref<16x128xf32, #tpu.memory_space<vmem>>
        %dma_wait3A_487 = tpu.memref_slice %arg7[%mul3A_481, %mul3A_16] : memref<256x20480xf32, #tpu.memory_space<hbm>> -> memref<16x128xf32, #tpu.memory_space<hbm>>
        tpu.wait_dma2 semaphore(%arg13 : memref<!tpu.dma_semaphore, #tpu.memory_space<semaphore_mem>>) src(%dma_wait3A_487 : memref<16x128xf32, #tpu.memory_space<hbm>>) dst(%dma_wait3A_486 : memref<16x128xf32, #tpu.memory_space<vmem>>)
      }
      %while3A_256 = arith.constant 1 : i32
      scf.for %while3A_268 = %while3A_254 to %while3A_250 step %while3A_256  : i32 {
        %mul3A_269 = arith.constant 16 : i32
        %mul3A_270 = arith.muli %while3A_268, %mul3A_269 : i32
        %add3A_271 = arith.constant 0 : i32
        %add3A_272 = arith.addi %mul3A_270, %add3A_271 : i32
        %mul3A_273 = arith.constant 100000 : i32
        %mul3A_274 = arith.muli %add3A_272, %mul3A_273 : i32
        %dma_start3A_275 = arith.constant 0 : i32
        %dma_start3A_276 = tpu.memref_slice %arg11[%add3A_272, %dma_start3A_275] : memref<256x128xf32, #tpu.memory_space<vmem>> -> memref<1x128xf32, #tpu.memory_space<vmem>>
        %dma_start3A_277 = tpu.memref_squeeze %dma_start3A_276 : memref<1x128xf32, #tpu.memory_space<vmem>> -> memref<128xf32, #tpu.memory_space<vmem>>
        %dma_start3A_278 = arith.constant 0 : i32
        %dma_start3A_279 = tpu.memref_slice %arg9[%while3A_268, %dma_start3A_278] : memref<16x128xi32, #tpu.memory_space<vmem>> -> memref<1x128xi32, #tpu.memory_space<vmem>>
        %dma_start3A_280 = tpu.memref_squeeze %dma_start3A_279 : memref<1x128xi32, #tpu.memory_space<vmem>> -> memref<128xi32, #tpu.memory_space<vmem>>
        %dma_start3A_281 = tpu.memref_slice %arg5[%mul3A_274] : memref<25600000xf32, #tpu.memory_space<hbm>> -> memref<100000xf32, #tpu.memory_space<hbm>>
        %dma_start3A_282 = arith.constant 0 : i32
        %dma_start3A_283 = tpu.memref_slice %dma_start3A_281[%dma_start3A_282] : memref<100000xf32, #tpu.memory_space<hbm>> -> memref<100000xf32, #tpu.memory_space<hbm>>
        tpu.enqueue_indirect_dma source(%dma_start3A_283 : memref<100000xf32, #tpu.memory_space<hbm>>) target(%dma_start3A_277 : memref<128xf32, #tpu.memory_space<vmem>>) offsets(%dma_start3A_280 : memref<128xi32, #tpu.memory_space<vmem>>) semaphore(%arg13 : memref<!tpu.dma_semaphore, #tpu.memory_space<semaphore_mem>>)
        %add3A_284 = arith.constant 1 : i32
        %add3A_285 = arith.addi %mul3A_270, %add3A_284 : i32
        %mul3A_286 = arith.constant 100000 : i32
        %mul3A_287 = arith.muli %add3A_285, %mul3A_286 : i32
        %dma_start3A_288 = arith.constant 0 : i32
        %dma_start3A_289 = tpu.memref_slice %arg11[%add3A_285, %dma_start3A_288] : memref<256x128xf32, #tpu.memory_space<vmem>> -> memref<1x128xf32, #tpu.memory_space<vmem>>
        %dma_start3A_290 = tpu.memref_squeeze %dma_start3A_289 : memref<1x128xf32, #tpu.memory_space<vmem>> -> memref<128xf32, #tpu.memory_space<vmem>>
        %dma_start3A_291 = arith.constant 0 : i32
        %dma_start3A_292 = tpu.memref_slice %arg9[%while3A_268, %dma_start3A_291] : memref<16x128xi32, #tpu.memory_space<vmem>> -> memref<1x128xi32, #tpu.memory_space<vmem>>
        %dma_start3A_293 = tpu.memref_squeeze %dma_start3A_292 : memref<1x128xi32, #tpu.memory_space<vmem>> -> memref<128xi32, #tpu.memory_space<vmem>>
        %dma_start3A_294 = tpu.memref_slice %arg5[%mul3A_287] : memref<25600000xf32, #tpu.memory_space<hbm>> -> memref<100000xf32, #tpu.memory_space<hbm>>
        %dma_start3A_295 = arith.constant 0 : i32
        %dma_start3A_296 = tpu.memref_slice %dma_start3A_294[%dma_start3A_295] : memref<100000xf32, #tpu.memory_space<hbm>> -> memref<100000xf32, #tpu.memory_space<hbm>>
        tpu.enqueue_indirect_dma source(%dma_start3A_296 : memref<100000xf32, #tpu.memory_space<hbm>>) target(%dma_start3A_290 : memref<128xf32, #tpu.memory_space<vmem>>) offsets(%dma_start3A_293 : memref<128xi32, #tpu.memory_space<vmem>>) semaphore(%arg13 : memref<!tpu.dma_semaphore, #tpu.memory_space<semaphore_mem>>)
        %add3A_297 = arith.constant 2 : i32
        %add3A_298 = arith.addi %mul3A_270, %add3A_297 : i32
        %mul3A_299 = arith.constant 100000 : i32
        %mul3A_300 = arith.muli %add3A_298, %mul3A_299 : i32
        %dma_start3A_301 = arith.constant 0 : i32
        %dma_start3A_302 = tpu.memref_slice %arg11[%add3A_298, %dma_start3A_301] : memref<256x128xf32, #tpu.memory_space<vmem>> -> memref<1x128xf32, #tpu.memory_space<vmem>>
        %dma_start3A_303 = tpu.memref_squeeze %dma_start3A_302 : memref<1x128xf32, #tpu.memory_space<vmem>> -> memref<128xf32, #tpu.memory_space<vmem>>
        %dma_start3A_304 = arith.constant 0 : i32
        %dma_start3A_305 = tpu.memref_slice %arg9[%while3A_268, %dma_start3A_304] : memref<16x128xi32, #tpu.memory_space<vmem>> -> memref<1x128xi32, #tpu.memory_space<vmem>>
        %dma_start3A_306 = tpu.memref_squeeze %dma_start3A_305 : memref<1x128xi32, #tpu.memory_space<vmem>> -> memref<128xi32, #tpu.memory_space<vmem>>
        %dma_start3A_307 = tpu.memref_slice %arg5[%mul3A_300] : memref<25600000xf32, #tpu.memory_space<hbm>> -> memref<100000xf32, #tpu.memory_space<hbm>>
        %dma_start3A_308 = arith.constant 0 : i32
        %dma_start3A_309 = tpu.memref_slice %dma_start3A_307[%dma_start3A_308] : memref<100000xf32, #tpu.memory_space<hbm>> -> memref<100000xf32, #tpu.memory_space<hbm>>
        tpu.enqueue_indirect_dma source(%dma_start3A_309 : memref<100000xf32, #tpu.memory_space<hbm>>) target(%dma_start3A_303 : memref<128xf32, #tpu.memory_space<vmem>>) offsets(%dma_start3A_306 : memref<128xi32, #tpu.memory_space<vmem>>) semaphore(%arg13 : memref<!tpu.dma_semaphore, #tpu.memory_space<semaphore_mem>>)
        %add3A_310 = arith.constant 3 : i32
        %add3A_311 = arith.addi %mul3A_270, %add3A_310 : i32
        %mul3A_312 = arith.constant 100000 : i32
        %mul3A_313 = arith.muli %add3A_311, %mul3A_312 : i32
        %dma_start3A_314 = arith.constant 0 : i32
        %dma_start3A_315 = tpu.memref_slice %arg11[%add3A_311, %dma_start3A_314] : memref<256x128xf32, #tpu.memory_space<vmem>> -> memref<1x128xf32, #tpu.memory_space<vmem>>
        %dma_start3A_316 = tpu.memref_squeeze %dma_start3A_315 : memref<1x128xf32, #tpu.memory_space<vmem>> -> memref<128xf32, #tpu.memory_space<vmem>>
        %dma_start3A_317 = arith.constant 0 : i32
        %dma_start3A_318 = tpu.memref_slice %arg9[%while3A_268, %dma_start3A_317] : memref<16x128xi32, #tpu.memory_space<vmem>> -> memref<1x128xi32, #tpu.memory_space<vmem>>
        %dma_start3A_319 = tpu.memref_squeeze %dma_start3A_318 : memref<1x128xi32, #tpu.memory_space<vmem>> -> memref<128xi32, #tpu.memory_space<vmem>>
        %dma_start3A_320 = tpu.memref_slice %arg5[%mul3A_313] : memref<25600000xf32, #tpu.memory_space<hbm>> -> memref<100000xf32, #tpu.memory_space<hbm>>
        %dma_start3A_321 = arith.constant 0 : i32
        %dma_start3A_322 = tpu.memref_slice %dma_start3A_320[%dma_start3A_321] : memref<100000xf32, #tpu.memory_space<hbm>> -> memref<100000xf32, #tpu.memory_space<hbm>>
        tpu.enqueue_indirect_dma source(%dma_start3A_322 : memref<100000xf32, #tpu.memory_space<hbm>>) target(%dma_start3A_316 : memref<128xf32, #tpu.memory_space<vmem>>) offsets(%dma_start3A_319 : memref<128xi32, #tpu.memory_space<vmem>>) semaphore(%arg13 : memref<!tpu.dma_semaphore, #tpu.memory_space<semaphore_mem>>)
        %add3A_323 = arith.constant 4 : i32
        %add3A_324 = arith.addi %mul3A_270, %add3A_323 : i32
        %mul3A_325 = arith.constant 100000 : i32
        %mul3A_326 = arith.muli %add3A_324, %mul3A_325 : i32
        %dma_start3A_327 = arith.constant 0 : i32
        %dma_start3A_328 = tpu.memref_slice %arg11[%add3A_324, %dma_start3A_327] : memref<256x128xf32, #tpu.memory_space<vmem>> -> memref<1x128xf32, #tpu.memory_space<vmem>>
        %dma_start3A_329 = tpu.memref_squeeze %dma_start3A_328 : memref<1x128xf32, #tpu.memory_space<vmem>> -> memref<128xf32, #tpu.memory_space<vmem>>
        %dma_start3A_330 = arith.constant 0 : i32
        %dma_start3A_331 = tpu.memref_slice %arg9[%while3A_268, %dma_start3A_330] : memref<16x128xi32, #tpu.memory_space<vmem>> -> memref<1x128xi32, #tpu.memory_space<vmem>>
        %dma_start3A_332 = tpu.memref_squeeze %dma_start3A_331 : memref<1x128xi32, #tpu.memory_space<vmem>> -> memref<128xi32, #tpu.memory_space<vmem>>
        %dma_start3A_333 = tpu.memref_slice %arg5[%mul3A_326] : memref<25600000xf32, #tpu.memory_space<hbm>> -> memref<100000xf32, #tpu.memory_space<hbm>>
        %dma_start3A_334 = arith.constant 0 : i32
        %dma_start3A_335 = tpu.memref_slice %dma_start3A_333[%dma_start3A_334] : memref<100000xf32, #tpu.memory_space<hbm>> -> memref<100000xf32, #tpu.memory_space<hbm>>
        tpu.enqueue_indirect_dma source(%dma_start3A_335 : memref<100000xf32, #tpu.memory_space<hbm>>) target(%dma_start3A_329 : memref<128xf32, #tpu.memory_space<vmem>>) offsets(%dma_start3A_332 : memref<128xi32, #tpu.memory_space<vmem>>) semaphore(%arg13 : memref<!tpu.dma_semaphore, #tpu.memory_space<semaphore_mem>>)
        %add3A_336 = arith.constant 5 : i32
        %add3A_337 = arith.addi %mul3A_270, %add3A_336 : i32
        %mul3A_338 = arith.constant 100000 : i32
        %mul3A_339 = arith.muli %add3A_337, %mul3A_338 : i32
        %dma_start3A_340 = arith.constant 0 : i32
        %dma_start3A_341 = tpu.memref_slice %arg11[%add3A_337, %dma_start3A_340] : memref<256x128xf32, #tpu.memory_space<vmem>> -> memref<1x128xf32, #tpu.memory_space<vmem>>
        %dma_start3A_342 = tpu.memref_squeeze %dma_start3A_341 : memref<1x128xf32, #tpu.memory_space<vmem>> -> memref<128xf32, #tpu.memory_space<vmem>>
        %dma_start3A_343 = arith.constant 0 : i32
        %dma_start3A_344 = tpu.memref_slice %arg9[%while3A_268, %dma_start3A_343] : memref<16x128xi32, #tpu.memory_space<vmem>> -> memref<1x128xi32, #tpu.memory_space<vmem>>
        %dma_start3A_345 = tpu.memref_squeeze %dma_start3A_344 : memref<1x128xi32, #tpu.memory_space<vmem>> -> memref<128xi32, #tpu.memory_space<vmem>>
        %dma_start3A_346 = tpu.memref_slice %arg5[%mul3A_339] : memref<25600000xf32, #tpu.memory_space<hbm>> -> memref<100000xf32, #tpu.memory_space<hbm>>
        %dma_start3A_347 = arith.constant 0 : i32
        %dma_start3A_348 = tpu.memref_slice %dma_start3A_346[%dma_start3A_347] : memref<100000xf32, #tpu.memory_space<hbm>> -> memref<100000xf32, #tpu.memory_space<hbm>>
        tpu.enqueue_indirect_dma source(%dma_start3A_348 : memref<100000xf32, #tpu.memory_space<hbm>>) target(%dma_start3A_342 : memref<128xf32, #tpu.memory_space<vmem>>) offsets(%dma_start3A_345 : memref<128xi32, #tpu.memory_space<vmem>>) semaphore(%arg13 : memref<!tpu.dma_semaphore, #tpu.memory_space<semaphore_mem>>)
        %add3A_349 = arith.constant 6 : i32
        %add3A_350 = arith.addi %mul3A_270, %add3A_349 : i32
        %mul3A_351 = arith.constant 100000 : i32
        %mul3A_352 = arith.muli %add3A_350, %mul3A_351 : i32
        %dma_start3A_353 = arith.constant 0 : i32
        %dma_start3A_354 = tpu.memref_slice %arg11[%add3A_350, %dma_start3A_353] : memref<256x128xf32, #tpu.memory_space<vmem>> -> memref<1x128xf32, #tpu.memory_space<vmem>>
        %dma_start3A_355 = tpu.memref_squeeze %dma_start3A_354 : memref<1x128xf32, #tpu.memory_space<vmem>> -> memref<128xf32, #tpu.memory_space<vmem>>
        %dma_start3A_356 = arith.constant 0 : i32
        %dma_start3A_357 = tpu.memref_slice %arg9[%while3A_268, %dma_start3A_356] : memref<16x128xi32, #tpu.memory_space<vmem>> -> memref<1x128xi32, #tpu.memory_space<vmem>>
        %dma_start3A_358 = tpu.memref_squeeze %dma_start3A_357 : memref<1x128xi32, #tpu.memory_space<vmem>> -> memref<128xi32, #tpu.memory_space<vmem>>
        %dma_start3A_359 = tpu.memref_slice %arg5[%mul3A_352] : memref<25600000xf32, #tpu.memory_space<hbm>> -> memref<100000xf32, #tpu.memory_space<hbm>>
        %dma_start3A_360 = arith.constant 0 : i32
        %dma_start3A_361 = tpu.memref_slice %dma_start3A_359[%dma_start3A_360] : memref<100000xf32, #tpu.memory_space<hbm>> -> memref<100000xf32, #tpu.memory_space<hbm>>
        tpu.enqueue_indirect_dma source(%dma_start3A_361 : memref<100000xf32, #tpu.memory_space<hbm>>) target(%dma_start3A_355 : memref<128xf32, #tpu.memory_space<vmem>>) offsets(%dma_start3A_358 : memref<128xi32, #tpu.memory_space<vmem>>) semaphore(%arg13 : memref<!tpu.dma_semaphore, #tpu.memory_space<semaphore_mem>>)
        %add3A_362 = arith.constant 7 : i32
        %add3A_363 = arith.addi %mul3A_270, %add3A_362 : i32
        %mul3A_364 = arith.constant 100000 : i32
        %mul3A_365 = arith.muli %add3A_363, %mul3A_364 : i32
        %dma_start3A_366 = arith.constant 0 : i32
        %dma_start3A_367 = tpu.memref_slice %arg11[%add3A_363, %dma_start3A_366] : memref<256x128xf32, #tpu.memory_space<vmem>> -> memref<1x128xf32, #tpu.memory_space<vmem>>
        %dma_start3A_368 = tpu.memref_squeeze %dma_start3A_367 : memref<1x128xf32, #tpu.memory_space<vmem>> -> memref<128xf32, #tpu.memory_space<vmem>>
        %dma_start3A_369 = arith.constant 0 : i32
        %dma_start3A_370 = tpu.memref_slice %arg9[%while3A_268, %dma_start3A_369] : memref<16x128xi32, #tpu.memory_space<vmem>> -> memref<1x128xi32, #tpu.memory_space<vmem>>
        %dma_start3A_371 = tpu.memref_squeeze %dma_start3A_370 : memref<1x128xi32, #tpu.memory_space<vmem>> -> memref<128xi32, #tpu.memory_space<vmem>>
        %dma_start3A_372 = tpu.memref_slice %arg5[%mul3A_365] : memref<25600000xf32, #tpu.memory_space<hbm>> -> memref<100000xf32, #tpu.memory_space<hbm>>
        %dma_start3A_373 = arith.constant 0 : i32
        %dma_start3A_374 = tpu.memref_slice %dma_start3A_372[%dma_start3A_373] : memref<100000xf32, #tpu.memory_space<hbm>> -> memref<100000xf32, #tpu.memory_space<hbm>>
        tpu.enqueue_indirect_dma source(%dma_start3A_374 : memref<100000xf32, #tpu.memory_space<hbm>>) target(%dma_start3A_368 : memref<128xf32, #tpu.memory_space<vmem>>) offsets(%dma_start3A_371 : memref<128xi32, #tpu.memory_space<vmem>>) semaphore(%arg13 : memref<!tpu.dma_semaphore, #tpu.memory_space<semaphore_mem>>)
        %add3A_375 = arith.constant 8 : i32
        %add3A_376 = arith.addi %mul3A_270, %add3A_375 : i32
        %mul3A_377 = arith.constant 100000 : i32
        %mul3A_378 = arith.muli %add3A_376, %mul3A_377 : i32
        %dma_start3A_379 = arith.constant 0 : i32
        %dma_start3A_380 = tpu.memref_slice %arg11[%add3A_376, %dma_start3A_379] : memref<256x128xf32, #tpu.memory_space<vmem>> -> memref<1x128xf32, #tpu.memory_space<vmem>>
        %dma_start3A_381 = tpu.memref_squeeze %dma_start3A_380 : memref<1x128xf32, #tpu.memory_space<vmem>> -> memref<128xf32, #tpu.memory_space<vmem>>
        %dma_start3A_382 = arith.constant 0 : i32
        %dma_start3A_383 = tpu.memref_slice %arg9[%while3A_268, %dma_start3A_382] : memref<16x128xi32, #tpu.memory_space<vmem>> -> memref<1x128xi32, #tpu.memory_space<vmem>>
        %dma_start3A_384 = tpu.memref_squeeze %dma_start3A_383 : memref<1x128xi32, #tpu.memory_space<vmem>> -> memref<128xi32, #tpu.memory_space<vmem>>
        %dma_start3A_385 = tpu.memref_slice %arg5[%mul3A_378] : memref<25600000xf32, #tpu.memory_space<hbm>> -> memref<100000xf32, #tpu.memory_space<hbm>>
        %dma_start3A_386 = arith.constant 0 : i32
        %dma_start3A_387 = tpu.memref_slice %dma_start3A_385[%dma_start3A_386] : memref<100000xf32, #tpu.memory_space<hbm>> -> memref<100000xf32, #tpu.memory_space<hbm>>
        tpu.enqueue_indirect_dma source(%dma_start3A_387 : memref<100000xf32, #tpu.memory_space<hbm>>) target(%dma_start3A_381 : memref<128xf32, #tpu.memory_space<vmem>>) offsets(%dma_start3A_384 : memref<128xi32, #tpu.memory_space<vmem>>) semaphore(%arg13 : memref<!tpu.dma_semaphore, #tpu.memory_space<semaphore_mem>>)
        %add3A_388 = arith.constant 9 : i32
        %add3A_389 = arith.addi %mul3A_270, %add3A_388 : i32
        %mul3A_390 = arith.constant 100000 : i32
        %mul3A_391 = arith.muli %add3A_389, %mul3A_390 : i32
        %dma_start3A_392 = arith.constant 0 : i32
        %dma_start3A_393 = tpu.memref_slice %arg11[%add3A_389, %dma_start3A_392] : memref<256x128xf32, #tpu.memory_space<vmem>> -> memref<1x128xf32, #tpu.memory_space<vmem>>
        %dma_start3A_394 = tpu.memref_squeeze %dma_start3A_393 : memref<1x128xf32, #tpu.memory_space<vmem>> -> memref<128xf32, #tpu.memory_space<vmem>>
        %dma_start3A_395 = arith.constant 0 : i32
        %dma_start3A_396 = tpu.memref_slice %arg9[%while3A_268, %dma_start3A_395] : memref<16x128xi32, #tpu.memory_space<vmem>> -> memref<1x128xi32, #tpu.memory_space<vmem>>
        %dma_start3A_397 = tpu.memref_squeeze %dma_start3A_396 : memref<1x128xi32, #tpu.memory_space<vmem>> -> memref<128xi32, #tpu.memory_space<vmem>>
        %dma_start3A_398 = tpu.memref_slice %arg5[%mul3A_391] : memref<25600000xf32, #tpu.memory_space<hbm>> -> memref<100000xf32, #tpu.memory_space<hbm>>
        %dma_start3A_399 = arith.constant 0 : i32
        %dma_start3A_400 = tpu.memref_slice %dma_start3A_398[%dma_start3A_399] : memref<100000xf32, #tpu.memory_space<hbm>> -> memref<100000xf32, #tpu.memory_space<hbm>>
        tpu.enqueue_indirect_dma source(%dma_start3A_400 : memref<100000xf32, #tpu.memory_space<hbm>>) target(%dma_start3A_394 : memref<128xf32, #tpu.memory_space<vmem>>) offsets(%dma_start3A_397 : memref<128xi32, #tpu.memory_space<vmem>>) semaphore(%arg13 : memref<!tpu.dma_semaphore, #tpu.memory_space<semaphore_mem>>)
        %add3A_401 = arith.constant 10 : i32
        %add3A_402 = arith.addi %mul3A_270, %add3A_401 : i32
        %mul3A_403 = arith.constant 100000 : i32
        %mul3A_404 = arith.muli %add3A_402, %mul3A_403 : i32
        %dma_start3A_405 = arith.constant 0 : i32
        %dma_start3A_406 = tpu.memref_slice %arg11[%add3A_402, %dma_start3A_405] : memref<256x128xf32, #tpu.memory_space<vmem>> -> memref<1x128xf32, #tpu.memory_space<vmem>>
        %dma_start3A_407 = tpu.memref_squeeze %dma_start3A_406 : memref<1x128xf32, #tpu.memory_space<vmem>> -> memref<128xf32, #tpu.memory_space<vmem>>
        %dma_start3A_408 = arith.constant 0 : i32
        %dma_start3A_409 = tpu.memref_slice %arg9[%while3A_268, %dma_start3A_408] : memref<16x128xi32, #tpu.memory_space<vmem>> -> memref<1x128xi32, #tpu.memory_space<vmem>>
        %dma_start3A_410 = tpu.memref_squeeze %dma_start3A_409 : memref<1x128xi32, #tpu.memory_space<vmem>> -> memref<128xi32, #tpu.memory_space<vmem>>
        %dma_start3A_411 = tpu.memref_slice %arg5[%mul3A_404] : memref<25600000xf32, #tpu.memory_space<hbm>> -> memref<100000xf32, #tpu.memory_space<hbm>>
        %dma_start3A_412 = arith.constant 0 : i32
        %dma_start3A_413 = tpu.memref_slice %dma_start3A_411[%dma_start3A_412] : memref<100000xf32, #tpu.memory_space<hbm>> -> memref<100000xf32, #tpu.memory_space<hbm>>
        tpu.enqueue_indirect_dma source(%dma_start3A_413 : memref<100000xf32, #tpu.memory_space<hbm>>) target(%dma_start3A_407 : memref<128xf32, #tpu.memory_space<vmem>>) offsets(%dma_start3A_410 : memref<128xi32, #tpu.memory_space<vmem>>) semaphore(%arg13 : memref<!tpu.dma_semaphore, #tpu.memory_space<semaphore_mem>>)
        %add3A_414 = arith.constant 11 : i32
        %add3A_415 = arith.addi %mul3A_270, %add3A_414 : i32
        %mul3A_416 = arith.constant 100000 : i32
        %mul3A_417 = arith.muli %add3A_415, %mul3A_416 : i32
        %dma_start3A_418 = arith.constant 0 : i32
        %dma_start3A_419 = tpu.memref_slice %arg11[%add3A_415, %dma_start3A_418] : memref<256x128xf32, #tpu.memory_space<vmem>> -> memref<1x128xf32, #tpu.memory_space<vmem>>
        %dma_start3A_420 = tpu.memref_squeeze %dma_start3A_419 : memref<1x128xf32, #tpu.memory_space<vmem>> -> memref<128xf32, #tpu.memory_space<vmem>>
        %dma_start3A_421 = arith.constant 0 : i32
        %dma_start3A_422 = tpu.memref_slice %arg9[%while3A_268, %dma_start3A_421] : memref<16x128xi32, #tpu.memory_space<vmem>> -> memref<1x128xi32, #tpu.memory_space<vmem>>
        %dma_start3A_423 = tpu.memref_squeeze %dma_start3A_422 : memref<1x128xi32, #tpu.memory_space<vmem>> -> memref<128xi32, #tpu.memory_space<vmem>>
        %dma_start3A_424 = tpu.memref_slice %arg5[%mul3A_417] : memref<25600000xf32, #tpu.memory_space<hbm>> -> memref<100000xf32, #tpu.memory_space<hbm>>
        %dma_start3A_425 = arith.constant 0 : i32
        %dma_start3A_426 = tpu.memref_slice %dma_start3A_424[%dma_start3A_425] : memref<100000xf32, #tpu.memory_space<hbm>> -> memref<100000xf32, #tpu.memory_space<hbm>>
        tpu.enqueue_indirect_dma source(%dma_start3A_426 : memref<100000xf32, #tpu.memory_space<hbm>>) target(%dma_start3A_420 : memref<128xf32, #tpu.memory_space<vmem>>) offsets(%dma_start3A_423 : memref<128xi32, #tpu.memory_space<vmem>>) semaphore(%arg13 : memref<!tpu.dma_semaphore, #tpu.memory_space<semaphore_mem>>)
        %add3A_427 = arith.constant 12 : i32
        %add3A_428 = arith.addi %mul3A_270, %add3A_427 : i32
        %mul3A_429 = arith.constant 100000 : i32
        %mul3A_430 = arith.muli %add3A_428, %mul3A_429 : i32
        %dma_start3A_431 = arith.constant 0 : i32
        %dma_start3A_432 = tpu.memref_slice %arg11[%add3A_428, %dma_start3A_431] : memref<256x128xf32, #tpu.memory_space<vmem>> -> memref<1x128xf32, #tpu.memory_space<vmem>>
        %dma_start3A_433 = tpu.memref_squeeze %dma_start3A_432 : memref<1x128xf32, #tpu.memory_space<vmem>> -> memref<128xf32, #tpu.memory_space<vmem>>
        %dma_start3A_434 = arith.constant 0 : i32
        %dma_start3A_435 = tpu.memref_slice %arg9[%while3A_268, %dma_start3A_434] : memref<16x128xi32, #tpu.memory_space<vmem>> -> memref<1x128xi32, #tpu.memory_space<vmem>>
        %dma_start3A_436 = tpu.memref_squeeze %dma_start3A_435 : memref<1x128xi32, #tpu.memory_space<vmem>> -> memref<128xi32, #tpu.memory_space<vmem>>
        %dma_start3A_437 = tpu.memref_slice %arg5[%mul3A_430] : memref<25600000xf32, #tpu.memory_space<hbm>> -> memref<100000xf32, #tpu.memory_space<hbm>>
        %dma_start3A_438 = arith.constant 0 : i32
        %dma_start3A_439 = tpu.memref_slice %dma_start3A_437[%dma_start3A_438] : memref<100000xf32, #tpu.memory_space<hbm>> -> memref<100000xf32, #tpu.memory_space<hbm>>
        tpu.enqueue_indirect_dma source(%dma_start3A_439 : memref<100000xf32, #tpu.memory_space<hbm>>) target(%dma_start3A_433 : memref<128xf32, #tpu.memory_space<vmem>>) offsets(%dma_start3A_436 : memref<128xi32, #tpu.memory_space<vmem>>) semaphore(%arg13 : memref<!tpu.dma_semaphore, #tpu.memory_space<semaphore_mem>>)
        %add3A_440 = arith.constant 13 : i32
        %add3A_441 = arith.addi %mul3A_270, %add3A_440 : i32
        %mul3A_442 = arith.constant 100000 : i32
        %mul3A_443 = arith.muli %add3A_441, %mul3A_442 : i32
        %dma_start3A_444 = arith.constant 0 : i32
        %dma_start3A_445 = tpu.memref_slice %arg11[%add3A_441, %dma_start3A_444] : memref<256x128xf32, #tpu.memory_space<vmem>> -> memref<1x128xf32, #tpu.memory_space<vmem>>
        %dma_start3A_446 = tpu.memref_squeeze %dma_start3A_445 : memref<1x128xf32, #tpu.memory_space<vmem>> -> memref<128xf32, #tpu.memory_space<vmem>>
        %dma_start3A_447 = arith.constant 0 : i32
        %dma_start3A_448 = tpu.memref_slice %arg9[%while3A_268, %dma_start3A_447] : memref<16x128xi32, #tpu.memory_space<vmem>> -> memref<1x128xi32, #tpu.memory_space<vmem>>
        %dma_start3A_449 = tpu.memref_squeeze %dma_start3A_448 : memref<1x128xi32, #tpu.memory_space<vmem>> -> memref<128xi32, #tpu.memory_space<vmem>>
        %dma_start3A_450 = tpu.memref_slice %arg5[%mul3A_443] : memref<25600000xf32, #tpu.memory_space<hbm>> -> memref<100000xf32, #tpu.memory_space<hbm>>
        %dma_start3A_451 = arith.constant 0 : i32
        %dma_start3A_452 = tpu.memref_slice %dma_start3A_450[%dma_start3A_451] : memref<100000xf32, #tpu.memory_space<hbm>> -> memref<100000xf32, #tpu.memory_space<hbm>>
        tpu.enqueue_indirect_dma source(%dma_start3A_452 : memref<100000xf32, #tpu.memory_space<hbm>>) target(%dma_start3A_446 : memref<128xf32, #tpu.memory_space<vmem>>) offsets(%dma_start3A_449 : memref<128xi32, #tpu.memory_space<vmem>>) semaphore(%arg13 : memref<!tpu.dma_semaphore, #tpu.memory_space<semaphore_mem>>)
        %add3A_453 = arith.constant 14 : i32
        %add3A_454 = arith.addi %mul3A_270, %add3A_453 : i32
        %mul3A_455 = arith.constant 100000 : i32
        %mul3A_456 = arith.muli %add3A_454, %mul3A_455 : i32
        %dma_start3A_457 = arith.constant 0 : i32
        %dma_start3A_458 = tpu.memref_slice %arg11[%add3A_454, %dma_start3A_457] : memref<256x128xf32, #tpu.memory_space<vmem>> -> memref<1x128xf32, #tpu.memory_space<vmem>>
        %dma_start3A_459 = tpu.memref_squeeze %dma_start3A_458 : memref<1x128xf32, #tpu.memory_space<vmem>> -> memref<128xf32, #tpu.memory_space<vmem>>
        %dma_start3A_460 = arith.constant 0 : i32
        %dma_start3A_461 = tpu.memref_slice %arg9[%while3A_268, %dma_start3A_460] : memref<16x128xi32, #tpu.memory_space<vmem>> -> memref<1x128xi32, #tpu.memory_space<vmem>>
        %dma_start3A_462 = tpu.memref_squeeze %dma_start3A_461 : memref<1x128xi32, #tpu.memory_space<vmem>> -> memref<128xi32, #tpu.memory_space<vmem>>
        %dma_start3A_463 = tpu.memref_slice %arg5[%mul3A_456] : memref<25600000xf32, #tpu.memory_space<hbm>> -> memref<100000xf32, #tpu.memory_space<hbm>>
        %dma_start3A_464 = arith.constant 0 : i32
        %dma_start3A_465 = tpu.memref_slice %dma_start3A_463[%dma_start3A_464] : memref<100000xf32, #tpu.memory_space<hbm>> -> memref<100000xf32, #tpu.memory_space<hbm>>
        tpu.enqueue_indirect_dma source(%dma_start3A_465 : memref<100000xf32, #tpu.memory_space<hbm>>) target(%dma_start3A_459 : memref<128xf32, #tpu.memory_space<vmem>>) offsets(%dma_start3A_462 : memref<128xi32, #tpu.memory_space<vmem>>) semaphore(%arg13 : memref<!tpu.dma_semaphore, #tpu.memory_space<semaphore_mem>>)
        %add3A_466 = arith.constant 15 : i32
        %add3A_467 = arith.addi %mul3A_270, %add3A_466 : i32
        %mul3A_468 = arith.constant 100000 : i32
        %mul3A_469 = arith.muli %add3A_467, %mul3A_468 : i32
        %dma_start3A_470 = arith.constant 0 : i32
        %dma_start3A_471 = tpu.memref_slice %arg11[%add3A_467, %dma_start3A_470] : memref<256x128xf32, #tpu.memory_space<vmem>> -> memref<1x128xf32, #tpu.memory_space<vmem>>
        %dma_start3A_472 = tpu.memref_squeeze %dma_start3A_471 : memref<1x128xf32, #tpu.memory_space<vmem>> -> memref<128xf32, #tpu.memory_space<vmem>>
        %dma_start3A_473 = arith.constant 0 : i32
        %dma_start3A_474 = tpu.memref_slice %arg9[%while3A_268, %dma_start3A_473] : memref<16x128xi32, #tpu.memory_space<vmem>> -> memref<1x128xi32, #tpu.memory_space<vmem>>
        %dma_start3A_475 = tpu.memref_squeeze %dma_start3A_474 : memref<1x128xi32, #tpu.memory_space<vmem>> -> memref<128xi32, #tpu.memory_space<vmem>>
        %dma_start3A_476 = tpu.memref_slice %arg5[%mul3A_469] : memref<25600000xf32, #tpu.memory_space<hbm>> -> memref<100000xf32, #tpu.memory_space<hbm>>
        %dma_start3A_477 = arith.constant 0 : i32
        %dma_start3A_478 = tpu.memref_slice %dma_start3A_476[%dma_start3A_477] : memref<100000xf32, #tpu.memory_space<hbm>> -> memref<100000xf32, #tpu.memory_space<hbm>>
        tpu.enqueue_indirect_dma source(%dma_start3A_478 : memref<100000xf32, #tpu.memory_space<hbm>>) target(%dma_start3A_472 : memref<128xf32, #tpu.memory_space<vmem>>) offsets(%dma_start3A_475 : memref<128xi32, #tpu.memory_space<vmem>>) semaphore(%arg13 : memref<!tpu.dma_semaphore, #tpu.memory_space<semaphore_mem>>)
        %sub3A = arith.constant 1 : i32
        %sub3A_479 = arith.subi %while3A_268, %sub3A : i32
        %mul3A_480 = arith.constant 16 : i32
        %mul3A_481 = arith.muli %sub3A_479, %mul3A_480 : i32
        %dma_wait3A_482 = arith.constant 0 : i32
        %dma_wait3A_483 = tpu.memref_slice %arg11[%mul3A_481, %dma_wait3A_482] : memref<256x128xf32, #tpu.memory_space<vmem>> -> memref<16x128xf32, #tpu.memory_space<vmem>>
        %dma_wait3A_484 = tpu.memref_slice %arg7[%mul3A_481, %mul3A_16] : memref<256x20480xf32, #tpu.memory_space<hbm>> -> memref<16x128xf32, #tpu.memory_space<hbm>>
        %dma_wait3A_485 = arith.constant 0 : i32
        %dma_wait3A_486 = tpu.memref_slice %arg11[%mul3A_481, %dma_wait3A_485] : memref<256x128xf32, #tpu.memory_space<vmem>> -> memref<16x128xf32, #tpu.memory_space<vmem>>
        %dma_wait3A_487 = tpu.memref_slice %arg7[%mul3A_481, %mul3A_16] : memref<256x20480xf32, #tpu.memory_space<hbm>> -> memref<16x128xf32, #tpu.memory_space<hbm>>
        tpu.wait_dma2 semaphore(%arg13 : memref<!tpu.dma_semaphore, #tpu.memory_space<semaphore_mem>>) src(%dma_wait3A_487 : memref<16x128xf32, #tpu.memory_space<hbm>>) dst(%dma_wait3A_486 : memref<16x128xf32, #tpu.memory_space<vmem>>)
      }
      %mul3A_257 = arith.constant 15 : i32
      %mul3A_258 = arith.constant 16 : i32
      %mul3A_259 = arith.muli %mul3A_257, %mul3A_258 : i32
      %dma_wait3A = arith.constant 0 : i32
      %dma_wait3A_260 = tpu.memref_slice %arg11[%mul3A_259, %dma_wait3A] : memref<256x128xf32, #tpu.memory_space<vmem>> -> memref<16x128xf32, #tpu.memory_space<vmem>>
      %dma_wait3A_261 = tpu.memref_slice %arg7[%mul3A_259, %mul3A_16] : memref<256x20480xf32, #tpu.memory_space<hbm>> -> memref<16x128xf32, #tpu.memory_space<hbm>>
      %dma_wait3A_262 = arith.constant 0 : i32
      %dma_wait3A_263 = tpu.memref_slice %arg11[%mul3A_259, %dma_wait3A_262] : memref<256x128xf32, #tpu.memory_space<vmem>> -> memref<16x128xf32, #tpu.memory_space<vmem>>
      %dma_wait3A_264 = tpu.memref_slice %arg7[%mul3A_259, %mul3A_16] : memref<256x20480xf32, #tpu.memory_space<hbm>> -> memref<16x128xf32, #tpu.memory_space<hbm>>
      tpu.wait_dma2 semaphore(%arg13 : memref<!tpu.dma_semaphore, #tpu.memory_space<semaphore_mem>>) src(%dma_wait3A_264 : memref<16x128xf32, #tpu.memory_space<hbm>>) dst(%dma_wait3A_263 : memref<16x128xf32, #tpu.memory_space<vmem>>)
      %dma_wait3A_265 = arith.constant 0 : i32
      %dma_wait3A_266 = arith.constant 0 : i32
      %dma_wait3A_267 = tpu.memref_slice %arg4[%dma_wait3A_265, %dma_wait3A_266] : memref<1024x128xf32, #tpu.memory_space<hbm>> -> memref<1024x128xf32, #tpu.memory_space<hbm>>
      tpu.wait_indirect_dma semaphore(%arg12 : memref<!tpu.dma_semaphore, #tpu.memory_space<semaphore_mem>>) src(%dma_wait3A_267 : memref<1024x128xf32, #tpu.memory_space<hbm>>) dst(%arg10 : memref<128x128xf32, #tpu.memory_space<vmem>>)
      "tpu.region"() ({
        %run_scoped3A = tpu.sem_alloc : memref<!tpu.dma_semaphore, #tpu.memory_space<semaphore_mem>>
        %dma_start3A_268 = arith.constant 0 : i32
        %dma_start3A_269 = tpu.memref_slice %arg6[%mul3A_16, %dma_start3A_268] : memref<20480x128xf32, #tpu.memory_space<hbm>> -> memref<128x128xf32, #tpu.memory_space<hbm>>
        %dma_start3A_270 = arith.constant 0 : i32
        %dma_start3A_271 = tpu.memref_slice %arg6[%mul3A_16, %dma_start3A_270] : memref<20480x128xf32, #tpu.memory_space<hbm>> -> memref<128x128xf32, #tpu.memory_space<hbm>>
        tpu.enqueue_dma source(%arg10 : memref<128x128xf32, #tpu.memory_space<vmem>>) target(%dma_start3A_271 : memref<128x128xf32, #tpu.memory_space<hbm>>) target_semaphore(%run_scoped3A : memref<!tpu.dma_semaphore, #tpu.memory_space<semaphore_mem>>)
        %dma_wait3A_272 = arith.constant 0 : i32
        %dma_wait3A_273 = tpu.memref_slice %arg6[%mul3A_16, %dma_wait3A_272] : memref<20480x128xf32, #tpu.memory_space<hbm>> -> memref<128x128xf32, #tpu.memory_space<hbm>>
        %dma_wait3A_274 = arith.constant 0 : i32
        %dma_wait3A_275 = tpu.memref_slice %arg6[%mul3A_16, %dma_wait3A_274] : memref<20480x128xf32, #tpu.memory_space<hbm>> -> memref<128x128xf32, #tpu.memory_space<hbm>>
        tpu.wait_dma2 semaphore(%run_scoped3A : memref<!tpu.dma_semaphore, #tpu.memory_space<semaphore_mem>>) src(%arg10 : memref<128x128xf32, #tpu.memory_space<vmem>>) dst(%dma_wait3A_275 : memref<128x128xf32, #tpu.memory_space<hbm>>)
        tpu.yield
      }) : () -> ()
      "tpu.region"() ({
        %run_scoped3A = tpu.sem_alloc : memref<!tpu.dma_semaphore, #tpu.memory_space<semaphore_mem>>
        %dma_start3A_268 = arith.constant 0 : i32
        %dma_start3A_269 = tpu.memref_slice %arg7[%dma_start3A_268, %mul3A_16] : memref<256x20480xf32, #tpu.memory_space<hbm>> -> memref<256x128xf32, #tpu.memory_space<hbm>>
        %dma_start3A_270 = arith.constant 0 : i32
        %dma_start3A_271 = tpu.memref_slice %arg7[%dma_start3A_270, %mul3A_16] : memref<256x20480xf32, #tpu.memory_space<hbm>> -> memref<256x128xf32, #tpu.memory_space<hbm>>
        tpu.enqueue_dma source(%arg11 : memref<256x128xf32, #tpu.memory_space<vmem>>) target(%dma_start3A_271 : memref<256x128xf32, #tpu.memory_space<hbm>>) target_semaphore(%run_scoped3A : memref<!tpu.dma_semaphore, #tpu.memory_space<semaphore_mem>>)
        %dma_wait3A_272 = arith.constant 0 : i32
        %dma_wait3A_273 = tpu.memref_slice %arg7[%dma_wait3A_272, %mul3A_16] : memref<256x20480xf32, #tpu.memory_space<hbm>> -> memref<256x128xf32, #tpu.memory_space<hbm>>
        %dma_wait3A_274 = arith.constant 0 : i32
        %dma_wait3A_275 = tpu.memref_slice %arg7[%dma_wait3A_274, %mul3A_16] : memref<256x20480xf32, #tpu.memory_space<hbm>> -> memref<256x128xf32, #tpu.memory_space<hbm>>
        tpu.wait_dma2 semaphore(%run_scoped3A : memref<!tpu.dma_semaphore, #tpu.memory_space<semaphore_mem>>) src(%arg11 : memref<256x128xf32, #tpu.memory_space<vmem>>) dst(%dma_wait3A_275 : memref<256x128xf32, #tpu.memory_space<hbm>>)
        tpu.yield
      }) : () -> ()
    }
    return
  }
}

module attributes {stable_mosaic.version = 14 : i64} {
  func.func @_dense_body(%arg0: i32, %arg1: memref<1024x128xf32, #tpu.memory_space<vmem>>, %arg2: memref<256x1024xf32, #tpu.memory_space<vmem>>, %arg3: memref<128x512xf32, #tpu.memory_space<vmem>>, %arg4: memref<256x512xf32, #tpu.memory_space<vmem>>, %arg5: memref<1x512xf32, #tpu.memory_space<vmem>>, %arg6: memref<512x512xf32, #tpu.memory_space<vmem>>, %arg7: memref<1x512xf32, #tpu.memory_space<vmem>>, %arg8: memref<1x512xf32, #tpu.memory_space<vmem>>, %arg9: memref<1x512xf32, #tpu.memory_space<vmem>>, %arg10: memref<512x512xf32, #tpu.memory_space<vmem>>, %arg11: memref<1x512xf32, #tpu.memory_space<vmem>>, %arg12: memref<1x512xf32, #tpu.memory_space<vmem>>, %arg13: memref<1x512xf32, #tpu.memory_space<vmem>>, %arg14: memref<512x1024xf32, #tpu.memory_space<vmem>>, %arg15: memref<1x1024xf32, #tpu.memory_space<vmem>>, %arg16: memref<1024x1024xf32, #tpu.memory_space<vmem>>) attributes {dimension_semantics = [#tpu.dimension_semantics<arbitrary>], iteration_bounds = array<i64: 20>, scalar_prefetch = 0 : i64, scratch_operands = 0 : i64, tpu.core_type = #tpu.core_type<tc>, window_params = [{transform_indices = @transform_0, window_bounds = array<i64: 1024, 128>}, {transform_indices = @transform_1, window_bounds = array<i64: 256, 1024>}, {pipeline_mode = #tpu.pipeline_mode<synchronous>, transform_indices = @transform_2, window_bounds = array<i64: 128, 512>}, {pipeline_mode = #tpu.pipeline_mode<synchronous>, transform_indices = @transform_3, window_bounds = array<i64: 256, 512>}, {pipeline_mode = #tpu.pipeline_mode<synchronous>, transform_indices = @transform_4, window_bounds = array<i64: 1, 512>}, {pipeline_mode = #tpu.pipeline_mode<synchronous>, transform_indices = @transform_5, window_bounds = array<i64: 512, 512>}, {pipeline_mode = #tpu.pipeline_mode<synchronous>, transform_indices = @transform_6, window_bounds = array<i64: 1, 512>}, {pipeline_mode = #tpu.pipeline_mode<synchronous>, transform_indices = @transform_7, window_bounds = array<i64: 1, 512>}, {pipeline_mode = #tpu.pipeline_mode<synchronous>, transform_indices = @transform_8, window_bounds = array<i64: 1, 512>}, {pipeline_mode = #tpu.pipeline_mode<synchronous>, transform_indices = @transform_9, window_bounds = array<i64: 512, 512>}, {pipeline_mode = #tpu.pipeline_mode<synchronous>, transform_indices = @transform_10, window_bounds = array<i64: 1, 512>}, {pipeline_mode = #tpu.pipeline_mode<synchronous>, transform_indices = @transform_11, window_bounds = array<i64: 1, 512>}, {pipeline_mode = #tpu.pipeline_mode<synchronous>, transform_indices = @transform_12, window_bounds = array<i64: 1, 512>}, {pipeline_mode = #tpu.pipeline_mode<synchronous>, transform_indices = @transform_13, window_bounds = array<i64: 512, 1024>}, {pipeline_mode = #tpu.pipeline_mode<synchronous>, transform_indices = @transform_14, window_bounds = array<i64: 1, 1024>}, {transform_indices = @transform_15, window_bounds = array<i64: 1024, 1024>}]} {
    %get3A = arith.constant 0 : index
    %get3A_0 = arith.constant 0 : index
    %get3A_1 = vector.load %arg1[%get3A, %get3A_0] : memref<1024x128xf32, #tpu.memory_space<vmem>>, vector<1024x128xf32>
    %get3A_2 = arith.constant 0 : index
    %get3A_3 = arith.constant 0 : index
    %get3A_4 = vector.load %arg3[%get3A_2, %get3A_3] : memref<128x512xf32, #tpu.memory_space<vmem>>, vector<128x512xf32>
    %dot_general3A = arith.constant dense<0.000000e+00> : vector<1024x512xf32>
    %dot_general3A_5 = tpu.matmul %get3A_1, %get3A_4, %dot_general3A {dimension_numbers = #tpu.dot_dimension_numbers<[1], [0], [0], [1], [0, 0, 1, 1], [], []>, transpose_lhs_hint = false} : vector<1024x128xf32>, vector<128x512xf32>, vector<1024x512xf32> -> vector<1024x512xf32>
    %get3A_6 = arith.constant 0 : index
    %get3A_7 = arith.constant 0 : index
    %get3A_8 = vector.load %arg2[%get3A_6, %get3A_7] : memref<256x1024xf32, #tpu.memory_space<vmem>>, vector<256x1024xf32>
    %get3A_9 = arith.constant 0 : index
    %get3A_10 = arith.constant 0 : index
    %get3A_11 = vector.load %arg4[%get3A_9, %get3A_10] : memref<256x512xf32, #tpu.memory_space<vmem>>, vector<256x512xf32>
    %dot_general3A_12 = arith.constant dense<0.000000e+00> : vector<1024x512xf32>
    %dot_general3A_13 = tpu.matmul %get3A_8, %get3A_11, %dot_general3A_12 {dimension_numbers = #tpu.dot_dimension_numbers<[0], [0], [1], [1], [0, 1, 1, 1], [], []>, transpose_lhs_hint = false} : vector<256x1024xf32>, vector<256x512xf32>, vector<1024x512xf32> -> vector<1024x512xf32>
    %add3A = arith.addf %dot_general3A_5, %dot_general3A_13 : vector<1024x512xf32>
    %get3A_14 = arith.constant 0 : index
    %get3A_15 = arith.constant 0 : index
    %get3A_16 = vector.load %arg5[%get3A_14, %get3A_15] : memref<1x512xf32, #tpu.memory_space<vmem>>, vector<1x512xf32>
    %add3A_17 = vector.broadcast %get3A_16 : vector<1x512xf32> to vector<1024x512xf32>
    %add3A_18 = arith.addf %add3A, %add3A_17 : vector<1024x512xf32>
    %get3A_19 = arith.constant 0 : index
    %get3A_20 = arith.constant 0 : index
    %get3A_21 = vector.load %arg6[%get3A_19, %get3A_20] : memref<512x512xf32, #tpu.memory_space<vmem>>, vector<512x512xf32>
    %dot_general3A_22 = arith.constant dense<0.000000e+00> : vector<1024x512xf32>
    %dot_general3A_23 = tpu.matmul %add3A_18, %get3A_21, %dot_general3A_22 {dimension_numbers = #tpu.dot_dimension_numbers<[1], [0], [0], [1], [0, 0, 1, 1], [], []>, transpose_lhs_hint = false} : vector<1024x512xf32>, vector<512x512xf32>, vector<1024x512xf32> -> vector<1024x512xf32>
    %get3A_24 = arith.constant 0 : index
    %get3A_25 = arith.constant 0 : index
    %get3A_26 = vector.load %arg7[%get3A_24, %get3A_25] : memref<1x512xf32, #tpu.memory_space<vmem>>, vector<1x512xf32>
    %add3A_27 = vector.broadcast %get3A_26 : vector<1x512xf32> to vector<1024x512xf32>
    %add3A_28 = arith.addf %dot_general3A_23, %add3A_27 : vector<1024x512xf32>
    %max3A = arith.constant 0.000000e+00 : f32
    %max3A_29 = vector.broadcast %max3A : f32 to vector<1024x512xf32>
    %max3A_30 = arith.maximumf %add3A_28, %max3A_29 : vector<1024x512xf32>
    %add3A_31 = arith.addf %max3A_30, %add3A_18 : vector<1024x512xf32>
    %reduce_sum3A = arith.constant dense<0.000000e+00> : vector<1024xf32>
    %reduce_sum3A_32 = vector.multi_reduction <add>, %add3A_31, %reduce_sum3A [1] : vector<1024x512xf32> to vector<1024xf32>
    %broadcast_in_dim3A = vector.shape_cast %reduce_sum3A_32 : vector<1024xf32> to vector<1024x1xf32>
    %div3A = arith.constant 5.120000e+02 : f32
    %div3A_33 = vector.broadcast %div3A : f32 to vector<1024x1xf32>
    %div3A_34 = arith.divf %broadcast_in_dim3A, %div3A_33 : vector<1024x1xf32>
    %sub3A = vector.broadcast %div3A_34 : vector<1024x1xf32> to vector<1024x512xf32>
    %sub3A_35 = arith.subf %add3A_31, %sub3A : vector<1024x512xf32>
    %integer_pow3A = arith.mulf %sub3A_35, %sub3A_35 : vector<1024x512xf32>
    %reduce_sum3A_36 = arith.constant dense<0.000000e+00> : vector<1024xf32>
    %reduce_sum3A_37 = vector.multi_reduction <add>, %integer_pow3A, %reduce_sum3A_36 [1] : vector<1024x512xf32> to vector<1024xf32>
    %broadcast_in_dim3A_38 = vector.shape_cast %reduce_sum3A_37 : vector<1024xf32> to vector<1024x1xf32>
    %div3A_39 = arith.constant 5.120000e+02 : f32
    %div3A_40 = vector.broadcast %div3A_39 : f32 to vector<1024x1xf32>
    %div3A_41 = arith.divf %broadcast_in_dim3A_38, %div3A_40 : vector<1024x1xf32>
    %sub3A_42 = vector.broadcast %div3A_34 : vector<1024x1xf32> to vector<1024x512xf32>
    %sub3A_43 = arith.subf %add3A_31, %sub3A_42 : vector<1024x512xf32>
    %add3A_44 = arith.constant 9.99999974E-6 : f32
    %add3A_45 = vector.broadcast %add3A_44 : f32 to vector<1024x1xf32>
    %add3A_46 = arith.addf %div3A_41, %add3A_45 : vector<1024x1xf32>
    %sqrt3A = math.sqrt %add3A_46 : vector<1024x1xf32>
    %div3A_47 = vector.broadcast %sqrt3A : vector<1024x1xf32> to vector<1024x512xf32>
    %div3A_48 = arith.divf %sub3A_43, %div3A_47 : vector<1024x512xf32>
    %get3A_49 = arith.constant 0 : index
    %get3A_50 = arith.constant 0 : index
    %get3A_51 = vector.load %arg8[%get3A_49, %get3A_50] : memref<1x512xf32, #tpu.memory_space<vmem>>, vector<1x512xf32>
    %mul3A = vector.broadcast %get3A_51 : vector<1x512xf32> to vector<1024x512xf32>
    %mul3A_52 = arith.mulf %div3A_48, %mul3A : vector<1024x512xf32>
    %get3A_53 = arith.constant 0 : index
    %get3A_54 = arith.constant 0 : index
    %get3A_55 = vector.load %arg9[%get3A_53, %get3A_54] : memref<1x512xf32, #tpu.memory_space<vmem>>, vector<1x512xf32>
    %add3A_56 = vector.broadcast %get3A_55 : vector<1x512xf32> to vector<1024x512xf32>
    %add3A_57 = arith.addf %mul3A_52, %add3A_56 : vector<1024x512xf32>
    %get3A_58 = arith.constant 0 : index
    %get3A_59 = arith.constant 0 : index
    %get3A_60 = vector.load %arg10[%get3A_58, %get3A_59] : memref<512x512xf32, #tpu.memory_space<vmem>>, vector<512x512xf32>
    %dot_general3A_61 = arith.constant dense<0.000000e+00> : vector<1024x512xf32>
    %dot_general3A_62 = tpu.matmul %add3A_57, %get3A_60, %dot_general3A_61 {dimension_numbers = #tpu.dot_dimension_numbers<[1], [0], [0], [1], [0, 0, 1, 1], [], []>, transpose_lhs_hint = false} : vector<1024x512xf32>, vector<512x512xf32>, vector<1024x512xf32> -> vector<1024x512xf32>
    %get3A_63 = arith.constant 0 : index
    %get3A_64 = arith.constant 0 : index
    %get3A_65 = vector.load %arg11[%get3A_63, %get3A_64] : memref<1x512xf32, #tpu.memory_space<vmem>>, vector<1x512xf32>
    %add3A_66 = vector.broadcast %get3A_65 : vector<1x512xf32> to vector<1024x512xf32>
    %add3A_67 = arith.addf %dot_general3A_62, %add3A_66 : vector<1024x512xf32>
    %max3A_68 = arith.constant 0.000000e+00 : f32
    %max3A_69 = vector.broadcast %max3A_68 : f32 to vector<1024x512xf32>
    %max3A_70 = arith.maximumf %add3A_67, %max3A_69 : vector<1024x512xf32>
    %add3A_71 = arith.addf %max3A_70, %add3A_57 : vector<1024x512xf32>
    %reduce_sum3A_72 = arith.constant dense<0.000000e+00> : vector<1024xf32>
    %reduce_sum3A_73 = vector.multi_reduction <add>, %add3A_71, %reduce_sum3A_72 [1] : vector<1024x512xf32> to vector<1024xf32>
    %broadcast_in_dim3A_74 = vector.shape_cast %reduce_sum3A_73 : vector<1024xf32> to vector<1024x1xf32>
    %div3A_75 = arith.constant 5.120000e+02 : f32
    %div3A_76 = vector.broadcast %div3A_75 : f32 to vector<1024x1xf32>
    %div3A_77 = arith.divf %broadcast_in_dim3A_74, %div3A_76 : vector<1024x1xf32>
    %sub3A_78 = vector.broadcast %div3A_77 : vector<1024x1xf32> to vector<1024x512xf32>
    %sub3A_79 = arith.subf %add3A_71, %sub3A_78 : vector<1024x512xf32>
    %integer_pow3A_80 = arith.mulf %sub3A_79, %sub3A_79 : vector<1024x512xf32>
    %reduce_sum3A_81 = arith.constant dense<0.000000e+00> : vector<1024xf32>
    %reduce_sum3A_82 = vector.multi_reduction <add>, %integer_pow3A_80, %reduce_sum3A_81 [1] : vector<1024x512xf32> to vector<1024xf32>
    %broadcast_in_dim3A_83 = vector.shape_cast %reduce_sum3A_82 : vector<1024xf32> to vector<1024x1xf32>
    %div3A_84 = arith.constant 5.120000e+02 : f32
    %div3A_85 = vector.broadcast %div3A_84 : f32 to vector<1024x1xf32>
    %div3A_86 = arith.divf %broadcast_in_dim3A_83, %div3A_85 : vector<1024x1xf32>
    %sub3A_87 = vector.broadcast %div3A_77 : vector<1024x1xf32> to vector<1024x512xf32>
    %sub3A_88 = arith.subf %add3A_71, %sub3A_87 : vector<1024x512xf32>
    %add3A_89 = arith.constant 9.99999974E-6 : f32
    %add3A_90 = vector.broadcast %add3A_89 : f32 to vector<1024x1xf32>
    %add3A_91 = arith.addf %div3A_86, %add3A_90 : vector<1024x1xf32>
    %sqrt3A_92 = math.sqrt %add3A_91 : vector<1024x1xf32>
    %div3A_93 = vector.broadcast %sqrt3A_92 : vector<1024x1xf32> to vector<1024x512xf32>
    %div3A_94 = arith.divf %sub3A_88, %div3A_93 : vector<1024x512xf32>
    %get3A_95 = arith.constant 0 : index
    %get3A_96 = arith.constant 0 : index
    %get3A_97 = vector.load %arg12[%get3A_95, %get3A_96] : memref<1x512xf32, #tpu.memory_space<vmem>>, vector<1x512xf32>
    %mul3A_98 = vector.broadcast %get3A_97 : vector<1x512xf32> to vector<1024x512xf32>
    %mul3A_99 = arith.mulf %div3A_94, %mul3A_98 : vector<1024x512xf32>
    %get3A_100 = arith.constant 0 : index
    %get3A_101 = arith.constant 0 : index
    %get3A_102 = vector.load %arg13[%get3A_100, %get3A_101] : memref<1x512xf32, #tpu.memory_space<vmem>>, vector<1x512xf32>
    %add3A_103 = vector.broadcast %get3A_102 : vector<1x512xf32> to vector<1024x512xf32>
    %add3A_104 = arith.addf %mul3A_99, %add3A_103 : vector<1024x512xf32>
    %get3A_105 = arith.constant 0 : index
    %get3A_106 = arith.constant 0 : index
    %get3A_107 = vector.load %arg14[%get3A_105, %get3A_106] : memref<512x1024xf32, #tpu.memory_space<vmem>>, vector<512x1024xf32>
    %dot_general3A_108 = arith.constant dense<0.000000e+00> : vector<1024x1024xf32>
    %dot_general3A_109 = tpu.matmul %add3A_104, %get3A_107, %dot_general3A_108 {dimension_numbers = #tpu.dot_dimension_numbers<[1], [0], [0], [1], [0, 0, 1, 1], [], []>, transpose_lhs_hint = false} : vector<1024x512xf32>, vector<512x1024xf32>, vector<1024x1024xf32> -> vector<1024x1024xf32>
    %get3A_110 = arith.constant 0 : index
    %get3A_111 = arith.constant 0 : index
    %get3A_112 = vector.load %arg15[%get3A_110, %get3A_111] : memref<1x1024xf32, #tpu.memory_space<vmem>>, vector<1x1024xf32>
    %add3A_113 = vector.broadcast %get3A_112 : vector<1x1024xf32> to vector<1024x1024xf32>
    %add3A_114 = arith.addf %dot_general3A_109, %add3A_113 : vector<1024x1024xf32>
    %swap3A = arith.constant 0 : index
    %swap3A_115 = arith.constant 0 : index
    %swap3A_116 = vector.load %arg16[%swap3A, %swap3A_115] : memref<1024x1024xf32, #tpu.memory_space<vmem>>, vector<1024x1024xf32>
    tpu.vector_store %arg16[%swap3A, %swap3A_115], %add3A_114 {strides = array<i32>} : memref<1024x1024xf32, #tpu.memory_space<vmem>>, vector<1024x1024xf32>,
    return
  }
  func.func @transform_0(%arg0: i32) -> (i32, i32) {
    %c0_i32 = arith.constant 0 : i32
    %c0_i32_0 = arith.constant 0 : i32
    return %arg0, %c0_i32 : i32, i32
  }
  func.func @transform_1(%arg0: i32) -> (i32, i32) {
    %c0_i32 = arith.constant 0 : i32
    %c0_i32_0 = arith.constant 0 : i32
    return %c0_i32, %arg0 : i32, i32
  }
  func.func @transform_2(%arg0: i32) -> (i32, i32) {
    %c0_i32 = arith.constant 0 : i32
    %c0_i32_0 = arith.constant 0 : i32
    %c0_i32_1 = arith.constant 0 : i32
    return %c0_i32, %c0_i32_0 : i32, i32
  }
  func.func @transform_3(%arg0: i32) -> (i32, i32) {
    %c0_i32 = arith.constant 0 : i32
    %c0_i32_0 = arith.constant 0 : i32
    %c0_i32_1 = arith.constant 0 : i32
    return %c0_i32, %c0_i32_0 : i32, i32
  }
  func.func @transform_4(%arg0: i32) -> (i32, i32) {
    %c0_i32 = arith.constant 0 : i32
    %c0_i32_0 = arith.constant 0 : i32
    %c0_i32_1 = arith.constant 0 : i32
    return %c0_i32, %c0_i32_0 : i32, i32
  }
  func.func @transform_5(%arg0: i32) -> (i32, i32) {
    %c0_i32 = arith.constant 0 : i32
    %c0_i32_0 = arith.constant 0 : i32
    %c0_i32_1 = arith.constant 0 : i32
    return %c0_i32, %c0_i32_0 : i32, i32
  }
  func.func @transform_6(%arg0: i32) -> (i32, i32) {
    %c0_i32 = arith.constant 0 : i32
    %c0_i32_0 = arith.constant 0 : i32
    %c0_i32_1 = arith.constant 0 : i32
    return %c0_i32, %c0_i32_0 : i32, i32
  }
  func.func @transform_7(%arg0: i32) -> (i32, i32) {
    %c0_i32 = arith.constant 0 : i32
    %c0_i32_0 = arith.constant 0 : i32
    %c0_i32_1 = arith.constant 0 : i32
    return %c0_i32, %c0_i32_0 : i32, i32
  }
  func.func @transform_8(%arg0: i32) -> (i32, i32) {
    %c0_i32 = arith.constant 0 : i32
    %c0_i32_0 = arith.constant 0 : i32
    %c0_i32_1 = arith.constant 0 : i32
    return %c0_i32, %c0_i32_0 : i32, i32
  }
  func.func @transform_9(%arg0: i32) -> (i32, i32) {
    %c0_i32 = arith.constant 0 : i32
    %c0_i32_0 = arith.constant 0 : i32
    %c0_i32_1 = arith.constant 0 : i32
    return %c0_i32, %c0_i32_0 : i32, i32
  }
  func.func @transform_10(%arg0: i32) -> (i32, i32) {
    %c0_i32 = arith.constant 0 : i32
    %c0_i32_0 = arith.constant 0 : i32
    %c0_i32_1 = arith.constant 0 : i32
    return %c0_i32, %c0_i32_0 : i32, i32
  }
  func.func @transform_11(%arg0: i32) -> (i32, i32) {
    %c0_i32 = arith.constant 0 : i32
    %c0_i32_0 = arith.constant 0 : i32
    %c0_i32_1 = arith.constant 0 : i32
    return %c0_i32, %c0_i32_0 : i32, i32
  }
  func.func @transform_12(%arg0: i32) -> (i32, i32) {
    %c0_i32 = arith.constant 0 : i32
    %c0_i32_0 = arith.constant 0 : i32
    %c0_i32_1 = arith.constant 0 : i32
    return %c0_i32, %c0_i32_0 : i32, i32
  }
  func.func @transform_13(%arg0: i32) -> (i32, i32) {
    %c0_i32 = arith.constant 0 : i32
    %c0_i32_0 = arith.constant 0 : i32
    %c0_i32_1 = arith.constant 0 : i32
    return %c0_i32, %c0_i32_0 : i32, i32
  }
  func.func @transform_14(%arg0: i32) -> (i32, i32) {
    %c0_i32 = arith.constant 0 : i32
    %c0_i32_0 = arith.constant 0 : i32
    %c0_i32_1 = arith.constant 0 : i32
    return %c0_i32, %c0_i32_0 : i32, i32
  }
  func.func @transform_15(%arg0: i32) -> (i32, i32) {
    %c0_i32 = arith.constant 0 : i32
    %c0_i32_0 = arith.constant 0 : i32
    return %arg0, %c0_i32 : i32, i32
  }
}

module attributes {stable_mosaic.version = 14 : i64} {
  func.func @_hash_body(%arg0: memref<7x160x128xi32, #tpu.memory_space<vmem>>, %arg1: memref<16x160x128xi32, #tpu.memory_space<vmem>>) attributes {dimension_semantics = [], scalar_prefetch = 0 : i64, scratch_operands = 0 : i64, tpu.core_type = #tpu.core_type<tc>} {
    %get3A = arith.constant 0 : index
    %get3A_0 = arith.constant 0 : index
    %get3A_1 = arith.constant 0 : index
    %get3A_2 = vector.load %arg0[%get3A, %get3A_0, %get3A_1] : memref<7x160x128xi32, #tpu.memory_space<vmem>>, vector<1x160x128xi32>
    %get3A_3 = vector.shape_cast %get3A_2 : vector<1x160x128xi32> to vector<160x128xi32>
    %get3A_4 = arith.constant 1 : index
    %get3A_5 = arith.constant 0 : index
    %get3A_6 = arith.constant 0 : index
    %get3A_7 = vector.load %arg0[%get3A_4, %get3A_5, %get3A_6] : memref<7x160x128xi32, #tpu.memory_space<vmem>>, vector<1x160x128xi32>
    %get3A_8 = vector.shape_cast %get3A_7 : vector<1x160x128xi32> to vector<160x128xi32>
    %get3A_9 = arith.constant 2 : index
    %get3A_10 = arith.constant 0 : index
    %get3A_11 = arith.constant 0 : index
    %get3A_12 = vector.load %arg0[%get3A_9, %get3A_10, %get3A_11] : memref<7x160x128xi32, #tpu.memory_space<vmem>>, vector<1x160x128xi32>
    %get3A_13 = vector.shape_cast %get3A_12 : vector<1x160x128xi32> to vector<160x128xi32>
    %get3A_14 = arith.constant 3 : index
    %get3A_15 = arith.constant 0 : index
    %get3A_16 = arith.constant 0 : index
    %get3A_17 = vector.load %arg0[%get3A_14, %get3A_15, %get3A_16] : memref<7x160x128xi32, #tpu.memory_space<vmem>>, vector<1x160x128xi32>
    %get3A_18 = vector.shape_cast %get3A_17 : vector<1x160x128xi32> to vector<160x128xi32>
    %get3A_19 = arith.constant 4 : index
    %get3A_20 = arith.constant 0 : index
    %get3A_21 = arith.constant 0 : index
    %get3A_22 = vector.load %arg0[%get3A_19, %get3A_20, %get3A_21] : memref<7x160x128xi32, #tpu.memory_space<vmem>>, vector<1x160x128xi32>
    %get3A_23 = vector.shape_cast %get3A_22 : vector<1x160x128xi32> to vector<160x128xi32>
    %get3A_24 = arith.constant 5 : index
    %get3A_25 = arith.constant 0 : index
    %get3A_26 = arith.constant 0 : index
    %get3A_27 = vector.load %arg0[%get3A_24, %get3A_25, %get3A_26] : memref<7x160x128xi32, #tpu.memory_space<vmem>>, vector<1x160x128xi32>
    %get3A_28 = vector.shape_cast %get3A_27 : vector<1x160x128xi32> to vector<160x128xi32>
    %get3A_29 = arith.constant 6 : index
    %get3A_30 = arith.constant 0 : index
    %get3A_31 = arith.constant 0 : index
    %get3A_32 = vector.load %arg0[%get3A_29, %get3A_30, %get3A_31] : memref<7x160x128xi32, #tpu.memory_space<vmem>>, vector<1x160x128xi32>
    %get3A_33 = vector.shape_cast %get3A_32 : vector<1x160x128xi32> to vector<160x128xi32>
    %broadcast_in_dim3A = arith.constant 0 : i32
    %broadcast_in_dim3A_34 = vector.broadcast %broadcast_in_dim3A : i32 to vector<160x128xi32>
    %broadcast_in_dim3A_35 = arith.constant 0 : i32
    %broadcast_in_dim3A_36 = vector.broadcast %broadcast_in_dim3A_35 : i32 to vector<160x128xi32>
    %mul3A = arith.constant 40503 : i32
    %mul3A_37 = vector.broadcast %mul3A : i32 to vector<160x128xi32>
    %mul3A_38 = arith.muli %get3A_3, %mul3A_37 : vector<160x128xi32>
    %mul3A_39 = arith.constant 31153 : i32
    %mul3A_40 = vector.broadcast %mul3A_39 : i32 to vector<160x128xi32>
    %mul3A_41 = arith.muli %get3A_3, %mul3A_40 : vector<160x128xi32>
    %shift_right_logical3A = arith.constant 16 : i32
    %shift_right_logical3A_42 = vector.broadcast %shift_right_logical3A : i32 to vector<160x128xi32>
    %shift_right_logical3A_43 = arith.shrui %mul3A_41, %shift_right_logical3A_42 : vector<160x128xi32>
    %add3A = arith.addi %mul3A_38, %shift_right_logical3A_43 : vector<160x128xi32>
    %shift_right_logical3A_44 = arith.constant 16 : i32
    %shift_right_logical3A_45 = vector.broadcast %shift_right_logical3A_44 : i32 to vector<160x128xi32>
    %shift_right_logical3A_46 = arith.shrui %add3A, %shift_right_logical3A_45 : vector<160x128xi32>
    %and3A = arith.constant 65535 : i32
    %and3A_47 = vector.broadcast %and3A : i32 to vector<160x128xi32>
    %and3A_48 = arith.andi %add3A, %and3A_47 : vector<160x128xi32>
    %shift_left3A = arith.constant 16 : i32
    %shift_left3A_49 = vector.broadcast %shift_left3A : i32 to vector<160x128xi32>
    %shift_left3A_50 = arith.shli %and3A_48, %shift_left3A_49 : vector<160x128xi32>
    %and3A_51 = arith.constant 65535 : i32
    %and3A_52 = vector.broadcast %and3A_51 : i32 to vector<160x128xi32>
    %and3A_53 = arith.andi %mul3A_41, %and3A_52 : vector<160x128xi32>
    %or3A = arith.ori %shift_left3A_50, %and3A_53 : vector<160x128xi32>
    %xor3A = arith.xori %broadcast_in_dim3A_36, %shift_right_logical3A_46 : vector<160x128xi32>
    %xor3A_54 = arith.xori %broadcast_in_dim3A_34, %or3A : vector<160x128xi32>
    %shift_right_logical3A_55 = arith.constant 31 : i32
    %shift_right_logical3A_56 = vector.broadcast %shift_right_logical3A_55 : i32 to vector<160x128xi32>
    %shift_right_logical3A_57 = arith.shrui %xor3A_54, %shift_right_logical3A_56 : vector<160x128xi32>
    %and3A_58 = arith.constant 2147483647 : i32
    %and3A_59 = vector.broadcast %and3A_58 : i32 to vector<160x128xi32>
    %and3A_60 = arith.andi %xor3A_54, %and3A_59 : vector<160x128xi32>
    %mul3A_61 = arith.constant 67296 : i32
    %mul3A_62 = vector.broadcast %mul3A_61 : i32 to vector<160x128xi32>
    %mul3A_63 = arith.muli %xor3A, %mul3A_62 : vector<160x128xi32>
    %mul3A_64 = arith.constant 83648 : i32
    %mul3A_65 = vector.broadcast %mul3A_64 : i32 to vector<160x128xi32>
    %mul3A_66 = arith.muli %shift_right_logical3A_57, %mul3A_65 : vector<160x128xi32>
    %add3A_67 = arith.addi %mul3A_63, %mul3A_66 : vector<160x128xi32>
    %convert_element_type3A = arith.sitofp %and3A_60 : vector<160x128xi32> to vector<160x128xf32>
    %mul3A_68 = arith.constant 9.99999974E-6 : f32
    %mul3A_69 = vector.broadcast %mul3A_68 : f32 to vector<160x128xf32>
    %mul3A_70 = arith.mulf %convert_element_type3A, %mul3A_69 : vector<160x128xf32>
    %convert_element_type3A_71 = arith.fptosi %mul3A_70 : vector<160x128xf32> to vector<160x128xi32>
    %mul3A_72 = arith.constant 100000 : i32
    %mul3A_73 = vector.broadcast %mul3A_72 : i32 to vector<160x128xi32>
    %mul3A_74 = arith.muli %convert_element_type3A_71, %mul3A_73 : vector<160x128xi32>
    %sub3A = arith.subi %and3A_60, %mul3A_74 : vector<160x128xi32>
    %lt3A = arith.constant 0 : i32
    %lt3A_75 = vector.broadcast %lt3A : i32 to vector<160x128xi32>
    %lt3A_76 = arith.cmpi slt, %sub3A, %lt3A_75 : vector<160x128xi32>
    %add3A_77 = arith.constant 100000 : i32
    %add3A_78 = vector.broadcast %add3A_77 : i32 to vector<160x128xi32>
    %add3A_79 = arith.addi %sub3A, %add3A_78 : vector<160x128xi32>
    %select_n3A = arith.select %lt3A_76, %add3A_79, %sub3A : vector<160x128xi1>, vector<160x128xi32>
    %lt3A_80 = arith.constant 0 : i32
    %lt3A_81 = vector.broadcast %lt3A_80 : i32 to vector<160x128xi32>
    %lt3A_82 = arith.cmpi slt, %select_n3A, %lt3A_81 : vector<160x128xi32>
    %add3A_83 = arith.constant 100000 : i32
    %add3A_84 = vector.broadcast %add3A_83 : i32 to vector<160x128xi32>
    %add3A_85 = arith.addi %select_n3A, %add3A_84 : vector<160x128xi32>
    %select_n3A_86 = arith.select %lt3A_82, %add3A_85, %select_n3A : vector<160x128xi1>, vector<160x128xi32>
    %ge3A = arith.constant 100000 : i32
    %ge3A_87 = vector.broadcast %ge3A : i32 to vector<160x128xi32>
    %ge3A_88 = arith.cmpi sge, %select_n3A_86, %ge3A_87 : vector<160x128xi32>
    %sub3A_89 = arith.constant 100000 : i32
    %sub3A_90 = vector.broadcast %sub3A_89 : i32 to vector<160x128xi32>
    %sub3A_91 = arith.subi %select_n3A_86, %sub3A_90 : vector<160x128xi32>
    %select_n3A_92 = arith.select %ge3A_88, %sub3A_91, %select_n3A_86 : vector<160x128xi1>, vector<160x128xi32>
    %ge3A_93 = arith.constant 100000 : i32
    %ge3A_94 = vector.broadcast %ge3A_93 : i32 to vector<160x128xi32>
    %ge3A_95 = arith.cmpi sge, %select_n3A_92, %ge3A_94 : vector<160x128xi32>
    %sub3A_96 = arith.constant 100000 : i32
    %sub3A_97 = vector.broadcast %sub3A_96 : i32 to vector<160x128xi32>
    %sub3A_98 = arith.subi %select_n3A_92, %sub3A_97 : vector<160x128xi32>
    %select_n3A_99 = arith.select %ge3A_95, %sub3A_98, %select_n3A_92 : vector<160x128xi1>, vector<160x128xi32>
    %add3A_100 = arith.addi %add3A_67, %select_n3A_99 : vector<160x128xi32>
    %convert_element_type3A_101 = arith.sitofp %add3A_100 : vector<160x128xi32> to vector<160x128xf32>
    %mul3A_102 = arith.constant 9.99999974E-6 : f32
    %mul3A_103 = vector.broadcast %mul3A_102 : f32 to vector<160x128xf32>
    %mul3A_104 = arith.mulf %convert_element_type3A_101, %mul3A_103 : vector<160x128xf32>
    %convert_element_type3A_105 = arith.fptosi %mul3A_104 : vector<160x128xf32> to vector<160x128xi32>
    %mul3A_106 = arith.constant 100000 : i32
    %mul3A_107 = vector.broadcast %mul3A_106 : i32 to vector<160x128xi32>
    %mul3A_108 = arith.muli %convert_element_type3A_105, %mul3A_107 : vector<160x128xi32>
    %sub3A_109 = arith.subi %add3A_100, %mul3A_108 : vector<160x128xi32>
    %lt3A_110 = arith.constant 0 : i32
    %lt3A_111 = vector.broadcast %lt3A_110 : i32 to vector<160x128xi32>
    %lt3A_112 = arith.cmpi slt, %sub3A_109, %lt3A_111 : vector<160x128xi32>
    %add3A_113 = arith.constant 100000 : i32
    %add3A_114 = vector.broadcast %add3A_113 : i32 to vector<160x128xi32>
    %add3A_115 = arith.addi %sub3A_109, %add3A_114 : vector<160x128xi32>
    %select_n3A_116 = arith.select %lt3A_112, %add3A_115, %sub3A_109 : vector<160x128xi1>, vector<160x128xi32>
    %lt3A_117 = arith.constant 0 : i32
    %lt3A_118 = vector.broadcast %lt3A_117 : i32 to vector<160x128xi32>
    %lt3A_119 = arith.cmpi slt, %select_n3A_116, %lt3A_118 : vector<160x128xi32>
    %add3A_120 = arith.constant 100000 : i32
    %add3A_121 = vector.broadcast %add3A_120 : i32 to vector<160x128xi32>
    %add3A_122 = arith.addi %select_n3A_116, %add3A_121 : vector<160x128xi32>
    %select_n3A_123 = arith.select %lt3A_119, %add3A_122, %select_n3A_116 : vector<160x128xi1>, vector<160x128xi32>
    %ge3A_124 = arith.constant 100000 : i32
    %ge3A_125 = vector.broadcast %ge3A_124 : i32 to vector<160x128xi32>
    %ge3A_126 = arith.cmpi sge, %select_n3A_123, %ge3A_125 : vector<160x128xi32>
    %sub3A_127 = arith.constant 100000 : i32
    %sub3A_128 = vector.broadcast %sub3A_127 : i32 to vector<160x128xi32>
    %sub3A_129 = arith.subi %select_n3A_123, %sub3A_128 : vector<160x128xi32>
    %select_n3A_130 = arith.select %ge3A_126, %sub3A_129, %select_n3A_123 : vector<160x128xi1>, vector<160x128xi32>
    %ge3A_131 = arith.constant 100000 : i32
    %ge3A_132 = vector.broadcast %ge3A_131 : i32 to vector<160x128xi32>
    %ge3A_133 = arith.cmpi sge, %select_n3A_130, %ge3A_132 : vector<160x128xi32>
    %sub3A_134 = arith.constant 100000 : i32
    %sub3A_135 = vector.broadcast %sub3A_134 : i32 to vector<160x128xi32>
    %sub3A_136 = arith.subi %select_n3A_130, %sub3A_135 : vector<160x128xi32>
    %select_n3A_137 = arith.select %ge3A_133, %sub3A_136, %select_n3A_130 : vector<160x128xi1>, vector<160x128xi32>
    %swap3A = arith.constant 0 : index
    %swap3A_138 = arith.constant 0 : index
    %swap3A_139 = arith.constant 0 : index
    %swap3A_140 = vector.load %arg1[%swap3A, %swap3A_138, %swap3A_139] : memref<16x160x128xi32, #tpu.memory_space<vmem>>, vector<1x160x128xi32>
    %swap3A_141 = vector.shape_cast %swap3A_140 : vector<1x160x128xi32> to vector<160x128xi32>
    %swap3A_142 = vector.shape_cast %select_n3A_137 : vector<160x128xi32> to vector<1x160x128xi32>
    tpu.vector_store %arg1[%swap3A, %swap3A_138, %swap3A_139], %swap3A_142 {strides = array<i32>} : memref<16x160x128xi32, #tpu.memory_space<vmem>>, vector<1x160x128xi32>,
    %broadcast_in_dim3A_143 = arith.constant 0 : i32
    %broadcast_in_dim3A_144 = vector.broadcast %broadcast_in_dim3A_143 : i32 to vector<160x128xi32>
    %broadcast_in_dim3A_145 = arith.constant 0 : i32
    %broadcast_in_dim3A_146 = vector.broadcast %broadcast_in_dim3A_145 : i32 to vector<160x128xi32>
    %mul3A_147 = arith.constant 30947 : i32
    %mul3A_148 = vector.broadcast %mul3A_147 : i32 to vector<160x128xi32>
    %mul3A_149 = arith.muli %get3A_8, %mul3A_148 : vector<160x128xi32>
    %mul3A_150 = arith.constant 35921 : i32
    %mul3A_151 = vector.broadcast %mul3A_150 : i32 to vector<160x128xi32>
    %mul3A_152 = arith.muli %get3A_8, %mul3A_151 : vector<160x128xi32>
    %shift_right_logical3A_153 = arith.constant 16 : i32
    %shift_right_logical3A_154 = vector.broadcast %shift_right_logical3A_153 : i32 to vector<160x128xi32>
    %shift_right_logical3A_155 = arith.shrui %mul3A_152, %shift_right_logical3A_154 : vector<160x128xi32>
    %add3A_156 = arith.addi %mul3A_149, %shift_right_logical3A_155 : vector<160x128xi32>
    %shift_right_logical3A_157 = arith.constant 16 : i32
    %shift_right_logical3A_158 = vector.broadcast %shift_right_logical3A_157 : i32 to vector<160x128xi32>
    %shift_right_logical3A_159 = arith.shrui %add3A_156, %shift_right_logical3A_158 : vector<160x128xi32>
    %and3A_160 = arith.constant 65535 : i32
    %and3A_161 = vector.broadcast %and3A_160 : i32 to vector<160x128xi32>
    %and3A_162 = arith.andi %add3A_156, %and3A_161 : vector<160x128xi32>
    %shift_left3A_163 = arith.constant 16 : i32
    %shift_left3A_164 = vector.broadcast %shift_left3A_163 : i32 to vector<160x128xi32>
    %shift_left3A_165 = arith.shli %and3A_162, %shift_left3A_164 : vector<160x128xi32>
    %and3A_166 = arith.constant 65535 : i32
    %and3A_167 = vector.broadcast %and3A_166 : i32 to vector<160x128xi32>
    %and3A_168 = arith.andi %mul3A_152, %and3A_167 : vector<160x128xi32>
    %or3A_169 = arith.ori %shift_left3A_165, %and3A_168 : vector<160x128xi32>
    %xor3A_170 = arith.xori %broadcast_in_dim3A_146, %shift_right_logical3A_159 : vector<160x128xi32>
    %xor3A_171 = arith.xori %broadcast_in_dim3A_144, %or3A_169 : vector<160x128xi32>
    %shift_right_logical3A_172 = arith.constant 31 : i32
    %shift_right_logical3A_173 = vector.broadcast %shift_right_logical3A_172 : i32 to vector<160x128xi32>
    %shift_right_logical3A_174 = arith.shrui %xor3A_171, %shift_right_logical3A_173 : vector<160x128xi32>
    %and3A_175 = arith.constant 2147483647 : i32
    %and3A_176 = vector.broadcast %and3A_175 : i32 to vector<160x128xi32>
    %and3A_177 = arith.andi %xor3A_171, %and3A_176 : vector<160x128xi32>
    %mul3A_178 = arith.constant 67296 : i32
    %mul3A_179 = vector.broadcast %mul3A_178 : i32 to vector<160x128xi32>
    %mul3A_180 = arith.muli %xor3A_170, %mul3A_179 : vector<160x128xi32>
    %mul3A_181 = arith.constant 83648 : i32
    %mul3A_182 = vector.broadcast %mul3A_181 : i32 to vector<160x128xi32>
    %mul3A_183 = arith.muli %shift_right_logical3A_174, %mul3A_182 : vector<160x128xi32>
    %add3A_184 = arith.addi %mul3A_180, %mul3A_183 : vector<160x128xi32>
    %convert_element_type3A_185 = arith.sitofp %and3A_177 : vector<160x128xi32> to vector<160x128xf32>
    %mul3A_186 = arith.constant 9.99999974E-6 : f32
    %mul3A_187 = vector.broadcast %mul3A_186 : f32 to vector<160x128xf32>
    %mul3A_188 = arith.mulf %convert_element_type3A_185, %mul3A_187 : vector<160x128xf32>
    %convert_element_type3A_189 = arith.fptosi %mul3A_188 : vector<160x128xf32> to vector<160x128xi32>
    %mul3A_190 = arith.constant 100000 : i32
    %mul3A_191 = vector.broadcast %mul3A_190 : i32 to vector<160x128xi32>
    %mul3A_192 = arith.muli %convert_element_type3A_189, %mul3A_191 : vector<160x128xi32>
    %sub3A_193 = arith.subi %and3A_177, %mul3A_192 : vector<160x128xi32>
    %lt3A_194 = arith.constant 0 : i32
    %lt3A_195 = vector.broadcast %lt3A_194 : i32 to vector<160x128xi32>
    %lt3A_196 = arith.cmpi slt, %sub3A_193, %lt3A_195 : vector<160x128xi32>
    %add3A_197 = arith.constant 100000 : i32
    %add3A_198 = vector.broadcast %add3A_197 : i32 to vector<160x128xi32>
    %add3A_199 = arith.addi %sub3A_193, %add3A_198 : vector<160x128xi32>
    %select_n3A_200 = arith.select %lt3A_196, %add3A_199, %sub3A_193 : vector<160x128xi1>, vector<160x128xi32>
    %lt3A_201 = arith.constant 0 : i32
    %lt3A_202 = vector.broadcast %lt3A_201 : i32 to vector<160x128xi32>
    %lt3A_203 = arith.cmpi slt, %select_n3A_200, %lt3A_202 : vector<160x128xi32>
    %add3A_204 = arith.constant 100000 : i32
    %add3A_205 = vector.broadcast %add3A_204 : i32 to vector<160x128xi32>
    %add3A_206 = arith.addi %select_n3A_200, %add3A_205 : vector<160x128xi32>
    %select_n3A_207 = arith.select %lt3A_203, %add3A_206, %select_n3A_200 : vector<160x128xi1>, vector<160x128xi32>
    %ge3A_208 = arith.constant 100000 : i32
    %ge3A_209 = vector.broadcast %ge3A_208 : i32 to vector<160x128xi32>
    %ge3A_210 = arith.cmpi sge, %select_n3A_207, %ge3A_209 : vector<160x128xi32>
    %sub3A_211 = arith.constant 100000 : i32
    %sub3A_212 = vector.broadcast %sub3A_211 : i32 to vector<160x128xi32>
    %sub3A_213 = arith.subi %select_n3A_207, %sub3A_212 : vector<160x128xi32>
    %select_n3A_214 = arith.select %ge3A_210, %sub3A_213, %select_n3A_207 : vector<160x128xi1>, vector<160x128xi32>
    %ge3A_215 = arith.constant 100000 : i32
    %ge3A_216 = vector.broadcast %ge3A_215 : i32 to vector<160x128xi32>
    %ge3A_217 = arith.cmpi sge, %select_n3A_214, %ge3A_216 : vector<160x128xi32>
    %sub3A_218 = arith.constant 100000 : i32
    %sub3A_219 = vector.broadcast %sub3A_218 : i32 to vector<160x128xi32>
    %sub3A_220 = arith.subi %select_n3A_214, %sub3A_219 : vector<160x128xi32>
    %select_n3A_221 = arith.select %ge3A_217, %sub3A_220, %select_n3A_214 : vector<160x128xi1>, vector<160x128xi32>
    %add3A_222 = arith.addi %add3A_184, %select_n3A_221 : vector<160x128xi32>
    %convert_element_type3A_223 = arith.sitofp %add3A_222 : vector<160x128xi32> to vector<160x128xf32>
    %mul3A_224 = arith.constant 9.99999974E-6 : f32
    %mul3A_225 = vector.broadcast %mul3A_224 : f32 to vector<160x128xf32>
    %mul3A_226 = arith.mulf %convert_element_type3A_223, %mul3A_225 : vector<160x128xf32>
    %convert_element_type3A_227 = arith.fptosi %mul3A_226 : vector<160x128xf32> to vector<160x128xi32>
    %mul3A_228 = arith.constant 100000 : i32
    %mul3A_229 = vector.broadcast %mul3A_228 : i32 to vector<160x128xi32>
    %mul3A_230 = arith.muli %convert_element_type3A_227, %mul3A_229 : vector<160x128xi32>
    %sub3A_231 = arith.subi %add3A_222, %mul3A_230 : vector<160x128xi32>
    %lt3A_232 = arith.constant 0 : i32
    %lt3A_233 = vector.broadcast %lt3A_232 : i32 to vector<160x128xi32>
    %lt3A_234 = arith.cmpi slt, %sub3A_231, %lt3A_233 : vector<160x128xi32>
    %add3A_235 = arith.constant 100000 : i32
    %add3A_236 = vector.broadcast %add3A_235 : i32 to vector<160x128xi32>
    %add3A_237 = arith.addi %sub3A_231, %add3A_236 : vector<160x128xi32>
    %select_n3A_238 = arith.select %lt3A_234, %add3A_237, %sub3A_231 : vector<160x128xi1>, vector<160x128xi32>
    %lt3A_239 = arith.constant 0 : i32
    %lt3A_240 = vector.broadcast %lt3A_239 : i32 to vector<160x128xi32>
    %lt3A_241 = arith.cmpi slt, %select_n3A_238, %lt3A_240 : vector<160x128xi32>
    %add3A_242 = arith.constant 100000 : i32
    %add3A_243 = vector.broadcast %add3A_242 : i32 to vector<160x128xi32>
    %add3A_244 = arith.addi %select_n3A_238, %add3A_243 : vector<160x128xi32>
    %select_n3A_245 = arith.select %lt3A_241, %add3A_244, %select_n3A_238 : vector<160x128xi1>, vector<160x128xi32>
    %ge3A_246 = arith.constant 100000 : i32
    %ge3A_247 = vector.broadcast %ge3A_246 : i32 to vector<160x128xi32>
    %ge3A_248 = arith.cmpi sge, %select_n3A_245, %ge3A_247 : vector<160x128xi32>
    %sub3A_249 = arith.constant 100000 : i32
    %sub3A_250 = vector.broadcast %sub3A_249 : i32 to vector<160x128xi32>
    %sub3A_251 = arith.subi %select_n3A_245, %sub3A_250 : vector<160x128xi32>
    %select_n3A_252 = arith.select %ge3A_248, %sub3A_251, %select_n3A_245 : vector<160x128xi1>, vector<160x128xi32>
    %ge3A_253 = arith.constant 100000 : i32
    %ge3A_254 = vector.broadcast %ge3A_253 : i32 to vector<160x128xi32>
    %ge3A_255 = arith.cmpi sge, %select_n3A_252, %ge3A_254 : vector<160x128xi32>
    %sub3A_256 = arith.constant 100000 : i32
    %sub3A_257 = vector.broadcast %sub3A_256 : i32 to vector<160x128xi32>
    %sub3A_258 = arith.subi %select_n3A_252, %sub3A_257 : vector<160x128xi32>
    %select_n3A_259 = arith.select %ge3A_255, %sub3A_258, %select_n3A_252 : vector<160x128xi1>, vector<160x128xi32>
    %swap3A_260 = arith.constant 1 : index
    %swap3A_261 = arith.constant 0 : index
    %swap3A_262 = arith.constant 0 : index
    %swap3A_263 = vector.load %arg1[%swap3A_260, %swap3A_261, %swap3A_262] : memref<16x160x128xi32, #tpu.memory_space<vmem>>, vector<1x160x128xi32>
    %swap3A_264 = vector.shape_cast %swap3A_263 : vector<1x160x128xi32> to vector<160x128xi32>
    %swap3A_265 = vector.shape_cast %select_n3A_259 : vector<160x128xi32> to vector<1x160x128xi32>
    tpu.vector_store %arg1[%swap3A_260, %swap3A_261, %swap3A_262], %swap3A_265 {strides = array<i32>} : memref<16x160x128xi32, #tpu.memory_space<vmem>>, vector<1x160x128xi32>,
    %broadcast_in_dim3A_266 = arith.constant 0 : i32
    %broadcast_in_dim3A_267 = vector.broadcast %broadcast_in_dim3A_266 : i32 to vector<160x128xi32>
    %broadcast_in_dim3A_268 = arith.constant 0 : i32
    %broadcast_in_dim3A_269 = vector.broadcast %broadcast_in_dim3A_268 : i32 to vector<160x128xi32>
    %mul3A_270 = arith.constant 12288 : i32
    %mul3A_271 = vector.broadcast %mul3A_270 : i32 to vector<160x128xi32>
    %mul3A_272 = arith.muli %get3A_13, %mul3A_271 : vector<160x128xi32>
    %mul3A_273 = arith.constant 89 : i32
    %mul3A_274 = vector.broadcast %mul3A_273 : i32 to vector<160x128xi32>
    %mul3A_275 = arith.muli %get3A_13, %mul3A_274 : vector<160x128xi32>
    %shift_right_logical3A_276 = arith.constant 16 : i32
    %shift_right_logical3A_277 = vector.broadcast %shift_right_logical3A_276 : i32 to vector<160x128xi32>
    %shift_right_logical3A_278 = arith.shrui %mul3A_275, %shift_right_logical3A_277 : vector<160x128xi32>
    %add3A_279 = arith.addi %mul3A_272, %shift_right_logical3A_278 : vector<160x128xi32>
    %shift_right_logical3A_280 = arith.constant 16 : i32
    %shift_right_logical3A_281 = vector.broadcast %shift_right_logical3A_280 : i32 to vector<160x128xi32>
    %shift_right_logical3A_282 = arith.shrui %add3A_279, %shift_right_logical3A_281 : vector<160x128xi32>
    %and3A_283 = arith.constant 65535 : i32
    %and3A_284 = vector.broadcast %and3A_283 : i32 to vector<160x128xi32>
    %and3A_285 = arith.andi %add3A_279, %and3A_284 : vector<160x128xi32>
    %shift_left3A_286 = arith.constant 16 : i32
    %shift_left3A_287 = vector.broadcast %shift_left3A_286 : i32 to vector<160x128xi32>
    %shift_left3A_288 = arith.shli %and3A_285, %shift_left3A_287 : vector<160x128xi32>
    %and3A_289 = arith.constant 65535 : i32
    %and3A_290 = vector.broadcast %and3A_289 : i32 to vector<160x128xi32>
    %and3A_291 = arith.andi %mul3A_275, %and3A_290 : vector<160x128xi32>
    %or3A_292 = arith.ori %shift_left3A_288, %and3A_291 : vector<160x128xi32>
    %xor3A_293 = arith.xori %broadcast_in_dim3A_269, %shift_right_logical3A_282 : vector<160x128xi32>
    %xor3A_294 = arith.xori %broadcast_in_dim3A_267, %or3A_292 : vector<160x128xi32>
    %shift_right_logical3A_295 = arith.constant 31 : i32
    %shift_right_logical3A_296 = vector.broadcast %shift_right_logical3A_295 : i32 to vector<160x128xi32>
    %shift_right_logical3A_297 = arith.shrui %xor3A_294, %shift_right_logical3A_296 : vector<160x128xi32>
    %and3A_298 = arith.constant 2147483647 : i32
    %and3A_299 = vector.broadcast %and3A_298 : i32 to vector<160x128xi32>
    %and3A_300 = arith.andi %xor3A_294, %and3A_299 : vector<160x128xi32>
    %mul3A_301 = arith.constant 67296 : i32
    %mul3A_302 = vector.broadcast %mul3A_301 : i32 to vector<160x128xi32>
    %mul3A_303 = arith.muli %xor3A_293, %mul3A_302 : vector<160x128xi32>
    %mul3A_304 = arith.constant 83648 : i32
    %mul3A_305 = vector.broadcast %mul3A_304 : i32 to vector<160x128xi32>
    %mul3A_306 = arith.muli %shift_right_logical3A_297, %mul3A_305 : vector<160x128xi32>
    %add3A_307 = arith.addi %mul3A_303, %mul3A_306 : vector<160x128xi32>
    %convert_element_type3A_308 = arith.sitofp %and3A_300 : vector<160x128xi32> to vector<160x128xf32>
    %mul3A_309 = arith.constant 9.99999974E-6 : f32
    %mul3A_310 = vector.broadcast %mul3A_309 : f32 to vector<160x128xf32>
    %mul3A_311 = arith.mulf %convert_element_type3A_308, %mul3A_310 : vector<160x128xf32>
    %convert_element_type3A_312 = arith.fptosi %mul3A_311 : vector<160x128xf32> to vector<160x128xi32>
    %mul3A_313 = arith.constant 100000 : i32
    %mul3A_314 = vector.broadcast %mul3A_313 : i32 to vector<160x128xi32>
    %mul3A_315 = arith.muli %convert_element_type3A_312, %mul3A_314 : vector<160x128xi32>
    %sub3A_316 = arith.subi %and3A_300, %mul3A_315 : vector<160x128xi32>
    %lt3A_317 = arith.constant 0 : i32
    %lt3A_318 = vector.broadcast %lt3A_317 : i32 to vector<160x128xi32>
    %lt3A_319 = arith.cmpi slt, %sub3A_316, %lt3A_318 : vector<160x128xi32>
    %add3A_320 = arith.constant 100000 : i32
    %add3A_321 = vector.broadcast %add3A_320 : i32 to vector<160x128xi32>
    %add3A_322 = arith.addi %sub3A_316, %add3A_321 : vector<160x128xi32>
    %select_n3A_323 = arith.select %lt3A_319, %add3A_322, %sub3A_316 : vector<160x128xi1>, vector<160x128xi32>
    %lt3A_324 = arith.constant 0 : i32
    %lt3A_325 = vector.broadcast %lt3A_324 : i32 to vector<160x128xi32>
    %lt3A_326 = arith.cmpi slt, %select_n3A_323, %lt3A_325 : vector<160x128xi32>
    %add3A_327 = arith.constant 100000 : i32
    %add3A_328 = vector.broadcast %add3A_327 : i32 to vector<160x128xi32>
    %add3A_329 = arith.addi %select_n3A_323, %add3A_328 : vector<160x128xi32>
    %select_n3A_330 = arith.select %lt3A_326, %add3A_329, %select_n3A_323 : vector<160x128xi1>, vector<160x128xi32>
    %ge3A_331 = arith.constant 100000 : i32
    %ge3A_332 = vector.broadcast %ge3A_331 : i32 to vector<160x128xi32>
    %ge3A_333 = arith.cmpi sge, %select_n3A_330, %ge3A_332 : vector<160x128xi32>
    %sub3A_334 = arith.constant 100000 : i32
    %sub3A_335 = vector.broadcast %sub3A_334 : i32 to vector<160x128xi32>
    %sub3A_336 = arith.subi %select_n3A_330, %sub3A_335 : vector<160x128xi32>
    %select_n3A_337 = arith.select %ge3A_333, %sub3A_336, %select_n3A_330 : vector<160x128xi1>, vector<160x128xi32>
    %ge3A_338 = arith.constant 100000 : i32
    %ge3A_339 = vector.broadcast %ge3A_338 : i32 to vector<160x128xi32>
    %ge3A_340 = arith.cmpi sge, %select_n3A_337, %ge3A_339 : vector<160x128xi32>
    %sub3A_341 = arith.constant 100000 : i32
    %sub3A_342 = vector.broadcast %sub3A_341 : i32 to vector<160x128xi32>
    %sub3A_343 = arith.subi %select_n3A_337, %sub3A_342 : vector<160x128xi32>
    %select_n3A_344 = arith.select %ge3A_340, %sub3A_343, %select_n3A_337 : vector<160x128xi1>, vector<160x128xi32>
    %add3A_345 = arith.addi %add3A_307, %select_n3A_344 : vector<160x128xi32>
    %convert_element_type3A_346 = arith.sitofp %add3A_345 : vector<160x128xi32> to vector<160x128xf32>
    %mul3A_347 = arith.constant 9.99999974E-6 : f32
    %mul3A_348 = vector.broadcast %mul3A_347 : f32 to vector<160x128xf32>
    %mul3A_349 = arith.mulf %convert_element_type3A_346, %mul3A_348 : vector<160x128xf32>
    %convert_element_type3A_350 = arith.fptosi %mul3A_349 : vector<160x128xf32> to vector<160x128xi32>
    %mul3A_351 = arith.constant 100000 : i32
    %mul3A_352 = vector.broadcast %mul3A_351 : i32 to vector<160x128xi32>
    %mul3A_353 = arith.muli %convert_element_type3A_350, %mul3A_352 : vector<160x128xi32>
    %sub3A_354 = arith.subi %add3A_345, %mul3A_353 : vector<160x128xi32>
    %lt3A_355 = arith.constant 0 : i32
    %lt3A_356 = vector.broadcast %lt3A_355 : i32 to vector<160x128xi32>
    %lt3A_357 = arith.cmpi slt, %sub3A_354, %lt3A_356 : vector<160x128xi32>
    %add3A_358 = arith.constant 100000 : i32
    %add3A_359 = vector.broadcast %add3A_358 : i32 to vector<160x128xi32>
    %add3A_360 = arith.addi %sub3A_354, %add3A_359 : vector<160x128xi32>
    %select_n3A_361 = arith.select %lt3A_357, %add3A_360, %sub3A_354 : vector<160x128xi1>, vector<160x128xi32>
    %lt3A_362 = arith.constant 0 : i32
    %lt3A_363 = vector.broadcast %lt3A_362 : i32 to vector<160x128xi32>
    %lt3A_364 = arith.cmpi slt, %select_n3A_361, %lt3A_363 : vector<160x128xi32>
    %add3A_365 = arith.constant 100000 : i32
    %add3A_366 = vector.broadcast %add3A_365 : i32 to vector<160x128xi32>
    %add3A_367 = arith.addi %select_n3A_361, %add3A_366 : vector<160x128xi32>
    %select_n3A_368 = arith.select %lt3A_364, %add3A_367, %select_n3A_361 : vector<160x128xi1>, vector<160x128xi32>
    %ge3A_369 = arith.constant 100000 : i32
    %ge3A_370 = vector.broadcast %ge3A_369 : i32 to vector<160x128xi32>
    %ge3A_371 = arith.cmpi sge, %select_n3A_368, %ge3A_370 : vector<160x128xi32>
    %sub3A_372 = arith.constant 100000 : i32
    %sub3A_373 = vector.broadcast %sub3A_372 : i32 to vector<160x128xi32>
    %sub3A_374 = arith.subi %select_n3A_368, %sub3A_373 : vector<160x128xi32>
    %select_n3A_375 = arith.select %ge3A_371, %sub3A_374, %select_n3A_368 : vector<160x128xi1>, vector<160x128xi32>
    %ge3A_376 = arith.constant 100000 : i32
    %ge3A_377 = vector.broadcast %ge3A_376 : i32 to vector<160x128xi32>
    %ge3A_378 = arith.cmpi sge, %select_n3A_375, %ge3A_377 : vector<160x128xi32>
    %sub3A_379 = arith.constant 100000 : i32
    %sub3A_380 = vector.broadcast %sub3A_379 : i32 to vector<160x128xi32>
    %sub3A_381 = arith.subi %select_n3A_375, %sub3A_380 : vector<160x128xi32>
    %select_n3A_382 = arith.select %ge3A_378, %sub3A_381, %select_n3A_375 : vector<160x128xi1>, vector<160x128xi32>
    %swap3A_383 = arith.constant 2 : index
    %swap3A_384 = arith.constant 0 : index
    %swap3A_385 = arith.constant 0 : index
    %swap3A_386 = vector.load %arg1[%swap3A_383, %swap3A_384, %swap3A_385] : memref<16x160x128xi32, #tpu.memory_space<vmem>>, vector<1x160x128xi32>
    %swap3A_387 = vector.shape_cast %swap3A_386 : vector<1x160x128xi32> to vector<160x128xi32>
    %swap3A_388 = vector.shape_cast %select_n3A_382 : vector<160x128xi32> to vector<1x160x128xi32>
    tpu.vector_store %arg1[%swap3A_383, %swap3A_384, %swap3A_385], %swap3A_388 {strides = array<i32>} : memref<16x160x128xi32, #tpu.memory_space<vmem>>, vector<1x160x128xi32>,
    %broadcast_in_dim3A_389 = arith.constant 0 : i32
    %broadcast_in_dim3A_390 = vector.broadcast %broadcast_in_dim3A_389 : i32 to vector<160x128xi32>
    %broadcast_in_dim3A_391 = arith.constant 0 : i32
    %broadcast_in_dim3A_392 = vector.broadcast %broadcast_in_dim3A_391 : i32 to vector<160x128xi32>
    %mul3A_393 = arith.constant 43647 : i32
    %mul3A_394 = vector.broadcast %mul3A_393 : i32 to vector<160x128xi32>
    %mul3A_395 = arith.muli %get3A_18, %mul3A_394 : vector<160x128xi32>
    %mul3A_396 = arith.constant 36521 : i32
    %mul3A_397 = vector.broadcast %mul3A_396 : i32 to vector<160x128xi32>
    %mul3A_398 = arith.muli %get3A_18, %mul3A_397 : vector<160x128xi32>
    %shift_right_logical3A_399 = arith.constant 16 : i32
    %shift_right_logical3A_400 = vector.broadcast %shift_right_logical3A_399 : i32 to vector<160x128xi32>
    %shift_right_logical3A_401 = arith.shrui %mul3A_398, %shift_right_logical3A_400 : vector<160x128xi32>
    %add3A_402 = arith.addi %mul3A_395, %shift_right_logical3A_401 : vector<160x128xi32>
    %shift_right_logical3A_403 = arith.constant 16 : i32
    %shift_right_logical3A_404 = vector.broadcast %shift_right_logical3A_403 : i32 to vector<160x128xi32>
    %shift_right_logical3A_405 = arith.shrui %add3A_402, %shift_right_logical3A_404 : vector<160x128xi32>
    %and3A_406 = arith.constant 65535 : i32
    %and3A_407 = vector.broadcast %and3A_406 : i32 to vector<160x128xi32>
    %and3A_408 = arith.andi %add3A_402, %and3A_407 : vector<160x128xi32>
    %shift_left3A_409 = arith.constant 16 : i32
    %shift_left3A_410 = vector.broadcast %shift_left3A_409 : i32 to vector<160x128xi32>
    %shift_left3A_411 = arith.shli %and3A_408, %shift_left3A_410 : vector<160x128xi32>
    %and3A_412 = arith.constant 65535 : i32
    %and3A_413 = vector.broadcast %and3A_412 : i32 to vector<160x128xi32>
    %and3A_414 = arith.andi %mul3A_398, %and3A_413 : vector<160x128xi32>
    %or3A_415 = arith.ori %shift_left3A_411, %and3A_414 : vector<160x128xi32>
    %xor3A_416 = arith.xori %broadcast_in_dim3A_392, %shift_right_logical3A_405 : vector<160x128xi32>
    %xor3A_417 = arith.xori %broadcast_in_dim3A_390, %or3A_415 : vector<160x128xi32>
    %shift_right_logical3A_418 = arith.constant 31 : i32
    %shift_right_logical3A_419 = vector.broadcast %shift_right_logical3A_418 : i32 to vector<160x128xi32>
    %shift_right_logical3A_420 = arith.shrui %xor3A_417, %shift_right_logical3A_419 : vector<160x128xi32>
    %and3A_421 = arith.constant 2147483647 : i32
    %and3A_422 = vector.broadcast %and3A_421 : i32 to vector<160x128xi32>
    %and3A_423 = arith.andi %xor3A_417, %and3A_422 : vector<160x128xi32>
    %mul3A_424 = arith.constant 67296 : i32
    %mul3A_425 = vector.broadcast %mul3A_424 : i32 to vector<160x128xi32>
    %mul3A_426 = arith.muli %xor3A_416, %mul3A_425 : vector<160x128xi32>
    %mul3A_427 = arith.constant 83648 : i32
    %mul3A_428 = vector.broadcast %mul3A_427 : i32 to vector<160x128xi32>
    %mul3A_429 = arith.muli %shift_right_logical3A_420, %mul3A_428 : vector<160x128xi32>
    %add3A_430 = arith.addi %mul3A_426, %mul3A_429 : vector<160x128xi32>
    %convert_element_type3A_431 = arith.sitofp %and3A_423 : vector<160x128xi32> to vector<160x128xf32>
    %mul3A_432 = arith.constant 9.99999974E-6 : f32
    %mul3A_433 = vector.broadcast %mul3A_432 : f32 to vector<160x128xf32>
    %mul3A_434 = arith.mulf %convert_element_type3A_431, %mul3A_433 : vector<160x128xf32>
    %convert_element_type3A_435 = arith.fptosi %mul3A_434 : vector<160x128xf32> to vector<160x128xi32>
    %mul3A_436 = arith.constant 100000 : i32
    %mul3A_437 = vector.broadcast %mul3A_436 : i32 to vector<160x128xi32>
    %mul3A_438 = arith.muli %convert_element_type3A_435, %mul3A_437 : vector<160x128xi32>
    %sub3A_439 = arith.subi %and3A_423, %mul3A_438 : vector<160x128xi32>
    %lt3A_440 = arith.constant 0 : i32
    %lt3A_441 = vector.broadcast %lt3A_440 : i32 to vector<160x128xi32>
    %lt3A_442 = arith.cmpi slt, %sub3A_439, %lt3A_441 : vector<160x128xi32>
    %add3A_443 = arith.constant 100000 : i32
    %add3A_444 = vector.broadcast %add3A_443 : i32 to vector<160x128xi32>
    %add3A_445 = arith.addi %sub3A_439, %add3A_444 : vector<160x128xi32>
    %select_n3A_446 = arith.select %lt3A_442, %add3A_445, %sub3A_439 : vector<160x128xi1>, vector<160x128xi32>
    %lt3A_447 = arith.constant 0 : i32
    %lt3A_448 = vector.broadcast %lt3A_447 : i32 to vector<160x128xi32>
    %lt3A_449 = arith.cmpi slt, %select_n3A_446, %lt3A_448 : vector<160x128xi32>
    %add3A_450 = arith.constant 100000 : i32
    %add3A_451 = vector.broadcast %add3A_450 : i32 to vector<160x128xi32>
    %add3A_452 = arith.addi %select_n3A_446, %add3A_451 : vector<160x128xi32>
    %select_n3A_453 = arith.select %lt3A_449, %add3A_452, %select_n3A_446 : vector<160x128xi1>, vector<160x128xi32>
    %ge3A_454 = arith.constant 100000 : i32
    %ge3A_455 = vector.broadcast %ge3A_454 : i32 to vector<160x128xi32>
    %ge3A_456 = arith.cmpi sge, %select_n3A_453, %ge3A_455 : vector<160x128xi32>
    %sub3A_457 = arith.constant 100000 : i32
    %sub3A_458 = vector.broadcast %sub3A_457 : i32 to vector<160x128xi32>
    %sub3A_459 = arith.subi %select_n3A_453, %sub3A_458 : vector<160x128xi32>
    %select_n3A_460 = arith.select %ge3A_456, %sub3A_459, %select_n3A_453 : vector<160x128xi1>, vector<160x128xi32>
    %ge3A_461 = arith.constant 100000 : i32
    %ge3A_462 = vector.broadcast %ge3A_461 : i32 to vector<160x128xi32>
    %ge3A_463 = arith.cmpi sge, %select_n3A_460, %ge3A_462 : vector<160x128xi32>
    %sub3A_464 = arith.constant 100000 : i32
    %sub3A_465 = vector.broadcast %sub3A_464 : i32 to vector<160x128xi32>
    %sub3A_466 = arith.subi %select_n3A_460, %sub3A_465 : vector<160x128xi32>
    %select_n3A_467 = arith.select %ge3A_463, %sub3A_466, %select_n3A_460 : vector<160x128xi1>, vector<160x128xi32>
    %add3A_468 = arith.addi %add3A_430, %select_n3A_467 : vector<160x128xi32>
    %convert_element_type3A_469 = arith.sitofp %add3A_468 : vector<160x128xi32> to vector<160x128xf32>
    %mul3A_470 = arith.constant 9.99999974E-6 : f32
    %mul3A_471 = vector.broadcast %mul3A_470 : f32 to vector<160x128xf32>
    %mul3A_472 = arith.mulf %convert_element_type3A_469, %mul3A_471 : vector<160x128xf32>
    %convert_element_type3A_473 = arith.fptosi %mul3A_472 : vector<160x128xf32> to vector<160x128xi32>
    %mul3A_474 = arith.constant 100000 : i32
    %mul3A_475 = vector.broadcast %mul3A_474 : i32 to vector<160x128xi32>
    %mul3A_476 = arith.muli %convert_element_type3A_473, %mul3A_475 : vector<160x128xi32>
    %sub3A_477 = arith.subi %add3A_468, %mul3A_476 : vector<160x128xi32>
    %lt3A_478 = arith.constant 0 : i32
    %lt3A_479 = vector.broadcast %lt3A_478 : i32 to vector<160x128xi32>
    %lt3A_480 = arith.cmpi slt, %sub3A_477, %lt3A_479 : vector<160x128xi32>
    %add3A_481 = arith.constant 100000 : i32
    %add3A_482 = vector.broadcast %add3A_481 : i32 to vector<160x128xi32>
    %add3A_483 = arith.addi %sub3A_477, %add3A_482 : vector<160x128xi32>
    %select_n3A_484 = arith.select %lt3A_480, %add3A_483, %sub3A_477 : vector<160x128xi1>, vector<160x128xi32>
    %lt3A_485 = arith.constant 0 : i32
    %lt3A_486 = vector.broadcast %lt3A_485 : i32 to vector<160x128xi32>
    %lt3A_487 = arith.cmpi slt, %select_n3A_484, %lt3A_486 : vector<160x128xi32>
    %add3A_488 = arith.constant 100000 : i32
    %add3A_489 = vector.broadcast %add3A_488 : i32 to vector<160x128xi32>
    %add3A_490 = arith.addi %select_n3A_484, %add3A_489 : vector<160x128xi32>
    %select_n3A_491 = arith.select %lt3A_487, %add3A_490, %select_n3A_484 : vector<160x128xi1>, vector<160x128xi32>
    %ge3A_492 = arith.constant 100000 : i32
    %ge3A_493 = vector.broadcast %ge3A_492 : i32 to vector<160x128xi32>
    %ge3A_494 = arith.cmpi sge, %select_n3A_491, %ge3A_493 : vector<160x128xi32>
    %sub3A_495 = arith.constant 100000 : i32
    %sub3A_496 = vector.broadcast %sub3A_495 : i32 to vector<160x128xi32>
    %sub3A_497 = arith.subi %select_n3A_491, %sub3A_496 : vector<160x128xi32>
    %select_n3A_498 = arith.select %ge3A_494, %sub3A_497, %select_n3A_491 : vector<160x128xi1>, vector<160x128xi32>
    %ge3A_499 = arith.constant 100000 : i32
    %ge3A_500 = vector.broadcast %ge3A_499 : i32 to vector<160x128xi32>
    %ge3A_501 = arith.cmpi sge, %select_n3A_498, %ge3A_500 : vector<160x128xi32>
    %sub3A_502 = arith.constant 100000 : i32
    %sub3A_503 = vector.broadcast %sub3A_502 : i32 to vector<160x128xi32>
    %sub3A_504 = arith.subi %select_n3A_498, %sub3A_503 : vector<160x128xi32>
    %select_n3A_505 = arith.select %ge3A_501, %sub3A_504, %select_n3A_498 : vector<160x128xi1>, vector<160x128xi32>
    %swap3A_506 = arith.constant 3 : index
    %swap3A_507 = arith.constant 0 : index
    %swap3A_508 = arith.constant 0 : index
    %swap3A_509 = vector.load %arg1[%swap3A_506, %swap3A_507, %swap3A_508] : memref<16x160x128xi32, #tpu.memory_space<vmem>>, vector<1x160x128xi32>
    %swap3A_510 = vector.shape_cast %swap3A_509 : vector<1x160x128xi32> to vector<160x128xi32>
    %swap3A_511 = vector.shape_cast %select_n3A_505 : vector<160x128xi32> to vector<1x160x128xi32>
    tpu.vector_store %arg1[%swap3A_506, %swap3A_507, %swap3A_508], %swap3A_511 {strides = array<i32>} : memref<16x160x128xi32, #tpu.memory_space<vmem>>, vector<1x160x128xi32>,
    %broadcast_in_dim3A_512 = arith.constant 0 : i32
    %broadcast_in_dim3A_513 = vector.broadcast %broadcast_in_dim3A_512 : i32 to vector<160x128xi32>
    %broadcast_in_dim3A_514 = arith.constant 0 : i32
    %broadcast_in_dim3A_515 = vector.broadcast %broadcast_in_dim3A_514 : i32 to vector<160x128xi32>
    %mul3A_516 = arith.constant 22895 : i32
    %mul3A_517 = vector.broadcast %mul3A_516 : i32 to vector<160x128xi32>
    %mul3A_518 = arith.muli %get3A_3, %mul3A_517 : vector<160x128xi32>
    %mul3A_519 = arith.constant 3551 : i32
    %mul3A_520 = vector.broadcast %mul3A_519 : i32 to vector<160x128xi32>
    %mul3A_521 = arith.muli %get3A_3, %mul3A_520 : vector<160x128xi32>
    %shift_right_logical3A_522 = arith.constant 16 : i32
    %shift_right_logical3A_523 = vector.broadcast %shift_right_logical3A_522 : i32 to vector<160x128xi32>
    %shift_right_logical3A_524 = arith.shrui %mul3A_521, %shift_right_logical3A_523 : vector<160x128xi32>
    %add3A_525 = arith.addi %mul3A_518, %shift_right_logical3A_524 : vector<160x128xi32>
    %shift_right_logical3A_526 = arith.constant 16 : i32
    %shift_right_logical3A_527 = vector.broadcast %shift_right_logical3A_526 : i32 to vector<160x128xi32>
    %shift_right_logical3A_528 = arith.shrui %add3A_525, %shift_right_logical3A_527 : vector<160x128xi32>
    %and3A_529 = arith.constant 65535 : i32
    %and3A_530 = vector.broadcast %and3A_529 : i32 to vector<160x128xi32>
    %and3A_531 = arith.andi %add3A_525, %and3A_530 : vector<160x128xi32>
    %shift_left3A_532 = arith.constant 16 : i32
    %shift_left3A_533 = vector.broadcast %shift_left3A_532 : i32 to vector<160x128xi32>
    %shift_left3A_534 = arith.shli %and3A_531, %shift_left3A_533 : vector<160x128xi32>
    %and3A_535 = arith.constant 65535 : i32
    %and3A_536 = vector.broadcast %and3A_535 : i32 to vector<160x128xi32>
    %and3A_537 = arith.andi %mul3A_521, %and3A_536 : vector<160x128xi32>
    %or3A_538 = arith.ori %shift_left3A_534, %and3A_537 : vector<160x128xi32>
    %xor3A_539 = arith.xori %broadcast_in_dim3A_515, %shift_right_logical3A_528 : vector<160x128xi32>
    %xor3A_540 = arith.xori %broadcast_in_dim3A_513, %or3A_538 : vector<160x128xi32>
    %mul3A_541 = arith.constant 49850 : i32
    %mul3A_542 = vector.broadcast %mul3A_541 : i32 to vector<160x128xi32>
    %mul3A_543 = arith.muli %get3A_8, %mul3A_542 : vector<160x128xi32>
    %mul3A_544 = arith.constant 30413 : i32
    %mul3A_545 = vector.broadcast %mul3A_544 : i32 to vector<160x128xi32>
    %mul3A_546 = arith.muli %get3A_8, %mul3A_545 : vector<160x128xi32>
    %shift_right_logical3A_547 = arith.constant 16 : i32
    %shift_right_logical3A_548 = vector.broadcast %shift_right_logical3A_547 : i32 to vector<160x128xi32>
    %shift_right_logical3A_549 = arith.shrui %mul3A_546, %shift_right_logical3A_548 : vector<160x128xi32>
    %add3A_550 = arith.addi %mul3A_543, %shift_right_logical3A_549 : vector<160x128xi32>
    %shift_right_logical3A_551 = arith.constant 16 : i32
    %shift_right_logical3A_552 = vector.broadcast %shift_right_logical3A_551 : i32 to vector<160x128xi32>
    %shift_right_logical3A_553 = arith.shrui %add3A_550, %shift_right_logical3A_552 : vector<160x128xi32>
    %and3A_554 = arith.constant 65535 : i32
    %and3A_555 = vector.broadcast %and3A_554 : i32 to vector<160x128xi32>
    %and3A_556 = arith.andi %add3A_550, %and3A_555 : vector<160x128xi32>
    %shift_left3A_557 = arith.constant 16 : i32
    %shift_left3A_558 = vector.broadcast %shift_left3A_557 : i32 to vector<160x128xi32>
    %shift_left3A_559 = arith.shli %and3A_556, %shift_left3A_558 : vector<160x128xi32>
    %and3A_560 = arith.constant 65535 : i32
    %and3A_561 = vector.broadcast %and3A_560 : i32 to vector<160x128xi32>
    %and3A_562 = arith.andi %mul3A_546, %and3A_561 : vector<160x128xi32>
    %or3A_563 = arith.ori %shift_left3A_559, %and3A_562 : vector<160x128xi32>
    %xor3A_564 = arith.xori %xor3A_539, %shift_right_logical3A_553 : vector<160x128xi32>
    %xor3A_565 = arith.xori %xor3A_540, %or3A_563 : vector<160x128xi32>
    %shift_right_logical3A_566 = arith.constant 31 : i32
    %shift_right_logical3A_567 = vector.broadcast %shift_right_logical3A_566 : i32 to vector<160x128xi32>
    %shift_right_logical3A_568 = arith.shrui %xor3A_565, %shift_right_logical3A_567 : vector<160x128xi32>
    %and3A_569 = arith.constant 2147483647 : i32
    %and3A_570 = vector.broadcast %and3A_569 : i32 to vector<160x128xi32>
    %and3A_571 = arith.andi %xor3A_565, %and3A_570 : vector<160x128xi32>
    %mul3A_572 = arith.constant 67296 : i32
    %mul3A_573 = vector.broadcast %mul3A_572 : i32 to vector<160x128xi32>
    %mul3A_574 = arith.muli %xor3A_564, %mul3A_573 : vector<160x128xi32>
    %mul3A_575 = arith.constant 83648 : i32
    %mul3A_576 = vector.broadcast %mul3A_575 : i32 to vector<160x128xi32>
    %mul3A_577 = arith.muli %shift_right_logical3A_568, %mul3A_576 : vector<160x128xi32>
    %add3A_578 = arith.addi %mul3A_574, %mul3A_577 : vector<160x128xi32>
    %convert_element_type3A_579 = arith.sitofp %and3A_571 : vector<160x128xi32> to vector<160x128xf32>
    %mul3A_580 = arith.constant 9.99999974E-6 : f32
    %mul3A_581 = vector.broadcast %mul3A_580 : f32 to vector<160x128xf32>
    %mul3A_582 = arith.mulf %convert_element_type3A_579, %mul3A_581 : vector<160x128xf32>
    %convert_element_type3A_583 = arith.fptosi %mul3A_582 : vector<160x128xf32> to vector<160x128xi32>
    %mul3A_584 = arith.constant 100000 : i32
    %mul3A_585 = vector.broadcast %mul3A_584 : i32 to vector<160x128xi32>
    %mul3A_586 = arith.muli %convert_element_type3A_583, %mul3A_585 : vector<160x128xi32>
    %sub3A_587 = arith.subi %and3A_571, %mul3A_586 : vector<160x128xi32>
    %lt3A_588 = arith.constant 0 : i32
    %lt3A_589 = vector.broadcast %lt3A_588 : i32 to vector<160x128xi32>
    %lt3A_590 = arith.cmpi slt, %sub3A_587, %lt3A_589 : vector<160x128xi32>
    %add3A_591 = arith.constant 100000 : i32
    %add3A_592 = vector.broadcast %add3A_591 : i32 to vector<160x128xi32>
    %add3A_593 = arith.addi %sub3A_587, %add3A_592 : vector<160x128xi32>
    %select_n3A_594 = arith.select %lt3A_590, %add3A_593, %sub3A_587 : vector<160x128xi1>, vector<160x128xi32>
    %lt3A_595 = arith.constant 0 : i32
    %lt3A_596 = vector.broadcast %lt3A_595 : i32 to vector<160x128xi32>
    %lt3A_597 = arith.cmpi slt, %select_n3A_594, %lt3A_596 : vector<160x128xi32>
    %add3A_598 = arith.constant 100000 : i32
    %add3A_599 = vector.broadcast %add3A_598 : i32 to vector<160x128xi32>
    %add3A_600 = arith.addi %select_n3A_594, %add3A_599 : vector<160x128xi32>
    %select_n3A_601 = arith.select %lt3A_597, %add3A_600, %select_n3A_594 : vector<160x128xi1>, vector<160x128xi32>
    %ge3A_602 = arith.constant 100000 : i32
    %ge3A_603 = vector.broadcast %ge3A_602 : i32 to vector<160x128xi32>
    %ge3A_604 = arith.cmpi sge, %select_n3A_601, %ge3A_603 : vector<160x128xi32>
    %sub3A_605 = arith.constant 100000 : i32
    %sub3A_606 = vector.broadcast %sub3A_605 : i32 to vector<160x128xi32>
    %sub3A_607 = arith.subi %select_n3A_601, %sub3A_606 : vector<160x128xi32>
    %select_n3A_608 = arith.select %ge3A_604, %sub3A_607, %select_n3A_601 : vector<160x128xi1>, vector<160x128xi32>
    %ge3A_609 = arith.constant 100000 : i32
    %ge3A_610 = vector.broadcast %ge3A_609 : i32 to vector<160x128xi32>
    %ge3A_611 = arith.cmpi sge, %select_n3A_608, %ge3A_610 : vector<160x128xi32>
    %sub3A_612 = arith.constant 100000 : i32
    %sub3A_613 = vector.broadcast %sub3A_612 : i32 to vector<160x128xi32>
    %sub3A_614 = arith.subi %select_n3A_608, %sub3A_613 : vector<160x128xi32>
    %select_n3A_615 = arith.select %ge3A_611, %sub3A_614, %select_n3A_608 : vector<160x128xi1>, vector<160x128xi32>
    %add3A_616 = arith.addi %add3A_578, %select_n3A_615 : vector<160x128xi32>
    %convert_element_type3A_617 = arith.sitofp %add3A_616 : vector<160x128xi32> to vector<160x128xf32>
    %mul3A_618 = arith.constant 9.99999974E-6 : f32
    %mul3A_619 = vector.broadcast %mul3A_618 : f32 to vector<160x128xf32>
    %mul3A_620 = arith.mulf %convert_element_type3A_617, %mul3A_619 : vector<160x128xf32>
    %convert_element_type3A_621 = arith.fptosi %mul3A_620 : vector<160x128xf32> to vector<160x128xi32>
    %mul3A_622 = arith.constant 100000 : i32
    %mul3A_623 = vector.broadcast %mul3A_622 : i32 to vector<160x128xi32>
    %mul3A_624 = arith.muli %convert_element_type3A_621, %mul3A_623 : vector<160x128xi32>
    %sub3A_625 = arith.subi %add3A_616, %mul3A_624 : vector<160x128xi32>
    %lt3A_626 = arith.constant 0 : i32
    %lt3A_627 = vector.broadcast %lt3A_626 : i32 to vector<160x128xi32>
    %lt3A_628 = arith.cmpi slt, %sub3A_625, %lt3A_627 : vector<160x128xi32>
    %add3A_629 = arith.constant 100000 : i32
    %add3A_630 = vector.broadcast %add3A_629 : i32 to vector<160x128xi32>
    %add3A_631 = arith.addi %sub3A_625, %add3A_630 : vector<160x128xi32>
    %select_n3A_632 = arith.select %lt3A_628, %add3A_631, %sub3A_625 : vector<160x128xi1>, vector<160x128xi32>
    %lt3A_633 = arith.constant 0 : i32
    %lt3A_634 = vector.broadcast %lt3A_633 : i32 to vector<160x128xi32>
    %lt3A_635 = arith.cmpi slt, %select_n3A_632, %lt3A_634 : vector<160x128xi32>
    %add3A_636 = arith.constant 100000 : i32
    %add3A_637 = vector.broadcast %add3A_636 : i32 to vector<160x128xi32>
    %add3A_638 = arith.addi %select_n3A_632, %add3A_637 : vector<160x128xi32>
    %select_n3A_639 = arith.select %lt3A_635, %add3A_638, %select_n3A_632 : vector<160x128xi1>, vector<160x128xi32>
    %ge3A_640 = arith.constant 100000 : i32
    %ge3A_641 = vector.broadcast %ge3A_640 : i32 to vector<160x128xi32>
    %ge3A_642 = arith.cmpi sge, %select_n3A_639, %ge3A_641 : vector<160x128xi32>
    %sub3A_643 = arith.constant 100000 : i32
    %sub3A_644 = vector.broadcast %sub3A_643 : i32 to vector<160x128xi32>
    %sub3A_645 = arith.subi %select_n3A_639, %sub3A_644 : vector<160x128xi32>
    %select_n3A_646 = arith.select %ge3A_642, %sub3A_645, %select_n3A_639 : vector<160x128xi1>, vector<160x128xi32>
    %ge3A_647 = arith.constant 100000 : i32
    %ge3A_648 = vector.broadcast %ge3A_647 : i32 to vector<160x128xi32>
    %ge3A_649 = arith.cmpi sge, %select_n3A_646, %ge3A_648 : vector<160x128xi32>
    %sub3A_650 = arith.constant 100000 : i32
    %sub3A_651 = vector.broadcast %sub3A_650 : i32 to vector<160x128xi32>
    %sub3A_652 = arith.subi %select_n3A_646, %sub3A_651 : vector<160x128xi32>
    %select_n3A_653 = arith.select %ge3A_649, %sub3A_652, %select_n3A_646 : vector<160x128xi1>, vector<160x128xi32>
    %swap3A_654 = arith.constant 4 : index
    %swap3A_655 = arith.constant 0 : index
    %swap3A_656 = arith.constant 0 : index
    %swap3A_657 = vector.load %arg1[%swap3A_654, %swap3A_655, %swap3A_656] : memref<16x160x128xi32, #tpu.memory_space<vmem>>, vector<1x160x128xi32>
    %swap3A_658 = vector.shape_cast %swap3A_657 : vector<1x160x128xi32> to vector<160x128xi32>
    %swap3A_659 = vector.shape_cast %select_n3A_653 : vector<160x128xi32> to vector<1x160x128xi32>
    tpu.vector_store %arg1[%swap3A_654, %swap3A_655, %swap3A_656], %swap3A_659 {strides = array<i32>} : memref<16x160x128xi32, #tpu.memory_space<vmem>>, vector<1x160x128xi32>,
    %broadcast_in_dim3A_660 = arith.constant 0 : i32
    %broadcast_in_dim3A_661 = vector.broadcast %broadcast_in_dim3A_660 : i32 to vector<160x128xi32>
    %broadcast_in_dim3A_662 = arith.constant 0 : i32
    %broadcast_in_dim3A_663 = vector.broadcast %broadcast_in_dim3A_662 : i32 to vector<160x128xi32>
    %mul3A_664 = arith.constant 61787 : i32
    %mul3A_665 = vector.broadcast %mul3A_664 : i32 to vector<160x128xi32>
    %mul3A_666 = arith.muli %get3A_8, %mul3A_665 : vector<160x128xi32>
    %mul3A_667 = arith.constant 19905 : i32
    %mul3A_668 = vector.broadcast %mul3A_667 : i32 to vector<160x128xi32>
    %mul3A_669 = arith.muli %get3A_8, %mul3A_668 : vector<160x128xi32>
    %shift_right_logical3A_670 = arith.constant 16 : i32
    %shift_right_logical3A_671 = vector.broadcast %shift_right_logical3A_670 : i32 to vector<160x128xi32>
    %shift_right_logical3A_672 = arith.shrui %mul3A_669, %shift_right_logical3A_671 : vector<160x128xi32>
    %add3A_673 = arith.addi %mul3A_666, %shift_right_logical3A_672 : vector<160x128xi32>
    %shift_right_logical3A_674 = arith.constant 16 : i32
    %shift_right_logical3A_675 = vector.broadcast %shift_right_logical3A_674 : i32 to vector<160x128xi32>
    %shift_right_logical3A_676 = arith.shrui %add3A_673, %shift_right_logical3A_675 : vector<160x128xi32>
    %and3A_677 = arith.constant 65535 : i32
    %and3A_678 = vector.broadcast %and3A_677 : i32 to vector<160x128xi32>
    %and3A_679 = arith.andi %add3A_673, %and3A_678 : vector<160x128xi32>
    %shift_left3A_680 = arith.constant 16 : i32
    %shift_left3A_681 = vector.broadcast %shift_left3A_680 : i32 to vector<160x128xi32>
    %shift_left3A_682 = arith.shli %and3A_679, %shift_left3A_681 : vector<160x128xi32>
    %and3A_683 = arith.constant 65535 : i32
    %and3A_684 = vector.broadcast %and3A_683 : i32 to vector<160x128xi32>
    %and3A_685 = arith.andi %mul3A_669, %and3A_684 : vector<160x128xi32>
    %or3A_686 = arith.ori %shift_left3A_682, %and3A_685 : vector<160x128xi32>
    %xor3A_687 = arith.xori %broadcast_in_dim3A_663, %shift_right_logical3A_676 : vector<160x128xi32>
    %xor3A_688 = arith.xori %broadcast_in_dim3A_661, %or3A_686 : vector<160x128xi32>
    %mul3A_689 = arith.constant 34283 : i32
    %mul3A_690 = vector.broadcast %mul3A_689 : i32 to vector<160x128xi32>
    %mul3A_691 = arith.muli %get3A_13, %mul3A_690 : vector<160x128xi32>
    %mul3A_692 = arith.constant 51843 : i32
    %mul3A_693 = vector.broadcast %mul3A_692 : i32 to vector<160x128xi32>
    %mul3A_694 = arith.muli %get3A_13, %mul3A_693 : vector<160x128xi32>
    %shift_right_logical3A_695 = arith.constant 16 : i32
    %shift_right_logical3A_696 = vector.broadcast %shift_right_logical3A_695 : i32 to vector<160x128xi32>
    %shift_right_logical3A_697 = arith.shrui %mul3A_694, %shift_right_logical3A_696 : vector<160x128xi32>
    %add3A_698 = arith.addi %mul3A_691, %shift_right_logical3A_697 : vector<160x128xi32>
    %shift_right_logical3A_699 = arith.constant 16 : i32
    %shift_right_logical3A_700 = vector.broadcast %shift_right_logical3A_699 : i32 to vector<160x128xi32>
    %shift_right_logical3A_701 = arith.shrui %add3A_698, %shift_right_logical3A_700 : vector<160x128xi32>
    %and3A_702 = arith.constant 65535 : i32
    %and3A_703 = vector.broadcast %and3A_702 : i32 to vector<160x128xi32>
    %and3A_704 = arith.andi %add3A_698, %and3A_703 : vector<160x128xi32>
    %shift_left3A_705 = arith.constant 16 : i32
    %shift_left3A_706 = vector.broadcast %shift_left3A_705 : i32 to vector<160x128xi32>
    %shift_left3A_707 = arith.shli %and3A_704, %shift_left3A_706 : vector<160x128xi32>
    %and3A_708 = arith.constant 65535 : i32
    %and3A_709 = vector.broadcast %and3A_708 : i32 to vector<160x128xi32>
    %and3A_710 = arith.andi %mul3A_694, %and3A_709 : vector<160x128xi32>
    %or3A_711 = arith.ori %shift_left3A_707, %and3A_710 : vector<160x128xi32>
    %xor3A_712 = arith.xori %xor3A_687, %shift_right_logical3A_701 : vector<160x128xi32>
    %xor3A_713 = arith.xori %xor3A_688, %or3A_711 : vector<160x128xi32>
    %shift_right_logical3A_714 = arith.constant 31 : i32
    %shift_right_logical3A_715 = vector.broadcast %shift_right_logical3A_714 : i32 to vector<160x128xi32>
    %shift_right_logical3A_716 = arith.shrui %xor3A_713, %shift_right_logical3A_715 : vector<160x128xi32>
    %and3A_717 = arith.constant 2147483647 : i32
    %and3A_718 = vector.broadcast %and3A_717 : i32 to vector<160x128xi32>
    %and3A_719 = arith.andi %xor3A_713, %and3A_718 : vector<160x128xi32>
    %mul3A_720 = arith.constant 67296 : i32
    %mul3A_721 = vector.broadcast %mul3A_720 : i32 to vector<160x128xi32>
    %mul3A_722 = arith.muli %xor3A_712, %mul3A_721 : vector<160x128xi32>
    %mul3A_723 = arith.constant 83648 : i32
    %mul3A_724 = vector.broadcast %mul3A_723 : i32 to vector<160x128xi32>
    %mul3A_725 = arith.muli %shift_right_logical3A_716, %mul3A_724 : vector<160x128xi32>
    %add3A_726 = arith.addi %mul3A_722, %mul3A_725 : vector<160x128xi32>
    %convert_element_type3A_727 = arith.sitofp %and3A_719 : vector<160x128xi32> to vector<160x128xf32>
    %mul3A_728 = arith.constant 9.99999974E-6 : f32
    %mul3A_729 = vector.broadcast %mul3A_728 : f32 to vector<160x128xf32>
    %mul3A_730 = arith.mulf %convert_element_type3A_727, %mul3A_729 : vector<160x128xf32>
    %convert_element_type3A_731 = arith.fptosi %mul3A_730 : vector<160x128xf32> to vector<160x128xi32>
    %mul3A_732 = arith.constant 100000 : i32
    %mul3A_733 = vector.broadcast %mul3A_732 : i32 to vector<160x128xi32>
    %mul3A_734 = arith.muli %convert_element_type3A_731, %mul3A_733 : vector<160x128xi32>
    %sub3A_735 = arith.subi %and3A_719, %mul3A_734 : vector<160x128xi32>
    %lt3A_736 = arith.constant 0 : i32
    %lt3A_737 = vector.broadcast %lt3A_736 : i32 to vector<160x128xi32>
    %lt3A_738 = arith.cmpi slt, %sub3A_735, %lt3A_737 : vector<160x128xi32>
    %add3A_739 = arith.constant 100000 : i32
    %add3A_740 = vector.broadcast %add3A_739 : i32 to vector<160x128xi32>
    %add3A_741 = arith.addi %sub3A_735, %add3A_740 : vector<160x128xi32>
    %select_n3A_742 = arith.select %lt3A_738, %add3A_741, %sub3A_735 : vector<160x128xi1>, vector<160x128xi32>
    %lt3A_743 = arith.constant 0 : i32
    %lt3A_744 = vector.broadcast %lt3A_743 : i32 to vector<160x128xi32>
    %lt3A_745 = arith.cmpi slt, %select_n3A_742, %lt3A_744 : vector<160x128xi32>
    %add3A_746 = arith.constant 100000 : i32
    %add3A_747 = vector.broadcast %add3A_746 : i32 to vector<160x128xi32>
    %add3A_748 = arith.addi %select_n3A_742, %add3A_747 : vector<160x128xi32>
    %select_n3A_749 = arith.select %lt3A_745, %add3A_748, %select_n3A_742 : vector<160x128xi1>, vector<160x128xi32>
    %ge3A_750 = arith.constant 100000 : i32
    %ge3A_751 = vector.broadcast %ge3A_750 : i32 to vector<160x128xi32>
    %ge3A_752 = arith.cmpi sge, %select_n3A_749, %ge3A_751 : vector<160x128xi32>
    %sub3A_753 = arith.constant 100000 : i32
    %sub3A_754 = vector.broadcast %sub3A_753 : i32 to vector<160x128xi32>
    %sub3A_755 = arith.subi %select_n3A_749, %sub3A_754 : vector<160x128xi32>
    %select_n3A_756 = arith.select %ge3A_752, %sub3A_755, %select_n3A_749 : vector<160x128xi1>, vector<160x128xi32>
    %ge3A_757 = arith.constant 100000 : i32
    %ge3A_758 = vector.broadcast %ge3A_757 : i32 to vector<160x128xi32>
    %ge3A_759 = arith.cmpi sge, %select_n3A_756, %ge3A_758 : vector<160x128xi32>
    %sub3A_760 = arith.constant 100000 : i32
    %sub3A_761 = vector.broadcast %sub3A_760 : i32 to vector<160x128xi32>
    %sub3A_762 = arith.subi %select_n3A_756, %sub3A_761 : vector<160x128xi32>
    %select_n3A_763 = arith.select %ge3A_759, %sub3A_762, %select_n3A_756 : vector<160x128xi1>, vector<160x128xi32>
    %add3A_764 = arith.addi %add3A_726, %select_n3A_763 : vector<160x128xi32>
    %convert_element_type3A_765 = arith.sitofp %add3A_764 : vector<160x128xi32> to vector<160x128xf32>
    %mul3A_766 = arith.constant 9.99999974E-6 : f32
    %mul3A_767 = vector.broadcast %mul3A_766 : f32 to vector<160x128xf32>
    %mul3A_768 = arith.mulf %convert_element_type3A_765, %mul3A_767 : vector<160x128xf32>
    %convert_element_type3A_769 = arith.fptosi %mul3A_768 : vector<160x128xf32> to vector<160x128xi32>
    %mul3A_770 = arith.constant 100000 : i32
    %mul3A_771 = vector.broadcast %mul3A_770 : i32 to vector<160x128xi32>
    %mul3A_772 = arith.muli %convert_element_type3A_769, %mul3A_771 : vector<160x128xi32>
    %sub3A_773 = arith.subi %add3A_764, %mul3A_772 : vector<160x128xi32>
    %lt3A_774 = arith.constant 0 : i32
    %lt3A_775 = vector.broadcast %lt3A_774 : i32 to vector<160x128xi32>
    %lt3A_776 = arith.cmpi slt, %sub3A_773, %lt3A_775 : vector<160x128xi32>
    %add3A_777 = arith.constant 100000 : i32
    %add3A_778 = vector.broadcast %add3A_777 : i32 to vector<160x128xi32>
    %add3A_779 = arith.addi %sub3A_773, %add3A_778 : vector<160x128xi32>
    %select_n3A_780 = arith.select %lt3A_776, %add3A_779, %sub3A_773 : vector<160x128xi1>, vector<160x128xi32>
    %lt3A_781 = arith.constant 0 : i32
    %lt3A_782 = vector.broadcast %lt3A_781 : i32 to vector<160x128xi32>
    %lt3A_783 = arith.cmpi slt, %select_n3A_780, %lt3A_782 : vector<160x128xi32>
    %add3A_784 = arith.constant 100000 : i32
    %add3A_785 = vector.broadcast %add3A_784 : i32 to vector<160x128xi32>
    %add3A_786 = arith.addi %select_n3A_780, %add3A_785 : vector<160x128xi32>
    %select_n3A_787 = arith.select %lt3A_783, %add3A_786, %select_n3A_780 : vector<160x128xi1>, vector<160x128xi32>
    %ge3A_788 = arith.constant 100000 : i32
    %ge3A_789 = vector.broadcast %ge3A_788 : i32 to vector<160x128xi32>
    %ge3A_790 = arith.cmpi sge, %select_n3A_787, %ge3A_789 : vector<160x128xi32>
    %sub3A_791 = arith.constant 100000 : i32
    %sub3A_792 = vector.broadcast %sub3A_791 : i32 to vector<160x128xi32>
    %sub3A_793 = arith.subi %select_n3A_787, %sub3A_792 : vector<160x128xi32>
    %select_n3A_794 = arith.select %ge3A_790, %sub3A_793, %select_n3A_787 : vector<160x128xi1>, vector<160x128xi32>
    %ge3A_795 = arith.constant 100000 : i32
    %ge3A_796 = vector.broadcast %ge3A_795 : i32 to vector<160x128xi32>
    %ge3A_797 = arith.cmpi sge, %select_n3A_794, %ge3A_796 : vector<160x128xi32>
    %sub3A_798 = arith.constant 100000 : i32
    %sub3A_799 = vector.broadcast %sub3A_798 : i32 to vector<160x128xi32>
    %sub3A_800 = arith.subi %select_n3A_794, %sub3A_799 : vector<160x128xi32>
    %select_n3A_801 = arith.select %ge3A_797, %sub3A_800, %select_n3A_794 : vector<160x128xi1>, vector<160x128xi32>
    %swap3A_802 = arith.constant 5 : index
    %swap3A_803 = arith.constant 0 : index
    %swap3A_804 = arith.constant 0 : index
    %swap3A_805 = vector.load %arg1[%swap3A_802, %swap3A_803, %swap3A_804] : memref<16x160x128xi32, #tpu.memory_space<vmem>>, vector<1x160x128xi32>
    %swap3A_806 = vector.shape_cast %swap3A_805 : vector<1x160x128xi32> to vector<160x128xi32>
    %swap3A_807 = vector.shape_cast %select_n3A_801 : vector<160x128xi32> to vector<1x160x128xi32>
    tpu.vector_store %arg1[%swap3A_802, %swap3A_803, %swap3A_804], %swap3A_807 {strides = array<i32>} : memref<16x160x128xi32, #tpu.memory_space<vmem>>, vector<1x160x128xi32>,
    %broadcast_in_dim3A_808 = arith.constant 0 : i32
    %broadcast_in_dim3A_809 = vector.broadcast %broadcast_in_dim3A_808 : i32 to vector<160x128xi32>
    %broadcast_in_dim3A_810 = arith.constant 0 : i32
    %broadcast_in_dim3A_811 = vector.broadcast %broadcast_in_dim3A_810 : i32 to vector<160x128xi32>
    %mul3A_812 = arith.constant 30947 : i32
    %mul3A_813 = vector.broadcast %mul3A_812 : i32 to vector<160x128xi32>
    %mul3A_814 = arith.muli %get3A_13, %mul3A_813 : vector<160x128xi32>
    %mul3A_815 = arith.constant 35927 : i32
    %mul3A_816 = vector.broadcast %mul3A_815 : i32 to vector<160x128xi32>
    %mul3A_817 = arith.muli %get3A_13, %mul3A_816 : vector<160x128xi32>
    %shift_right_logical3A_818 = arith.constant 16 : i32
    %shift_right_logical3A_819 = vector.broadcast %shift_right_logical3A_818 : i32 to vector<160x128xi32>
    %shift_right_logical3A_820 = arith.shrui %mul3A_817, %shift_right_logical3A_819 : vector<160x128xi32>
    %add3A_821 = arith.addi %mul3A_814, %shift_right_logical3A_820 : vector<160x128xi32>
    %shift_right_logical3A_822 = arith.constant 16 : i32
    %shift_right_logical3A_823 = vector.broadcast %shift_right_logical3A_822 : i32 to vector<160x128xi32>
    %shift_right_logical3A_824 = arith.shrui %add3A_821, %shift_right_logical3A_823 : vector<160x128xi32>
    %and3A_825 = arith.constant 65535 : i32
    %and3A_826 = vector.broadcast %and3A_825 : i32 to vector<160x128xi32>
    %and3A_827 = arith.andi %add3A_821, %and3A_826 : vector<160x128xi32>
    %shift_left3A_828 = arith.constant 16 : i32
    %shift_left3A_829 = vector.broadcast %shift_left3A_828 : i32 to vector<160x128xi32>
    %shift_left3A_830 = arith.shli %and3A_827, %shift_left3A_829 : vector<160x128xi32>
    %and3A_831 = arith.constant 65535 : i32
    %and3A_832 = vector.broadcast %and3A_831 : i32 to vector<160x128xi32>
    %and3A_833 = arith.andi %mul3A_817, %and3A_832 : vector<160x128xi32>
    %or3A_834 = arith.ori %shift_left3A_830, %and3A_833 : vector<160x128xi32>
    %xor3A_835 = arith.xori %broadcast_in_dim3A_811, %shift_right_logical3A_824 : vector<160x128xi32>
    %xor3A_836 = arith.xori %broadcast_in_dim3A_809, %or3A_834 : vector<160x128xi32>
    %mul3A_837 = arith.constant 18626 : i32
    %mul3A_838 = vector.broadcast %mul3A_837 : i32 to vector<160x128xi32>
    %mul3A_839 = arith.muli %get3A_18, %mul3A_838 : vector<160x128xi32>
    %mul3A_840 = arith.constant 29597 : i32
    %mul3A_841 = vector.broadcast %mul3A_840 : i32 to vector<160x128xi32>
    %mul3A_842 = arith.muli %get3A_18, %mul3A_841 : vector<160x128xi32>
    %shift_right_logical3A_843 = arith.constant 16 : i32
    %shift_right_logical3A_844 = vector.broadcast %shift_right_logical3A_843 : i32 to vector<160x128xi32>
    %shift_right_logical3A_845 = arith.shrui %mul3A_842, %shift_right_logical3A_844 : vector<160x128xi32>
    %add3A_846 = arith.addi %mul3A_839, %shift_right_logical3A_845 : vector<160x128xi32>
    %shift_right_logical3A_847 = arith.constant 16 : i32
    %shift_right_logical3A_848 = vector.broadcast %shift_right_logical3A_847 : i32 to vector<160x128xi32>
    %shift_right_logical3A_849 = arith.shrui %add3A_846, %shift_right_logical3A_848 : vector<160x128xi32>
    %and3A_850 = arith.constant 65535 : i32
    %and3A_851 = vector.broadcast %and3A_850 : i32 to vector<160x128xi32>
    %and3A_852 = arith.andi %add3A_846, %and3A_851 : vector<160x128xi32>
    %shift_left3A_853 = arith.constant 16 : i32
    %shift_left3A_854 = vector.broadcast %shift_left3A_853 : i32 to vector<160x128xi32>
    %shift_left3A_855 = arith.shli %and3A_852, %shift_left3A_854 : vector<160x128xi32>
    %and3A_856 = arith.constant 65535 : i32
    %and3A_857 = vector.broadcast %and3A_856 : i32 to vector<160x128xi32>
    %and3A_858 = arith.andi %mul3A_842, %and3A_857 : vector<160x128xi32>
    %or3A_859 = arith.ori %shift_left3A_855, %and3A_858 : vector<160x128xi32>
    %xor3A_860 = arith.xori %xor3A_835, %shift_right_logical3A_849 : vector<160x128xi32>
    %xor3A_861 = arith.xori %xor3A_836, %or3A_859 : vector<160x128xi32>
    %shift_right_logical3A_862 = arith.constant 31 : i32
    %shift_right_logical3A_863 = vector.broadcast %shift_right_logical3A_862 : i32 to vector<160x128xi32>
    %shift_right_logical3A_864 = arith.shrui %xor3A_861, %shift_right_logical3A_863 : vector<160x128xi32>
    %and3A_865 = arith.constant 2147483647 : i32
    %and3A_866 = vector.broadcast %and3A_865 : i32 to vector<160x128xi32>
    %and3A_867 = arith.andi %xor3A_861, %and3A_866 : vector<160x128xi32>
    %mul3A_868 = arith.constant 67296 : i32
    %mul3A_869 = vector.broadcast %mul3A_868 : i32 to vector<160x128xi32>
    %mul3A_870 = arith.muli %xor3A_860, %mul3A_869 : vector<160x128xi32>
    %mul3A_871 = arith.constant 83648 : i32
    %mul3A_872 = vector.broadcast %mul3A_871 : i32 to vector<160x128xi32>
    %mul3A_873 = arith.muli %shift_right_logical3A_864, %mul3A_872 : vector<160x128xi32>
    %add3A_874 = arith.addi %mul3A_870, %mul3A_873 : vector<160x128xi32>
    %convert_element_type3A_875 = arith.sitofp %and3A_867 : vector<160x128xi32> to vector<160x128xf32>
    %mul3A_876 = arith.constant 9.99999974E-6 : f32
    %mul3A_877 = vector.broadcast %mul3A_876 : f32 to vector<160x128xf32>
    %mul3A_878 = arith.mulf %convert_element_type3A_875, %mul3A_877 : vector<160x128xf32>
    %convert_element_type3A_879 = arith.fptosi %mul3A_878 : vector<160x128xf32> to vector<160x128xi32>
    %mul3A_880 = arith.constant 100000 : i32
    %mul3A_881 = vector.broadcast %mul3A_880 : i32 to vector<160x128xi32>
    %mul3A_882 = arith.muli %convert_element_type3A_879, %mul3A_881 : vector<160x128xi32>
    %sub3A_883 = arith.subi %and3A_867, %mul3A_882 : vector<160x128xi32>
    %lt3A_884 = arith.constant 0 : i32
    %lt3A_885 = vector.broadcast %lt3A_884 : i32 to vector<160x128xi32>
    %lt3A_886 = arith.cmpi slt, %sub3A_883, %lt3A_885 : vector<160x128xi32>
    %add3A_887 = arith.constant 100000 : i32
    %add3A_888 = vector.broadcast %add3A_887 : i32 to vector<160x128xi32>
    %add3A_889 = arith.addi %sub3A_883, %add3A_888 : vector<160x128xi32>
    %select_n3A_890 = arith.select %lt3A_886, %add3A_889, %sub3A_883 : vector<160x128xi1>, vector<160x128xi32>
    %lt3A_891 = arith.constant 0 : i32
    %lt3A_892 = vector.broadcast %lt3A_891 : i32 to vector<160x128xi32>
    %lt3A_893 = arith.cmpi slt, %select_n3A_890, %lt3A_892 : vector<160x128xi32>
    %add3A_894 = arith.constant 100000 : i32
    %add3A_895 = vector.broadcast %add3A_894 : i32 to vector<160x128xi32>
    %add3A_896 = arith.addi %select_n3A_890, %add3A_895 : vector<160x128xi32>
    %select_n3A_897 = arith.select %lt3A_893, %add3A_896, %select_n3A_890 : vector<160x128xi1>, vector<160x128xi32>
    %ge3A_898 = arith.constant 100000 : i32
    %ge3A_899 = vector.broadcast %ge3A_898 : i32 to vector<160x128xi32>
    %ge3A_900 = arith.cmpi sge, %select_n3A_897, %ge3A_899 : vector<160x128xi32>
    %sub3A_901 = arith.constant 100000 : i32
    %sub3A_902 = vector.broadcast %sub3A_901 : i32 to vector<160x128xi32>
    %sub3A_903 = arith.subi %select_n3A_897, %sub3A_902 : vector<160x128xi32>
    %select_n3A_904 = arith.select %ge3A_900, %sub3A_903, %select_n3A_897 : vector<160x128xi1>, vector<160x128xi32>
    %ge3A_905 = arith.constant 100000 : i32
    %ge3A_906 = vector.broadcast %ge3A_905 : i32 to vector<160x128xi32>
    %ge3A_907 = arith.cmpi sge, %select_n3A_904, %ge3A_906 : vector<160x128xi32>
    %sub3A_908 = arith.constant 100000 : i32
    %sub3A_909 = vector.broadcast %sub3A_908 : i32 to vector<160x128xi32>
    %sub3A_910 = arith.subi %select_n3A_904, %sub3A_909 : vector<160x128xi32>
    %select_n3A_911 = arith.select %ge3A_907, %sub3A_910, %select_n3A_904 : vector<160x128xi1>, vector<160x128xi32>
    %add3A_912 = arith.addi %add3A_874, %select_n3A_911 : vector<160x128xi32>
    %convert_element_type3A_913 = arith.sitofp %add3A_912 : vector<160x128xi32> to vector<160x128xf32>
    %mul3A_914 = arith.constant 9.99999974E-6 : f32
    %mul3A_915 = vector.broadcast %mul3A_914 : f32 to vector<160x128xf32>
    %mul3A_916 = arith.mulf %convert_element_type3A_913, %mul3A_915 : vector<160x128xf32>
    %convert_element_type3A_917 = arith.fptosi %mul3A_916 : vector<160x128xf32> to vector<160x128xi32>
    %mul3A_918 = arith.constant 100000 : i32
    %mul3A_919 = vector.broadcast %mul3A_918 : i32 to vector<160x128xi32>
    %mul3A_920 = arith.muli %convert_element_type3A_917, %mul3A_919 : vector<160x128xi32>
    %sub3A_921 = arith.subi %add3A_912, %mul3A_920 : vector<160x128xi32>
    %lt3A_922 = arith.constant 0 : i32
    %lt3A_923 = vector.broadcast %lt3A_922 : i32 to vector<160x128xi32>
    %lt3A_924 = arith.cmpi slt, %sub3A_921, %lt3A_923 : vector<160x128xi32>
    %add3A_925 = arith.constant 100000 : i32
    %add3A_926 = vector.broadcast %add3A_925 : i32 to vector<160x128xi32>
    %add3A_927 = arith.addi %sub3A_921, %add3A_926 : vector<160x128xi32>
    %select_n3A_928 = arith.select %lt3A_924, %add3A_927, %sub3A_921 : vector<160x128xi1>, vector<160x128xi32>
    %lt3A_929 = arith.constant 0 : i32
    %lt3A_930 = vector.broadcast %lt3A_929 : i32 to vector<160x128xi32>
    %lt3A_931 = arith.cmpi slt, %select_n3A_928, %lt3A_930 : vector<160x128xi32>
    %add3A_932 = arith.constant 100000 : i32
    %add3A_933 = vector.broadcast %add3A_932 : i32 to vector<160x128xi32>
    %add3A_934 = arith.addi %select_n3A_928, %add3A_933 : vector<160x128xi32>
    %select_n3A_935 = arith.select %lt3A_931, %add3A_934, %select_n3A_928 : vector<160x128xi1>, vector<160x128xi32>
    %ge3A_936 = arith.constant 100000 : i32
    %ge3A_937 = vector.broadcast %ge3A_936 : i32 to vector<160x128xi32>
    %ge3A_938 = arith.cmpi sge, %select_n3A_935, %ge3A_937 : vector<160x128xi32>
    %sub3A_939 = arith.constant 100000 : i32
    %sub3A_940 = vector.broadcast %sub3A_939 : i32 to vector<160x128xi32>
    %sub3A_941 = arith.subi %select_n3A_935, %sub3A_940 : vector<160x128xi32>
    %select_n3A_942 = arith.select %ge3A_938, %sub3A_941, %select_n3A_935 : vector<160x128xi1>, vector<160x128xi32>
    %ge3A_943 = arith.constant 100000 : i32
    %ge3A_944 = vector.broadcast %ge3A_943 : i32 to vector<160x128xi32>
    %ge3A_945 = arith.cmpi sge, %select_n3A_942, %ge3A_944 : vector<160x128xi32>
    %sub3A_946 = arith.constant 100000 : i32
    %sub3A_947 = vector.broadcast %sub3A_946 : i32 to vector<160x128xi32>
    %sub3A_948 = arith.subi %select_n3A_942, %sub3A_947 : vector<160x128xi32>
    %select_n3A_949 = arith.select %ge3A_945, %sub3A_948, %select_n3A_942 : vector<160x128xi1>, vector<160x128xi32>
    %swap3A_950 = arith.constant 6 : index
    %swap3A_951 = arith.constant 0 : index
    %swap3A_952 = arith.constant 0 : index
    %swap3A_953 = vector.load %arg1[%swap3A_950, %swap3A_951, %swap3A_952] : memref<16x160x128xi32, #tpu.memory_space<vmem>>, vector<1x160x128xi32>
    %swap3A_954 = vector.shape_cast %swap3A_953 : vector<1x160x128xi32> to vector<160x128xi32>
    %swap3A_955 = vector.shape_cast %select_n3A_949 : vector<160x128xi32> to vector<1x160x128xi32>
    tpu.vector_store %arg1[%swap3A_950, %swap3A_951, %swap3A_952], %swap3A_955 {strides = array<i32>} : memref<16x160x128xi32, #tpu.memory_space<vmem>>, vector<1x160x128xi32>,
    %broadcast_in_dim3A_956 = arith.constant 0 : i32
    %broadcast_in_dim3A_957 = vector.broadcast %broadcast_in_dim3A_956 : i32 to vector<160x128xi32>
    %broadcast_in_dim3A_958 = arith.constant 0 : i32
    %broadcast_in_dim3A_959 = vector.broadcast %broadcast_in_dim3A_958 : i32 to vector<160x128xi32>
    %mul3A_960 = arith.constant 12288 : i32
    %mul3A_961 = vector.broadcast %mul3A_960 : i32 to vector<160x128xi32>
    %mul3A_962 = arith.muli %get3A_3, %mul3A_961 : vector<160x128xi32>
    %mul3A_963 = arith.constant 91 : i32
    %mul3A_964 = vector.broadcast %mul3A_963 : i32 to vector<160x128xi32>
    %mul3A_965 = arith.muli %get3A_3, %mul3A_964 : vector<160x128xi32>
    %shift_right_logical3A_966 = arith.constant 16 : i32
    %shift_right_logical3A_967 = vector.broadcast %shift_right_logical3A_966 : i32 to vector<160x128xi32>
    %shift_right_logical3A_968 = arith.shrui %mul3A_965, %shift_right_logical3A_967 : vector<160x128xi32>
    %add3A_969 = arith.addi %mul3A_962, %shift_right_logical3A_968 : vector<160x128xi32>
    %shift_right_logical3A_970 = arith.constant 16 : i32
    %shift_right_logical3A_971 = vector.broadcast %shift_right_logical3A_970 : i32 to vector<160x128xi32>
    %shift_right_logical3A_972 = arith.shrui %add3A_969, %shift_right_logical3A_971 : vector<160x128xi32>
    %and3A_973 = arith.constant 65535 : i32
    %and3A_974 = vector.broadcast %and3A_973 : i32 to vector<160x128xi32>
    %and3A_975 = arith.andi %add3A_969, %and3A_974 : vector<160x128xi32>
    %shift_left3A_976 = arith.constant 16 : i32
    %shift_left3A_977 = vector.broadcast %shift_left3A_976 : i32 to vector<160x128xi32>
    %shift_left3A_978 = arith.shli %and3A_975, %shift_left3A_977 : vector<160x128xi32>
    %and3A_979 = arith.constant 65535 : i32
    %and3A_980 = vector.broadcast %and3A_979 : i32 to vector<160x128xi32>
    %and3A_981 = arith.andi %mul3A_965, %and3A_980 : vector<160x128xi32>
    %or3A_982 = arith.ori %shift_left3A_978, %and3A_981 : vector<160x128xi32>
    %xor3A_983 = arith.xori %broadcast_in_dim3A_959, %shift_right_logical3A_972 : vector<160x128xi32>
    %xor3A_984 = arith.xori %broadcast_in_dim3A_957, %or3A_982 : vector<160x128xi32>
    %mul3A_985 = arith.constant 6144 : i32
    %mul3A_986 = vector.broadcast %mul3A_985 : i32 to vector<160x128xi32>
    %mul3A_987 = arith.muli %get3A_13, %mul3A_986 : vector<160x128xi32>
    %mul3A_988 = arith.constant 7 : i32
    %mul3A_989 = vector.broadcast %mul3A_988 : i32 to vector<160x128xi32>
    %mul3A_990 = arith.muli %get3A_13, %mul3A_989 : vector<160x128xi32>
    %shift_right_logical3A_991 = arith.constant 16 : i32
    %shift_right_logical3A_992 = vector.broadcast %shift_right_logical3A_991 : i32 to vector<160x128xi32>
    %shift_right_logical3A_993 = arith.shrui %mul3A_990, %shift_right_logical3A_992 : vector<160x128xi32>
    %add3A_994 = arith.addi %mul3A_987, %shift_right_logical3A_993 : vector<160x128xi32>
    %shift_right_logical3A_995 = arith.constant 16 : i32
    %shift_right_logical3A_996 = vector.broadcast %shift_right_logical3A_995 : i32 to vector<160x128xi32>
    %shift_right_logical3A_997 = arith.shrui %add3A_994, %shift_right_logical3A_996 : vector<160x128xi32>
    %and3A_998 = arith.constant 65535 : i32
    %and3A_999 = vector.broadcast %and3A_998 : i32 to vector<160x128xi32>
    %and3A_1000 = arith.andi %add3A_994, %and3A_999 : vector<160x128xi32>
    %shift_left3A_1001 = arith.constant 16 : i32
    %shift_left3A_1002 = vector.broadcast %shift_left3A_1001 : i32 to vector<160x128xi32>
    %shift_left3A_1003 = arith.shli %and3A_1000, %shift_left3A_1002 : vector<160x128xi32>
    %and3A_1004 = arith.constant 65535 : i32
    %and3A_1005 = vector.broadcast %and3A_1004 : i32 to vector<160x128xi32>
    %and3A_1006 = arith.andi %mul3A_990, %and3A_1005 : vector<160x128xi32>
    %or3A_1007 = arith.ori %shift_left3A_1003, %and3A_1006 : vector<160x128xi32>
    %xor3A_1008 = arith.xori %xor3A_983, %shift_right_logical3A_997 : vector<160x128xi32>
    %xor3A_1009 = arith.xori %xor3A_984, %or3A_1007 : vector<160x128xi32>
    %shift_right_logical3A_1010 = arith.constant 31 : i32
    %shift_right_logical3A_1011 = vector.broadcast %shift_right_logical3A_1010 : i32 to vector<160x128xi32>
    %shift_right_logical3A_1012 = arith.shrui %xor3A_1009, %shift_right_logical3A_1011 : vector<160x128xi32>
    %and3A_1013 = arith.constant 2147483647 : i32
    %and3A_1014 = vector.broadcast %and3A_1013 : i32 to vector<160x128xi32>
    %and3A_1015 = arith.andi %xor3A_1009, %and3A_1014 : vector<160x128xi32>
    %mul3A_1016 = arith.constant 67296 : i32
    %mul3A_1017 = vector.broadcast %mul3A_1016 : i32 to vector<160x128xi32>
    %mul3A_1018 = arith.muli %xor3A_1008, %mul3A_1017 : vector<160x128xi32>
    %mul3A_1019 = arith.constant 83648 : i32
    %mul3A_1020 = vector.broadcast %mul3A_1019 : i32 to vector<160x128xi32>
    %mul3A_1021 = arith.muli %shift_right_logical3A_1012, %mul3A_1020 : vector<160x128xi32>
    %add3A_1022 = arith.addi %mul3A_1018, %mul3A_1021 : vector<160x128xi32>
    %convert_element_type3A_1023 = arith.sitofp %and3A_1015 : vector<160x128xi32> to vector<160x128xf32>
    %mul3A_1024 = arith.constant 9.99999974E-6 : f32
    %mul3A_1025 = vector.broadcast %mul3A_1024 : f32 to vector<160x128xf32>
    %mul3A_1026 = arith.mulf %convert_element_type3A_1023, %mul3A_1025 : vector<160x128xf32>
    %convert_element_type3A_1027 = arith.fptosi %mul3A_1026 : vector<160x128xf32> to vector<160x128xi32>
    %mul3A_1028 = arith.constant 100000 : i32
    %mul3A_1029 = vector.broadcast %mul3A_1028 : i32 to vector<160x128xi32>
    %mul3A_1030 = arith.muli %convert_element_type3A_1027, %mul3A_1029 : vector<160x128xi32>
    %sub3A_1031 = arith.subi %and3A_1015, %mul3A_1030 : vector<160x128xi32>
    %lt3A_1032 = arith.constant 0 : i32
    %lt3A_1033 = vector.broadcast %lt3A_1032 : i32 to vector<160x128xi32>
    %lt3A_1034 = arith.cmpi slt, %sub3A_1031, %lt3A_1033 : vector<160x128xi32>
    %add3A_1035 = arith.constant 100000 : i32
    %add3A_1036 = vector.broadcast %add3A_1035 : i32 to vector<160x128xi32>
    %add3A_1037 = arith.addi %sub3A_1031, %add3A_1036 : vector<160x128xi32>
    %select_n3A_1038 = arith.select %lt3A_1034, %add3A_1037, %sub3A_1031 : vector<160x128xi1>, vector<160x128xi32>
    %lt3A_1039 = arith.constant 0 : i32
    %lt3A_1040 = vector.broadcast %lt3A_1039 : i32 to vector<160x128xi32>
    %lt3A_1041 = arith.cmpi slt, %select_n3A_1038, %lt3A_1040 : vector<160x128xi32>
    %add3A_1042 = arith.constant 100000 : i32
    %add3A_1043 = vector.broadcast %add3A_1042 : i32 to vector<160x128xi32>
    %add3A_1044 = arith.addi %select_n3A_1038, %add3A_1043 : vector<160x128xi32>
    %select_n3A_1045 = arith.select %lt3A_1041, %add3A_1044, %select_n3A_1038 : vector<160x128xi1>, vector<160x128xi32>
    %ge3A_1046 = arith.constant 100000 : i32
    %ge3A_1047 = vector.broadcast %ge3A_1046 : i32 to vector<160x128xi32>
    %ge3A_1048 = arith.cmpi sge, %select_n3A_1045, %ge3A_1047 : vector<160x128xi32>
    %sub3A_1049 = arith.constant 100000 : i32
    %sub3A_1050 = vector.broadcast %sub3A_1049 : i32 to vector<160x128xi32>
    %sub3A_1051 = arith.subi %select_n3A_1045, %sub3A_1050 : vector<160x128xi32>
    %select_n3A_1052 = arith.select %ge3A_1048, %sub3A_1051, %select_n3A_1045 : vector<160x128xi1>, vector<160x128xi32>
    %ge3A_1053 = arith.constant 100000 : i32
    %ge3A_1054 = vector.broadcast %ge3A_1053 : i32 to vector<160x128xi32>
    %ge3A_1055 = arith.cmpi sge, %select_n3A_1052, %ge3A_1054 : vector<160x128xi32>
    %sub3A_1056 = arith.constant 100000 : i32
    %sub3A_1057 = vector.broadcast %sub3A_1056 : i32 to vector<160x128xi32>
    %sub3A_1058 = arith.subi %select_n3A_1052, %sub3A_1057 : vector<160x128xi32>
    %select_n3A_1059 = arith.select %ge3A_1055, %sub3A_1058, %select_n3A_1052 : vector<160x128xi1>, vector<160x128xi32>
    %add3A_1060 = arith.addi %add3A_1022, %select_n3A_1059 : vector<160x128xi32>
    %convert_element_type3A_1061 = arith.sitofp %add3A_1060 : vector<160x128xi32> to vector<160x128xf32>
    %mul3A_1062 = arith.constant 9.99999974E-6 : f32
    %mul3A_1063 = vector.broadcast %mul3A_1062 : f32 to vector<160x128xf32>
    %mul3A_1064 = arith.mulf %convert_element_type3A_1061, %mul3A_1063 : vector<160x128xf32>
    %convert_element_type3A_1065 = arith.fptosi %mul3A_1064 : vector<160x128xf32> to vector<160x128xi32>
    %mul3A_1066 = arith.constant 100000 : i32
    %mul3A_1067 = vector.broadcast %mul3A_1066 : i32 to vector<160x128xi32>
    %mul3A_1068 = arith.muli %convert_element_type3A_1065, %mul3A_1067 : vector<160x128xi32>
    %sub3A_1069 = arith.subi %add3A_1060, %mul3A_1068 : vector<160x128xi32>
    %lt3A_1070 = arith.constant 0 : i32
    %lt3A_1071 = vector.broadcast %lt3A_1070 : i32 to vector<160x128xi32>
    %lt3A_1072 = arith.cmpi slt, %sub3A_1069, %lt3A_1071 : vector<160x128xi32>
    %add3A_1073 = arith.constant 100000 : i32
    %add3A_1074 = vector.broadcast %add3A_1073 : i32 to vector<160x128xi32>
    %add3A_1075 = arith.addi %sub3A_1069, %add3A_1074 : vector<160x128xi32>
    %select_n3A_1076 = arith.select %lt3A_1072, %add3A_1075, %sub3A_1069 : vector<160x128xi1>, vector<160x128xi32>
    %lt3A_1077 = arith.constant 0 : i32
    %lt3A_1078 = vector.broadcast %lt3A_1077 : i32 to vector<160x128xi32>
    %lt3A_1079 = arith.cmpi slt, %select_n3A_1076, %lt3A_1078 : vector<160x128xi32>
    %add3A_1080 = arith.constant 100000 : i32
    %add3A_1081 = vector.broadcast %add3A_1080 : i32 to vector<160x128xi32>
    %add3A_1082 = arith.addi %select_n3A_1076, %add3A_1081 : vector<160x128xi32>
    %select_n3A_1083 = arith.select %lt3A_1079, %add3A_1082, %select_n3A_1076 : vector<160x128xi1>, vector<160x128xi32>
    %ge3A_1084 = arith.constant 100000 : i32
    %ge3A_1085 = vector.broadcast %ge3A_1084 : i32 to vector<160x128xi32>
    %ge3A_1086 = arith.cmpi sge, %select_n3A_1083, %ge3A_1085 : vector<160x128xi32>
    %sub3A_1087 = arith.constant 100000 : i32
    %sub3A_1088 = vector.broadcast %sub3A_1087 : i32 to vector<160x128xi32>
    %sub3A_1089 = arith.subi %select_n3A_1083, %sub3A_1088 : vector<160x128xi32>
    %select_n3A_1090 = arith.select %ge3A_1086, %sub3A_1089, %select_n3A_1083 : vector<160x128xi1>, vector<160x128xi32>
    %ge3A_1091 = arith.constant 100000 : i32
    %ge3A_1092 = vector.broadcast %ge3A_1091 : i32 to vector<160x128xi32>
    %ge3A_1093 = arith.cmpi sge, %select_n3A_1090, %ge3A_1092 : vector<160x128xi32>
    %sub3A_1094 = arith.constant 100000 : i32
    %sub3A_1095 = vector.broadcast %sub3A_1094 : i32 to vector<160x128xi32>
    %sub3A_1096 = arith.subi %select_n3A_1090, %sub3A_1095 : vector<160x128xi32>
    %select_n3A_1097 = arith.select %ge3A_1093, %sub3A_1096, %select_n3A_1090 : vector<160x128xi1>, vector<160x128xi32>
    %swap3A_1098 = arith.constant 7 : index
    %swap3A_1099 = arith.constant 0 : index
    %swap3A_1100 = arith.constant 0 : index
    %swap3A_1101 = vector.load %arg1[%swap3A_1098, %swap3A_1099, %swap3A_1100] : memref<16x160x128xi32, #tpu.memory_space<vmem>>, vector<1x160x128xi32>
    %swap3A_1102 = vector.shape_cast %swap3A_1101 : vector<1x160x128xi32> to vector<160x128xi32>
    %swap3A_1103 = vector.shape_cast %select_n3A_1097 : vector<160x128xi32> to vector<1x160x128xi32>
    tpu.vector_store %arg1[%swap3A_1098, %swap3A_1099, %swap3A_1100], %swap3A_1103 {strides = array<i32>} : memref<16x160x128xi32, #tpu.memory_space<vmem>>, vector<1x160x128xi32>,
    %broadcast_in_dim3A_1104 = arith.constant 0 : i32
    %broadcast_in_dim3A_1105 = vector.broadcast %broadcast_in_dim3A_1104 : i32 to vector<160x128xi32>
    %broadcast_in_dim3A_1106 = arith.constant 0 : i32
    %broadcast_in_dim3A_1107 = vector.broadcast %broadcast_in_dim3A_1106 : i32 to vector<160x128xi32>
    %mul3A_1108 = arith.constant 40503 : i32
    %mul3A_1109 = vector.broadcast %mul3A_1108 : i32 to vector<160x128xi32>
    %mul3A_1110 = arith.muli %get3A_8, %mul3A_1109 : vector<160x128xi32>
    %mul3A_1111 = arith.constant 31163 : i32
    %mul3A_1112 = vector.broadcast %mul3A_1111 : i32 to vector<160x128xi32>
    %mul3A_1113 = arith.muli %get3A_8, %mul3A_1112 : vector<160x128xi32>
    %shift_right_logical3A_1114 = arith.constant 16 : i32
    %shift_right_logical3A_1115 = vector.broadcast %shift_right_logical3A_1114 : i32 to vector<160x128xi32>
    %shift_right_logical3A_1116 = arith.shrui %mul3A_1113, %shift_right_logical3A_1115 : vector<160x128xi32>
    %add3A_1117 = arith.addi %mul3A_1110, %shift_right_logical3A_1116 : vector<160x128xi32>
    %shift_right_logical3A_1118 = arith.constant 16 : i32
    %shift_right_logical3A_1119 = vector.broadcast %shift_right_logical3A_1118 : i32 to vector<160x128xi32>
    %shift_right_logical3A_1120 = arith.shrui %add3A_1117, %shift_right_logical3A_1119 : vector<160x128xi32>
    %and3A_1121 = arith.constant 65535 : i32
    %and3A_1122 = vector.broadcast %and3A_1121 : i32 to vector<160x128xi32>
    %and3A_1123 = arith.andi %add3A_1117, %and3A_1122 : vector<160x128xi32>
    %shift_left3A_1124 = arith.constant 16 : i32
    %shift_left3A_1125 = vector.broadcast %shift_left3A_1124 : i32 to vector<160x128xi32>
    %shift_left3A_1126 = arith.shli %and3A_1123, %shift_left3A_1125 : vector<160x128xi32>
    %and3A_1127 = arith.constant 65535 : i32
    %and3A_1128 = vector.broadcast %and3A_1127 : i32 to vector<160x128xi32>
    %and3A_1129 = arith.andi %mul3A_1113, %and3A_1128 : vector<160x128xi32>
    %or3A_1130 = arith.ori %shift_left3A_1126, %and3A_1129 : vector<160x128xi32>
    %xor3A_1131 = arith.xori %broadcast_in_dim3A_1107, %shift_right_logical3A_1120 : vector<160x128xi32>
    %xor3A_1132 = arith.xori %broadcast_in_dim3A_1105, %or3A_1130 : vector<160x128xi32>
    %mul3A_1133 = arith.constant 34283 : i32
    %mul3A_1134 = vector.broadcast %mul3A_1133 : i32 to vector<160x128xi32>
    %mul3A_1135 = arith.muli %get3A_18, %mul3A_1134 : vector<160x128xi32>
    %mul3A_1136 = arith.constant 51839 : i32
    %mul3A_1137 = vector.broadcast %mul3A_1136 : i32 to vector<160x128xi32>
    %mul3A_1138 = arith.muli %get3A_18, %mul3A_1137 : vector<160x128xi32>
    %shift_right_logical3A_1139 = arith.constant 16 : i32
    %shift_right_logical3A_1140 = vector.broadcast %shift_right_logical3A_1139 : i32 to vector<160x128xi32>
    %shift_right_logical3A_1141 = arith.shrui %mul3A_1138, %shift_right_logical3A_1140 : vector<160x128xi32>
    %add3A_1142 = arith.addi %mul3A_1135, %shift_right_logical3A_1141 : vector<160x128xi32>
    %shift_right_logical3A_1143 = arith.constant 16 : i32
    %shift_right_logical3A_1144 = vector.broadcast %shift_right_logical3A_1143 : i32 to vector<160x128xi32>
    %shift_right_logical3A_1145 = arith.shrui %add3A_1142, %shift_right_logical3A_1144 : vector<160x128xi32>
    %and3A_1146 = arith.constant 65535 : i32
    %and3A_1147 = vector.broadcast %and3A_1146 : i32 to vector<160x128xi32>
    %and3A_1148 = arith.andi %add3A_1142, %and3A_1147 : vector<160x128xi32>
    %shift_left3A_1149 = arith.constant 16 : i32
    %shift_left3A_1150 = vector.broadcast %shift_left3A_1149 : i32 to vector<160x128xi32>
    %shift_left3A_1151 = arith.shli %and3A_1148, %shift_left3A_1150 : vector<160x128xi32>
    %and3A_1152 = arith.constant 65535 : i32
    %and3A_1153 = vector.broadcast %and3A_1152 : i32 to vector<160x128xi32>
    %and3A_1154 = arith.andi %mul3A_1138, %and3A_1153 : vector<160x128xi32>
    %or3A_1155 = arith.ori %shift_left3A_1151, %and3A_1154 : vector<160x128xi32>
    %xor3A_1156 = arith.xori %xor3A_1131, %shift_right_logical3A_1145 : vector<160x128xi32>
    %xor3A_1157 = arith.xori %xor3A_1132, %or3A_1155 : vector<160x128xi32>
    %shift_right_logical3A_1158 = arith.constant 31 : i32
    %shift_right_logical3A_1159 = vector.broadcast %shift_right_logical3A_1158 : i32 to vector<160x128xi32>
    %shift_right_logical3A_1160 = arith.shrui %xor3A_1157, %shift_right_logical3A_1159 : vector<160x128xi32>
    %and3A_1161 = arith.constant 2147483647 : i32
    %and3A_1162 = vector.broadcast %and3A_1161 : i32 to vector<160x128xi32>
    %and3A_1163 = arith.andi %xor3A_1157, %and3A_1162 : vector<160x128xi32>
    %mul3A_1164 = arith.constant 67296 : i32
    %mul3A_1165 = vector.broadcast %mul3A_1164 : i32 to vector<160x128xi32>
    %mul3A_1166 = arith.muli %xor3A_1156, %mul3A_1165 : vector<160x128xi32>
    %mul3A_1167 = arith.constant 83648 : i32
    %mul3A_1168 = vector.broadcast %mul3A_1167 : i32 to vector<160x128xi32>
    %mul3A_1169 = arith.muli %shift_right_logical3A_1160, %mul3A_1168 : vector<160x128xi32>
    %add3A_1170 = arith.addi %mul3A_1166, %mul3A_1169 : vector<160x128xi32>
    %convert_element_type3A_1171 = arith.sitofp %and3A_1163 : vector<160x128xi32> to vector<160x128xf32>
    %mul3A_1172 = arith.constant 9.99999974E-6 : f32
    %mul3A_1173 = vector.broadcast %mul3A_1172 : f32 to vector<160x128xf32>
    %mul3A_1174 = arith.mulf %convert_element_type3A_1171, %mul3A_1173 : vector<160x128xf32>
    %convert_element_type3A_1175 = arith.fptosi %mul3A_1174 : vector<160x128xf32> to vector<160x128xi32>
    %mul3A_1176 = arith.constant 100000 : i32
    %mul3A_1177 = vector.broadcast %mul3A_1176 : i32 to vector<160x128xi32>
    %mul3A_1178 = arith.muli %convert_element_type3A_1175, %mul3A_1177 : vector<160x128xi32>
    %sub3A_1179 = arith.subi %and3A_1163, %mul3A_1178 : vector<160x128xi32>
    %lt3A_1180 = arith.constant 0 : i32
    %lt3A_1181 = vector.broadcast %lt3A_1180 : i32 to vector<160x128xi32>
    %lt3A_1182 = arith.cmpi slt, %sub3A_1179, %lt3A_1181 : vector<160x128xi32>
    %add3A_1183 = arith.constant 100000 : i32
    %add3A_1184 = vector.broadcast %add3A_1183 : i32 to vector<160x128xi32>
    %add3A_1185 = arith.addi %sub3A_1179, %add3A_1184 : vector<160x128xi32>
    %select_n3A_1186 = arith.select %lt3A_1182, %add3A_1185, %sub3A_1179 : vector<160x128xi1>, vector<160x128xi32>
    %lt3A_1187 = arith.constant 0 : i32
    %lt3A_1188 = vector.broadcast %lt3A_1187 : i32 to vector<160x128xi32>
    %lt3A_1189 = arith.cmpi slt, %select_n3A_1186, %lt3A_1188 : vector<160x128xi32>
    %add3A_1190 = arith.constant 100000 : i32
    %add3A_1191 = vector.broadcast %add3A_1190 : i32 to vector<160x128xi32>
    %add3A_1192 = arith.addi %select_n3A_1186, %add3A_1191 : vector<160x128xi32>
    %select_n3A_1193 = arith.select %lt3A_1189, %add3A_1192, %select_n3A_1186 : vector<160x128xi1>, vector<160x128xi32>
    %ge3A_1194 = arith.constant 100000 : i32
    %ge3A_1195 = vector.broadcast %ge3A_1194 : i32 to vector<160x128xi32>
    %ge3A_1196 = arith.cmpi sge, %select_n3A_1193, %ge3A_1195 : vector<160x128xi32>
    %sub3A_1197 = arith.constant 100000 : i32
    %sub3A_1198 = vector.broadcast %sub3A_1197 : i32 to vector<160x128xi32>
    %sub3A_1199 = arith.subi %select_n3A_1193, %sub3A_1198 : vector<160x128xi32>
    %select_n3A_1200 = arith.select %ge3A_1196, %sub3A_1199, %select_n3A_1193 : vector<160x128xi1>, vector<160x128xi32>
    %ge3A_1201 = arith.constant 100000 : i32
    %ge3A_1202 = vector.broadcast %ge3A_1201 : i32 to vector<160x128xi32>
    %ge3A_1203 = arith.cmpi sge, %select_n3A_1200, %ge3A_1202 : vector<160x128xi32>
    %sub3A_1204 = arith.constant 100000 : i32
    %sub3A_1205 = vector.broadcast %sub3A_1204 : i32 to vector<160x128xi32>
    %sub3A_1206 = arith.subi %select_n3A_1200, %sub3A_1205 : vector<160x128xi32>
    %select_n3A_1207 = arith.select %ge3A_1203, %sub3A_1206, %select_n3A_1200 : vector<160x128xi1>, vector<160x128xi32>
    %add3A_1208 = arith.addi %add3A_1170, %select_n3A_1207 : vector<160x128xi32>
    %convert_element_type3A_1209 = arith.sitofp %add3A_1208 : vector<160x128xi32> to vector<160x128xf32>
    %mul3A_1210 = arith.constant 9.99999974E-6 : f32
    %mul3A_1211 = vector.broadcast %mul3A_1210 : f32 to vector<160x128xf32>
    %mul3A_1212 = arith.mulf %convert_element_type3A_1209, %mul3A_1211 : vector<160x128xf32>
    %convert_element_type3A_1213 = arith.fptosi %mul3A_1212 : vector<160x128xf32> to vector<160x128xi32>
    %mul3A_1214 = arith.constant 100000 : i32
    %mul3A_1215 = vector.broadcast %mul3A_1214 : i32 to vector<160x128xi32>
    %mul3A_1216 = arith.muli %convert_element_type3A_1213, %mul3A_1215 : vector<160x128xi32>
    %sub3A_1217 = arith.subi %add3A_1208, %mul3A_1216 : vector<160x128xi32>
    %lt3A_1218 = arith.constant 0 : i32
    %lt3A_1219 = vector.broadcast %lt3A_1218 : i32 to vector<160x128xi32>
    %lt3A_1220 = arith.cmpi slt, %sub3A_1217, %lt3A_1219 : vector<160x128xi32>
    %add3A_1221 = arith.constant 100000 : i32
    %add3A_1222 = vector.broadcast %add3A_1221 : i32 to vector<160x128xi32>
    %add3A_1223 = arith.addi %sub3A_1217, %add3A_1222 : vector<160x128xi32>
    %select_n3A_1224 = arith.select %lt3A_1220, %add3A_1223, %sub3A_1217 : vector<160x128xi1>, vector<160x128xi32>
    %lt3A_1225 = arith.constant 0 : i32
    %lt3A_1226 = vector.broadcast %lt3A_1225 : i32 to vector<160x128xi32>
    %lt3A_1227 = arith.cmpi slt, %select_n3A_1224, %lt3A_1226 : vector<160x128xi32>
    %add3A_1228 = arith.constant 100000 : i32
    %add3A_1229 = vector.broadcast %add3A_1228 : i32 to vector<160x128xi32>
    %add3A_1230 = arith.addi %select_n3A_1224, %add3A_1229 : vector<160x128xi32>
    %select_n3A_1231 = arith.select %lt3A_1227, %add3A_1230, %select_n3A_1224 : vector<160x128xi1>, vector<160x128xi32>
    %ge3A_1232 = arith.constant 100000 : i32
    %ge3A_1233 = vector.broadcast %ge3A_1232 : i32 to vector<160x128xi32>
    %ge3A_1234 = arith.cmpi sge, %select_n3A_1231, %ge3A_1233 : vector<160x128xi32>
    %sub3A_1235 = arith.constant 100000 : i32
    %sub3A_1236 = vector.broadcast %sub3A_1235 : i32 to vector<160x128xi32>
    %sub3A_1237 = arith.subi %select_n3A_1231, %sub3A_1236 : vector<160x128xi32>
    %select_n3A_1238 = arith.select %ge3A_1234, %sub3A_1237, %select_n3A_1231 : vector<160x128xi1>, vector<160x128xi32>
    %ge3A_1239 = arith.constant 100000 : i32
    %ge3A_1240 = vector.broadcast %ge3A_1239 : i32 to vector<160x128xi32>
    %ge3A_1241 = arith.cmpi sge, %select_n3A_1238, %ge3A_1240 : vector<160x128xi32>
    %sub3A_1242 = arith.constant 100000 : i32
    %sub3A_1243 = vector.broadcast %sub3A_1242 : i32 to vector<160x128xi32>
    %sub3A_1244 = arith.subi %select_n3A_1238, %sub3A_1243 : vector<160x128xi32>
    %select_n3A_1245 = arith.select %ge3A_1241, %sub3A_1244, %select_n3A_1238 : vector<160x128xi1>, vector<160x128xi32>
    %swap3A_1246 = arith.constant 8 : index
    %swap3A_1247 = arith.constant 0 : index
    %swap3A_1248 = arith.constant 0 : index
    %swap3A_1249 = vector.load %arg1[%swap3A_1246, %swap3A_1247, %swap3A_1248] : memref<16x160x128xi32, #tpu.memory_space<vmem>>, vector<1x160x128xi32>
    %swap3A_1250 = vector.shape_cast %swap3A_1249 : vector<1x160x128xi32> to vector<160x128xi32>
    %swap3A_1251 = vector.shape_cast %select_n3A_1245 : vector<160x128xi32> to vector<1x160x128xi32>
    tpu.vector_store %arg1[%swap3A_1246, %swap3A_1247, %swap3A_1248], %swap3A_1251 {strides = array<i32>} : memref<16x160x128xi32, #tpu.memory_space<vmem>>, vector<1x160x128xi32>,
    %broadcast_in_dim3A_1252 = arith.constant 0 : i32
    %broadcast_in_dim3A_1253 = vector.broadcast %broadcast_in_dim3A_1252 : i32 to vector<160x128xi32>
    %broadcast_in_dim3A_1254 = arith.constant 0 : i32
    %broadcast_in_dim3A_1255 = vector.broadcast %broadcast_in_dim3A_1254 : i32 to vector<160x128xi32>
    %mul3A_1256 = arith.constant 30947 : i32
    %mul3A_1257 = vector.broadcast %mul3A_1256 : i32 to vector<160x128xi32>
    %mul3A_1258 = arith.muli %get3A_3, %mul3A_1257 : vector<160x128xi32>
    %mul3A_1259 = arith.constant 35937 : i32
    %mul3A_1260 = vector.broadcast %mul3A_1259 : i32 to vector<160x128xi32>
    %mul3A_1261 = arith.muli %get3A_3, %mul3A_1260 : vector<160x128xi32>
    %shift_right_logical3A_1262 = arith.constant 16 : i32
    %shift_right_logical3A_1263 = vector.broadcast %shift_right_logical3A_1262 : i32 to vector<160x128xi32>
    %shift_right_logical3A_1264 = arith.shrui %mul3A_1261, %shift_right_logical3A_1263 : vector<160x128xi32>
    %add3A_1265 = arith.addi %mul3A_1258, %shift_right_logical3A_1264 : vector<160x128xi32>
    %shift_right_logical3A_1266 = arith.constant 16 : i32
    %shift_right_logical3A_1267 = vector.broadcast %shift_right_logical3A_1266 : i32 to vector<160x128xi32>
    %shift_right_logical3A_1268 = arith.shrui %add3A_1265, %shift_right_logical3A_1267 : vector<160x128xi32>
    %and3A_1269 = arith.constant 65535 : i32
    %and3A_1270 = vector.broadcast %and3A_1269 : i32 to vector<160x128xi32>
    %and3A_1271 = arith.andi %add3A_1265, %and3A_1270 : vector<160x128xi32>
    %shift_left3A_1272 = arith.constant 16 : i32
    %shift_left3A_1273 = vector.broadcast %shift_left3A_1272 : i32 to vector<160x128xi32>
    %shift_left3A_1274 = arith.shli %and3A_1271, %shift_left3A_1273 : vector<160x128xi32>
    %and3A_1275 = arith.constant 65535 : i32
    %and3A_1276 = vector.broadcast %and3A_1275 : i32 to vector<160x128xi32>
    %and3A_1277 = arith.andi %mul3A_1261, %and3A_1276 : vector<160x128xi32>
    %or3A_1278 = arith.ori %shift_left3A_1274, %and3A_1277 : vector<160x128xi32>
    %xor3A_1279 = arith.xori %broadcast_in_dim3A_1255, %shift_right_logical3A_1268 : vector<160x128xi32>
    %xor3A_1280 = arith.xori %broadcast_in_dim3A_1253, %or3A_1278 : vector<160x128xi32>
    %mul3A_1281 = arith.constant 18626 : i32
    %mul3A_1282 = vector.broadcast %mul3A_1281 : i32 to vector<160x128xi32>
    %mul3A_1283 = arith.muli %get3A_18, %mul3A_1282 : vector<160x128xi32>
    %mul3A_1284 = arith.constant 29601 : i32
    %mul3A_1285 = vector.broadcast %mul3A_1284 : i32 to vector<160x128xi32>
    %mul3A_1286 = arith.muli %get3A_18, %mul3A_1285 : vector<160x128xi32>
    %shift_right_logical3A_1287 = arith.constant 16 : i32
    %shift_right_logical3A_1288 = vector.broadcast %shift_right_logical3A_1287 : i32 to vector<160x128xi32>
    %shift_right_logical3A_1289 = arith.shrui %mul3A_1286, %shift_right_logical3A_1288 : vector<160x128xi32>
    %add3A_1290 = arith.addi %mul3A_1283, %shift_right_logical3A_1289 : vector<160x128xi32>
    %shift_right_logical3A_1291 = arith.constant 16 : i32
    %shift_right_logical3A_1292 = vector.broadcast %shift_right_logical3A_1291 : i32 to vector<160x128xi32>
    %shift_right_logical3A_1293 = arith.shrui %add3A_1290, %shift_right_logical3A_1292 : vector<160x128xi32>
    %and3A_1294 = arith.constant 65535 : i32
    %and3A_1295 = vector.broadcast %and3A_1294 : i32 to vector<160x128xi32>
    %and3A_1296 = arith.andi %add3A_1290, %and3A_1295 : vector<160x128xi32>
    %shift_left3A_1297 = arith.constant 16 : i32
    %shift_left3A_1298 = vector.broadcast %shift_left3A_1297 : i32 to vector<160x128xi32>
    %shift_left3A_1299 = arith.shli %and3A_1296, %shift_left3A_1298 : vector<160x128xi32>
    %and3A_1300 = arith.constant 65535 : i32
    %and3A_1301 = vector.broadcast %and3A_1300 : i32 to vector<160x128xi32>
    %and3A_1302 = arith.andi %mul3A_1286, %and3A_1301 : vector<160x128xi32>
    %or3A_1303 = arith.ori %shift_left3A_1299, %and3A_1302 : vector<160x128xi32>
    %xor3A_1304 = arith.xori %xor3A_1279, %shift_right_logical3A_1293 : vector<160x128xi32>
    %xor3A_1305 = arith.xori %xor3A_1280, %or3A_1303 : vector<160x128xi32>
    %shift_right_logical3A_1306 = arith.constant 31 : i32
    %shift_right_logical3A_1307 = vector.broadcast %shift_right_logical3A_1306 : i32 to vector<160x128xi32>
    %shift_right_logical3A_1308 = arith.shrui %xor3A_1305, %shift_right_logical3A_1307 : vector<160x128xi32>
    %and3A_1309 = arith.constant 2147483647 : i32
    %and3A_1310 = vector.broadcast %and3A_1309 : i32 to vector<160x128xi32>
    %and3A_1311 = arith.andi %xor3A_1305, %and3A_1310 : vector<160x128xi32>
    %mul3A_1312 = arith.constant 67296 : i32
    %mul3A_1313 = vector.broadcast %mul3A_1312 : i32 to vector<160x128xi32>
    %mul3A_1314 = arith.muli %xor3A_1304, %mul3A_1313 : vector<160x128xi32>
    %mul3A_1315 = arith.constant 83648 : i32
    %mul3A_1316 = vector.broadcast %mul3A_1315 : i32 to vector<160x128xi32>
    %mul3A_1317 = arith.muli %shift_right_logical3A_1308, %mul3A_1316 : vector<160x128xi32>
    %add3A_1318 = arith.addi %mul3A_1314, %mul3A_1317 : vector<160x128xi32>
    %convert_element_type3A_1319 = arith.sitofp %and3A_1311 : vector<160x128xi32> to vector<160x128xf32>
    %mul3A_1320 = arith.constant 9.99999974E-6 : f32
    %mul3A_1321 = vector.broadcast %mul3A_1320 : f32 to vector<160x128xf32>
    %mul3A_1322 = arith.mulf %convert_element_type3A_1319, %mul3A_1321 : vector<160x128xf32>
    %convert_element_type3A_1323 = arith.fptosi %mul3A_1322 : vector<160x128xf32> to vector<160x128xi32>
    %mul3A_1324 = arith.constant 100000 : i32
    %mul3A_1325 = vector.broadcast %mul3A_1324 : i32 to vector<160x128xi32>
    %mul3A_1326 = arith.muli %convert_element_type3A_1323, %mul3A_1325 : vector<160x128xi32>
    %sub3A_1327 = arith.subi %and3A_1311, %mul3A_1326 : vector<160x128xi32>
    %lt3A_1328 = arith.constant 0 : i32
    %lt3A_1329 = vector.broadcast %lt3A_1328 : i32 to vector<160x128xi32>
    %lt3A_1330 = arith.cmpi slt, %sub3A_1327, %lt3A_1329 : vector<160x128xi32>
    %add3A_1331 = arith.constant 100000 : i32
    %add3A_1332 = vector.broadcast %add3A_1331 : i32 to vector<160x128xi32>
    %add3A_1333 = arith.addi %sub3A_1327, %add3A_1332 : vector<160x128xi32>
    %select_n3A_1334 = arith.select %lt3A_1330, %add3A_1333, %sub3A_1327 : vector<160x128xi1>, vector<160x128xi32>
    %lt3A_1335 = arith.constant 0 : i32
    %lt3A_1336 = vector.broadcast %lt3A_1335 : i32 to vector<160x128xi32>
    %lt3A_1337 = arith.cmpi slt, %select_n3A_1334, %lt3A_1336 : vector<160x128xi32>
    %add3A_1338 = arith.constant 100000 : i32
    %add3A_1339 = vector.broadcast %add3A_1338 : i32 to vector<160x128xi32>
    %add3A_1340 = arith.addi %select_n3A_1334, %add3A_1339 : vector<160x128xi32>
    %select_n3A_1341 = arith.select %lt3A_1337, %add3A_1340, %select_n3A_1334 : vector<160x128xi1>, vector<160x128xi32>
    %ge3A_1342 = arith.constant 100000 : i32
    %ge3A_1343 = vector.broadcast %ge3A_1342 : i32 to vector<160x128xi32>
    %ge3A_1344 = arith.cmpi sge, %select_n3A_1341, %ge3A_1343 : vector<160x128xi32>
    %sub3A_1345 = arith.constant 100000 : i32
    %sub3A_1346 = vector.broadcast %sub3A_1345 : i32 to vector<160x128xi32>
    %sub3A_1347 = arith.subi %select_n3A_1341, %sub3A_1346 : vector<160x128xi32>
    %select_n3A_1348 = arith.select %ge3A_1344, %sub3A_1347, %select_n3A_1341 : vector<160x128xi1>, vector<160x128xi32>
    %ge3A_1349 = arith.constant 100000 : i32
    %ge3A_1350 = vector.broadcast %ge3A_1349 : i32 to vector<160x128xi32>
    %ge3A_1351 = arith.cmpi sge, %select_n3A_1348, %ge3A_1350 : vector<160x128xi32>
    %sub3A_1352 = arith.constant 100000 : i32
    %sub3A_1353 = vector.broadcast %sub3A_1352 : i32 to vector<160x128xi32>
    %sub3A_1354 = arith.subi %select_n3A_1348, %sub3A_1353 : vector<160x128xi32>
    %select_n3A_1355 = arith.select %ge3A_1351, %sub3A_1354, %select_n3A_1348 : vector<160x128xi1>, vector<160x128xi32>
    %add3A_1356 = arith.addi %add3A_1318, %select_n3A_1355 : vector<160x128xi32>
    %convert_element_type3A_1357 = arith.sitofp %add3A_1356 : vector<160x128xi32> to vector<160x128xf32>
    %mul3A_1358 = arith.constant 9.99999974E-6 : f32
    %mul3A_1359 = vector.broadcast %mul3A_1358 : f32 to vector<160x128xf32>
    %mul3A_1360 = arith.mulf %convert_element_type3A_1357, %mul3A_1359 : vector<160x128xf32>
    %convert_element_type3A_1361 = arith.fptosi %mul3A_1360 : vector<160x128xf32> to vector<160x128xi32>
    %mul3A_1362 = arith.constant 100000 : i32
    %mul3A_1363 = vector.broadcast %mul3A_1362 : i32 to vector<160x128xi32>
    %mul3A_1364 = arith.muli %convert_element_type3A_1361, %mul3A_1363 : vector<160x128xi32>
    %sub3A_1365 = arith.subi %add3A_1356, %mul3A_1364 : vector<160x128xi32>
    %lt3A_1366 = arith.constant 0 : i32
    %lt3A_1367 = vector.broadcast %lt3A_1366 : i32 to vector<160x128xi32>
    %lt3A_1368 = arith.cmpi slt, %sub3A_1365, %lt3A_1367 : vector<160x128xi32>
    %add3A_1369 = arith.constant 100000 : i32
    %add3A_1370 = vector.broadcast %add3A_1369 : i32 to vector<160x128xi32>
    %add3A_1371 = arith.addi %sub3A_1365, %add3A_1370 : vector<160x128xi32>
    %select_n3A_1372 = arith.select %lt3A_1368, %add3A_1371, %sub3A_1365 : vector<160x128xi1>, vector<160x128xi32>
    %lt3A_1373 = arith.constant 0 : i32
    %lt3A_1374 = vector.broadcast %lt3A_1373 : i32 to vector<160x128xi32>
    %lt3A_1375 = arith.cmpi slt, %select_n3A_1372, %lt3A_1374 : vector<160x128xi32>
    %add3A_1376 = arith.constant 100000 : i32
    %add3A_1377 = vector.broadcast %add3A_1376 : i32 to vector<160x128xi32>
    %add3A_1378 = arith.addi %select_n3A_1372, %add3A_1377 : vector<160x128xi32>
    %select_n3A_1379 = arith.select %lt3A_1375, %add3A_1378, %select_n3A_1372 : vector<160x128xi1>, vector<160x128xi32>
    %ge3A_1380 = arith.constant 100000 : i32
    %ge3A_1381 = vector.broadcast %ge3A_1380 : i32 to vector<160x128xi32>
    %ge3A_1382 = arith.cmpi sge, %select_n3A_1379, %ge3A_1381 : vector<160x128xi32>
    %sub3A_1383 = arith.constant 100000 : i32
    %sub3A_1384 = vector.broadcast %sub3A_1383 : i32 to vector<160x128xi32>
    %sub3A_1385 = arith.subi %select_n3A_1379, %sub3A_1384 : vector<160x128xi32>
    %select_n3A_1386 = arith.select %ge3A_1382, %sub3A_1385, %select_n3A_1379 : vector<160x128xi1>, vector<160x128xi32>
    %ge3A_1387 = arith.constant 100000 : i32
    %ge3A_1388 = vector.broadcast %ge3A_1387 : i32 to vector<160x128xi32>
    %ge3A_1389 = arith.cmpi sge, %select_n3A_1386, %ge3A_1388 : vector<160x128xi32>
    %sub3A_1390 = arith.constant 100000 : i32
    %sub3A_1391 = vector.broadcast %sub3A_1390 : i32 to vector<160x128xi32>
    %sub3A_1392 = arith.subi %select_n3A_1386, %sub3A_1391 : vector<160x128xi32>
    %select_n3A_1393 = arith.select %ge3A_1389, %sub3A_1392, %select_n3A_1386 : vector<160x128xi1>, vector<160x128xi32>
    %swap3A_1394 = arith.constant 9 : index
    %swap3A_1395 = arith.constant 0 : index
    %swap3A_1396 = arith.constant 0 : index
    %swap3A_1397 = vector.load %arg1[%swap3A_1394, %swap3A_1395, %swap3A_1396] : memref<16x160x128xi32, #tpu.memory_space<vmem>>, vector<1x160x128xi32>
    %swap3A_1398 = vector.shape_cast %swap3A_1397 : vector<1x160x128xi32> to vector<160x128xi32>
    %swap3A_1399 = vector.shape_cast %select_n3A_1393 : vector<160x128xi32> to vector<1x160x128xi32>
    tpu.vector_store %arg1[%swap3A_1394, %swap3A_1395, %swap3A_1396], %swap3A_1399 {strides = array<i32>} : memref<16x160x128xi32, #tpu.memory_space<vmem>>, vector<1x160x128xi32>,
    %broadcast_in_dim3A_1400 = arith.constant 0 : i32
    %broadcast_in_dim3A_1401 = vector.broadcast %broadcast_in_dim3A_1400 : i32 to vector<160x128xi32>
    %broadcast_in_dim3A_1402 = arith.constant 0 : i32
    %broadcast_in_dim3A_1403 = vector.broadcast %broadcast_in_dim3A_1402 : i32 to vector<160x128xi32>
    %mul3A_1404 = arith.constant 12288 : i32
    %mul3A_1405 = vector.broadcast %mul3A_1404 : i32 to vector<160x128xi32>
    %mul3A_1406 = arith.muli %get3A_3, %mul3A_1405 : vector<160x128xi32>
    %mul3A_1407 = arith.constant 95 : i32
    %mul3A_1408 = vector.broadcast %mul3A_1407 : i32 to vector<160x128xi32>
    %mul3A_1409 = arith.muli %get3A_3, %mul3A_1408 : vector<160x128xi32>
    %shift_right_logical3A_1410 = arith.constant 16 : i32
    %shift_right_logical3A_1411 = vector.broadcast %shift_right_logical3A_1410 : i32 to vector<160x128xi32>
    %shift_right_logical3A_1412 = arith.shrui %mul3A_1409, %shift_right_logical3A_1411 : vector<160x128xi32>
    %add3A_1413 = arith.addi %mul3A_1406, %shift_right_logical3A_1412 : vector<160x128xi32>
    %shift_right_logical3A_1414 = arith.constant 16 : i32
    %shift_right_logical3A_1415 = vector.broadcast %shift_right_logical3A_1414 : i32 to vector<160x128xi32>
    %shift_right_logical3A_1416 = arith.shrui %add3A_1413, %shift_right_logical3A_1415 : vector<160x128xi32>
    %and3A_1417 = arith.constant 65535 : i32
    %and3A_1418 = vector.broadcast %and3A_1417 : i32 to vector<160x128xi32>
    %and3A_1419 = arith.andi %add3A_1413, %and3A_1418 : vector<160x128xi32>
    %shift_left3A_1420 = arith.constant 16 : i32
    %shift_left3A_1421 = vector.broadcast %shift_left3A_1420 : i32 to vector<160x128xi32>
    %shift_left3A_1422 = arith.shli %and3A_1419, %shift_left3A_1421 : vector<160x128xi32>
    %and3A_1423 = arith.constant 65535 : i32
    %and3A_1424 = vector.broadcast %and3A_1423 : i32 to vector<160x128xi32>
    %and3A_1425 = arith.andi %mul3A_1409, %and3A_1424 : vector<160x128xi32>
    %or3A_1426 = arith.ori %shift_left3A_1422, %and3A_1425 : vector<160x128xi32>
    %xor3A_1427 = arith.xori %broadcast_in_dim3A_1403, %shift_right_logical3A_1416 : vector<160x128xi32>
    %xor3A_1428 = arith.xori %broadcast_in_dim3A_1401, %or3A_1426 : vector<160x128xi32>
    %mul3A_1429 = arith.constant 6144 : i32
    %mul3A_1430 = vector.broadcast %mul3A_1429 : i32 to vector<160x128xi32>
    %mul3A_1431 = arith.muli %get3A_23, %mul3A_1430 : vector<160x128xi32>
    %mul3A_1432 = arith.constant 13 : i32
    %mul3A_1433 = vector.broadcast %mul3A_1432 : i32 to vector<160x128xi32>
    %mul3A_1434 = arith.muli %get3A_23, %mul3A_1433 : vector<160x128xi32>
    %shift_right_logical3A_1435 = arith.constant 16 : i32
    %shift_right_logical3A_1436 = vector.broadcast %shift_right_logical3A_1435 : i32 to vector<160x128xi32>
    %shift_right_logical3A_1437 = arith.shrui %mul3A_1434, %shift_right_logical3A_1436 : vector<160x128xi32>
    %add3A_1438 = arith.addi %mul3A_1431, %shift_right_logical3A_1437 : vector<160x128xi32>
    %shift_right_logical3A_1439 = arith.constant 16 : i32
    %shift_right_logical3A_1440 = vector.broadcast %shift_right_logical3A_1439 : i32 to vector<160x128xi32>
    %shift_right_logical3A_1441 = arith.shrui %add3A_1438, %shift_right_logical3A_1440 : vector<160x128xi32>
    %and3A_1442 = arith.constant 65535 : i32
    %and3A_1443 = vector.broadcast %and3A_1442 : i32 to vector<160x128xi32>
    %and3A_1444 = arith.andi %add3A_1438, %and3A_1443 : vector<160x128xi32>
    %shift_left3A_1445 = arith.constant 16 : i32
    %shift_left3A_1446 = vector.broadcast %shift_left3A_1445 : i32 to vector<160x128xi32>
    %shift_left3A_1447 = arith.shli %and3A_1444, %shift_left3A_1446 : vector<160x128xi32>
    %and3A_1448 = arith.constant 65535 : i32
    %and3A_1449 = vector.broadcast %and3A_1448 : i32 to vector<160x128xi32>
    %and3A_1450 = arith.andi %mul3A_1434, %and3A_1449 : vector<160x128xi32>
    %or3A_1451 = arith.ori %shift_left3A_1447, %and3A_1450 : vector<160x128xi32>
    %xor3A_1452 = arith.xori %xor3A_1427, %shift_right_logical3A_1441 : vector<160x128xi32>
    %xor3A_1453 = arith.xori %xor3A_1428, %or3A_1451 : vector<160x128xi32>
    %shift_right_logical3A_1454 = arith.constant 31 : i32
    %shift_right_logical3A_1455 = vector.broadcast %shift_right_logical3A_1454 : i32 to vector<160x128xi32>
    %shift_right_logical3A_1456 = arith.shrui %xor3A_1453, %shift_right_logical3A_1455 : vector<160x128xi32>
    %and3A_1457 = arith.constant 2147483647 : i32
    %and3A_1458 = vector.broadcast %and3A_1457 : i32 to vector<160x128xi32>
    %and3A_1459 = arith.andi %xor3A_1453, %and3A_1458 : vector<160x128xi32>
    %mul3A_1460 = arith.constant 67296 : i32
    %mul3A_1461 = vector.broadcast %mul3A_1460 : i32 to vector<160x128xi32>
    %mul3A_1462 = arith.muli %xor3A_1452, %mul3A_1461 : vector<160x128xi32>
    %mul3A_1463 = arith.constant 83648 : i32
    %mul3A_1464 = vector.broadcast %mul3A_1463 : i32 to vector<160x128xi32>
    %mul3A_1465 = arith.muli %shift_right_logical3A_1456, %mul3A_1464 : vector<160x128xi32>
    %add3A_1466 = arith.addi %mul3A_1462, %mul3A_1465 : vector<160x128xi32>
    %convert_element_type3A_1467 = arith.sitofp %and3A_1459 : vector<160x128xi32> to vector<160x128xf32>
    %mul3A_1468 = arith.constant 9.99999974E-6 : f32
    %mul3A_1469 = vector.broadcast %mul3A_1468 : f32 to vector<160x128xf32>
    %mul3A_1470 = arith.mulf %convert_element_type3A_1467, %mul3A_1469 : vector<160x128xf32>
    %convert_element_type3A_1471 = arith.fptosi %mul3A_1470 : vector<160x128xf32> to vector<160x128xi32>
    %mul3A_1472 = arith.constant 100000 : i32
    %mul3A_1473 = vector.broadcast %mul3A_1472 : i32 to vector<160x128xi32>
    %mul3A_1474 = arith.muli %convert_element_type3A_1471, %mul3A_1473 : vector<160x128xi32>
    %sub3A_1475 = arith.subi %and3A_1459, %mul3A_1474 : vector<160x128xi32>
    %lt3A_1476 = arith.constant 0 : i32
    %lt3A_1477 = vector.broadcast %lt3A_1476 : i32 to vector<160x128xi32>
    %lt3A_1478 = arith.cmpi slt, %sub3A_1475, %lt3A_1477 : vector<160x128xi32>
    %add3A_1479 = arith.constant 100000 : i32
    %add3A_1480 = vector.broadcast %add3A_1479 : i32 to vector<160x128xi32>
    %add3A_1481 = arith.addi %sub3A_1475, %add3A_1480 : vector<160x128xi32>
    %select_n3A_1482 = arith.select %lt3A_1478, %add3A_1481, %sub3A_1475 : vector<160x128xi1>, vector<160x128xi32>
    %lt3A_1483 = arith.constant 0 : i32
    %lt3A_1484 = vector.broadcast %lt3A_1483 : i32 to vector<160x128xi32>
    %lt3A_1485 = arith.cmpi slt, %select_n3A_1482, %lt3A_1484 : vector<160x128xi32>
    %add3A_1486 = arith.constant 100000 : i32
    %add3A_1487 = vector.broadcast %add3A_1486 : i32 to vector<160x128xi32>
    %add3A_1488 = arith.addi %select_n3A_1482, %add3A_1487 : vector<160x128xi32>
    %select_n3A_1489 = arith.select %lt3A_1485, %add3A_1488, %select_n3A_1482 : vector<160x128xi1>, vector<160x128xi32>
    %ge3A_1490 = arith.constant 100000 : i32
    %ge3A_1491 = vector.broadcast %ge3A_1490 : i32 to vector<160x128xi32>
    %ge3A_1492 = arith.cmpi sge, %select_n3A_1489, %ge3A_1491 : vector<160x128xi32>
    %sub3A_1493 = arith.constant 100000 : i32
    %sub3A_1494 = vector.broadcast %sub3A_1493 : i32 to vector<160x128xi32>
    %sub3A_1495 = arith.subi %select_n3A_1489, %sub3A_1494 : vector<160x128xi32>
    %select_n3A_1496 = arith.select %ge3A_1492, %sub3A_1495, %select_n3A_1489 : vector<160x128xi1>, vector<160x128xi32>
    %ge3A_1497 = arith.constant 100000 : i32
    %ge3A_1498 = vector.broadcast %ge3A_1497 : i32 to vector<160x128xi32>
    %ge3A_1499 = arith.cmpi sge, %select_n3A_1496, %ge3A_1498 : vector<160x128xi32>
    %sub3A_1500 = arith.constant 100000 : i32
    %sub3A_1501 = vector.broadcast %sub3A_1500 : i32 to vector<160x128xi32>
    %sub3A_1502 = arith.subi %select_n3A_1496, %sub3A_1501 : vector<160x128xi32>
    %select_n3A_1503 = arith.select %ge3A_1499, %sub3A_1502, %select_n3A_1496 : vector<160x128xi1>, vector<160x128xi32>
    %add3A_1504 = arith.addi %add3A_1466, %select_n3A_1503 : vector<160x128xi32>
    %convert_element_type3A_1505 = arith.sitofp %add3A_1504 : vector<160x128xi32> to vector<160x128xf32>
    %mul3A_1506 = arith.constant 9.99999974E-6 : f32
    %mul3A_1507 = vector.broadcast %mul3A_1506 : f32 to vector<160x128xf32>
    %mul3A_1508 = arith.mulf %convert_element_type3A_1505, %mul3A_1507 : vector<160x128xf32>
    %convert_element_type3A_1509 = arith.fptosi %mul3A_1508 : vector<160x128xf32> to vector<160x128xi32>
    %mul3A_1510 = arith.constant 100000 : i32
    %mul3A_1511 = vector.broadcast %mul3A_1510 : i32 to vector<160x128xi32>
    %mul3A_1512 = arith.muli %convert_element_type3A_1509, %mul3A_1511 : vector<160x128xi32>
    %sub3A_1513 = arith.subi %add3A_1504, %mul3A_1512 : vector<160x128xi32>
    %lt3A_1514 = arith.constant 0 : i32
    %lt3A_1515 = vector.broadcast %lt3A_1514 : i32 to vector<160x128xi32>
    %lt3A_1516 = arith.cmpi slt, %sub3A_1513, %lt3A_1515 : vector<160x128xi32>
    %add3A_1517 = arith.constant 100000 : i32
    %add3A_1518 = vector.broadcast %add3A_1517 : i32 to vector<160x128xi32>
    %add3A_1519 = arith.addi %sub3A_1513, %add3A_1518 : vector<160x128xi32>
    %select_n3A_1520 = arith.select %lt3A_1516, %add3A_1519, %sub3A_1513 : vector<160x128xi1>, vector<160x128xi32>
    %lt3A_1521 = arith.constant 0 : i32
    %lt3A_1522 = vector.broadcast %lt3A_1521 : i32 to vector<160x128xi32>
    %lt3A_1523 = arith.cmpi slt, %select_n3A_1520, %lt3A_1522 : vector<160x128xi32>
    %add3A_1524 = arith.constant 100000 : i32
    %add3A_1525 = vector.broadcast %add3A_1524 : i32 to vector<160x128xi32>
    %add3A_1526 = arith.addi %select_n3A_1520, %add3A_1525 : vector<160x128xi32>
    %select_n3A_1527 = arith.select %lt3A_1523, %add3A_1526, %select_n3A_1520 : vector<160x128xi1>, vector<160x128xi32>
    %ge3A_1528 = arith.constant 100000 : i32
    %ge3A_1529 = vector.broadcast %ge3A_1528 : i32 to vector<160x128xi32>
    %ge3A_1530 = arith.cmpi sge, %select_n3A_1527, %ge3A_1529 : vector<160x128xi32>
    %sub3A_1531 = arith.constant 100000 : i32
    %sub3A_1532 = vector.broadcast %sub3A_1531 : i32 to vector<160x128xi32>
    %sub3A_1533 = arith.subi %select_n3A_1527, %sub3A_1532 : vector<160x128xi32>
    %select_n3A_1534 = arith.select %ge3A_1530, %sub3A_1533, %select_n3A_1527 : vector<160x128xi1>, vector<160x128xi32>
    %ge3A_1535 = arith.constant 100000 : i32
    %ge3A_1536 = vector.broadcast %ge3A_1535 : i32 to vector<160x128xi32>
    %ge3A_1537 = arith.cmpi sge, %select_n3A_1534, %ge3A_1536 : vector<160x128xi32>
    %sub3A_1538 = arith.constant 100000 : i32
    %sub3A_1539 = vector.broadcast %sub3A_1538 : i32 to vector<160x128xi32>
    %sub3A_1540 = arith.subi %select_n3A_1534, %sub3A_1539 : vector<160x128xi32>
    %select_n3A_1541 = arith.select %ge3A_1537, %sub3A_1540, %select_n3A_1534 : vector<160x128xi1>, vector<160x128xi32>
    %swap3A_1542 = arith.constant 10 : index
    %swap3A_1543 = arith.constant 0 : index
    %swap3A_1544 = arith.constant 0 : index
    %swap3A_1545 = vector.load %arg1[%swap3A_1542, %swap3A_1543, %swap3A_1544] : memref<16x160x128xi32, #tpu.memory_space<vmem>>, vector<1x160x128xi32>
    %swap3A_1546 = vector.shape_cast %swap3A_1545 : vector<1x160x128xi32> to vector<160x128xi32>
    %swap3A_1547 = vector.shape_cast %select_n3A_1541 : vector<160x128xi32> to vector<1x160x128xi32>
    tpu.vector_store %arg1[%swap3A_1542, %swap3A_1543, %swap3A_1544], %swap3A_1547 {strides = array<i32>} : memref<16x160x128xi32, #tpu.memory_space<vmem>>, vector<1x160x128xi32>,
    %broadcast_in_dim3A_1548 = arith.constant 0 : i32
    %broadcast_in_dim3A_1549 = vector.broadcast %broadcast_in_dim3A_1548 : i32 to vector<160x128xi32>
    %broadcast_in_dim3A_1550 = arith.constant 0 : i32
    %broadcast_in_dim3A_1551 = vector.broadcast %broadcast_in_dim3A_1550 : i32 to vector<160x128xi32>
    %mul3A_1552 = arith.constant 43647 : i32
    %mul3A_1553 = vector.broadcast %mul3A_1552 : i32 to vector<160x128xi32>
    %mul3A_1554 = arith.muli %get3A_8, %mul3A_1553 : vector<160x128xi32>
    %mul3A_1555 = arith.constant 36527 : i32
    %mul3A_1556 = vector.broadcast %mul3A_1555 : i32 to vector<160x128xi32>
    %mul3A_1557 = arith.muli %get3A_8, %mul3A_1556 : vector<160x128xi32>
    %shift_right_logical3A_1558 = arith.constant 16 : i32
    %shift_right_logical3A_1559 = vector.broadcast %shift_right_logical3A_1558 : i32 to vector<160x128xi32>
    %shift_right_logical3A_1560 = arith.shrui %mul3A_1557, %shift_right_logical3A_1559 : vector<160x128xi32>
    %add3A_1561 = arith.addi %mul3A_1554, %shift_right_logical3A_1560 : vector<160x128xi32>
    %shift_right_logical3A_1562 = arith.constant 16 : i32
    %shift_right_logical3A_1563 = vector.broadcast %shift_right_logical3A_1562 : i32 to vector<160x128xi32>
    %shift_right_logical3A_1564 = arith.shrui %add3A_1561, %shift_right_logical3A_1563 : vector<160x128xi32>
    %and3A_1565 = arith.constant 65535 : i32
    %and3A_1566 = vector.broadcast %and3A_1565 : i32 to vector<160x128xi32>
    %and3A_1567 = arith.andi %add3A_1561, %and3A_1566 : vector<160x128xi32>
    %shift_left3A_1568 = arith.constant 16 : i32
    %shift_left3A_1569 = vector.broadcast %shift_left3A_1568 : i32 to vector<160x128xi32>
    %shift_left3A_1570 = arith.shli %and3A_1567, %shift_left3A_1569 : vector<160x128xi32>
    %and3A_1571 = arith.constant 65535 : i32
    %and3A_1572 = vector.broadcast %and3A_1571 : i32 to vector<160x128xi32>
    %and3A_1573 = arith.andi %mul3A_1557, %and3A_1572 : vector<160x128xi32>
    %or3A_1574 = arith.ori %shift_left3A_1570, %and3A_1573 : vector<160x128xi32>
    %xor3A_1575 = arith.xori %broadcast_in_dim3A_1551, %shift_right_logical3A_1564 : vector<160x128xi32>
    %xor3A_1576 = arith.xori %broadcast_in_dim3A_1549, %or3A_1574 : vector<160x128xi32>
    %mul3A_1577 = arith.constant 16383 : i32
    %mul3A_1578 = vector.broadcast %mul3A_1577 : i32 to vector<160x128xi32>
    %mul3A_1579 = arith.muli %get3A_23, %mul3A_1578 : vector<160x128xi32>
    %mul3A_1580 = arith.constant 5 : i32
    %mul3A_1581 = vector.broadcast %mul3A_1580 : i32 to vector<160x128xi32>
    %mul3A_1582 = arith.muli %get3A_23, %mul3A_1581 : vector<160x128xi32>
    %shift_right_logical3A_1583 = arith.constant 16 : i32
    %shift_right_logical3A_1584 = vector.broadcast %shift_right_logical3A_1583 : i32 to vector<160x128xi32>
    %shift_right_logical3A_1585 = arith.shrui %mul3A_1582, %shift_right_logical3A_1584 : vector<160x128xi32>
    %add3A_1586 = arith.addi %mul3A_1579, %shift_right_logical3A_1585 : vector<160x128xi32>
    %shift_right_logical3A_1587 = arith.constant 16 : i32
    %shift_right_logical3A_1588 = vector.broadcast %shift_right_logical3A_1587 : i32 to vector<160x128xi32>
    %shift_right_logical3A_1589 = arith.shrui %add3A_1586, %shift_right_logical3A_1588 : vector<160x128xi32>
    %and3A_1590 = arith.constant 65535 : i32
    %and3A_1591 = vector.broadcast %and3A_1590 : i32 to vector<160x128xi32>
    %and3A_1592 = arith.andi %add3A_1586, %and3A_1591 : vector<160x128xi32>
    %shift_left3A_1593 = arith.constant 16 : i32
    %shift_left3A_1594 = vector.broadcast %shift_left3A_1593 : i32 to vector<160x128xi32>
    %shift_left3A_1595 = arith.shli %and3A_1592, %shift_left3A_1594 : vector<160x128xi32>
    %and3A_1596 = arith.constant 65535 : i32
    %and3A_1597 = vector.broadcast %and3A_1596 : i32 to vector<160x128xi32>
    %and3A_1598 = arith.andi %mul3A_1582, %and3A_1597 : vector<160x128xi32>
    %or3A_1599 = arith.ori %shift_left3A_1595, %and3A_1598 : vector<160x128xi32>
    %xor3A_1600 = arith.xori %xor3A_1575, %shift_right_logical3A_1589 : vector<160x128xi32>
    %xor3A_1601 = arith.xori %xor3A_1576, %or3A_1599 : vector<160x128xi32>
    %shift_right_logical3A_1602 = arith.constant 31 : i32
    %shift_right_logical3A_1603 = vector.broadcast %shift_right_logical3A_1602 : i32 to vector<160x128xi32>
    %shift_right_logical3A_1604 = arith.shrui %xor3A_1601, %shift_right_logical3A_1603 : vector<160x128xi32>
    %and3A_1605 = arith.constant 2147483647 : i32
    %and3A_1606 = vector.broadcast %and3A_1605 : i32 to vector<160x128xi32>
    %and3A_1607 = arith.andi %xor3A_1601, %and3A_1606 : vector<160x128xi32>
    %mul3A_1608 = arith.constant 67296 : i32
    %mul3A_1609 = vector.broadcast %mul3A_1608 : i32 to vector<160x128xi32>
    %mul3A_1610 = arith.muli %xor3A_1600, %mul3A_1609 : vector<160x128xi32>
    %mul3A_1611 = arith.constant 83648 : i32
    %mul3A_1612 = vector.broadcast %mul3A_1611 : i32 to vector<160x128xi32>
    %mul3A_1613 = arith.muli %shift_right_logical3A_1604, %mul3A_1612 : vector<160x128xi32>
    %add3A_1614 = arith.addi %mul3A_1610, %mul3A_1613 : vector<160x128xi32>
    %convert_element_type3A_1615 = arith.sitofp %and3A_1607 : vector<160x128xi32> to vector<160x128xf32>
    %mul3A_1616 = arith.constant 9.99999974E-6 : f32
    %mul3A_1617 = vector.broadcast %mul3A_1616 : f32 to vector<160x128xf32>
    %mul3A_1618 = arith.mulf %convert_element_type3A_1615, %mul3A_1617 : vector<160x128xf32>
    %convert_element_type3A_1619 = arith.fptosi %mul3A_1618 : vector<160x128xf32> to vector<160x128xi32>
    %mul3A_1620 = arith.constant 100000 : i32
    %mul3A_1621 = vector.broadcast %mul3A_1620 : i32 to vector<160x128xi32>
    %mul3A_1622 = arith.muli %convert_element_type3A_1619, %mul3A_1621 : vector<160x128xi32>
    %sub3A_1623 = arith.subi %and3A_1607, %mul3A_1622 : vector<160x128xi32>
    %lt3A_1624 = arith.constant 0 : i32
    %lt3A_1625 = vector.broadcast %lt3A_1624 : i32 to vector<160x128xi32>
    %lt3A_1626 = arith.cmpi slt, %sub3A_1623, %lt3A_1625 : vector<160x128xi32>
    %add3A_1627 = arith.constant 100000 : i32
    %add3A_1628 = vector.broadcast %add3A_1627 : i32 to vector<160x128xi32>
    %add3A_1629 = arith.addi %sub3A_1623, %add3A_1628 : vector<160x128xi32>
    %select_n3A_1630 = arith.select %lt3A_1626, %add3A_1629, %sub3A_1623 : vector<160x128xi1>, vector<160x128xi32>
    %lt3A_1631 = arith.constant 0 : i32
    %lt3A_1632 = vector.broadcast %lt3A_1631 : i32 to vector<160x128xi32>
    %lt3A_1633 = arith.cmpi slt, %select_n3A_1630, %lt3A_1632 : vector<160x128xi32>
    %add3A_1634 = arith.constant 100000 : i32
    %add3A_1635 = vector.broadcast %add3A_1634 : i32 to vector<160x128xi32>
    %add3A_1636 = arith.addi %select_n3A_1630, %add3A_1635 : vector<160x128xi32>
    %select_n3A_1637 = arith.select %lt3A_1633, %add3A_1636, %select_n3A_1630 : vector<160x128xi1>, vector<160x128xi32>
    %ge3A_1638 = arith.constant 100000 : i32
    %ge3A_1639 = vector.broadcast %ge3A_1638 : i32 to vector<160x128xi32>
    %ge3A_1640 = arith.cmpi sge, %select_n3A_1637, %ge3A_1639 : vector<160x128xi32>
    %sub3A_1641 = arith.constant 100000 : i32
    %sub3A_1642 = vector.broadcast %sub3A_1641 : i32 to vector<160x128xi32>
    %sub3A_1643 = arith.subi %select_n3A_1637, %sub3A_1642 : vector<160x128xi32>
    %select_n3A_1644 = arith.select %ge3A_1640, %sub3A_1643, %select_n3A_1637 : vector<160x128xi1>, vector<160x128xi32>
    %ge3A_1645 = arith.constant 100000 : i32
    %ge3A_1646 = vector.broadcast %ge3A_1645 : i32 to vector<160x128xi32>
    %ge3A_1647 = arith.cmpi sge, %select_n3A_1644, %ge3A_1646 : vector<160x128xi32>
    %sub3A_1648 = arith.constant 100000 : i32
    %sub3A_1649 = vector.broadcast %sub3A_1648 : i32 to vector<160x128xi32>
    %sub3A_1650 = arith.subi %select_n3A_1644, %sub3A_1649 : vector<160x128xi32>
    %select_n3A_1651 = arith.select %ge3A_1647, %sub3A_1650, %select_n3A_1644 : vector<160x128xi1>, vector<160x128xi32>
    %add3A_1652 = arith.addi %add3A_1614, %select_n3A_1651 : vector<160x128xi32>
    %convert_element_type3A_1653 = arith.sitofp %add3A_1652 : vector<160x128xi32> to vector<160x128xf32>
    %mul3A_1654 = arith.constant 9.99999974E-6 : f32
    %mul3A_1655 = vector.broadcast %mul3A_1654 : f32 to vector<160x128xf32>
    %mul3A_1656 = arith.mulf %convert_element_type3A_1653, %mul3A_1655 : vector<160x128xf32>
    %convert_element_type3A_1657 = arith.fptosi %mul3A_1656 : vector<160x128xf32> to vector<160x128xi32>
    %mul3A_1658 = arith.constant 100000 : i32
    %mul3A_1659 = vector.broadcast %mul3A_1658 : i32 to vector<160x128xi32>
    %mul3A_1660 = arith.muli %convert_element_type3A_1657, %mul3A_1659 : vector<160x128xi32>
    %sub3A_1661 = arith.subi %add3A_1652, %mul3A_1660 : vector<160x128xi32>
    %lt3A_1662 = arith.constant 0 : i32
    %lt3A_1663 = vector.broadcast %lt3A_1662 : i32 to vector<160x128xi32>
    %lt3A_1664 = arith.cmpi slt, %sub3A_1661, %lt3A_1663 : vector<160x128xi32>
    %add3A_1665 = arith.constant 100000 : i32
    %add3A_1666 = vector.broadcast %add3A_1665 : i32 to vector<160x128xi32>
    %add3A_1667 = arith.addi %sub3A_1661, %add3A_1666 : vector<160x128xi32>
    %select_n3A_1668 = arith.select %lt3A_1664, %add3A_1667, %sub3A_1661 : vector<160x128xi1>, vector<160x128xi32>
    %lt3A_1669 = arith.constant 0 : i32
    %lt3A_1670 = vector.broadcast %lt3A_1669 : i32 to vector<160x128xi32>
    %lt3A_1671 = arith.cmpi slt, %select_n3A_1668, %lt3A_1670 : vector<160x128xi32>
    %add3A_1672 = arith.constant 100000 : i32
    %add3A_1673 = vector.broadcast %add3A_1672 : i32 to vector<160x128xi32>
    %add3A_1674 = arith.addi %select_n3A_1668, %add3A_1673 : vector<160x128xi32>
    %select_n3A_1675 = arith.select %lt3A_1671, %add3A_1674, %select_n3A_1668 : vector<160x128xi1>, vector<160x128xi32>
    %ge3A_1676 = arith.constant 100000 : i32
    %ge3A_1677 = vector.broadcast %ge3A_1676 : i32 to vector<160x128xi32>
    %ge3A_1678 = arith.cmpi sge, %select_n3A_1675, %ge3A_1677 : vector<160x128xi32>
    %sub3A_1679 = arith.constant 100000 : i32
    %sub3A_1680 = vector.broadcast %sub3A_1679 : i32 to vector<160x128xi32>
    %sub3A_1681 = arith.subi %select_n3A_1675, %sub3A_1680 : vector<160x128xi32>
    %select_n3A_1682 = arith.select %ge3A_1678, %sub3A_1681, %select_n3A_1675 : vector<160x128xi1>, vector<160x128xi32>
    %ge3A_1683 = arith.constant 100000 : i32
    %ge3A_1684 = vector.broadcast %ge3A_1683 : i32 to vector<160x128xi32>
    %ge3A_1685 = arith.cmpi sge, %select_n3A_1682, %ge3A_1684 : vector<160x128xi32>
    %sub3A_1686 = arith.constant 100000 : i32
    %sub3A_1687 = vector.broadcast %sub3A_1686 : i32 to vector<160x128xi32>
    %sub3A_1688 = arith.subi %select_n3A_1682, %sub3A_1687 : vector<160x128xi32>
    %select_n3A_1689 = arith.select %ge3A_1685, %sub3A_1688, %select_n3A_1682 : vector<160x128xi1>, vector<160x128xi32>
    %swap3A_1690 = arith.constant 11 : index
    %swap3A_1691 = arith.constant 0 : index
    %swap3A_1692 = arith.constant 0 : index
    %swap3A_1693 = vector.load %arg1[%swap3A_1690, %swap3A_1691, %swap3A_1692] : memref<16x160x128xi32, #tpu.memory_space<vmem>>, vector<1x160x128xi32>
    %swap3A_1694 = vector.shape_cast %swap3A_1693 : vector<1x160x128xi32> to vector<160x128xi32>
    %swap3A_1695 = vector.shape_cast %select_n3A_1689 : vector<160x128xi32> to vector<1x160x128xi32>
    tpu.vector_store %arg1[%swap3A_1690, %swap3A_1691, %swap3A_1692], %swap3A_1695 {strides = array<i32>} : memref<16x160x128xi32, #tpu.memory_space<vmem>>, vector<1x160x128xi32>,
    %broadcast_in_dim3A_1696 = arith.constant 0 : i32
    %broadcast_in_dim3A_1697 = vector.broadcast %broadcast_in_dim3A_1696 : i32 to vector<160x128xi32>
    %broadcast_in_dim3A_1698 = arith.constant 0 : i32
    %broadcast_in_dim3A_1699 = vector.broadcast %broadcast_in_dim3A_1698 : i32 to vector<160x128xi32>
    %mul3A_1700 = arith.constant 22895 : i32
    %mul3A_1701 = vector.broadcast %mul3A_1700 : i32 to vector<160x128xi32>
    %mul3A_1702 = arith.muli %get3A_13, %mul3A_1701 : vector<160x128xi32>
    %mul3A_1703 = arith.constant 3561 : i32
    %mul3A_1704 = vector.broadcast %mul3A_1703 : i32 to vector<160x128xi32>
    %mul3A_1705 = arith.muli %get3A_13, %mul3A_1704 : vector<160x128xi32>
    %shift_right_logical3A_1706 = arith.constant 16 : i32
    %shift_right_logical3A_1707 = vector.broadcast %shift_right_logical3A_1706 : i32 to vector<160x128xi32>
    %shift_right_logical3A_1708 = arith.shrui %mul3A_1705, %shift_right_logical3A_1707 : vector<160x128xi32>
    %add3A_1709 = arith.addi %mul3A_1702, %shift_right_logical3A_1708 : vector<160x128xi32>
    %shift_right_logical3A_1710 = arith.constant 16 : i32
    %shift_right_logical3A_1711 = vector.broadcast %shift_right_logical3A_1710 : i32 to vector<160x128xi32>
    %shift_right_logical3A_1712 = arith.shrui %add3A_1709, %shift_right_logical3A_1711 : vector<160x128xi32>
    %and3A_1713 = arith.constant 65535 : i32
    %and3A_1714 = vector.broadcast %and3A_1713 : i32 to vector<160x128xi32>
    %and3A_1715 = arith.andi %add3A_1709, %and3A_1714 : vector<160x128xi32>
    %shift_left3A_1716 = arith.constant 16 : i32
    %shift_left3A_1717 = vector.broadcast %shift_left3A_1716 : i32 to vector<160x128xi32>
    %shift_left3A_1718 = arith.shli %and3A_1715, %shift_left3A_1717 : vector<160x128xi32>
    %and3A_1719 = arith.constant 65535 : i32
    %and3A_1720 = vector.broadcast %and3A_1719 : i32 to vector<160x128xi32>
    %and3A_1721 = arith.andi %mul3A_1705, %and3A_1720 : vector<160x128xi32>
    %or3A_1722 = arith.ori %shift_left3A_1718, %and3A_1721 : vector<160x128xi32>
    %xor3A_1723 = arith.xori %broadcast_in_dim3A_1699, %shift_right_logical3A_1712 : vector<160x128xi32>
    %xor3A_1724 = arith.xori %broadcast_in_dim3A_1697, %or3A_1722 : vector<160x128xi32>
    %mul3A_1725 = arith.constant 49850 : i32
    %mul3A_1726 = vector.broadcast %mul3A_1725 : i32 to vector<160x128xi32>
    %mul3A_1727 = arith.muli %get3A_23, %mul3A_1726 : vector<160x128xi32>
    %mul3A_1728 = arith.constant 30417 : i32
    %mul3A_1729 = vector.broadcast %mul3A_1728 : i32 to vector<160x128xi32>
    %mul3A_1730 = arith.muli %get3A_23, %mul3A_1729 : vector<160x128xi32>
    %shift_right_logical3A_1731 = arith.constant 16 : i32
    %shift_right_logical3A_1732 = vector.broadcast %shift_right_logical3A_1731 : i32 to vector<160x128xi32>
    %shift_right_logical3A_1733 = arith.shrui %mul3A_1730, %shift_right_logical3A_1732 : vector<160x128xi32>
    %add3A_1734 = arith.addi %mul3A_1727, %shift_right_logical3A_1733 : vector<160x128xi32>
    %shift_right_logical3A_1735 = arith.constant 16 : i32
    %shift_right_logical3A_1736 = vector.broadcast %shift_right_logical3A_1735 : i32 to vector<160x128xi32>
    %shift_right_logical3A_1737 = arith.shrui %add3A_1734, %shift_right_logical3A_1736 : vector<160x128xi32>
    %and3A_1738 = arith.constant 65535 : i32
    %and3A_1739 = vector.broadcast %and3A_1738 : i32 to vector<160x128xi32>
    %and3A_1740 = arith.andi %add3A_1734, %and3A_1739 : vector<160x128xi32>
    %shift_left3A_1741 = arith.constant 16 : i32
    %shift_left3A_1742 = vector.broadcast %shift_left3A_1741 : i32 to vector<160x128xi32>
    %shift_left3A_1743 = arith.shli %and3A_1740, %shift_left3A_1742 : vector<160x128xi32>
    %and3A_1744 = arith.constant 65535 : i32
    %and3A_1745 = vector.broadcast %and3A_1744 : i32 to vector<160x128xi32>
    %and3A_1746 = arith.andi %mul3A_1730, %and3A_1745 : vector<160x128xi32>
    %or3A_1747 = arith.ori %shift_left3A_1743, %and3A_1746 : vector<160x128xi32>
    %xor3A_1748 = arith.xori %xor3A_1723, %shift_right_logical3A_1737 : vector<160x128xi32>
    %xor3A_1749 = arith.xori %xor3A_1724, %or3A_1747 : vector<160x128xi32>
    %shift_right_logical3A_1750 = arith.constant 31 : i32
    %shift_right_logical3A_1751 = vector.broadcast %shift_right_logical3A_1750 : i32 to vector<160x128xi32>
    %shift_right_logical3A_1752 = arith.shrui %xor3A_1749, %shift_right_logical3A_1751 : vector<160x128xi32>
    %and3A_1753 = arith.constant 2147483647 : i32
    %and3A_1754 = vector.broadcast %and3A_1753 : i32 to vector<160x128xi32>
    %and3A_1755 = arith.andi %xor3A_1749, %and3A_1754 : vector<160x128xi32>
    %mul3A_1756 = arith.constant 67296 : i32
    %mul3A_1757 = vector.broadcast %mul3A_1756 : i32 to vector<160x128xi32>
    %mul3A_1758 = arith.muli %xor3A_1748, %mul3A_1757 : vector<160x128xi32>
    %mul3A_1759 = arith.constant 83648 : i32
    %mul3A_1760 = vector.broadcast %mul3A_1759 : i32 to vector<160x128xi32>
    %mul3A_1761 = arith.muli %shift_right_logical3A_1752, %mul3A_1760 : vector<160x128xi32>
    %add3A_1762 = arith.addi %mul3A_1758, %mul3A_1761 : vector<160x128xi32>
    %convert_element_type3A_1763 = arith.sitofp %and3A_1755 : vector<160x128xi32> to vector<160x128xf32>
    %mul3A_1764 = arith.constant 9.99999974E-6 : f32
    %mul3A_1765 = vector.broadcast %mul3A_1764 : f32 to vector<160x128xf32>
    %mul3A_1766 = arith.mulf %convert_element_type3A_1763, %mul3A_1765 : vector<160x128xf32>
    %convert_element_type3A_1767 = arith.fptosi %mul3A_1766 : vector<160x128xf32> to vector<160x128xi32>
    %mul3A_1768 = arith.constant 100000 : i32
    %mul3A_1769 = vector.broadcast %mul3A_1768 : i32 to vector<160x128xi32>
    %mul3A_1770 = arith.muli %convert_element_type3A_1767, %mul3A_1769 : vector<160x128xi32>
    %sub3A_1771 = arith.subi %and3A_1755, %mul3A_1770 : vector<160x128xi32>
    %lt3A_1772 = arith.constant 0 : i32
    %lt3A_1773 = vector.broadcast %lt3A_1772 : i32 to vector<160x128xi32>
    %lt3A_1774 = arith.cmpi slt, %sub3A_1771, %lt3A_1773 : vector<160x128xi32>
    %add3A_1775 = arith.constant 100000 : i32
    %add3A_1776 = vector.broadcast %add3A_1775 : i32 to vector<160x128xi32>
    %add3A_1777 = arith.addi %sub3A_1771, %add3A_1776 : vector<160x128xi32>
    %select_n3A_1778 = arith.select %lt3A_1774, %add3A_1777, %sub3A_1771 : vector<160x128xi1>, vector<160x128xi32>
    %lt3A_1779 = arith.constant 0 : i32
    %lt3A_1780 = vector.broadcast %lt3A_1779 : i32 to vector<160x128xi32>
    %lt3A_1781 = arith.cmpi slt, %select_n3A_1778, %lt3A_1780 : vector<160x128xi32>
    %add3A_1782 = arith.constant 100000 : i32
    %add3A_1783 = vector.broadcast %add3A_1782 : i32 to vector<160x128xi32>
    %add3A_1784 = arith.addi %select_n3A_1778, %add3A_1783 : vector<160x128xi32>
    %select_n3A_1785 = arith.select %lt3A_1781, %add3A_1784, %select_n3A_1778 : vector<160x128xi1>, vector<160x128xi32>
    %ge3A_1786 = arith.constant 100000 : i32
    %ge3A_1787 = vector.broadcast %ge3A_1786 : i32 to vector<160x128xi32>
    %ge3A_1788 = arith.cmpi sge, %select_n3A_1785, %ge3A_1787 : vector<160x128xi32>
    %sub3A_1789 = arith.constant 100000 : i32
    %sub3A_1790 = vector.broadcast %sub3A_1789 : i32 to vector<160x128xi32>
    %sub3A_1791 = arith.subi %select_n3A_1785, %sub3A_1790 : vector<160x128xi32>
    %select_n3A_1792 = arith.select %ge3A_1788, %sub3A_1791, %select_n3A_1785 : vector<160x128xi1>, vector<160x128xi32>
    %ge3A_1793 = arith.constant 100000 : i32
    %ge3A_1794 = vector.broadcast %ge3A_1793 : i32 to vector<160x128xi32>
    %ge3A_1795 = arith.cmpi sge, %select_n3A_1792, %ge3A_1794 : vector<160x128xi32>
    %sub3A_1796 = arith.constant 100000 : i32
    %sub3A_1797 = vector.broadcast %sub3A_1796 : i32 to vector<160x128xi32>
    %sub3A_1798 = arith.subi %select_n3A_1792, %sub3A_1797 : vector<160x128xi32>
    %select_n3A_1799 = arith.select %ge3A_1795, %sub3A_1798, %select_n3A_1792 : vector<160x128xi1>, vector<160x128xi32>
    %add3A_1800 = arith.addi %add3A_1762, %select_n3A_1799 : vector<160x128xi32>
    %convert_element_type3A_1801 = arith.sitofp %add3A_1800 : vector<160x128xi32> to vector<160x128xf32>
    %mul3A_1802 = arith.constant 9.99999974E-6 : f32
    %mul3A_1803 = vector.broadcast %mul3A_1802 : f32 to vector<160x128xf32>
    %mul3A_1804 = arith.mulf %convert_element_type3A_1801, %mul3A_1803 : vector<160x128xf32>
    %convert_element_type3A_1805 = arith.fptosi %mul3A_1804 : vector<160x128xf32> to vector<160x128xi32>
    %mul3A_1806 = arith.constant 100000 : i32
    %mul3A_1807 = vector.broadcast %mul3A_1806 : i32 to vector<160x128xi32>
    %mul3A_1808 = arith.muli %convert_element_type3A_1805, %mul3A_1807 : vector<160x128xi32>
    %sub3A_1809 = arith.subi %add3A_1800, %mul3A_1808 : vector<160x128xi32>
    %lt3A_1810 = arith.constant 0 : i32
    %lt3A_1811 = vector.broadcast %lt3A_1810 : i32 to vector<160x128xi32>
    %lt3A_1812 = arith.cmpi slt, %sub3A_1809, %lt3A_1811 : vector<160x128xi32>
    %add3A_1813 = arith.constant 100000 : i32
    %add3A_1814 = vector.broadcast %add3A_1813 : i32 to vector<160x128xi32>
    %add3A_1815 = arith.addi %sub3A_1809, %add3A_1814 : vector<160x128xi32>
    %select_n3A_1816 = arith.select %lt3A_1812, %add3A_1815, %sub3A_1809 : vector<160x128xi1>, vector<160x128xi32>
    %lt3A_1817 = arith.constant 0 : i32
    %lt3A_1818 = vector.broadcast %lt3A_1817 : i32 to vector<160x128xi32>
    %lt3A_1819 = arith.cmpi slt, %select_n3A_1816, %lt3A_1818 : vector<160x128xi32>
    %add3A_1820 = arith.constant 100000 : i32
    %add3A_1821 = vector.broadcast %add3A_1820 : i32 to vector<160x128xi32>
    %add3A_1822 = arith.addi %select_n3A_1816, %add3A_1821 : vector<160x128xi32>
    %select_n3A_1823 = arith.select %lt3A_1819, %add3A_1822, %select_n3A_1816 : vector<160x128xi1>, vector<160x128xi32>
    %ge3A_1824 = arith.constant 100000 : i32
    %ge3A_1825 = vector.broadcast %ge3A_1824 : i32 to vector<160x128xi32>
    %ge3A_1826 = arith.cmpi sge, %select_n3A_1823, %ge3A_1825 : vector<160x128xi32>
    %sub3A_1827 = arith.constant 100000 : i32
    %sub3A_1828 = vector.broadcast %sub3A_1827 : i32 to vector<160x128xi32>
    %sub3A_1829 = arith.subi %select_n3A_1823, %sub3A_1828 : vector<160x128xi32>
    %select_n3A_1830 = arith.select %ge3A_1826, %sub3A_1829, %select_n3A_1823 : vector<160x128xi1>, vector<160x128xi32>
    %ge3A_1831 = arith.constant 100000 : i32
    %ge3A_1832 = vector.broadcast %ge3A_1831 : i32 to vector<160x128xi32>
    %ge3A_1833 = arith.cmpi sge, %select_n3A_1830, %ge3A_1832 : vector<160x128xi32>
    %sub3A_1834 = arith.constant 100000 : i32
    %sub3A_1835 = vector.broadcast %sub3A_1834 : i32 to vector<160x128xi32>
    %sub3A_1836 = arith.subi %select_n3A_1830, %sub3A_1835 : vector<160x128xi32>
    %select_n3A_1837 = arith.select %ge3A_1833, %sub3A_1836, %select_n3A_1830 : vector<160x128xi1>, vector<160x128xi32>
    %swap3A_1838 = arith.constant 12 : index
    %swap3A_1839 = arith.constant 0 : index
    %swap3A_1840 = arith.constant 0 : index
    %swap3A_1841 = vector.load %arg1[%swap3A_1838, %swap3A_1839, %swap3A_1840] : memref<16x160x128xi32, #tpu.memory_space<vmem>>, vector<1x160x128xi32>
    %swap3A_1842 = vector.shape_cast %swap3A_1841 : vector<1x160x128xi32> to vector<160x128xi32>
    %swap3A_1843 = vector.shape_cast %select_n3A_1837 : vector<160x128xi32> to vector<1x160x128xi32>
    tpu.vector_store %arg1[%swap3A_1838, %swap3A_1839, %swap3A_1840], %swap3A_1843 {strides = array<i32>} : memref<16x160x128xi32, #tpu.memory_space<vmem>>, vector<1x160x128xi32>,
    %broadcast_in_dim3A_1844 = arith.constant 0 : i32
    %broadcast_in_dim3A_1845 = vector.broadcast %broadcast_in_dim3A_1844 : i32 to vector<160x128xi32>
    %broadcast_in_dim3A_1846 = arith.constant 0 : i32
    %broadcast_in_dim3A_1847 = vector.broadcast %broadcast_in_dim3A_1846 : i32 to vector<160x128xi32>
    %mul3A_1848 = arith.constant 61787 : i32
    %mul3A_1849 = vector.broadcast %mul3A_1848 : i32 to vector<160x128xi32>
    %mul3A_1850 = arith.muli %get3A_3, %mul3A_1849 : vector<160x128xi32>
    %mul3A_1851 = arith.constant 19911 : i32
    %mul3A_1852 = vector.broadcast %mul3A_1851 : i32 to vector<160x128xi32>
    %mul3A_1853 = arith.muli %get3A_3, %mul3A_1852 : vector<160x128xi32>
    %shift_right_logical3A_1854 = arith.constant 16 : i32
    %shift_right_logical3A_1855 = vector.broadcast %shift_right_logical3A_1854 : i32 to vector<160x128xi32>
    %shift_right_logical3A_1856 = arith.shrui %mul3A_1853, %shift_right_logical3A_1855 : vector<160x128xi32>
    %add3A_1857 = arith.addi %mul3A_1850, %shift_right_logical3A_1856 : vector<160x128xi32>
    %shift_right_logical3A_1858 = arith.constant 16 : i32
    %shift_right_logical3A_1859 = vector.broadcast %shift_right_logical3A_1858 : i32 to vector<160x128xi32>
    %shift_right_logical3A_1860 = arith.shrui %add3A_1857, %shift_right_logical3A_1859 : vector<160x128xi32>
    %and3A_1861 = arith.constant 65535 : i32
    %and3A_1862 = vector.broadcast %and3A_1861 : i32 to vector<160x128xi32>
    %and3A_1863 = arith.andi %add3A_1857, %and3A_1862 : vector<160x128xi32>
    %shift_left3A_1864 = arith.constant 16 : i32
    %shift_left3A_1865 = vector.broadcast %shift_left3A_1864 : i32 to vector<160x128xi32>
    %shift_left3A_1866 = arith.shli %and3A_1863, %shift_left3A_1865 : vector<160x128xi32>
    %and3A_1867 = arith.constant 65535 : i32
    %and3A_1868 = vector.broadcast %and3A_1867 : i32 to vector<160x128xi32>
    %and3A_1869 = arith.andi %mul3A_1853, %and3A_1868 : vector<160x128xi32>
    %or3A_1870 = arith.ori %shift_left3A_1866, %and3A_1869 : vector<160x128xi32>
    %xor3A_1871 = arith.xori %broadcast_in_dim3A_1847, %shift_right_logical3A_1860 : vector<160x128xi32>
    %xor3A_1872 = arith.xori %broadcast_in_dim3A_1845, %or3A_1870 : vector<160x128xi32>
    %mul3A_1873 = arith.constant 34283 : i32
    %mul3A_1874 = vector.broadcast %mul3A_1873 : i32 to vector<160x128xi32>
    %mul3A_1875 = arith.muli %get3A_28, %mul3A_1874 : vector<160x128xi32>
    %mul3A_1876 = arith.constant 51849 : i32
    %mul3A_1877 = vector.broadcast %mul3A_1876 : i32 to vector<160x128xi32>
    %mul3A_1878 = arith.muli %get3A_28, %mul3A_1877 : vector<160x128xi32>
    %shift_right_logical3A_1879 = arith.constant 16 : i32
    %shift_right_logical3A_1880 = vector.broadcast %shift_right_logical3A_1879 : i32 to vector<160x128xi32>
    %shift_right_logical3A_1881 = arith.shrui %mul3A_1878, %shift_right_logical3A_1880 : vector<160x128xi32>
    %add3A_1882 = arith.addi %mul3A_1875, %shift_right_logical3A_1881 : vector<160x128xi32>
    %shift_right_logical3A_1883 = arith.constant 16 : i32
    %shift_right_logical3A_1884 = vector.broadcast %shift_right_logical3A_1883 : i32 to vector<160x128xi32>
    %shift_right_logical3A_1885 = arith.shrui %add3A_1882, %shift_right_logical3A_1884 : vector<160x128xi32>
    %and3A_1886 = arith.constant 65535 : i32
    %and3A_1887 = vector.broadcast %and3A_1886 : i32 to vector<160x128xi32>
    %and3A_1888 = arith.andi %add3A_1882, %and3A_1887 : vector<160x128xi32>
    %shift_left3A_1889 = arith.constant 16 : i32
    %shift_left3A_1890 = vector.broadcast %shift_left3A_1889 : i32 to vector<160x128xi32>
    %shift_left3A_1891 = arith.shli %and3A_1888, %shift_left3A_1890 : vector<160x128xi32>
    %and3A_1892 = arith.constant 65535 : i32
    %and3A_1893 = vector.broadcast %and3A_1892 : i32 to vector<160x128xi32>
    %and3A_1894 = arith.andi %mul3A_1878, %and3A_1893 : vector<160x128xi32>
    %or3A_1895 = arith.ori %shift_left3A_1891, %and3A_1894 : vector<160x128xi32>
    %xor3A_1896 = arith.xori %xor3A_1871, %shift_right_logical3A_1885 : vector<160x128xi32>
    %xor3A_1897 = arith.xori %xor3A_1872, %or3A_1895 : vector<160x128xi32>
    %shift_right_logical3A_1898 = arith.constant 31 : i32
    %shift_right_logical3A_1899 = vector.broadcast %shift_right_logical3A_1898 : i32 to vector<160x128xi32>
    %shift_right_logical3A_1900 = arith.shrui %xor3A_1897, %shift_right_logical3A_1899 : vector<160x128xi32>
    %and3A_1901 = arith.constant 2147483647 : i32
    %and3A_1902 = vector.broadcast %and3A_1901 : i32 to vector<160x128xi32>
    %and3A_1903 = arith.andi %xor3A_1897, %and3A_1902 : vector<160x128xi32>
    %mul3A_1904 = arith.constant 67296 : i32
    %mul3A_1905 = vector.broadcast %mul3A_1904 : i32 to vector<160x128xi32>
    %mul3A_1906 = arith.muli %xor3A_1896, %mul3A_1905 : vector<160x128xi32>
    %mul3A_1907 = arith.constant 83648 : i32
    %mul3A_1908 = vector.broadcast %mul3A_1907 : i32 to vector<160x128xi32>
    %mul3A_1909 = arith.muli %shift_right_logical3A_1900, %mul3A_1908 : vector<160x128xi32>
    %add3A_1910 = arith.addi %mul3A_1906, %mul3A_1909 : vector<160x128xi32>
    %convert_element_type3A_1911 = arith.sitofp %and3A_1903 : vector<160x128xi32> to vector<160x128xf32>
    %mul3A_1912 = arith.constant 9.99999974E-6 : f32
    %mul3A_1913 = vector.broadcast %mul3A_1912 : f32 to vector<160x128xf32>
    %mul3A_1914 = arith.mulf %convert_element_type3A_1911, %mul3A_1913 : vector<160x128xf32>
    %convert_element_type3A_1915 = arith.fptosi %mul3A_1914 : vector<160x128xf32> to vector<160x128xi32>
    %mul3A_1916 = arith.constant 100000 : i32
    %mul3A_1917 = vector.broadcast %mul3A_1916 : i32 to vector<160x128xi32>
    %mul3A_1918 = arith.muli %convert_element_type3A_1915, %mul3A_1917 : vector<160x128xi32>
    %sub3A_1919 = arith.subi %and3A_1903, %mul3A_1918 : vector<160x128xi32>
    %lt3A_1920 = arith.constant 0 : i32
    %lt3A_1921 = vector.broadcast %lt3A_1920 : i32 to vector<160x128xi32>
    %lt3A_1922 = arith.cmpi slt, %sub3A_1919, %lt3A_1921 : vector<160x128xi32>
    %add3A_1923 = arith.constant 100000 : i32
    %add3A_1924 = vector.broadcast %add3A_1923 : i32 to vector<160x128xi32>
    %add3A_1925 = arith.addi %sub3A_1919, %add3A_1924 : vector<160x128xi32>
    %select_n3A_1926 = arith.select %lt3A_1922, %add3A_1925, %sub3A_1919 : vector<160x128xi1>, vector<160x128xi32>
    %lt3A_1927 = arith.constant 0 : i32
    %lt3A_1928 = vector.broadcast %lt3A_1927 : i32 to vector<160x128xi32>
    %lt3A_1929 = arith.cmpi slt, %select_n3A_1926, %lt3A_1928 : vector<160x128xi32>
    %add3A_1930 = arith.constant 100000 : i32
    %add3A_1931 = vector.broadcast %add3A_1930 : i32 to vector<160x128xi32>
    %add3A_1932 = arith.addi %select_n3A_1926, %add3A_1931 : vector<160x128xi32>
    %select_n3A_1933 = arith.select %lt3A_1929, %add3A_1932, %select_n3A_1926 : vector<160x128xi1>, vector<160x128xi32>
    %ge3A_1934 = arith.constant 100000 : i32
    %ge3A_1935 = vector.broadcast %ge3A_1934 : i32 to vector<160x128xi32>
    %ge3A_1936 = arith.cmpi sge, %select_n3A_1933, %ge3A_1935 : vector<160x128xi32>
    %sub3A_1937 = arith.constant 100000 : i32
    %sub3A_1938 = vector.broadcast %sub3A_1937 : i32 to vector<160x128xi32>
    %sub3A_1939 = arith.subi %select_n3A_1933, %sub3A_1938 : vector<160x128xi32>
    %select_n3A_1940 = arith.select %ge3A_1936, %sub3A_1939, %select_n3A_1933 : vector<160x128xi1>, vector<160x128xi32>
    %ge3A_1941 = arith.constant 100000 : i32
    %ge3A_1942 = vector.broadcast %ge3A_1941 : i32 to vector<160x128xi32>
    %ge3A_1943 = arith.cmpi sge, %select_n3A_1940, %ge3A_1942 : vector<160x128xi32>
    %sub3A_1944 = arith.constant 100000 : i32
    %sub3A_1945 = vector.broadcast %sub3A_1944 : i32 to vector<160x128xi32>
    %sub3A_1946 = arith.subi %select_n3A_1940, %sub3A_1945 : vector<160x128xi32>
    %select_n3A_1947 = arith.select %ge3A_1943, %sub3A_1946, %select_n3A_1940 : vector<160x128xi1>, vector<160x128xi32>
    %add3A_1948 = arith.addi %add3A_1910, %select_n3A_1947 : vector<160x128xi32>
    %convert_element_type3A_1949 = arith.sitofp %add3A_1948 : vector<160x128xi32> to vector<160x128xf32>
    %mul3A_1950 = arith.constant 9.99999974E-6 : f32
    %mul3A_1951 = vector.broadcast %mul3A_1950 : f32 to vector<160x128xf32>
    %mul3A_1952 = arith.mulf %convert_element_type3A_1949, %mul3A_1951 : vector<160x128xf32>
    %convert_element_type3A_1953 = arith.fptosi %mul3A_1952 : vector<160x128xf32> to vector<160x128xi32>
    %mul3A_1954 = arith.constant 100000 : i32
    %mul3A_1955 = vector.broadcast %mul3A_1954 : i32 to vector<160x128xi32>
    %mul3A_1956 = arith.muli %convert_element_type3A_1953, %mul3A_1955 : vector<160x128xi32>
    %sub3A_1957 = arith.subi %add3A_1948, %mul3A_1956 : vector<160x128xi32>
    %lt3A_1958 = arith.constant 0 : i32
    %lt3A_1959 = vector.broadcast %lt3A_1958 : i32 to vector<160x128xi32>
    %lt3A_1960 = arith.cmpi slt, %sub3A_1957, %lt3A_1959 : vector<160x128xi32>
    %add3A_1961 = arith.constant 100000 : i32
    %add3A_1962 = vector.broadcast %add3A_1961 : i32 to vector<160x128xi32>
    %add3A_1963 = arith.addi %sub3A_1957, %add3A_1962 : vector<160x128xi32>
    %select_n3A_1964 = arith.select %lt3A_1960, %add3A_1963, %sub3A_1957 : vector<160x128xi1>, vector<160x128xi32>
    %lt3A_1965 = arith.constant 0 : i32
    %lt3A_1966 = vector.broadcast %lt3A_1965 : i32 to vector<160x128xi32>
    %lt3A_1967 = arith.cmpi slt, %select_n3A_1964, %lt3A_1966 : vector<160x128xi32>
    %add3A_1968 = arith.constant 100000 : i32
    %add3A_1969 = vector.broadcast %add3A_1968 : i32 to vector<160x128xi32>
    %add3A_1970 = arith.addi %select_n3A_1964, %add3A_1969 : vector<160x128xi32>
    %select_n3A_1971 = arith.select %lt3A_1967, %add3A_1970, %select_n3A_1964 : vector<160x128xi1>, vector<160x128xi32>
    %ge3A_1972 = arith.constant 100000 : i32
    %ge3A_1973 = vector.broadcast %ge3A_1972 : i32 to vector<160x128xi32>
    %ge3A_1974 = arith.cmpi sge, %select_n3A_1971, %ge3A_1973 : vector<160x128xi32>
    %sub3A_1975 = arith.constant 100000 : i32
    %sub3A_1976 = vector.broadcast %sub3A_1975 : i32 to vector<160x128xi32>
    %sub3A_1977 = arith.subi %select_n3A_1971, %sub3A_1976 : vector<160x128xi32>
    %select_n3A_1978 = arith.select %ge3A_1974, %sub3A_1977, %select_n3A_1971 : vector<160x128xi1>, vector<160x128xi32>
    %ge3A_1979 = arith.constant 100000 : i32
    %ge3A_1980 = vector.broadcast %ge3A_1979 : i32 to vector<160x128xi32>
    %ge3A_1981 = arith.cmpi sge, %select_n3A_1978, %ge3A_1980 : vector<160x128xi32>
    %sub3A_1982 = arith.constant 100000 : i32
    %sub3A_1983 = vector.broadcast %sub3A_1982 : i32 to vector<160x128xi32>
    %sub3A_1984 = arith.subi %select_n3A_1978, %sub3A_1983 : vector<160x128xi32>
    %select_n3A_1985 = arith.select %ge3A_1981, %sub3A_1984, %select_n3A_1978 : vector<160x128xi1>, vector<160x128xi32>
    %swap3A_1986 = arith.constant 13 : index
    %swap3A_1987 = arith.constant 0 : index
    %swap3A_1988 = arith.constant 0 : index
    %swap3A_1989 = vector.load %arg1[%swap3A_1986, %swap3A_1987, %swap3A_1988] : memref<16x160x128xi32, #tpu.memory_space<vmem>>, vector<1x160x128xi32>
    %swap3A_1990 = vector.shape_cast %swap3A_1989 : vector<1x160x128xi32> to vector<160x128xi32>
    %swap3A_1991 = vector.shape_cast %select_n3A_1985 : vector<160x128xi32> to vector<1x160x128xi32>
    tpu.vector_store %arg1[%swap3A_1986, %swap3A_1987, %swap3A_1988], %swap3A_1991 {strides = array<i32>} : memref<16x160x128xi32, #tpu.memory_space<vmem>>, vector<1x160x128xi32>,
    %broadcast_in_dim3A_1992 = arith.constant 0 : i32
    %broadcast_in_dim3A_1993 = vector.broadcast %broadcast_in_dim3A_1992 : i32 to vector<160x128xi32>
    %broadcast_in_dim3A_1994 = arith.constant 0 : i32
    %broadcast_in_dim3A_1995 = vector.broadcast %broadcast_in_dim3A_1994 : i32 to vector<160x128xi32>
    %mul3A_1996 = arith.constant 30947 : i32
    %mul3A_1997 = vector.broadcast %mul3A_1996 : i32 to vector<160x128xi32>
    %mul3A_1998 = arith.muli %get3A_8, %mul3A_1997 : vector<160x128xi32>
    %mul3A_1999 = arith.constant 35939 : i32
    %mul3A_2000 = vector.broadcast %mul3A_1999 : i32 to vector<160x128xi32>
    %mul3A_2001 = arith.muli %get3A_8, %mul3A_2000 : vector<160x128xi32>
    %shift_right_logical3A_2002 = arith.constant 16 : i32
    %shift_right_logical3A_2003 = vector.broadcast %shift_right_logical3A_2002 : i32 to vector<160x128xi32>
    %shift_right_logical3A_2004 = arith.shrui %mul3A_2001, %shift_right_logical3A_2003 : vector<160x128xi32>
    %add3A_2005 = arith.addi %mul3A_1998, %shift_right_logical3A_2004 : vector<160x128xi32>
    %shift_right_logical3A_2006 = arith.constant 16 : i32
    %shift_right_logical3A_2007 = vector.broadcast %shift_right_logical3A_2006 : i32 to vector<160x128xi32>
    %shift_right_logical3A_2008 = arith.shrui %add3A_2005, %shift_right_logical3A_2007 : vector<160x128xi32>
    %and3A_2009 = arith.constant 65535 : i32
    %and3A_2010 = vector.broadcast %and3A_2009 : i32 to vector<160x128xi32>
    %and3A_2011 = arith.andi %add3A_2005, %and3A_2010 : vector<160x128xi32>
    %shift_left3A_2012 = arith.constant 16 : i32
    %shift_left3A_2013 = vector.broadcast %shift_left3A_2012 : i32 to vector<160x128xi32>
    %shift_left3A_2014 = arith.shli %and3A_2011, %shift_left3A_2013 : vector<160x128xi32>
    %and3A_2015 = arith.constant 65535 : i32
    %and3A_2016 = vector.broadcast %and3A_2015 : i32 to vector<160x128xi32>
    %and3A_2017 = arith.andi %mul3A_2001, %and3A_2016 : vector<160x128xi32>
    %or3A_2018 = arith.ori %shift_left3A_2014, %and3A_2017 : vector<160x128xi32>
    %xor3A_2019 = arith.xori %broadcast_in_dim3A_1995, %shift_right_logical3A_2008 : vector<160x128xi32>
    %xor3A_2020 = arith.xori %broadcast_in_dim3A_1993, %or3A_2018 : vector<160x128xi32>
    %mul3A_2021 = arith.constant 18626 : i32
    %mul3A_2022 = vector.broadcast %mul3A_2021 : i32 to vector<160x128xi32>
    %mul3A_2023 = arith.muli %get3A_28, %mul3A_2022 : vector<160x128xi32>
    %mul3A_2024 = arith.constant 29607 : i32
    %mul3A_2025 = vector.broadcast %mul3A_2024 : i32 to vector<160x128xi32>
    %mul3A_2026 = arith.muli %get3A_28, %mul3A_2025 : vector<160x128xi32>
    %shift_right_logical3A_2027 = arith.constant 16 : i32
    %shift_right_logical3A_2028 = vector.broadcast %shift_right_logical3A_2027 : i32 to vector<160x128xi32>
    %shift_right_logical3A_2029 = arith.shrui %mul3A_2026, %shift_right_logical3A_2028 : vector<160x128xi32>
    %add3A_2030 = arith.addi %mul3A_2023, %shift_right_logical3A_2029 : vector<160x128xi32>
    %shift_right_logical3A_2031 = arith.constant 16 : i32
    %shift_right_logical3A_2032 = vector.broadcast %shift_right_logical3A_2031 : i32 to vector<160x128xi32>
    %shift_right_logical3A_2033 = arith.shrui %add3A_2030, %shift_right_logical3A_2032 : vector<160x128xi32>
    %and3A_2034 = arith.constant 65535 : i32
    %and3A_2035 = vector.broadcast %and3A_2034 : i32 to vector<160x128xi32>
    %and3A_2036 = arith.andi %add3A_2030, %and3A_2035 : vector<160x128xi32>
    %shift_left3A_2037 = arith.constant 16 : i32
    %shift_left3A_2038 = vector.broadcast %shift_left3A_2037 : i32 to vector<160x128xi32>
    %shift_left3A_2039 = arith.shli %and3A_2036, %shift_left3A_2038 : vector<160x128xi32>
    %and3A_2040 = arith.constant 65535 : i32
    %and3A_2041 = vector.broadcast %and3A_2040 : i32 to vector<160x128xi32>
    %and3A_2042 = arith.andi %mul3A_2026, %and3A_2041 : vector<160x128xi32>
    %or3A_2043 = arith.ori %shift_left3A_2039, %and3A_2042 : vector<160x128xi32>
    %xor3A_2044 = arith.xori %xor3A_2019, %shift_right_logical3A_2033 : vector<160x128xi32>
    %xor3A_2045 = arith.xori %xor3A_2020, %or3A_2043 : vector<160x128xi32>
    %shift_right_logical3A_2046 = arith.constant 31 : i32
    %shift_right_logical3A_2047 = vector.broadcast %shift_right_logical3A_2046 : i32 to vector<160x128xi32>
    %shift_right_logical3A_2048 = arith.shrui %xor3A_2045, %shift_right_logical3A_2047 : vector<160x128xi32>
    %and3A_2049 = arith.constant 2147483647 : i32
    %and3A_2050 = vector.broadcast %and3A_2049 : i32 to vector<160x128xi32>
    %and3A_2051 = arith.andi %xor3A_2045, %and3A_2050 : vector<160x128xi32>
    %mul3A_2052 = arith.constant 67296 : i32
    %mul3A_2053 = vector.broadcast %mul3A_2052 : i32 to vector<160x128xi32>
    %mul3A_2054 = arith.muli %xor3A_2044, %mul3A_2053 : vector<160x128xi32>
    %mul3A_2055 = arith.constant 83648 : i32
    %mul3A_2056 = vector.broadcast %mul3A_2055 : i32 to vector<160x128xi32>
    %mul3A_2057 = arith.muli %shift_right_logical3A_2048, %mul3A_2056 : vector<160x128xi32>
    %add3A_2058 = arith.addi %mul3A_2054, %mul3A_2057 : vector<160x128xi32>
    %convert_element_type3A_2059 = arith.sitofp %and3A_2051 : vector<160x128xi32> to vector<160x128xf32>
    %mul3A_2060 = arith.constant 9.99999974E-6 : f32
    %mul3A_2061 = vector.broadcast %mul3A_2060 : f32 to vector<160x128xf32>
    %mul3A_2062 = arith.mulf %convert_element_type3A_2059, %mul3A_2061 : vector<160x128xf32>
    %convert_element_type3A_2063 = arith.fptosi %mul3A_2062 : vector<160x128xf32> to vector<160x128xi32>
    %mul3A_2064 = arith.constant 100000 : i32
    %mul3A_2065 = vector.broadcast %mul3A_2064 : i32 to vector<160x128xi32>
    %mul3A_2066 = arith.muli %convert_element_type3A_2063, %mul3A_2065 : vector<160x128xi32>
    %sub3A_2067 = arith.subi %and3A_2051, %mul3A_2066 : vector<160x128xi32>
    %lt3A_2068 = arith.constant 0 : i32
    %lt3A_2069 = vector.broadcast %lt3A_2068 : i32 to vector<160x128xi32>
    %lt3A_2070 = arith.cmpi slt, %sub3A_2067, %lt3A_2069 : vector<160x128xi32>
    %add3A_2071 = arith.constant 100000 : i32
    %add3A_2072 = vector.broadcast %add3A_2071 : i32 to vector<160x128xi32>
    %add3A_2073 = arith.addi %sub3A_2067, %add3A_2072 : vector<160x128xi32>
    %select_n3A_2074 = arith.select %lt3A_2070, %add3A_2073, %sub3A_2067 : vector<160x128xi1>, vector<160x128xi32>
    %lt3A_2075 = arith.constant 0 : i32
    %lt3A_2076 = vector.broadcast %lt3A_2075 : i32 to vector<160x128xi32>
    %lt3A_2077 = arith.cmpi slt, %select_n3A_2074, %lt3A_2076 : vector<160x128xi32>
    %add3A_2078 = arith.constant 100000 : i32
    %add3A_2079 = vector.broadcast %add3A_2078 : i32 to vector<160x128xi32>
    %add3A_2080 = arith.addi %select_n3A_2074, %add3A_2079 : vector<160x128xi32>
    %select_n3A_2081 = arith.select %lt3A_2077, %add3A_2080, %select_n3A_2074 : vector<160x128xi1>, vector<160x128xi32>
    %ge3A_2082 = arith.constant 100000 : i32
    %ge3A_2083 = vector.broadcast %ge3A_2082 : i32 to vector<160x128xi32>
    %ge3A_2084 = arith.cmpi sge, %select_n3A_2081, %ge3A_2083 : vector<160x128xi32>
    %sub3A_2085 = arith.constant 100000 : i32
    %sub3A_2086 = vector.broadcast %sub3A_2085 : i32 to vector<160x128xi32>
    %sub3A_2087 = arith.subi %select_n3A_2081, %sub3A_2086 : vector<160x128xi32>
    %select_n3A_2088 = arith.select %ge3A_2084, %sub3A_2087, %select_n3A_2081 : vector<160x128xi1>, vector<160x128xi32>
    %ge3A_2089 = arith.constant 100000 : i32
    %ge3A_2090 = vector.broadcast %ge3A_2089 : i32 to vector<160x128xi32>
    %ge3A_2091 = arith.cmpi sge, %select_n3A_2088, %ge3A_2090 : vector<160x128xi32>
    %sub3A_2092 = arith.constant 100000 : i32
    %sub3A_2093 = vector.broadcast %sub3A_2092 : i32 to vector<160x128xi32>
    %sub3A_2094 = arith.subi %select_n3A_2088, %sub3A_2093 : vector<160x128xi32>
    %select_n3A_2095 = arith.select %ge3A_2091, %sub3A_2094, %select_n3A_2088 : vector<160x128xi1>, vector<160x128xi32>
    %add3A_2096 = arith.addi %add3A_2058, %select_n3A_2095 : vector<160x128xi32>
    %convert_element_type3A_2097 = arith.sitofp %add3A_2096 : vector<160x128xi32> to vector<160x128xf32>
    %mul3A_2098 = arith.constant 9.99999974E-6 : f32
    %mul3A_2099 = vector.broadcast %mul3A_2098 : f32 to vector<160x128xf32>
    %mul3A_2100 = arith.mulf %convert_element_type3A_2097, %mul3A_2099 : vector<160x128xf32>
    %convert_element_type3A_2101 = arith.fptosi %mul3A_2100 : vector<160x128xf32> to vector<160x128xi32>
    %mul3A_2102 = arith.constant 100000 : i32
    %mul3A_2103 = vector.broadcast %mul3A_2102 : i32 to vector<160x128xi32>
    %mul3A_2104 = arith.muli %convert_element_type3A_2101, %mul3A_2103 : vector<160x128xi32>
    %sub3A_2105 = arith.subi %add3A_2096, %mul3A_2104 : vector<160x128xi32>
    %lt3A_2106 = arith.constant 0 : i32
    %lt3A_2107 = vector.broadcast %lt3A_2106 : i32 to vector<160x128xi32>
    %lt3A_2108 = arith.cmpi slt, %sub3A_2105, %lt3A_2107 : vector<160x128xi32>
    %add3A_2109 = arith.constant 100000 : i32
    %add3A_2110 = vector.broadcast %add3A_2109 : i32 to vector<160x128xi32>
    %add3A_2111 = arith.addi %sub3A_2105, %add3A_2110 : vector<160x128xi32>
    %select_n3A_2112 = arith.select %lt3A_2108, %add3A_2111, %sub3A_2105 : vector<160x128xi1>, vector<160x128xi32>
    %lt3A_2113 = arith.constant 0 : i32
    %lt3A_2114 = vector.broadcast %lt3A_2113 : i32 to vector<160x128xi32>
    %lt3A_2115 = arith.cmpi slt, %select_n3A_2112, %lt3A_2114 : vector<160x128xi32>
    %add3A_2116 = arith.constant 100000 : i32
    %add3A_2117 = vector.broadcast %add3A_2116 : i32 to vector<160x128xi32>
    %add3A_2118 = arith.addi %select_n3A_2112, %add3A_2117 : vector<160x128xi32>
    %select_n3A_2119 = arith.select %lt3A_2115, %add3A_2118, %select_n3A_2112 : vector<160x128xi1>, vector<160x128xi32>
    %ge3A_2120 = arith.constant 100000 : i32
    %ge3A_2121 = vector.broadcast %ge3A_2120 : i32 to vector<160x128xi32>
    %ge3A_2122 = arith.cmpi sge, %select_n3A_2119, %ge3A_2121 : vector<160x128xi32>
    %sub3A_2123 = arith.constant 100000 : i32
    %sub3A_2124 = vector.broadcast %sub3A_2123 : i32 to vector<160x128xi32>
    %sub3A_2125 = arith.subi %select_n3A_2119, %sub3A_2124 : vector<160x128xi32>
    %select_n3A_2126 = arith.select %ge3A_2122, %sub3A_2125, %select_n3A_2119 : vector<160x128xi1>, vector<160x128xi32>
    %ge3A_2127 = arith.constant 100000 : i32
    %ge3A_2128 = vector.broadcast %ge3A_2127 : i32 to vector<160x128xi32>
    %ge3A_2129 = arith.cmpi sge, %select_n3A_2126, %ge3A_2128 : vector<160x128xi32>
    %sub3A_2130 = arith.constant 100000 : i32
    %sub3A_2131 = vector.broadcast %sub3A_2130 : i32 to vector<160x128xi32>
    %sub3A_2132 = arith.subi %select_n3A_2126, %sub3A_2131 : vector<160x128xi32>
    %select_n3A_2133 = arith.select %ge3A_2129, %sub3A_2132, %select_n3A_2126 : vector<160x128xi1>, vector<160x128xi32>
    %swap3A_2134 = arith.constant 14 : index
    %swap3A_2135 = arith.constant 0 : index
    %swap3A_2136 = arith.constant 0 : index
    %swap3A_2137 = vector.load %arg1[%swap3A_2134, %swap3A_2135, %swap3A_2136] : memref<16x160x128xi32, #tpu.memory_space<vmem>>, vector<1x160x128xi32>
    %swap3A_2138 = vector.shape_cast %swap3A_2137 : vector<1x160x128xi32> to vector<160x128xi32>
    %swap3A_2139 = vector.shape_cast %select_n3A_2133 : vector<160x128xi32> to vector<1x160x128xi32>
    tpu.vector_store %arg1[%swap3A_2134, %swap3A_2135, %swap3A_2136], %swap3A_2139 {strides = array<i32>} : memref<16x160x128xi32, #tpu.memory_space<vmem>>, vector<1x160x128xi32>,
    %broadcast_in_dim3A_2140 = arith.constant 0 : i32
    %broadcast_in_dim3A_2141 = vector.broadcast %broadcast_in_dim3A_2140 : i32 to vector<160x128xi32>
    %broadcast_in_dim3A_2142 = arith.constant 0 : i32
    %broadcast_in_dim3A_2143 = vector.broadcast %broadcast_in_dim3A_2142 : i32 to vector<160x128xi32>
    %mul3A_2144 = arith.constant 12288 : i32
    %mul3A_2145 = vector.broadcast %mul3A_2144 : i32 to vector<160x128xi32>
    %mul3A_2146 = arith.muli %get3A_3, %mul3A_2145 : vector<160x128xi32>
    %mul3A_2147 = arith.constant 99 : i32
    %mul3A_2148 = vector.broadcast %mul3A_2147 : i32 to vector<160x128xi32>
    %mul3A_2149 = arith.muli %get3A_3, %mul3A_2148 : vector<160x128xi32>
    %shift_right_logical3A_2150 = arith.constant 16 : i32
    %shift_right_logical3A_2151 = vector.broadcast %shift_right_logical3A_2150 : i32 to vector<160x128xi32>
    %shift_right_logical3A_2152 = arith.shrui %mul3A_2149, %shift_right_logical3A_2151 : vector<160x128xi32>
    %add3A_2153 = arith.addi %mul3A_2146, %shift_right_logical3A_2152 : vector<160x128xi32>
    %shift_right_logical3A_2154 = arith.constant 16 : i32
    %shift_right_logical3A_2155 = vector.broadcast %shift_right_logical3A_2154 : i32 to vector<160x128xi32>
    %shift_right_logical3A_2156 = arith.shrui %add3A_2153, %shift_right_logical3A_2155 : vector<160x128xi32>
    %and3A_2157 = arith.constant 65535 : i32
    %and3A_2158 = vector.broadcast %and3A_2157 : i32 to vector<160x128xi32>
    %and3A_2159 = arith.andi %add3A_2153, %and3A_2158 : vector<160x128xi32>
    %shift_left3A_2160 = arith.constant 16 : i32
    %shift_left3A_2161 = vector.broadcast %shift_left3A_2160 : i32 to vector<160x128xi32>
    %shift_left3A_2162 = arith.shli %and3A_2159, %shift_left3A_2161 : vector<160x128xi32>
    %and3A_2163 = arith.constant 65535 : i32
    %and3A_2164 = vector.broadcast %and3A_2163 : i32 to vector<160x128xi32>
    %and3A_2165 = arith.andi %mul3A_2149, %and3A_2164 : vector<160x128xi32>
    %or3A_2166 = arith.ori %shift_left3A_2162, %and3A_2165 : vector<160x128xi32>
    %xor3A_2167 = arith.xori %broadcast_in_dim3A_2143, %shift_right_logical3A_2156 : vector<160x128xi32>
    %xor3A_2168 = arith.xori %broadcast_in_dim3A_2141, %or3A_2166 : vector<160x128xi32>
    %mul3A_2169 = arith.constant 6144 : i32
    %mul3A_2170 = vector.broadcast %mul3A_2169 : i32 to vector<160x128xi32>
    %mul3A_2171 = arith.muli %get3A_33, %mul3A_2170 : vector<160x128xi32>
    %mul3A_2172 = arith.constant 17 : i32
    %mul3A_2173 = vector.broadcast %mul3A_2172 : i32 to vector<160x128xi32>
    %mul3A_2174 = arith.muli %get3A_33, %mul3A_2173 : vector<160x128xi32>
    %shift_right_logical3A_2175 = arith.constant 16 : i32
    %shift_right_logical3A_2176 = vector.broadcast %shift_right_logical3A_2175 : i32 to vector<160x128xi32>
    %shift_right_logical3A_2177 = arith.shrui %mul3A_2174, %shift_right_logical3A_2176 : vector<160x128xi32>
    %add3A_2178 = arith.addi %mul3A_2171, %shift_right_logical3A_2177 : vector<160x128xi32>
    %shift_right_logical3A_2179 = arith.constant 16 : i32
    %shift_right_logical3A_2180 = vector.broadcast %shift_right_logical3A_2179 : i32 to vector<160x128xi32>
    %shift_right_logical3A_2181 = arith.shrui %add3A_2178, %shift_right_logical3A_2180 : vector<160x128xi32>
    %and3A_2182 = arith.constant 65535 : i32
    %and3A_2183 = vector.broadcast %and3A_2182 : i32 to vector<160x128xi32>
    %and3A_2184 = arith.andi %add3A_2178, %and3A_2183 : vector<160x128xi32>
    %shift_left3A_2185 = arith.constant 16 : i32
    %shift_left3A_2186 = vector.broadcast %shift_left3A_2185 : i32 to vector<160x128xi32>
    %shift_left3A_2187 = arith.shli %and3A_2184, %shift_left3A_2186 : vector<160x128xi32>
    %and3A_2188 = arith.constant 65535 : i32
    %and3A_2189 = vector.broadcast %and3A_2188 : i32 to vector<160x128xi32>
    %and3A_2190 = arith.andi %mul3A_2174, %and3A_2189 : vector<160x128xi32>
    %or3A_2191 = arith.ori %shift_left3A_2187, %and3A_2190 : vector<160x128xi32>
    %xor3A_2192 = arith.xori %xor3A_2167, %shift_right_logical3A_2181 : vector<160x128xi32>
    %xor3A_2193 = arith.xori %xor3A_2168, %or3A_2191 : vector<160x128xi32>
    %shift_right_logical3A_2194 = arith.constant 31 : i32
    %shift_right_logical3A_2195 = vector.broadcast %shift_right_logical3A_2194 : i32 to vector<160x128xi32>
    %shift_right_logical3A_2196 = arith.shrui %xor3A_2193, %shift_right_logical3A_2195 : vector<160x128xi32>
    %and3A_2197 = arith.constant 2147483647 : i32
    %and3A_2198 = vector.broadcast %and3A_2197 : i32 to vector<160x128xi32>
    %and3A_2199 = arith.andi %xor3A_2193, %and3A_2198 : vector<160x128xi32>
    %mul3A_2200 = arith.constant 67296 : i32
    %mul3A_2201 = vector.broadcast %mul3A_2200 : i32 to vector<160x128xi32>
    %mul3A_2202 = arith.muli %xor3A_2192, %mul3A_2201 : vector<160x128xi32>
    %mul3A_2203 = arith.constant 83648 : i32
    %mul3A_2204 = vector.broadcast %mul3A_2203 : i32 to vector<160x128xi32>
    %mul3A_2205 = arith.muli %shift_right_logical3A_2196, %mul3A_2204 : vector<160x128xi32>
    %add3A_2206 = arith.addi %mul3A_2202, %mul3A_2205 : vector<160x128xi32>
    %convert_element_type3A_2207 = arith.sitofp %and3A_2199 : vector<160x128xi32> to vector<160x128xf32>
    %mul3A_2208 = arith.constant 9.99999974E-6 : f32
    %mul3A_2209 = vector.broadcast %mul3A_2208 : f32 to vector<160x128xf32>
    %mul3A_2210 = arith.mulf %convert_element_type3A_2207, %mul3A_2209 : vector<160x128xf32>
    %convert_element_type3A_2211 = arith.fptosi %mul3A_2210 : vector<160x128xf32> to vector<160x128xi32>
    %mul3A_2212 = arith.constant 100000 : i32
    %mul3A_2213 = vector.broadcast %mul3A_2212 : i32 to vector<160x128xi32>
    %mul3A_2214 = arith.muli %convert_element_type3A_2211, %mul3A_2213 : vector<160x128xi32>
    %sub3A_2215 = arith.subi %and3A_2199, %mul3A_2214 : vector<160x128xi32>
    %lt3A_2216 = arith.constant 0 : i32
    %lt3A_2217 = vector.broadcast %lt3A_2216 : i32 to vector<160x128xi32>
    %lt3A_2218 = arith.cmpi slt, %sub3A_2215, %lt3A_2217 : vector<160x128xi32>
    %add3A_2219 = arith.constant 100000 : i32
    %add3A_2220 = vector.broadcast %add3A_2219 : i32 to vector<160x128xi32>
    %add3A_2221 = arith.addi %sub3A_2215, %add3A_2220 : vector<160x128xi32>
    %select_n3A_2222 = arith.select %lt3A_2218, %add3A_2221, %sub3A_2215 : vector<160x128xi1>, vector<160x128xi32>
    %lt3A_2223 = arith.constant 0 : i32
    %lt3A_2224 = vector.broadcast %lt3A_2223 : i32 to vector<160x128xi32>
    %lt3A_2225 = arith.cmpi slt, %select_n3A_2222, %lt3A_2224 : vector<160x128xi32>
    %add3A_2226 = arith.constant 100000 : i32
    %add3A_2227 = vector.broadcast %add3A_2226 : i32 to vector<160x128xi32>
    %add3A_2228 = arith.addi %select_n3A_2222, %add3A_2227 : vector<160x128xi32>
    %select_n3A_2229 = arith.select %lt3A_2225, %add3A_2228, %select_n3A_2222 : vector<160x128xi1>, vector<160x128xi32>
    %ge3A_2230 = arith.constant 100000 : i32
    %ge3A_2231 = vector.broadcast %ge3A_2230 : i32 to vector<160x128xi32>
    %ge3A_2232 = arith.cmpi sge, %select_n3A_2229, %ge3A_2231 : vector<160x128xi32>
    %sub3A_2233 = arith.constant 100000 : i32
    %sub3A_2234 = vector.broadcast %sub3A_2233 : i32 to vector<160x128xi32>
    %sub3A_2235 = arith.subi %select_n3A_2229, %sub3A_2234 : vector<160x128xi32>
    %select_n3A_2236 = arith.select %ge3A_2232, %sub3A_2235, %select_n3A_2229 : vector<160x128xi1>, vector<160x128xi32>
    %ge3A_2237 = arith.constant 100000 : i32
    %ge3A_2238 = vector.broadcast %ge3A_2237 : i32 to vector<160x128xi32>
    %ge3A_2239 = arith.cmpi sge, %select_n3A_2236, %ge3A_2238 : vector<160x128xi32>
    %sub3A_2240 = arith.constant 100000 : i32
    %sub3A_2241 = vector.broadcast %sub3A_2240 : i32 to vector<160x128xi32>
    %sub3A_2242 = arith.subi %select_n3A_2236, %sub3A_2241 : vector<160x128xi32>
    %select_n3A_2243 = arith.select %ge3A_2239, %sub3A_2242, %select_n3A_2236 : vector<160x128xi1>, vector<160x128xi32>
    %add3A_2244 = arith.addi %add3A_2206, %select_n3A_2243 : vector<160x128xi32>
    %convert_element_type3A_2245 = arith.sitofp %add3A_2244 : vector<160x128xi32> to vector<160x128xf32>
    %mul3A_2246 = arith.constant 9.99999974E-6 : f32
    %mul3A_2247 = vector.broadcast %mul3A_2246 : f32 to vector<160x128xf32>
    %mul3A_2248 = arith.mulf %convert_element_type3A_2245, %mul3A_2247 : vector<160x128xf32>
    %convert_element_type3A_2249 = arith.fptosi %mul3A_2248 : vector<160x128xf32> to vector<160x128xi32>
    %mul3A_2250 = arith.constant 100000 : i32
    %mul3A_2251 = vector.broadcast %mul3A_2250 : i32 to vector<160x128xi32>
    %mul3A_2252 = arith.muli %convert_element_type3A_2249, %mul3A_2251 : vector<160x128xi32>
    %sub3A_2253 = arith.subi %add3A_2244, %mul3A_2252 : vector<160x128xi32>
    %lt3A_2254 = arith.constant 0 : i32
    %lt3A_2255 = vector.broadcast %lt3A_2254 : i32 to vector<160x128xi32>
    %lt3A_2256 = arith.cmpi slt, %sub3A_2253, %lt3A_2255 : vector<160x128xi32>
    %add3A_2257 = arith.constant 100000 : i32
    %add3A_2258 = vector.broadcast %add3A_2257 : i32 to vector<160x128xi32>
    %add3A_2259 = arith.addi %sub3A_2253, %add3A_2258 : vector<160x128xi32>
    %select_n3A_2260 = arith.select %lt3A_2256, %add3A_2259, %sub3A_2253 : vector<160x128xi1>, vector<160x128xi32>
    %lt3A_2261 = arith.constant 0 : i32
    %lt3A_2262 = vector.broadcast %lt3A_2261 : i32 to vector<160x128xi32>
    %lt3A_2263 = arith.cmpi slt, %select_n3A_2260, %lt3A_2262 : vector<160x128xi32>
    %add3A_2264 = arith.constant 100000 : i32
    %add3A_2265 = vector.broadcast %add3A_2264 : i32 to vector<160x128xi32>
    %add3A_2266 = arith.addi %select_n3A_2260, %add3A_2265 : vector<160x128xi32>
    %select_n3A_2267 = arith.select %lt3A_2263, %add3A_2266, %select_n3A_2260 : vector<160x128xi1>, vector<160x128xi32>
    %ge3A_2268 = arith.constant 100000 : i32
    %ge3A_2269 = vector.broadcast %ge3A_2268 : i32 to vector<160x128xi32>
    %ge3A_2270 = arith.cmpi sge, %select_n3A_2267, %ge3A_2269 : vector<160x128xi32>
    %sub3A_2271 = arith.constant 100000 : i32
    %sub3A_2272 = vector.broadcast %sub3A_2271 : i32 to vector<160x128xi32>
    %sub3A_2273 = arith.subi %select_n3A_2267, %sub3A_2272 : vector<160x128xi32>
    %select_n3A_2274 = arith.select %ge3A_2270, %sub3A_2273, %select_n3A_2267 : vector<160x128xi1>, vector<160x128xi32>
    %ge3A_2275 = arith.constant 100000 : i32
    %ge3A_2276 = vector.broadcast %ge3A_2275 : i32 to vector<160x128xi32>
    %ge3A_2277 = arith.cmpi sge, %select_n3A_2274, %ge3A_2276 : vector<160x128xi32>
    %sub3A_2278 = arith.constant 100000 : i32
    %sub3A_2279 = vector.broadcast %sub3A_2278 : i32 to vector<160x128xi32>
    %sub3A_2280 = arith.subi %select_n3A_2274, %sub3A_2279 : vector<160x128xi32>
    %select_n3A_2281 = arith.select %ge3A_2277, %sub3A_2280, %select_n3A_2274 : vector<160x128xi1>, vector<160x128xi32>
    %swap3A_2282 = arith.constant 15 : index
    %swap3A_2283 = arith.constant 0 : index
    %swap3A_2284 = arith.constant 0 : index
    %swap3A_2285 = vector.load %arg1[%swap3A_2282, %swap3A_2283, %swap3A_2284] : memref<16x160x128xi32, #tpu.memory_space<vmem>>, vector<1x160x128xi32>
    %swap3A_2286 = vector.shape_cast %swap3A_2285 : vector<1x160x128xi32> to vector<160x128xi32>
    %swap3A_2287 = vector.shape_cast %select_n3A_2281 : vector<160x128xi32> to vector<1x160x128xi32>
    tpu.vector_store %arg1[%swap3A_2282, %swap3A_2283, %swap3A_2284], %swap3A_2287 {strides = array<i32>} : memref<16x160x128xi32, #tpu.memory_space<vmem>>, vector<1x160x128xi32>,
    return
  }
}

</mosaic_0001>

<sc_bundles>
// kernel: kernel.5.cloned.1.call-start
scs
__scs_entry_jumppad:
0x0: {  	(pc) =	sbr.rel $0x88, $3  }
0x1: {  	(tag) =	ssettag $0x0;
	lr =	simm.s32 $0x1  }
0x2: {  	[smem:$0x3F92] =	sst lr;
	_ =	strace $0xD0000000  }
0x3: {  	_ = 	snop  }
0x4: {  	_ = 	snop  }
0x5: {  	_ = 	snop  }
0x6: {  	_ = 	snop  }
0x7: {  	_ = 	snop  }
__scs_overlays_trampoline_lowered:
0x8: {  	[smem:$0x3FA1] =	sst s0  }
0x9: {  	[smem:$0x3FA2] =	sst s1  }
0xa: {  	[smem:$0x3FA3] =	sst s2  }
0xb: {  	[smem:$0x3FA4] =	sst s3  }
0xc: {  	[smem:$0x3FA5] =	sst s4  }
0xd: {  	[smem:$0x3FA6] =	sst s5  }
0xe: {  	[smem:$0x3FA7] =	sst s6  }
0xf: {  	[smem:$0x3FA8] =	sst s7  }
0x10: {  	[smem:$0x3FA9] =	sst s8  }
0x11: {  	[smem:$0x3FAA] =	sst s9;
	s0 =	simm.s32 @!p0 $0x0  }
0x12: {  	s1 =	sld [smem:$0x3F90];
	s0 =	simm.s32 @p0 $0x1  }
0x13: {  	[smem:$0x3FAB] =	sst s0;
	s0 =	simm.s32 @!p1 $0x0  }
0x14: {  	s2 =	sld [smem:$0x3F8F];
	s0 =	simm.s32 @p1 $0x1  }
0x15: {  	[smem:$0x3FAC] =	sst s0;
	s0 =	simm.s32 @!p2 $0x0  }
0x16: {  	s3 =	sld [smem:$0x3FDB];
	s0 =	simm.s32 @p2 $0x1  }
0x17: {  	s4 =	simm.s32 $0x1BF5;
	[smem:$0x3FAE] =	sst s0  }
0x18: {  	s0 =	sld [smem:$0x3F91];
	_ =	swait.ge [sflag:s4], $0x0  }
0x19: {  	s7 =	sld [smem:$0x3F92]  }
0x1a: {  	s8 =	sadd.s32 $0xFFFFE003, lr  }
0x1b: {  	s9 =	sadd.s32 $0xFFFFFEF7, lr;
	s5 =	simm.s32 $0xFFFFFFFF;
	p2 =	slt.u32 s8, $0xFFFFF086  }
0x1c: {  	p1 =	slt.u32 s9, $0xF7A;
	s5 =	simm.s32 @!p2 $0x0  }
0x1d: {  	s5 =	simm.s32 @p1 $0x1;
	p0 =	seq.s32 s7, s2  }
0x1e: {  	s7 =	smul.u32 @!p0 $0xF7A, s2;
	p2 =	seq.s32 @!p0 s5, $0x0  }
0x1f: {  	s9 =	smul.u32 $0xF7A, s1;
	s8 =	simm.s32 @!p0 $0x1BF5;
	p2 =	por !p2, p0  }
0x20: {  	[sflag:s8] =	ssyncset.s32 @!p0 $0xFFFFF086;
	s6 =	sadd.s32 @!p0 s3, s7;
	s7 =	simm.s32 @!p0 $0x108  }
0x21: {  	s3 =	sadd.s32 s3, s9;
	s6 =	sadd.s32 @!p0 $0x88, s6;
	s7 =	simm.s32 @p2 $0x1082  }
0x22: {  	[simem:s7], [sflag:s8] =	dma.local @!p0 [hbm:s6], $0xF7A  }
0x23: {  	s9 =	sor.u32 $0xD0000000, s2;
	s6 =	simm.s32 $0x108;
	_ =	swait.ge @!p0 [sflag:s8], $0x0  }
0x24: {  	s3 =	sadd.s32 $0x88, s3;
	s6 =	simm.s32 @!p1 $0x1082;
	[sflag:s4] =	ssyncset.s32 $0xFFFFF086  }
0x25: {  	[simem:s6], [sflag:s4] =	dma.local [hbm:s3], $0xF7A  }
0x26: {  	[smem:$0x3F92] =	sst s1;
	(tag) =	ssettag s2;
	_ =	strace s9  }
0x27: {  	s1 =	sld [smem:$0x3FA2]  }
0x28: {  	s2 =	sld [smem:$0x3FA3]  }
0x29: {  	s4 =	sld [smem:$0x3FA5]  }
0x2a: {  	p0 =	seq.s32 s5, $0x0;
	s5 =	sld [smem:$0x3FA6]  }
0x2b: {  	s6 =	sld [smem:$0x3FA7]  }
0x2c: {  	s7 =	sld [smem:$0x3FA8]  }
0x2d: {  	s3 =	simm.s32 $0x108;
	s8 =	sld [smem:$0x3FA9]  }
0x2e: {  	s3 =	simm.s32 @!p0 $0x1082;
	s9 =	sld [smem:$0x3FAA]  }
0x2f: {  	lr =	sadd.s32 s0, s3;
	s0 =	sld [smem:$0x3FA1]  }
0x30: {  	s3 =	sld [smem:$0x3FA4]  }
0x31: {  	[smem:$0x3FAD] =	sst s10  }
0x32: {  	s10 =	sld [smem:$0x3FAB];
	_ =	sdelay $0x3  }
0x33: {  	p0 =	seq.s32 s10, $0x1;
	s10 =	sld [smem:$0x3FAD];
	_ =	sdelay $0x3  }
0x34: {  	[smem:$0x3FAD] =	sst s10  }
0x35: {  	s10 =	sld [smem:$0x3FAC];
	_ =	sdelay $0x3  }
0x36: {  	p1 =	seq.s32 s10, $0x1;
	s10 =	sld [smem:$0x3FAD];
	_ =	sdelay $0x3  }
0x37: {  	[smem:$0x3FAD] =	sst s10  }
0x38: {  	s10 =	sld [smem:$0x3FAE]  }
0x39: {  	_ = 	snop;
	(pc) =	sbr.ind lr, $3  }
0x3a: {  	_ = 	snop  }
0x3b: {  	_ = 	snop  }
0x3c: {  	p2 =	seq.s32 s10, $0x1;
	s10 =	sld [smem:$0x3FAD]  }
0x3d: {  	_ =	shalt  }
0x3e: {  	_ =	shalt  }
0x3f: {  	_ =	shalt  }
0x40: {  	_ =	shalt  }
0x41: {  	_ =	shalt  }
0x42: {  	_ =	shalt  }
0x43: {  	_ =	shalt  }
0x44: {  	_ =	shalt  }
0x45: {  	_ =	shalt  }
0x46: {  	_ =	shalt  }
0x47: {  	_ =	shalt  }
0x48: {  	_ =	shalt  }
0x49: {  	_ =	shalt  }
0x4a: {  	_ =	shalt  }
0x4b: {  	_ =	shalt  }
0x4c: {  	_ =	shalt  }
0x4d: {  	_ =	shalt  }
0x4e: {  	_ =	shalt  }
0x4f: {  	_ =	shalt  }
0x50: {  	_ =	shalt  }
0x51: {  	_ =	shalt  }
0x52: {  	_ =	shalt  }
0x53: {  	_ =	shalt  }
0x54: {  	_ =	shalt  }
0x55: {  	_ =	shalt  }
0x56: {  	_ =	shalt  }
0x57: {  	_ =	shalt  }
0x58: {  	_ =	shalt  }
0x59: {  	_ =	shalt  }
0x5a: {  	_ =	shalt  }
0x5b: {  	_ =	shalt  }
0x5c: {  	_ =	shalt  }
0x5d: {  	_ =	shalt  }
0x5e: {  	_ =	shalt  }
0x5f: {  	_ =	shalt  }
0x60: {  	_ =	shalt  }
0x61: {  	_ =	shalt  }
0x62: {  	_ =	shalt  }
0x63: {  	_ =	shalt  }
0x64: {  	_ =	shalt  }
0x65: {  	_ =	shalt  }
0x66: {  	_ =	shalt  }
0x67: {  	_ =	shalt  }
0x68: {  	_ =	shalt  }
0x69: {  	_ =	shalt  }
0x6a: {  	_ =	shalt  }
0x6b: {  	_ =	shalt  }
0x6c: {  	_ =	shalt  }
0x6d: {  	_ =	shalt  }
0x6e: {  	_ =	shalt  }
0x6f: {  	_ =	shalt  }
0x70: {  	_ =	shalt  }
0x71: {  	_ =	shalt  }
0x72: {  	_ =	shalt  }
0x73: {  	_ =	shalt  }
0x74: {  	_ =	shalt  }
0x75: {  	_ =	shalt  }
0x76: {  	_ =	shalt  }
0x77: {  	_ =	shalt  }
0x78: {  	_ =	shalt  }
0x79: {  	_ =	shalt  }
0x7a: {  	_ =	shalt  }
0x7b: {  	_ =	shalt  }
0x7c: {  	_ =	shalt  }
0x7d: {  	_ =	shalt  }
0x7e: {  	_ =	shalt  }
0x7f: {  	_ =	shalt  }
0x80: {  	_ =	shalt  }
0x81: {  	_ =	shalt  }
0x82: {  	_ =	shalt  }
0x83: {  	_ =	shalt  }
0x84: {  	_ =	shalt  }
0x85: {  	_ =	shalt  }
0x86: {  	_ =	shalt  }
0x87: {  	_ =	shalt  }
.Lfunc_end0:
.L_simem_size_0:
called_computation_lowered:
.L_overlay_start_0:
0x88: {  	s2 =	sld [smem:$0x3FD9]  }
0x89: {  	s3 =	sld [smem:$0x3FFE];
	_ =	sdelay $0x1  }
0x8a: {  	s1 =	srdreg.scid  }
0x8b: {  	s0 =	sand.u32 $0x1, s1  }
0x8c: {  	s17 =	sshll.u32 s0, $0xA;
	s2 =	sadd.s32 s3, s2  }
0x8d: {  	s2 =	sadd.s32 s2, s17  }
0x8e: {  	[smem:$0x3FB9] =	sst s2  }
0x8f: {  	_ = 	snop  }
0x90: {  	s2 =	sld [smem:$0x3FC8]  }
0x91: {  	s18 =	sld [smem:$0x3FD0];
	(tm) =	ssettm $0x1  }
0x92: {  	s4 =	sld [smem:$0x3FFB];
	_ =	sdelay $0x3  }
0x93: {  	_ =	strace s4  }
0x94: {  	s4 =	sld [smem:$0x3FFC];
	_ =	sdelay $0x3  }
0x95: {  	_ =	strace s4  }
0x96: {  	s4 =	sld [smem:$0x3FFD];
	_ =	sdelay $0x3  }
0x97: {  	_ =	strace s4  }
0x98: {  	_ =	strace $0x8FFFFFFF  }
0x99: {  	s19 =	sld [smem:$0x3FDB];
	_ =	sdelay $0x1  }
0x9a: {  	s5 =	simm.s32 $_scs_section_size  }
0x9b: {  	s6 =	simm.s32 $_size__tile_overlayer_lowered;
	s7 =	simm.s32 $_tile_overlayer_lowered  }
0x9c: {  	s22 =	simm.s32 $0x1BFF;
	s21 =	sshll.u32 s7, $0x1;
	s4 =	sadd.s32 s5, s19  }
0x9d: {  	s8 =	simm.s32 $0x0;
	s20 =	sshll.u32 s6, $0x1;
	s6 =	sadd.s32 s21, s4  }
0x9e: {  	[timem:s8], [sflag:s22] =	dma.local [hbm:s6], s20  }
0x9f: {  	_ =	swait.ge [sflag:s22], s20  }
0xa0: {  	s5 =	ssub.s32 $0x0, s20;
	[sflag:s22] =	ssyncset.done $0x0  }
0xa1: {  	[sflag:s22] =	ssyncadd.s32 s5;
	_ =	sdelay $0x1  }
0xa2: {  	s23 =	simm.s32 $0x1B8B  }
0xa3: {  	_ =	swait.ge [sflag:s23], $0x1  }
0xa4: {  	[sflag:s23] =	ssyncset.done $0x0  }
0xa5: {  	s25 =	simm.s32 $0x1B8E;
	s24 =	sld [smem:$0x3FFE];
	[sflag:s23] =	ssyncadd.s32 $0xFFFFFFFF  }
0xa6: {  	s26 =	simm.s32 $execute0_lowered;
	[smem:$0x3FD2] =	sst s25  }
0xa7: {  	s6 =	sshll.u32 s26, $0x1;
	_ =	strace $0x80000046;
	[dreg:$0x1] =	wrdreg $0xFFFFFFFF  }
0xa8: {  	s28 =	simm.s32 $_size_execute0_lowered;
	s4 =	sadd.s32 s4, s6;
	[dreg:$0x0] =	wrdreg $0x0  }
0xa9: {  	s6 =	sshll.u32 s28, $0x1;
	[dreg:$0x2] =	wrdreg s4  }
0xaa: {  	[dreg:$0x3] =	wrdreg s6  }
0xab: {  	[dreg:$0x4] =	wrdreg $0xC0  }
0xac: {  	_ =	task [dreg:s8], $0x5FFFF  }
0xad: {  	[dreg:$0x1] =	wrdreg $0xFFFFFFFF  }
0xae: {  	[dreg:$0x0] =	wrdreg $0x60  }
0xaf: {  	[dreg:$0x2] =	wrdreg s24  }
0xb0: {  	[dreg:$0x3] =	wrdreg s2  }
0xb1: {  	[dreg:$0x4] =	wrdreg s18  }
0xb2: {  	[dreg:$0x5] =	wrdreg $0x9  }
0xb3: {  	_ =	task.clear_ibuf [dreg:s8], $0x6FFFF;
	_ =	strace $0x90000046  }
0xb4: {  	s29 =	simm.s32 $0x9;
	_ =	strace $0x80000048  }
0xb5: {  	_ =	swait.ge [sflag:s29], $0x1  }
0xb6: {  	[sflag:s29] =	ssyncadd.s32 $0xFFFFFFFF  }
0xb7: {  	_ =	strace $0x90000048  }
0xb8: {  	_ =	sfence  }
0xb9: {  	s30 =	sld [smem:$0x0];
	_ =	sdelay $0x2  }
0xba: {  	s31 =	sshll.u32 s1, $0xD;
	s1 =	sshrl.u32 s1, $0x2  }
0xbb: {  	s3 =	sand.u32 $0x4000, s31;
	s1 =	sadd.s32 s1, s30  }
0xbc: {  	s0 =	sor.u32 s3, s0;
	s1 =	sshll.u32 s1, $0x11  }
0xbd: {  	s0 =	sor.u32 s1, s0  }
0xbe: {  	s0 =	sadd.s32 $0x8F2B, s0  }
0xbf: {  	[sflag:s0] =	ssyncadd.remote.s32 $0x1  }
0xc0: {  	_ =	sfence.sel $0xFFFF  }
0xc1: {  	[dreg:$0x0] =	wrdreg $0xFFFFFFFF;
	(pc) =	sbr.abs _section_cstart, $3  }
0xc2: {  	[dreg:$0x1] =	wrdreg $0xFFFFFFFF  }
0xc3: {  	_ =	task.clear_ibuf [dreg:s8], $0x2FFFF;
	_ =	strace $0x9FFFFFFF  }
0xc4: {  	(tm) =	ssettm $0x7FFFFFFF  }
0xc5: {  	_ =	shalt  }
tec
execute0_lowered:
.L_overlay_start_1:
0x0: {  	(tag) =	ssettag $0x1  }
0x1: {  	s0 =	rddreg [dreg:$0x0]  }
0x2: {  	s5 =	rddreg [dreg:$0x2]  }
0x3: {  	s1 =	simm.s32 $0x0;
	s21 =	srdreg.scid;
	s4 =	stileid.u32  }
0x4: {  	s28 =	simm.s32 $0x3;
	s29 =	simm.s32 $0x80;
	s30 =	simm.s32 $0x880  }
0x5: {  	s31 =	simm.s32 $0x5000;
	[smem:$0x7FF] =	sst s1;
	s2 =	sadd.s32 $0x1C00, s0  }
0x6: {  	s1 =	sand.u32 $0x1, s21;
	s22 =	sadd.s32 $0x2600, s0;
	s3 =	sadd.s32 $0xC600, s0  }
0x7: {  	s4 =	sshll.u32 s4, $0x1;
	s0 =	sadd.s32 $0x5C600, s0;
	s26 =	sadd.s32 $0x30D4, s5  }
0x8: {  	s11 =	sadd.s32 $0x61A8, s5;
	s12 =	sadd.s32 $0x927C, s5;
	s13 =	sadd.s32 $0xC350, s5  }
0x9: {  	s14 =	sadd.s32 $0xF424, s5;
	s15 =	sadd.s32 $0x124F8, s5;
	s16 =	sadd.s32 $0x155CC, s5  }
0xa: {  	s17 =	sadd.s32 $0x186A0, s5;
	_ =	strace $0x80000047;
	[dreg:$0x4] =	wrdreg s2  }
0xb: {  	s18 =	sadd.s32 $0x1B774, s5;
	s19 =	sadd.s32 $0x1E848, s5;
	[dreg:$0x5] =	wrdreg s22  }
0xc: {  	s20 =	sadd.s32 $0x2191C, s5;
	s21 =	sadd.s32 $0x249F0, s5;
	[dreg:$0x6] =	wrdreg s3  }
0xd: {  	s23 =	ssub.s32 $0x2, s1;
	[dreg:$0x7] =	wrdreg s0;
	s1 =	sor.u32 s1, s4  }
0xe: {  	[dreg:$0x9] =	wrdreg s26;
	s22 =	sadd.s32 $0x27AC4, s5;
	s26 =	sadd.s32 $0x5E9AC, s5  }
0xf: {  	s2 =	simm.s32 $0x2;
	s24 =	sshrl.u32 s23, $0x1;
	s1 =	smul.u32 $0x5, s1  }
0x10: {  	s4 =	simm.s32 $0x1;
	s3 =	simm.s32 $0x0;
	s25 =	ssub.s32 s23, s24  }
0x11: {  	s23 =	sadd.s32 $0x2AB98, s5;
	[dreg:$0x8] =	wrdreg s1;
	s0 =	smax.u32 s25, $0x1  }
0x12: {  	s24 =	sadd.s32 $0x2DC6C, s5;
	[dreg:$0xa] =	wrdreg s0;
	s0 =	simm.s32 $0x4880  }
.LBB2_1:
0x13: {  	[dreg:$0xb] =	wrdreg s3;
	s3 =	simm.s32 $0x0  }
.LBB2_2:
0x14: {  	s1 =	rddreg [dreg:$0x8]  }
0x15: {  	s25 =	sadd.s32 s1, s3  }
0x16: {  	s5 =	rddreg [dreg:$0x4];
	s1 =	sshll.u32 s25, $0x4  }
0x17: {  	s6 =	simm.s32 $0x0;
	s5 =	sadd.s32 s5, s1  }
0x18: {  	[tilespmem:s6], [sflag:$0x3] =	stream.linear.gather [hbm4b:s5+s6], $0x80, $0x38;
	[tilespmem:$0xC880] =	vst v63  }
0x19: {  	_ =	swait.ge [sflag:s28], $0x80  }
0x1a: {  	[sflag:s28] =	ssyncset.done $0x0  }
0x1b: {  	s10 =	rddreg [dreg:$0x5];
	[sflag:s28] =	ssyncadd.s32 $0xFFFFFF80  }
0x1c: {  	s9 =	rddreg [dreg:$0x1]  }
0x1d: {  	[tilespmem:s30], [sflag:$0x1] =	stream.indirect.gather [hbm4b:s9+s29], $0x80, s6, s29, $0xb8;
	[tilespmem:$0xC880] =	vst v63  }
0x1e: {  	s1 =	sadd.s32 s10, s1  }
0x1f: {  	[tilespmem:s29], [sflag:$0x3] =	stream.strided.gather [hbm4b:s1+s29], $0x800, s31, s29, $0x38;
	[tilespmem:$0xC880] =	vst v63  }
0x20: {  	_ =	swait.ge [sflag:s28], $0x800  }
0x21: {  	[sflag:s28] =	ssyncset.done $0x0  }
0x22: {  	[sflag:s28] =	ssyncadd.s32 $0xFFFFF800  }
0x23: {  	s5 =	rddreg [dreg:$0x2]  }
0x24: {  	[tilespmem:s0], [sflag:$0x2] =	stream.indirect.gather [hbm4b:s5+s29], $0x1, s29, s29, $0xb8;
	[tilespmem:$0xC880] =	vst v63  }
0x25: {  	s7 =	simm.s32 $0x4900;
	s6 =	rddreg [dreg:$0x9]  }
0x26: {  	[tilespmem:s7], [sflag:$0x2] =	stream.indirect.gather [hbm4b:s6+s29], $0x1, s29, s29, $0xb8;
	[tilespmem:$0xC880] =	vst v63  }
0x27: {  	s8 =	simm.s32 $0x4980  }
0x28: {  	[tilespmem:s8], [sflag:$0x2] =	stream.indirect.gather [hbm4b:s11+s29], $0x1, s29, s29, $0xb8;
	[tilespmem:$0xC880] =	vst v63  }
0x29: {  	s9 =	simm.s32 $0x4A00  }
0x2a: {  	[tilespmem:s9], [sflag:$0x2] =	stream.indirect.gather [hbm4b:s12+s29], $0x1, s29, s29, $0xb8;
	[tilespmem:$0xC880] =	vst v63  }
0x2b: {  	s10 =	simm.s32 $0x4A80  }
0x2c: {  	[tilespmem:s10], [sflag:$0x2] =	stream.indirect.gather [hbm4b:s13+s29], $0x1, s29, s29, $0xb8;
	[tilespmem:$0xC880] =	vst v63  }
0x2d: {  	s5 =	simm.s32 $0x4B00  }
0x2e: {  	[tilespmem:s5], [sflag:$0x2] =	stream.indirect.gather [hbm4b:s14+s29], $0x1, s29, s29, $0xb8;
	[tilespmem:$0xC880] =	vst v63  }
0x2f: {  	s6 =	simm.s32 $0x4B80  }
0x30: {  	[tilespmem:s6], [sflag:$0x2] =	stream.indirect.gather [hbm4b:s15+s29], $0x1, s29, s29, $0xb8;
	[tilespmem:$0xC880] =	vst v63  }
0x31: {  	s7 =	simm.s32 $0x4C00  }
0x32: {  	[tilespmem:s7], [sflag:$0x2] =	stream.indirect.gather [hbm4b:s16+s29], $0x1, s29, s29, $0xb8;
	[tilespmem:$0xC880] =	vst v63  }
0x33: {  	s8 =	simm.s32 $0x4C80  }
0x34: {  	[tilespmem:s8], [sflag:$0x2] =	stream.indirect.gather [hbm4b:s17+s29], $0x1, s29, s29, $0xb8;
	[tilespmem:$0xC880] =	vst v63  }
0x35: {  	s9 =	simm.s32 $0x4D00  }
0x36: {  	[tilespmem:s9], [sflag:$0x2] =	stream.indirect.gather [hbm4b:s18+s29], $0x1, s29, s29, $0xb8;
	[tilespmem:$0xC880] =	vst v63  }
0x37: {  	s10 =	simm.s32 $0x4D80  }
0x38: {  	[tilespmem:s10], [sflag:$0x2] =	stream.indirect.gather [hbm4b:s19+s29], $0x1, s29, s29, $0xb8;
	[tilespmem:$0xC880] =	vst v63  }
0x39: {  	s5 =	simm.s32 $0x4E00  }
0x3a: {  	[tilespmem:s5], [sflag:$0x2] =	stream.indirect.gather [hbm4b:s20+s29], $0x1, s29, s29, $0xb8;
	[tilespmem:$0xC880] =	vst v63  }
0x3b: {  	s6 =	simm.s32 $0x4E80  }
0x3c: {  	[tilespmem:s6], [sflag:$0x2] =	stream.indirect.gather [hbm4b:s21+s29], $0x1, s29, s29, $0xb8;
	[tilespmem:$0xC880] =	vst v63  }
0x3d: {  	s7 =	simm.s32 $0x4F00  }
0x3e: {  	[tilespmem:s7], [sflag:$0x2] =	stream.indirect.gather [hbm4b:s22+s29], $0x1, s29, s29, $0xb8;
	[tilespmem:$0xC880] =	vst v63  }
0x3f: {  	s8 =	simm.s32 $0x4F80  }
0x40: {  	[tilespmem:s8], [sflag:$0x2] =	stream.indirect.gather [hbm4b:s23+s29], $0x1, s29, s29, $0xb8;
	[tilespmem:$0xC880] =	vst v63  }
0x41: {  	_ = 	snop  }
0x42: {  	[tilespmem:s31], [sflag:$0x2] =	stream.indirect.gather [hbm4b:s24+s29], $0x1, s29, s29, $0xb8;
	[tilespmem:$0xC880] =	vst v63  }
0x43: {  	s1 =	simm.s32 $0x100;
	s9 =	simm.s32 $0x5080;
	s10 =	sadd.s32 $0xFFFD2394, s26  }
0x44: {  	[tilespmem:s9], [sflag:$0x2] =	stream.indirect.gather [hbm4b:s10+s29], $0x1, s1, s29, $0xb8;
	[tilespmem:$0xC880] =	vst v63  }
0x45: {  	s7 =	simm.s32 $0x5100;
	s8 =	sadd.s32 $0xFFFD5468, s26  }
0x46: {  	[tilespmem:s7], [sflag:$0x2] =	stream.indirect.gather [hbm4b:s8+s29], $0x1, s1, s29, $0xb8;
	[tilespmem:$0xC880] =	vst v63  }
0x47: {  	s9 =	simm.s32 $0x5180;
	s10 =	sadd.s32 $0xFFFD853C, s26  }
0x48: {  	[tilespmem:s9], [sflag:$0x2] =	stream.indirect.gather [hbm4b:s10+s29], $0x1, s1, s29, $0xb8;
	[tilespmem:$0xC880] =	vst v63  }
0x49: {  	s7 =	simm.s32 $0x5200;
	s8 =	sadd.s32 $0xFFFDB610, s26  }
0x4a: {  	[tilespmem:s7], [sflag:$0x2] =	stream.indirect.gather [hbm4b:s8+s29], $0x1, s1, s29, $0xb8;
	[tilespmem:$0xC880] =	vst v63  }
0x4b: {  	s9 =	simm.s32 $0x5280;
	s10 =	sadd.s32 $0xFFFDE6E4, s26  }
0x4c: {  	[tilespmem:s9], [sflag:$0x2] =	stream.indirect.gather [hbm4b:s10+s29], $0x1, s1, s29, $0xb8;
	[tilespmem:$0xC880] =	vst v63  }
0x4d: {  	s7 =	simm.s32 $0x5300;
	s8 =	sadd.s32 $0xFFFE17B8, s26  }
0x4e: {  	[tilespmem:s7], [sflag:$0x2] =	stream.indirect.gather [hbm4b:s8+s29], $0x1, s1, s29, $0xb8;
	[tilespmem:$0xC880] =	vst v63  }
0x4f: {  	s9 =	simm.s32 $0x5380;
	s10 =	sadd.s32 $0xFFFE488C, s26  }
0x50: {  	[tilespmem:s9], [sflag:$0x2] =	stream.indirect.gather [hbm4b:s10+s29], $0x1, s1, s29, $0xb8;
	[tilespmem:$0xC880] =	vst v63  }
0x51: {  	s7 =	simm.s32 $0x5400;
	s8 =	sadd.s32 $0xFFFE7960, s26  }
0x52: {  	[tilespmem:s7], [sflag:$0x2] =	stream.indirect.gather [hbm4b:s8+s29], $0x1, s1, s29, $0xb8;
	[tilespmem:$0xC880] =	vst v63  }
0x53: {  	s9 =	simm.s32 $0x5480;
	s10 =	sadd.s32 $0xFFFEAA34, s26  }
0x54: {  	[tilespmem:s9], [sflag:$0x2] =	stream.indirect.gather [hbm4b:s10+s29], $0x1, s1, s29, $0xb8;
	[tilespmem:$0xC880] =	vst v63  }
0x55: {  	s7 =	simm.s32 $0x5500;
	s8 =	sadd.s32 $0xFFFEDB08, s26  }
0x56: {  	[tilespmem:s7], [sflag:$0x2] =	stream.indirect.gather [hbm4b:s8+s29], $0x1, s1, s29, $0xb8;
	[tilespmem:$0xC880] =	vst v63  }
0x57: {  	s9 =	simm.s32 $0x5580;
	s10 =	sadd.s32 $0xFFFF0BDC, s26  }
0x58: {  	[tilespmem:s9], [sflag:$0x2] =	stream.indirect.gather [hbm4b:s10+s29], $0x1, s1, s29, $0xb8;
	[tilespmem:$0xC880] =	vst v63  }
0x59: {  	s7 =	simm.s32 $0x5600;
	s8 =	sadd.s32 $0xFFFF3CB0, s26  }
0x5a: {  	[tilespmem:s7], [sflag:$0x2] =	stream.indirect.gather [hbm4b:s8+s29], $0x1, s1, s29, $0xb8;
	[tilespmem:$0xC880] =	vst v63  }
0x5b: {  	s9 =	simm.s32 $0x5680;
	s10 =	sadd.s32 $0xFFFF6D84, s26  }
0x5c: {  	[tilespmem:s9], [sflag:$0x2] =	stream.indirect.gather [hbm4b:s10+s29], $0x1, s1, s29, $0xb8;
	[tilespmem:$0xC880] =	vst v63  }
0x5d: {  	s6 =	simm.s32 $0x5700;
	s7 =	sadd.s32 $0xFFFF9E58, s26  }
0x5e: {  	[tilespmem:s6], [sflag:$0x2] =	stream.indirect.gather [hbm4b:s7+s29], $0x1, s1, s29, $0xb8;
	[tilespmem:$0xC880] =	vst v63  }
0x5f: {  	s8 =	simm.s32 $0x5780;
	s9 =	sadd.s32 $0xFFFFCF2C, s26  }
0x60: {  	[tilespmem:s8], [sflag:$0x2] =	stream.indirect.gather [hbm4b:s9+s29], $0x1, s1, s29, $0xb8;
	[tilespmem:$0xC880] =	vst v63  }
0x61: {  	s10 =	simm.s32 $0x5800  }
0x62: {  	[tilespmem:s10], [sflag:$0x2] =	stream.indirect.gather [hbm4b:s26+s29], $0x1, s1, s29, $0xb8;
	[tilespmem:$0xC880] =	vst v63  }
0x63: {  	s5 =	sadd.s32 $0x30D40, s26;
	s6 =	simm.s32 $0x2000;
	_ =	swait.ge [sflag:s2], $0x800  }
0x64: {  	s7 =	simm.s32 $0x4000;
	s1 =	simm.s32 $0x180;
	[sflag:s2] =	ssyncset.done $0x0  }
.LBB2_3:
0x65: {  	s8 =	sshra.s32 s6, $0x2  }
0x66: {  	[sflag:s2] =	ssyncadd.s32 $0xFFFFF800;
	s6 =	smov.u32 s7;
	s9 =	sadd.s32 $0x2000, s7  }
0x67: {  	p0 =	sne.s32 s7, $0x1C000;
	s10 =	sadd.s32 $0xFFFD2394, s5;
	s7 =	sadd.s32 $0x5080, s8  }
0x68: {  	[tilespmem:s7], [sflag:$0x2] =	stream.indirect.gather [hbm4b:s10+s29], $0x1, s1, s29, $0xb8;
	[tilespmem:$0xC880] =	vst v63  }
0x69: {  	s7 =	sadd.s32 $0x5100, s8;
	s10 =	sadd.s32 $0xFFFD5468, s5  }
0x6a: {  	[tilespmem:s7], [sflag:$0x2] =	stream.indirect.gather [hbm4b:s10+s29], $0x1, s1, s29, $0xb8;
	[tilespmem:$0xC880] =	vst v63  }
0x6b: {  	s7 =	sadd.s32 $0x5180, s8;
	s10 =	sadd.s32 $0xFFFD853C, s5  }
0x6c: {  	[tilespmem:s7], [sflag:$0x2] =	stream.indirect.gather [hbm4b:s10+s29], $0x1, s1, s29, $0xb8;
	[tilespmem:$0xC880] =	vst v63  }
0x6d: {  	s7 =	sadd.s32 $0x5200, s8;
	s10 =	sadd.s32 $0xFFFDB610, s5  }
0x6e: {  	[tilespmem:s7], [sflag:$0x2] =	stream.indirect.gather [hbm4b:s10+s29], $0x1, s1, s29, $0xb8;
	[tilespmem:$0xC880] =	vst v63  }
0x6f: {  	s7 =	sadd.s32 $0x5280, s8;
	s10 =	sadd.s32 $0xFFFDE6E4, s5  }
0x70: {  	[tilespmem:s7], [sflag:$0x2] =	stream.indirect.gather [hbm4b:s10+s29], $0x1, s1, s29, $0xb8;
	[tilespmem:$0xC880] =	vst v63  }
0x71: {  	s7 =	sadd.s32 $0x5300, s8;
	s10 =	sadd.s32 $0xFFFE17B8, s5  }
0x72: {  	[tilespmem:s7], [sflag:$0x2] =	stream.indirect.gather [hbm4b:s10+s29], $0x1, s1, s29, $0xb8;
	[tilespmem:$0xC880] =	vst v63  }
0x73: {  	s7 =	sadd.s32 $0x5380, s8;
	s10 =	sadd.s32 $0xFFFE488C, s5  }
0x74: {  	[tilespmem:s7], [sflag:$0x2] =	stream.indirect.gather [hbm4b:s10+s29], $0x1, s1, s29, $0xb8;
	[tilespmem:$0xC880] =	vst v63  }
0x75: {  	s7 =	sadd.s32 $0x5400, s8;
	s10 =	sadd.s32 $0xFFFE7960, s5  }
0x76: {  	[tilespmem:s7], [sflag:$0x2] =	stream.indirect.gather [hbm4b:s10+s29], $0x1, s1, s29, $0xb8;
	[tilespmem:$0xC880] =	vst v63  }
0x77: {  	s7 =	sadd.s32 $0x5480, s8;
	s10 =	sadd.s32 $0xFFFEAA34, s5  }
0x78: {  	[tilespmem:s7], [sflag:$0x2] =	stream.indirect.gather [hbm4b:s10+s29], $0x1, s1, s29, $0xb8;
	[tilespmem:$0xC880] =	vst v63  }
0x79: {  	s7 =	sadd.s32 $0x5500, s8;
	s10 =	sadd.s32 $0xFFFEDB08, s5  }
0x7a: {  	[tilespmem:s7], [sflag:$0x2] =	stream.indirect.gather [hbm4b:s10+s29], $0x1, s1, s29, $0xb8;
	[tilespmem:$0xC880] =	vst v63  }
0x7b: {  	s7 =	sadd.s32 $0x5580, s8;
	s10 =	sadd.s32 $0xFFFF0BDC, s5  }
0x7c: {  	[tilespmem:s7], [sflag:$0x2] =	stream.indirect.gather [hbm4b:s10+s29], $0x1, s1, s29, $0xb8;
	[tilespmem:$0xC880] =	vst v63  }
0x7d: {  	s7 =	sadd.s32 $0x5600, s8;
	s10 =	sadd.s32 $0xFFFF3CB0, s5  }
0x7e: {  	[tilespmem:s7], [sflag:$0x2] =	stream.indirect.gather [hbm4b:s10+s29], $0x1, s1, s29, $0xb8;
	[tilespmem:$0xC880] =	vst v63  }
0x7f: {  	s7 =	sadd.s32 $0x5680, s8;
	s10 =	sadd.s32 $0xFFFF6D84, s5  }
0x80: {  	[tilespmem:s7], [sflag:$0x2] =	stream.indirect.gather [hbm4b:s10+s29], $0x1, s1, s29, $0xb8;
	[tilespmem:$0xC880] =	vst v63  }
0x81: {  	s7 =	sadd.s32 $0x5700, s8;
	s10 =	sadd.s32 $0xFFFF9E58, s5  }
0x82: {  	[tilespmem:s7], [sflag:$0x2] =	stream.indirect.gather [hbm4b:s10+s29], $0x1, s1, s29, $0xb8;
	[tilespmem:$0xC880] =	vst v63  }
0x83: {  	s7 =	sadd.s32 $0x5780, s8;
	s10 =	sadd.s32 $0xFFFFCF2C, s5  }
0x84: {  	[tilespmem:s7], [sflag:$0x2] =	stream.indirect.gather [hbm4b:s10+s29], $0x1, s1, s29, $0xb8;
	[tilespmem:$0xC880] =	vst v63  }
.Ltmp0:
0x85: {  	_ = 	snop;
	(pc) =	sbr.rel @p0 .LBB2_3-.Ltmp0, $4  }
0x86: {  	s7 =	sadd.s32 $0x5800, s8  }
0x87: {  	[tilespmem:s7], [sflag:$0x2] =	stream.indirect.gather [hbm4b:s5+s29], $0x1, s1, s29, $0xb8;
	[tilespmem:$0xC880] =	vst v63  }
0x88: {  	s1 =	sadd.s32 $0x80, s1;
	_ =	swait.ge [sflag:s2], $0x800  }
0x89: {  	s5 =	sadd.s32 $0x30D40, s5;
	s7 =	smov.u32 s9;
	[sflag:s2] =	ssyncset.done $0x0  }
0x8a: {  	s6 =	sshra.s32 s6, $0x2  }
0x8b: {  	[sflag:s2] =	ssyncadd.s32 $0xFFFFF800;
	s8 =	sadd.s32 $0xFFFD2394, s5;
	s7 =	sadd.s32 $0x5080, s6  }
0x8c: {  	[tilespmem:s7], [sflag:$0x2] =	stream.indirect.gather [hbm4b:s8+s29], $0x1, s1, s29, $0xb8;
	[tilespmem:$0xC880] =	vst v63  }
0x8d: {  	s10 =	sadd.s32 $0xFFFD5468, s5;
	s9 =	sadd.s32 $0x5100, s6  }
0x8e: {  	[tilespmem:s9], [sflag:$0x2] =	stream.indirect.gather [hbm4b:s10+s29], $0x1, s1, s29, $0xb8;
	[tilespmem:$0xC880] =	vst v63  }
0x8f: {  	s9 =	sadd.s32 $0x5180, s6;
	s10 =	sadd.s32 $0xFFFD853C, s5  }
0x90: {  	[tilespmem:s9], [sflag:$0x2] =	stream.indirect.gather [hbm4b:s10+s29], $0x1, s1, s29, $0xb8;
	[tilespmem:$0xC880] =	vst v63  }
0x91: {  	s9 =	sadd.s32 $0x5200, s6;
	s10 =	sadd.s32 $0xFFFDB610, s5  }
0x92: {  	[tilespmem:s9], [sflag:$0x2] =	stream.indirect.gather [hbm4b:s10+s29], $0x1, s1, s29, $0xb8;
	[tilespmem:$0xC880] =	vst v63  }
0x93: {  	s9 =	sadd.s32 $0x5280, s6;
	s10 =	sadd.s32 $0xFFFDE6E4, s5  }
0x94: {  	[tilespmem:s9], [sflag:$0x2] =	stream.indirect.gather [hbm4b:s10+s29], $0x1, s1, s29, $0xb8;
	[tilespmem:$0xC880] =	vst v63  }
0x95: {  	s9 =	sadd.s32 $0x5300, s6;
	s10 =	sadd.s32 $0xFFFE17B8, s5  }
0x96: {  	[tilespmem:s9], [sflag:$0x2] =	stream.indirect.gather [hbm4b:s10+s29], $0x1, s1, s29, $0xb8;
	[tilespmem:$0xC880] =	vst v63  }
0x97: {  	s9 =	sadd.s32 $0x5380, s6;
	s10 =	sadd.s32 $0xFFFE488C, s5  }
0x98: {  	[tilespmem:s9], [sflag:$0x2] =	stream.indirect.gather [hbm4b:s10+s29], $0x1, s1, s29, $0xb8;
	[tilespmem:$0xC880] =	vst v63  }
0x99: {  	s9 =	sadd.s32 $0x5400, s6;
	s10 =	sadd.s32 $0xFFFE7960, s5  }
0x9a: {  	[tilespmem:s9], [sflag:$0x2] =	stream.indirect.gather [hbm4b:s10+s29], $0x1, s1, s29, $0xb8;
	[tilespmem:$0xC880] =	vst v63  }
0x9b: {  	s9 =	sadd.s32 $0x5480, s6;
	s10 =	sadd.s32 $0xFFFEAA34, s5  }
0x9c: {  	[tilespmem:s9], [sflag:$0x2] =	stream.indirect.gather [hbm4b:s10+s29], $0x1, s1, s29, $0xb8;
	[tilespmem:$0xC880] =	vst v63  }
0x9d: {  	s9 =	sadd.s32 $0x5500, s6;
	s10 =	sadd.s32 $0xFFFEDB08, s5  }
0x9e: {  	[tilespmem:s9], [sflag:$0x2] =	stream.indirect.gather [hbm4b:s10+s29], $0x1, s1, s29, $0xb8;
	[tilespmem:$0xC880] =	vst v63  }
0x9f: {  	s9 =	sadd.s32 $0x5580, s6;
	s10 =	sadd.s32 $0xFFFF0BDC, s5  }
0xa0: {  	[tilespmem:s9], [sflag:$0x2] =	stream.indirect.gather [hbm4b:s10+s29], $0x1, s1, s29, $0xb8;
	[tilespmem:$0xC880] =	vst v63  }
0xa1: {  	s9 =	sadd.s32 $0x5600, s6;
	s10 =	sadd.s32 $0xFFFF3CB0, s5  }
0xa2: {  	[tilespmem:s9], [sflag:$0x2] =	stream.indirect.gather [hbm4b:s10+s29], $0x1, s1, s29, $0xb8;
	[tilespmem:$0xC880] =	vst v63  }
0xa3: {  	s9 =	sadd.s32 $0x5680, s6;
	s10 =	sadd.s32 $0xFFFF6D84, s5  }
0xa4: {  	[tilespmem:s9], [sflag:$0x2] =	stream.indirect.gather [hbm4b:s10+s29], $0x1, s1, s29, $0xb8;
	[tilespmem:$0xC880] =	vst v63  }
0xa5: {  	s9 =	sadd.s32 $0x5700, s6;
	s10 =	sadd.s32 $0xFFFF9E58, s5  }
0xa6: {  	[tilespmem:s9], [sflag:$0x2] =	stream.indirect.gather [hbm4b:s10+s29], $0x1, s1, s29, $0xb8;
	[tilespmem:$0xC880] =	vst v63  }
0xa7: {  	s9 =	sadd.s32 $0x5780, s6;
	s10 =	sadd.s32 $0xFFFFCF2C, s5  }
0xa8: {  	[tilespmem:s9], [sflag:$0x2] =	stream.indirect.gather [hbm4b:s10+s29], $0x1, s1, s29, $0xb8;
	[tilespmem:$0xC880] =	vst v63  }
0xa9: {  	s6 =	sadd.s32 $0x5800, s6  }
0xaa: {  	[tilespmem:s6], [sflag:$0x2] =	stream.indirect.gather [hbm4b:s5+s29], $0x1, s1, s29, $0xb8;
	[tilespmem:$0xC880] =	vst v63  }
0xab: {  	_ =	swait.ge [sflag:s2], $0x800  }
0xac: {  	[sflag:s2] =	ssyncset.done $0x0  }
0xad: {  	[sflag:s2] =	ssyncadd.s32 $0xFFFFF800  }
0xae: {  	_ =	swait.ge [sflag:s2], $0x800  }
0xaf: {  	[sflag:s2] =	ssyncset.done $0x0  }
0xb0: {  	s3 =	sadd.s32 $0x1, s3;
	[sflag:s2] =	ssyncadd.s32 $0xFFFFF800  }
0xb1: {  	p0 =	sne.s32 s3, $0x5;
	_ =	swait.ge [sflag:s4], $0x4000  }
0xb2: {  	s5 =	sshll.u32 s25, $0xB;
	[sflag:s4] =	ssyncset.done $0x0;
	s6 =	rddreg [dreg:$0x6]  }
0xb3: {  	s7 =	simm.s32 $0x0;
	[sflag:s4] =	ssyncadd.s32 $0xFFFFC000;
	s1 =	sadd.s32 s6, s5  }
0xb4: {  	[hbm4b:s1+s7] =	stream.linear.scatter [tilespmem:s30], [sflag:$0x3], $0x4000, $0x38;
	[tilespmem:$0xC880] =	vst v63  }
0xb5: {  	s8 =	sshll.u32 s25, $0x7;
	s10 =	simm.s32 $0x400;
	_ =	swait.ge [sflag:s28], $0x4000  }
0xb6: {  	s25 =	simm.s32 $0x28000;
	[sflag:s28] =	ssyncset.done $0x0;
	s9 =	rddreg [dreg:$0x7]  }
.Ltmp1:
0xb7: {  	[sflag:s28] =	ssyncadd.s32 $0xFFFFC000;
	s1 =	sadd.s32 s9, s8;
	(pc) =	sbr.rel @p0 .LBB2_2-.Ltmp1, $4  }
0xb8: {  	[hbm4b:s1+s10] =	stream.strided.scatter [tilespmem:s0], [sflag:$0x3], $0x8000, s25, s10, $0x38;
	[tilespmem:$0xC880] =	vst v63  }
0xb9: {  	_ =	swait.ge [sflag:s28], $0x8000  }
0xba: {  	[sflag:s28] =	ssyncset.done $0x0  }
0xbb: {  	[sflag:s28] =	ssyncadd.s32 $0xFFFF8000  }
0xbc: {  	s3 =	rddreg [dreg:$0xb]  }
0xbd: {  	s1 =	rddreg [dreg:$0xa];
	s3 =	sadd.s32 $0x1, s3  }
0xbe: {  	p0 =	sne.s32 s3, s1  }
.Ltmp2:
0xbf: {  	_ = 	snop;
	(pc) =	sbr.rel @p0 .LBB2_1-.Ltmp2, $1  }
0xc0: {  	_ =	sdelay $0x3  }
0xc1: {  	_ =	sfence.sel $0x180000  }
0xc2: {  	[bflag:$0x0] =	sbarrier.arrive $0xFFFF  }
0xc3: {  	_ =	strace $0x90000047  }
0xc4: {  	s0 =	stileid.u32;
	[bflag:$0x2] =	sbarrier.arrive $0xFFFF  }
0xc5: {  	p0 =	sne.s32 s0, $0x0;
	s0 =	rddreg [dreg:$0x3]  }
0xc6: {  	s0 =	sadd.s32 @!p0 $0x100000, s0  }
0xc7: {  	[sflag:s0] =	ssyncadd.tile.s32 @!p0 $0x1;
	_ =	shalt  }
.Lfunc_end2:
_tile_overlayer_lowered:
.L_overlay_start_2:
0xc8: {  	(tag) =	ssettag $0x2  }
0xc9: {  	s0 =	rddreg [dreg:$0x0];
	s2 =	stileid.u32  }
0xca: {  	s1 =	rddreg [dreg:$0x1];
	p0 =	sne.s32 s2, $0x0  }
0xcb: {  	s3 =	rddreg [dreg:$0x2];
	[bflag:$0x3] =	sbarrier.arrive $0xFFFF;
	s2 =	simm.s32 @!p0 $0x1C03  }
0xcc: {  	[timem:s3], [sflag:s2] =	dma.local @!p0 [hbm:s0], s1  }
0xcd: {  	s0 =	simm.s32 @!p0 $0x3  }
0xce: {  	_ =	swait.ge @!p0 [sflag:s0], s1  }
0xcf: {  	s1 =	ssub.s32 @!p0 $0x0, s1;
	[sflag:s0] =	ssyncset.done @!p0 $0x0  }
0xd0: {  	[sflag:s0] =	ssyncadd.s32 @!p0 s1  }
0xd1: {  	[bflag:$0x3] =	sbarrier.arrive $0xFFFF  }
0xd2: {  	_ =	shalt  }

</sc_bundles>
